<compile_context>
chip_gen: v7x
topology: tpu7x:2x2x1
jax: 0.10.2.dev20260603
libtpu: 0.0.44.dev20260713+nightly
codegen_flags: <defaults>
</compile_context>

<pallas_src>
import jax
import jax.numpy as jnp
from jax import lax
from jax.experimental import pallas as pl
from jax.experimental.pallas import tpu as pltpu
from jax.experimental.pallas import tpu_sc as plsc

N = 10000
E = 320000
D = 128
H = 128
B = 64
C = 10

NT = 16
K = 128
EPT = -(-E // (NT * K * 8)) * (K * 8)
NCHT = EPT // K
EPAD = EPT * NT
NP = 10240
RPT = NP // NT
SB = 8
NBLK = NCHT // SB
GSUB = 2
NPX = 10496
RCH = 256

_mesh1 = plsc.VectorSubcoreMesh(core_axis_name="c", subcore_axis_name="s",
                                num_cores=1, num_subcores=NT)


def _deg_body(dst_hbm, out_hbm, dst_v, obuf, acc_sh):
    sid = lax.axis_index("s")
    pltpu.sync_copy(dst_hbm.at[pl.ds(sid * NCHT, NCHT)], dst_v)
    zeros16 = jnp.zeros((16,), jnp.float32)
    ones16 = jnp.ones((16,), jnp.float32)

    @pl.loop(0, K)
    def _fill_zero(r):
        for cc in range(H // 16):
            obuf[r, pl.ds(cc * 16, 16)] = zeros16

    @pl.loop(0, RPT // K)
    def _zero_acc(z):
        pltpu.sync_copy(obuf, acc_sh.at[pl.ds(sid * RPT + z * K, K)])

    plsc.subcore_barrier()

    @pl.loop(0, K)
    def _fill_one(r):
        for cc in range(H // 16):
            obuf[r, pl.ds(cc * 16, 16)] = ones16

    @pl.loop(0, NCHT)
    def _scatter(j):
        pltpu.sync_copy(obuf, acc_sh.at[dst_v.at[j]], add=True)

    plsc.subcore_barrier()
    pltpu.sync_copy(acc_sh.at[pl.ds(sid * RPT, RPT)],
                    out_hbm.at[pl.ds(sid * RPT, RPT)])


_deg = pl.kernel(
    _deg_body,
    out_type=jax.ShapeDtypeStruct((NP, H), jnp.float32),
    mesh=_mesh1,
    scratch_types=[
        pltpu.VMEM((NCHT, K), jnp.int32),
        pltpu.VMEM((K, H), jnp.float32),
        pltpu.VMEM_SHARED((NP, H), jnp.float32),
    ],
)


def _edge_agg_body(ys_hbm, src_hbm, dst_hbm, out_hbm,
                   src_s, dst_s, r0, r1, acc_sh, g0, g1, t0, t1):
    rows = (r0, r1)
    gsems = (g0, g1)
    tsems = (t0, t1)
    sid = lax.axis_index("s")
    base = sid * NCHT

    def stage(blk, slot, sem):
        pltpu.async_copy(src_hbm.at[pl.ds(base + blk * SB, SB)],
                         src_s.at[slot], sem)
        pltpu.async_copy(dst_hbm.at[pl.ds(base + blk * SB, SB)],
                         dst_s.at[slot], sem)

    def stage_wait(slot, sem):
        pltpu.make_async_copy(src_hbm.at[pl.ds(0, SB)],
                              src_s.at[slot], sem).wait()
        pltpu.make_async_copy(dst_hbm.at[pl.ds(0, SB)],
                              dst_s.at[slot], sem).wait()

    zeros16 = jnp.zeros((16,), jnp.float32)

    @pl.loop(0, K)
    def _zero_rows(r):
        for cc in range(H // 16):
            r0[r, pl.ds(cc * 16, 16)] = zeros16

    @pl.loop(0, RPT // K)
    def _zero_acc(z):
        pltpu.sync_copy(r0, acc_sh.at[pl.ds(sid * RPT + z * K, K)])

    plsc.subcore_barrier()

    KG = K // GSUB

    def fire_gather(slot, cc, b):
        for hh in range(GSUB):
            pltpu.async_copy(
                ys_hbm.at[src_s.at[slot, cc, pl.ds(hh * KG, KG)]],
                rows[b].at[pl.ds(hh * KG, KG)], gsems[b])

    def wait_gather(b):
        pltpu.make_async_copy(ys_hbm.at[pl.ds(0, K)], rows[b],
                              gsems[b]).wait()

    stage(0, 0, tsems[0])
    stage_wait(0, tsems[0])
    fire_gather(0, 0, 0)
    fire_gather(0, 1, 1)

    @pl.loop(0, NBLK, step=2)
    def _blocks(bi0):
        for sb in range(2):
            bi = bi0 + sb
            oslot = 1 - sb

            @pl.when(bi + 1 < NBLK)
            def _():
                stage(bi + 1, oslot, tsems[oslot])

            for cc in range(SB):
                j = bi * SB + cc
                b = cc % 2
                wait_gather(b)
                pltpu.sync_copy(rows[b], acc_sh.at[dst_s.at[sb, cc]],
                                add=True)
                if cc == SB - 2:
                    @pl.when(bi + 1 < NBLK)
                    def _():
                        stage_wait(oslot, tsems[oslot])
                jj = j + 2
                cc2 = cc + 2
                if cc2 < SB:
                    @pl.when(jj < NCHT)
                    def _():
                        fire_gather(sb, cc2, b)
                else:
                    @pl.when(jj < NCHT)
                    def _():
                        fire_gather(oslot, cc2 - SB, b)

    plsc.subcore_barrier()
    pltpu.sync_copy(acc_sh.at[pl.ds(sid * RPT, RPT)],
                    out_hbm.at[pl.ds(sid * RPT, RPT)])


_edge_agg = pl.kernel(
    _edge_agg_body,
    out_type=jax.ShapeDtypeStruct((NP, H), jnp.float32),
    mesh=_mesh1,
    scratch_types=[
        pltpu.VMEM((2, SB, K), jnp.int32),
        pltpu.VMEM((2, SB, K), jnp.int32),
        pltpu.VMEM((K, H), jnp.float32),
        pltpu.VMEM((K, H), jnp.float32),
        pltpu.VMEM_SHARED((NP, H), jnp.float32),
        pltpu.SemaphoreType.DMA,
        pltpu.SemaphoreType.DMA,
        pltpu.SemaphoreType.DMA,
        pltpu.SemaphoreType.DMA,
    ],
)


def _pool_into(xs_ref, batch_row, mean_ref, max_ref):
    def seg_body(b, carry):
        lt = jnp.sum((batch_row < b).astype(jnp.int32))
        ln = jnp.sum((batch_row == b).astype(jnp.int32))
        nch = lax.div(ln + (RCH - 1), RCH)

        def ch_body(c, sc):
            sm, mx = sc
            base = lt + c * RCH
            chunk = xs_ref[pl.ds(base, RCH), :]
            rid = lax.broadcasted_iota(jnp.int32, (RCH, 1), 0) + base
            msk = rid < lt + ln
            sm = sm + jnp.sum(jnp.where(msk, chunk, 0.0), axis=0, keepdims=True)
            mx = jnp.maximum(mx, jnp.max(jnp.where(msk, chunk, -jnp.inf),
                                         axis=0, keepdims=True))
            return sm, mx

        sm, mx = lax.fori_loop(
            0, nch, ch_body,
            (jnp.zeros((1, H), jnp.float32),
             jnp.full((1, H), -jnp.inf, jnp.float32)))
        mean_ref[pl.ds(b, 1), :] = sm / jnp.maximum(ln.astype(jnp.float32), 1.0)
        max_ref[pl.ds(b, 1), :] = mx
        return carry

    lax.fori_loop(0, B, seg_body, 0)


def _tc_a_body(degp_ref, x_ref, w1_ref, y1s_ref, dinv_ref):
    deg = degp_ref[0:N, 0:1] + 1.0
    dinv = lax.rsqrt(jnp.maximum(deg, 1.0))
    xw = jnp.dot(x_ref[...], w1_ref[...], preferred_element_type=jnp.float32)
    y1s_ref[...] = xw * dinv
    dinv_ref[...] = dinv


_tc_a = pl.pallas_call(
    _tc_a_body,
    out_shape=(jax.ShapeDtypeStruct((N, H), jnp.float32),
               jax.ShapeDtypeStruct((N, 1), jnp.float32)),
)


def _tc_b_body(pp_ref, y1s_ref, dinv_ref, b1_ref, batch_ref, w2_ref,
               y2s_ref, g0m_ref, g0x_ref, xs_ref):
    acc = pp_ref[0:N, :] + y1s_ref[...]
    x0 = jnp.maximum(acc * dinv_ref[...] + b1_ref[...], 0.0)
    xs_ref[:N, :] = x0
    y2s_ref[...] = jnp.dot(x0, w2_ref[...],
                           preferred_element_type=jnp.float32) * dinv_ref[...]
    _pool_into(xs_ref, batch_ref[...], g0m_ref, g0x_ref)


_tc_b = pl.pallas_call(
    _tc_b_body,
    out_shape=(jax.ShapeDtypeStruct((N, H), jnp.float32),
               jax.ShapeDtypeStruct((B, H), jnp.float32),
               jax.ShapeDtypeStruct((B, H), jnp.float32)),
    scratch_shapes=[pltpu.VMEM((NPX, H), jnp.float32)],
)


def _tc_d_body(pp_ref, y2s_ref, dinv_ref, b2_ref, batch_ref,
               g0m_ref, g0x_ref, wl1_ref, bl1_ref, wl2_ref, bl2_ref,
               out_ref, xs_ref, g1m_ref, g1x_ref):
    acc = pp_ref[0:N, :] + y2s_ref[...]
    x1 = jnp.maximum(acc * dinv_ref[...] + b2_ref[...], 0.0)
    xs_ref[:N, :] = x1
    _pool_into(xs_ref, batch_ref[...], g1m_ref, g1x_ref)
    g = jnp.concatenate([g0m_ref[...], g0x_ref[...],
                         g1m_ref[...], g1x_ref[...]], axis=1)
    h = jnp.maximum(jnp.dot(g, wl1_ref[...],
                            preferred_element_type=jnp.float32) + bl1_ref[...],
                    0.0)
    out_ref[...] = jnp.dot(h, wl2_ref[...],
                           preferred_element_type=jnp.float32) + bl2_ref[...]


_tc_d = pl.pallas_call(
    _tc_d_body,
    out_shape=jax.ShapeDtypeStruct((B, C), jnp.float32),
    scratch_shapes=[
        pltpu.VMEM((NPX, H), jnp.float32),
        pltpu.VMEM((B, H), jnp.float32),
        pltpu.VMEM((B, H), jnp.float32),
    ],
)


def kernel(x, edge_index, batch, W1, b1, W2, b2, Wl1, bl1, Wl2, bl2):
    ei = edge_index.astype(jnp.int32)
    src = ei[0]
    dst = ei[1]
    pad = EPAD - E
    src_p = jnp.concatenate([src, jnp.zeros((pad,), jnp.int32)])
    dst_p = jnp.concatenate([dst, jnp.full((pad,), N, jnp.int32)])
    src_w = src_p.reshape(NT * NCHT, K)
    dst_w = dst_p.reshape(NT * NCHT, K)
    batch_row = batch.astype(jnp.int32).reshape(1, N)

    degp = _deg(dst_w)
    y1s, dinv = _tc_a(degp, x, W1)
    pp1 = _edge_agg(y1s, src_w, dst_w)
    y2s, g0m, g0x = _tc_b(pp1, y1s, dinv, b1.reshape(1, H), batch_row, W2)
    pp2 = _edge_agg(y2s, src_w, dst_w)
    out = _tc_d(pp2, y2s, dinv, b2.reshape(1, H), batch_row, g0m, g0x,
                Wl1, bl1.reshape(1, 2 * H), Wl2, bl2.reshape(1, C))
    return out

# --- scband reference (transcript-rebuilt; emitter-appended) ---
"""Pipeline reference for scband-vanilla-gcnnet-30983894073603 (READ-ONLY COPY).

The authoritative reference and input builder live on the scoring server;
editing this copy changes nothing except your own understanding.
"""

import jax, jax.numpy as jnp
import numpy as np

N = 10000
E = 320000
D = 128
H = 128
C = 10
B = 64


def setup_inputs(seed: int = 0) -> dict:
    key = jax.random.key(seed)
    ks = jax.random.split(key, 12)
    x = jax.random.normal(ks[0], (N, D), dtype=jnp.float32)
    edge_index = jax.random.randint(ks[1], (2, E), 0, N, dtype=jnp.int64)
    batch = jnp.sort(jax.random.randint(ks[2], (N,), 0, B, dtype=jnp.int64))
    W1 = jax.random.normal(ks[3], (D, H), dtype=jnp.float32) * 0.05
    b1 = jnp.zeros((H,), dtype=jnp.float32)
    W2 = jax.random.normal(ks[4], (H, H), dtype=jnp.float32) * 0.05
    b2 = jnp.zeros((H,), dtype=jnp.float32)
    Wl1 = jax.random.normal(ks[5], (4 * H, 2 * H), dtype=jnp.float32) * 0.05
    bl1 = jnp.zeros((2 * H,), dtype=jnp.float32)
    Wl2 = jax.random.normal(ks[6], (2 * H, C), dtype=jnp.float32) * 0.05
    bl2 = jnp.zeros((C,), dtype=jnp.float32)
    return {"x": x, "edge_index": edge_index, "batch": batch,
            "W1": W1, "b1": b1, "W2": W2, "b2": b2,
            "Wl1": Wl1, "bl1": bl1, "Wl2": Wl2, "bl2": bl2}


def gcn_conv(x, edge_index, W, b):
    # PyG GCNConv: add self-loops, symmetric deg^{-1/2} normalization, linear transform, scatter-add
    n = x.shape[0]
    loop = jnp.arange(n, dtype=edge_index.dtype)
    src = jnp.concatenate([edge_index[0], loop])
    dst = jnp.concatenate([edge_index[1], loop])
    ones = jnp.ones(src.shape[0], dtype=x.dtype)
    deg = jax.ops.segment_sum(ones, dst, num_segments=n)
    deg_inv_sqrt = 1.0 / jnp.sqrt(jnp.maximum(deg, 1.0))
    xw = x @ W
    norm = deg_inv_sqrt[src] * deg_inv_sqrt[dst]
    msg = xw[src] * norm[:, None]
    out = jax.ops.segment_sum(msg, dst, num_segments=n)
    return out + b


def global_mean_pool(x, batch, num_graphs):
    s = jax.ops.segment_sum(x, batch, num_segments=num_graphs)
    cnt = jax.ops.segment_sum(jnp.ones((x.shape[0],), dtype=x.dtype), batch, num_segments=num_graphs)
    return s / jnp.maximum(cnt, 1.0)[:, None]


def global_max_pool(x, batch, num_graphs):
    return jax.ops.segment_max(x, batch, num_segments=num_graphs)


def reference(x, edge_index, batch, W1, b1, W2, b2, Wl1, bl1, Wl2, bl2):
    # eval mode: dropout is identity
    x0 = jax.nn.relu(gcn_conv(x, edge_index, W1, b1))
    g0_mean = global_mean_pool(x0, batch, B)
    g0_max = global_max_pool(x0, batch, B)
    x1 = jax.nn.relu(gcn_conv(x0, edge_index, W2, b2))
    g1_mean = global_mean_pool(x1, batch, B)
    g1_max = global_max_pool(x1, batch, B)
    g = jnp.concatenate([g0_mean, g0_max, g1_mean, g1_max], axis=-1)
    h = jax.nn.relu(g @ Wl1 + bl1)
    out = h @ Wl2 + bl2
    return out

if __name__ == "__main__":
    import jax
    _d = setup_inputs()
    print(jax.jit(kernel)(*tuple(_d.values())))

</pallas_src>

<mosaic_0001>
#map = affine_map<(d0, d1) -> (0, 0)>
module attributes {stable_mosaic.version = 14 : i64} {
  func.func @_deg_body(%arg0: i32, %arg1: i32, %arg2: memref<2560x128xi32, #tpu.memory_space<hbm>>, %arg3: memref<10240x128xf32, #tpu.memory_space<hbm>>, %arg4: memref<160x128xi32, #tpu.memory_space<vmem>>, %arg5: memref<128x128xf32, #tpu.memory_space<vmem>>, %arg6: memref<10240x128xf32, #tpu.memory_space<vmem_shared>>) attributes {dimension_semantics = [#tpu.dimension_semantics<core_parallel>, #tpu.dimension_semantics<subcore_parallel>], iteration_bounds = array<i64: 1, 16>, scalar_prefetch = 0 : i64, scratch_operands = 3 : i64, tpu.core_type = #tpu.core_type<sc_vector_subcore>, window_params = [{transform_indices = #map}, {transform_indices = #map}]} {
    %mul3A = arith.constant 160 : i32
    %mul3A_0 = arith.muli %arg1, %mul3A : i32
    "tpu.region"() ({
      %run_scoped3A = tpu.sem_alloc : memref<!tpu.dma_semaphore, #tpu.memory_space<semaphore_mem>>
      %dma_start3A = arith.constant 0 : i32
      %dma_start3A_28 = tpu.memref_slice %arg2[%mul3A_0, %dma_start3A] : memref<2560x128xi32, #tpu.memory_space<hbm>> -> memref<160x128xi32, #tpu.memory_space<hbm>>
      %dma_start3A_29 = arith.constant 0 : i32
      %dma_start3A_30 = tpu.memref_slice %arg2[%mul3A_0, %dma_start3A_29] : memref<2560x128xi32, #tpu.memory_space<hbm>> -> memref<160x128xi32, #tpu.memory_space<hbm>>
      tpu.enqueue_dma source(%dma_start3A_30 : memref<160x128xi32, #tpu.memory_space<hbm>>) target(%arg4 : memref<160x128xi32, #tpu.memory_space<vmem>>) target_semaphore(%run_scoped3A : memref<!tpu.dma_semaphore, #tpu.memory_space<semaphore_mem>>)
      %dma_wait3A = arith.constant 0 : i32
      %dma_wait3A_31 = tpu.memref_slice %arg2[%mul3A_0, %dma_wait3A] : memref<2560x128xi32, #tpu.memory_space<hbm>> -> memref<160x128xi32, #tpu.memory_space<hbm>>
      %dma_wait3A_32 = arith.constant 0 : i32
      %dma_wait3A_33 = tpu.memref_slice %arg2[%mul3A_0, %dma_wait3A_32] : memref<2560x128xi32, #tpu.memory_space<hbm>> -> memref<160x128xi32, #tpu.memory_space<hbm>>
      tpu.wait_dma2 semaphore(%run_scoped3A : memref<!tpu.dma_semaphore, #tpu.memory_space<semaphore_mem>>) src(%dma_wait3A_33 : memref<160x128xi32, #tpu.memory_space<hbm>>) dst(%arg4 : memref<160x128xi32, #tpu.memory_space<vmem>>)
      tpu.yield
    }) : () -> ()
    %broadcast_in_dim3A = arith.constant 0.000000e+00 : f32
    %broadcast_in_dim3A_1 = vector.broadcast %broadcast_in_dim3A : f32 to vector<16xf32>
    %broadcast_in_dim3A_2 = arith.constant 1.000000e+00 : f32
    %broadcast_in_dim3A_3 = vector.broadcast %broadcast_in_dim3A_2 : f32 to vector<16xf32>
    %scan3A = arith.constant 0 : i32
    %scan3A_4 = arith.constant 128 : i32
    %scan3A_5 = arith.addi %scan3A, %scan3A_4 : i32
    %scan3A_6 = arith.constant 1 : i32
    scf.for %scan3A_28 = %scan3A to %scan3A_5 step %scan3A_6  : i32 {
      %mul3A_29 = arith.constant 1 : i32
      %mul3A_30 = arith.muli %scan3A_28, %mul3A_29 : i32
      %add3A = arith.constant 0 : i32
      %add3A_31 = arith.addi %add3A, %mul3A_30 : i32
      %swap3A = arith.index_cast %add3A_31 : i32 to index
      %swap3A_32 = arith.constant 0 : index
      %swap3A_33 = tpu.vector_load %arg5[%swap3A, %swap3A_32] {strides = array<i32>} : memref<128x128xf32, #tpu.memory_space<vmem>>, vector<1x16xf32>,
      %swap3A_34 = vector.shape_cast %swap3A_33 : vector<1x16xf32> to vector<16xf32>
      %swap3A_35 = vector.shape_cast %broadcast_in_dim3A_1 : vector<16xf32> to vector<1x16xf32>
      tpu.vector_store %arg5[%swap3A, %swap3A_32], %swap3A_35 {strides = array<i32>} : memref<128x128xf32, #tpu.memory_space<vmem>>, vector<1x16xf32>,
      %swap3A_36 = arith.index_cast %add3A_31 : i32 to index
      %swap3A_37 = arith.constant 16 : index
      %swap3A_38 = tpu.vector_load %arg5[%swap3A_36, %swap3A_37] {strides = array<i32>} : memref<128x128xf32, #tpu.memory_space<vmem>>, vector<1x16xf32>,
      %swap3A_39 = vector.shape_cast %swap3A_38 : vector<1x16xf32> to vector<16xf32>
      %swap3A_40 = vector.shape_cast %broadcast_in_dim3A_1 : vector<16xf32> to vector<1x16xf32>
      tpu.vector_store %arg5[%swap3A_36, %swap3A_37], %swap3A_40 {strides = array<i32>} : memref<128x128xf32, #tpu.memory_space<vmem>>, vector<1x16xf32>,
      %swap3A_41 = arith.index_cast %add3A_31 : i32 to index
      %swap3A_42 = arith.constant 32 : index
      %swap3A_43 = tpu.vector_load %arg5[%swap3A_41, %swap3A_42] {strides = array<i32>} : memref<128x128xf32, #tpu.memory_space<vmem>>, vector<1x16xf32>,
      %swap3A_44 = vector.shape_cast %swap3A_43 : vector<1x16xf32> to vector<16xf32>
      %swap3A_45 = vector.shape_cast %broadcast_in_dim3A_1 : vector<16xf32> to vector<1x16xf32>
      tpu.vector_store %arg5[%swap3A_41, %swap3A_42], %swap3A_45 {strides = array<i32>} : memref<128x128xf32, #tpu.memory_space<vmem>>, vector<1x16xf32>,
      %swap3A_46 = arith.index_cast %add3A_31 : i32 to index
      %swap3A_47 = arith.constant 48 : index
      %swap3A_48 = tpu.vector_load %arg5[%swap3A_46, %swap3A_47] {strides = array<i32>} : memref<128x128xf32, #tpu.memory_space<vmem>>, vector<1x16xf32>,
      %swap3A_49 = vector.shape_cast %swap3A_48 : vector<1x16xf32> to vector<16xf32>
      %swap3A_50 = vector.shape_cast %broadcast_in_dim3A_1 : vector<16xf32> to vector<1x16xf32>
      tpu.vector_store %arg5[%swap3A_46, %swap3A_47], %swap3A_50 {strides = array<i32>} : memref<128x128xf32, #tpu.memory_space<vmem>>, vector<1x16xf32>,
      %swap3A_51 = arith.index_cast %add3A_31 : i32 to index
      %swap3A_52 = arith.constant 64 : index
      %swap3A_53 = tpu.vector_load %arg5[%swap3A_51, %swap3A_52] {strides = array<i32>} : memref<128x128xf32, #tpu.memory_space<vmem>>, vector<1x16xf32>,
      %swap3A_54 = vector.shape_cast %swap3A_53 : vector<1x16xf32> to vector<16xf32>
      %swap3A_55 = vector.shape_cast %broadcast_in_dim3A_1 : vector<16xf32> to vector<1x16xf32>
      tpu.vector_store %arg5[%swap3A_51, %swap3A_52], %swap3A_55 {strides = array<i32>} : memref<128x128xf32, #tpu.memory_space<vmem>>, vector<1x16xf32>,
      %swap3A_56 = arith.index_cast %add3A_31 : i32 to index
      %swap3A_57 = arith.constant 80 : index
      %swap3A_58 = tpu.vector_load %arg5[%swap3A_56, %swap3A_57] {strides = array<i32>} : memref<128x128xf32, #tpu.memory_space<vmem>>, vector<1x16xf32>,
      %swap3A_59 = vector.shape_cast %swap3A_58 : vector<1x16xf32> to vector<16xf32>
      %swap3A_60 = vector.shape_cast %broadcast_in_dim3A_1 : vector<16xf32> to vector<1x16xf32>
      tpu.vector_store %arg5[%swap3A_56, %swap3A_57], %swap3A_60 {strides = array<i32>} : memref<128x128xf32, #tpu.memory_space<vmem>>, vector<1x16xf32>,
      %swap3A_61 = arith.index_cast %add3A_31 : i32 to index
      %swap3A_62 = arith.constant 96 : index
      %swap3A_63 = tpu.vector_load %arg5[%swap3A_61, %swap3A_62] {strides = array<i32>} : memref<128x128xf32, #tpu.memory_space<vmem>>, vector<1x16xf32>,
      %swap3A_64 = vector.shape_cast %swap3A_63 : vector<1x16xf32> to vector<16xf32>
      %swap3A_65 = vector.shape_cast %broadcast_in_dim3A_1 : vector<16xf32> to vector<1x16xf32>
      tpu.vector_store %arg5[%swap3A_61, %swap3A_62], %swap3A_65 {strides = array<i32>} : memref<128x128xf32, #tpu.memory_space<vmem>>, vector<1x16xf32>,
      %swap3A_66 = arith.index_cast %add3A_31 : i32 to index
      %swap3A_67 = arith.constant 112 : index
      %swap3A_68 = tpu.vector_load %arg5[%swap3A_66, %swap3A_67] {strides = array<i32>} : memref<128x128xf32, #tpu.memory_space<vmem>>, vector<1x16xf32>,
      %swap3A_69 = vector.shape_cast %swap3A_68 : vector<1x16xf32> to vector<16xf32>
      %swap3A_70 = vector.shape_cast %broadcast_in_dim3A_1 : vector<16xf32> to vector<1x16xf32>
      tpu.vector_store %arg5[%swap3A_66, %swap3A_67], %swap3A_70 {strides = array<i32>} : memref<128x128xf32, #tpu.memory_space<vmem>>, vector<1x16xf32>,
    }
    %scan3A_7 = arith.constant 128 : i32
    %scan3A_8 = arith.constant 0 : i32
    %scan3A_9 = arith.constant 5 : i32
    %scan3A_10 = arith.addi %scan3A_8, %scan3A_9 : i32
    %scan3A_11 = arith.constant 1 : i32
    scf.for %scan3A_28 = %scan3A_8 to %scan3A_10 step %scan3A_11  : i32 {
      %mul3A_29 = arith.constant 1 : i32
      %mul3A_30 = arith.muli %scan3A_28, %mul3A_29 : i32
      %add3A = arith.constant 0 : i32
      %add3A_31 = arith.addi %add3A, %mul3A_30 : i32
      %mul3A_32 = arith.constant 640 : i32
      %mul3A_33 = arith.muli %arg1, %mul3A_32 : i32
      %mul3A_34 = arith.constant 128 : i32
      %mul3A_35 = arith.muli %add3A_31, %mul3A_34 : i32
      %add3A_36 = arith.addi %mul3A_33, %mul3A_35 : i32
      "tpu.region"() ({
        %run_scoped3A = tpu.sem_alloc : memref<!tpu.dma_semaphore, #tpu.memory_space<semaphore_mem>>
        %dma_start3A = arith.constant 0 : i32
        %dma_start3A_37 = tpu.memref_slice %arg6[%add3A_36, %dma_start3A] : memref<10240x128xf32, #tpu.memory_space<vmem_shared>> -> memref<128x128xf32, #tpu.memory_space<vmem_shared>>
        %dma_start3A_38 = arith.constant 0 : i32
        %dma_start3A_39 = tpu.memref_slice %arg6[%add3A_36, %dma_start3A_38] : memref<10240x128xf32, #tpu.memory_space<vmem_shared>> -> memref<128x128xf32, #tpu.memory_space<vmem_shared>>
        tpu.enqueue_dma source(%arg5 : memref<128x128xf32, #tpu.memory_space<vmem>>) target(%dma_start3A_39 : memref<128x128xf32, #tpu.memory_space<vmem_shared>>) target_semaphore(%run_scoped3A : memref<!tpu.dma_semaphore, #tpu.memory_space<semaphore_mem>>)
        %dma_wait3A = arith.constant 0 : i32
        %dma_wait3A_40 = tpu.memref_slice %arg6[%add3A_36, %dma_wait3A] : memref<10240x128xf32, #tpu.memory_space<vmem_shared>> -> memref<128x128xf32, #tpu.memory_space<vmem_shared>>
        %dma_wait3A_41 = arith.constant 0 : i32
        %dma_wait3A_42 = tpu.memref_slice %arg6[%add3A_36, %dma_wait3A_41] : memref<10240x128xf32, #tpu.memory_space<vmem_shared>> -> memref<128x128xf32, #tpu.memory_space<vmem_shared>>
        tpu.wait_dma2 semaphore(%run_scoped3A : memref<!tpu.dma_semaphore, #tpu.memory_space<semaphore_mem>>) src(%arg5 : memref<128x128xf32, #tpu.memory_space<vmem>>) dst(%dma_wait3A_42 : memref<128x128xf32, #tpu.memory_space<vmem_shared>>)
        tpu.yield
      }) : () -> ()
    }
    %scan3A_12 = arith.constant 5 : i32
    %barrier3A = arith.constant 0 : index
    tpu.barrier barrier_id(%barrier3A)
    %scan3A_13 = arith.constant 0 : i32
    %scan3A_14 = arith.constant 128 : i32
    %scan3A_15 = arith.addi %scan3A_13, %scan3A_14 : i32
    %scan3A_16 = arith.constant 1 : i32
    scf.for %scan3A_28 = %scan3A_13 to %scan3A_15 step %scan3A_16  : i32 {
      %mul3A_29 = arith.constant 1 : i32
      %mul3A_30 = arith.muli %scan3A_28, %mul3A_29 : i32
      %add3A = arith.constant 0 : i32
      %add3A_31 = arith.addi %add3A, %mul3A_30 : i32
      %swap3A = arith.index_cast %add3A_31 : i32 to index
      %swap3A_32 = arith.constant 0 : index
      %swap3A_33 = tpu.vector_load %arg5[%swap3A, %swap3A_32] {strides = array<i32>} : memref<128x128xf32, #tpu.memory_space<vmem>>, vector<1x16xf32>,
      %swap3A_34 = vector.shape_cast %swap3A_33 : vector<1x16xf32> to vector<16xf32>
      %swap3A_35 = vector.shape_cast %broadcast_in_dim3A_3 : vector<16xf32> to vector<1x16xf32>
      tpu.vector_store %arg5[%swap3A, %swap3A_32], %swap3A_35 {strides = array<i32>} : memref<128x128xf32, #tpu.memory_space<vmem>>, vector<1x16xf32>,
      %swap3A_36 = arith.index_cast %add3A_31 : i32 to index
      %swap3A_37 = arith.constant 16 : index
      %swap3A_38 = tpu.vector_load %arg5[%swap3A_36, %swap3A_37] {strides = array<i32>} : memref<128x128xf32, #tpu.memory_space<vmem>>, vector<1x16xf32>,
      %swap3A_39 = vector.shape_cast %swap3A_38 : vector<1x16xf32> to vector<16xf32>
      %swap3A_40 = vector.shape_cast %broadcast_in_dim3A_3 : vector<16xf32> to vector<1x16xf32>
      tpu.vector_store %arg5[%swap3A_36, %swap3A_37], %swap3A_40 {strides = array<i32>} : memref<128x128xf32, #tpu.memory_space<vmem>>, vector<1x16xf32>,
      %swap3A_41 = arith.index_cast %add3A_31 : i32 to index
      %swap3A_42 = arith.constant 32 : index
      %swap3A_43 = tpu.vector_load %arg5[%swap3A_41, %swap3A_42] {strides = array<i32>} : memref<128x128xf32, #tpu.memory_space<vmem>>, vector<1x16xf32>,
      %swap3A_44 = vector.shape_cast %swap3A_43 : vector<1x16xf32> to vector<16xf32>
      %swap3A_45 = vector.shape_cast %broadcast_in_dim3A_3 : vector<16xf32> to vector<1x16xf32>
      tpu.vector_store %arg5[%swap3A_41, %swap3A_42], %swap3A_45 {strides = array<i32>} : memref<128x128xf32, #tpu.memory_space<vmem>>, vector<1x16xf32>,
      %swap3A_46 = arith.index_cast %add3A_31 : i32 to index
      %swap3A_47 = arith.constant 48 : index
      %swap3A_48 = tpu.vector_load %arg5[%swap3A_46, %swap3A_47] {strides = array<i32>} : memref<128x128xf32, #tpu.memory_space<vmem>>, vector<1x16xf32>,
      %swap3A_49 = vector.shape_cast %swap3A_48 : vector<1x16xf32> to vector<16xf32>
      %swap3A_50 = vector.shape_cast %broadcast_in_dim3A_3 : vector<16xf32> to vector<1x16xf32>
      tpu.vector_store %arg5[%swap3A_46, %swap3A_47], %swap3A_50 {strides = array<i32>} : memref<128x128xf32, #tpu.memory_space<vmem>>, vector<1x16xf32>,
      %swap3A_51 = arith.index_cast %add3A_31 : i32 to index
      %swap3A_52 = arith.constant 64 : index
      %swap3A_53 = tpu.vector_load %arg5[%swap3A_51, %swap3A_52] {strides = array<i32>} : memref<128x128xf32, #tpu.memory_space<vmem>>, vector<1x16xf32>,
      %swap3A_54 = vector.shape_cast %swap3A_53 : vector<1x16xf32> to vector<16xf32>
      %swap3A_55 = vector.shape_cast %broadcast_in_dim3A_3 : vector<16xf32> to vector<1x16xf32>
      tpu.vector_store %arg5[%swap3A_51, %swap3A_52], %swap3A_55 {strides = array<i32>} : memref<128x128xf32, #tpu.memory_space<vmem>>, vector<1x16xf32>,
      %swap3A_56 = arith.index_cast %add3A_31 : i32 to index
      %swap3A_57 = arith.constant 80 : index
      %swap3A_58 = tpu.vector_load %arg5[%swap3A_56, %swap3A_57] {strides = array<i32>} : memref<128x128xf32, #tpu.memory_space<vmem>>, vector<1x16xf32>,
      %swap3A_59 = vector.shape_cast %swap3A_58 : vector<1x16xf32> to vector<16xf32>
      %swap3A_60 = vector.shape_cast %broadcast_in_dim3A_3 : vector<16xf32> to vector<1x16xf32>
      tpu.vector_store %arg5[%swap3A_56, %swap3A_57], %swap3A_60 {strides = array<i32>} : memref<128x128xf32, #tpu.memory_space<vmem>>, vector<1x16xf32>,
      %swap3A_61 = arith.index_cast %add3A_31 : i32 to index
      %swap3A_62 = arith.constant 96 : index
      %swap3A_63 = tpu.vector_load %arg5[%swap3A_61, %swap3A_62] {strides = array<i32>} : memref<128x128xf32, #tpu.memory_space<vmem>>, vector<1x16xf32>,
      %swap3A_64 = vector.shape_cast %swap3A_63 : vector<1x16xf32> to vector<16xf32>
      %swap3A_65 = vector.shape_cast %broadcast_in_dim3A_3 : vector<16xf32> to vector<1x16xf32>
      tpu.vector_store %arg5[%swap3A_61, %swap3A_62], %swap3A_65 {strides = array<i32>} : memref<128x128xf32, #tpu.memory_space<vmem>>, vector<1x16xf32>,
      %swap3A_66 = arith.index_cast %add3A_31 : i32 to index
      %swap3A_67 = arith.constant 112 : index
      %swap3A_68 = tpu.vector_load %arg5[%swap3A_66, %swap3A_67] {strides = array<i32>} : memref<128x128xf32, #tpu.memory_space<vmem>>, vector<1x16xf32>,
      %swap3A_69 = vector.shape_cast %swap3A_68 : vector<1x16xf32> to vector<16xf32>
      %swap3A_70 = vector.shape_cast %broadcast_in_dim3A_3 : vector<16xf32> to vector<1x16xf32>
      tpu.vector_store %arg5[%swap3A_66, %swap3A_67], %swap3A_70 {strides = array<i32>} : memref<128x128xf32, #tpu.memory_space<vmem>>, vector<1x16xf32>,
    }
    %scan3A_17 = arith.constant 128 : i32
    %scan3A_18 = arith.constant 0 : i32
    %scan3A_19 = arith.constant 160 : i32
    %scan3A_20 = arith.addi %scan3A_18, %scan3A_19 : i32
    %scan3A_21 = arith.constant 1 : i32
    scf.for %scan3A_28 = %scan3A_18 to %scan3A_20 step %scan3A_21  : i32 {
      %mul3A_29 = arith.constant 1 : i32
      %mul3A_30 = arith.muli %scan3A_28, %mul3A_29 : i32
      %add3A = arith.constant 0 : i32
      %add3A_31 = arith.addi %add3A, %mul3A_30 : i32
      "tpu.region"() ({
        %run_scoped3A = tpu.sem_alloc : memref<!tpu.dma_semaphore, #tpu.memory_space<semaphore_mem>>
        %dma_start3A = arith.constant 0 : i32
        %dma_start3A_32 = tpu.memref_slice %arg4[%add3A_31, %dma_start3A] : memref<160x128xi32, #tpu.memory_space<vmem>> -> memref<1x128xi32, #tpu.memory_space<vmem>>
        %dma_start3A_33 = tpu.memref_squeeze %dma_start3A_32 : memref<1x128xi32, #tpu.memory_space<vmem>> -> memref<128xi32, #tpu.memory_space<vmem>>
        %dma_start3A_34 = arith.constant 0 : i32
        %dma_start3A_35 = arith.constant 0 : i32
        %dma_start3A_36 = tpu.memref_slice %arg6[%dma_start3A_34, %dma_start3A_35] : memref<10240x128xf32, #tpu.memory_space<vmem_shared>> -> memref<10240x128xf32, #tpu.memory_space<vmem_shared>>
        tpu.enqueue_indirect_dma source(%arg5 : memref<128x128xf32, #tpu.memory_space<vmem>>) target(%dma_start3A_36 : memref<10240x128xf32, #tpu.memory_space<vmem_shared>>) offsets(%dma_start3A_33 : memref<128xi32, #tpu.memory_space<vmem>>) semaphore(%run_scoped3A : memref<!tpu.dma_semaphore, #tpu.memory_space<semaphore_mem>>) {add = true}
        %dma_wait3A = arith.constant 0 : i32
        %dma_wait3A_37 = tpu.memref_slice %arg4[%add3A_31, %dma_wait3A] : memref<160x128xi32, #tpu.memory_space<vmem>> -> memref<1x128xi32, #tpu.memory_space<vmem>>
        %dma_wait3A_38 = tpu.memref_squeeze %dma_wait3A_37 : memref<1x128xi32, #tpu.memory_space<vmem>> -> memref<128xi32, #tpu.memory_space<vmem>>
        %dma_wait3A_39 = arith.constant 0 : i32
        %dma_wait3A_40 = arith.constant 0 : i32
        %dma_wait3A_41 = tpu.memref_slice %arg6[%dma_wait3A_39, %dma_wait3A_40] : memref<10240x128xf32, #tpu.memory_space<vmem_shared>> -> memref<10240x128xf32, #tpu.memory_space<vmem_shared>>
        tpu.wait_indirect_dma semaphore(%run_scoped3A : memref<!tpu.dma_semaphore, #tpu.memory_space<semaphore_mem>>) src(%arg5 : memref<128x128xf32, #tpu.memory_space<vmem>>) dst(%dma_wait3A_41 : memref<10240x128xf32, #tpu.memory_space<vmem_shared>>)
        tpu.yield
      }) : () -> ()
    }
    %scan3A_22 = arith.constant 160 : i32
    %barrier3A_23 = arith.constant 0 : index
    tpu.barrier barrier_id(%barrier3A_23)
    %mul3A_24 = arith.constant 640 : i32
    %mul3A_25 = arith.muli %arg1, %mul3A_24 : i32
    %mul3A_26 = arith.constant 640 : i32
    %mul3A_27 = arith.muli %arg1, %mul3A_26 : i32
    "tpu.region"() ({
      %run_scoped3A = tpu.sem_alloc : memref<!tpu.dma_semaphore, #tpu.memory_space<semaphore_mem>>
      %dma_start3A = arith.constant 0 : i32
      %dma_start3A_28 = tpu.memref_slice %arg3[%mul3A_27, %dma_start3A] : memref<10240x128xf32, #tpu.memory_space<hbm>> -> memref<640x128xf32, #tpu.memory_space<hbm>>
      %dma_start3A_29 = arith.constant 0 : i32
      %dma_start3A_30 = tpu.memref_slice %arg6[%mul3A_25, %dma_start3A_29] : memref<10240x128xf32, #tpu.memory_space<vmem_shared>> -> memref<640x128xf32, #tpu.memory_space<vmem_shared>>
      tpu.enqueue_dma source(%dma_start3A_30 : memref<640x128xf32, #tpu.memory_space<vmem_shared>>) target(%dma_start3A_28 : memref<640x128xf32, #tpu.memory_space<hbm>>) target_semaphore(%run_scoped3A : memref<!tpu.dma_semaphore, #tpu.memory_space<semaphore_mem>>)
      %dma_wait3A = arith.constant 0 : i32
      %dma_wait3A_31 = tpu.memref_slice %arg3[%mul3A_27, %dma_wait3A] : memref<10240x128xf32, #tpu.memory_space<hbm>> -> memref<640x128xf32, #tpu.memory_space<hbm>>
      %dma_wait3A_32 = arith.constant 0 : i32
      %dma_wait3A_33 = tpu.memref_slice %arg6[%mul3A_25, %dma_wait3A_32] : memref<10240x128xf32, #tpu.memory_space<vmem_shared>> -> memref<640x128xf32, #tpu.memory_space<vmem_shared>>
      tpu.wait_dma2 semaphore(%run_scoped3A : memref<!tpu.dma_semaphore, #tpu.memory_space<semaphore_mem>>) src(%dma_wait3A_33 : memref<640x128xf32, #tpu.memory_space<vmem_shared>>) dst(%dma_wait3A_31 : memref<640x128xf32, #tpu.memory_space<hbm>>)
      tpu.yield
    }) : () -> ()
    return
  }
}

#map = affine_map<(d0, d1) -> (0, 0)>
module attributes {stable_mosaic.version = 14 : i64} {
  func.func @_edge_agg_body(%arg0: i32, %arg1: i32, %arg2: memref<10000x128xf32, #tpu.memory_space<hbm>>, %arg3: memref<2560x128xi32, #tpu.memory_space<hbm>>, %arg4: memref<2560x128xi32, #tpu.memory_space<hbm>>, %arg5: memref<10240x128xf32, #tpu.memory_space<hbm>>, %arg6: memref<2x8x128xi32, #tpu.memory_space<vmem>>, %arg7: memref<2x8x128xi32, #tpu.memory_space<vmem>>, %arg8: memref<128x128xf32, #tpu.memory_space<vmem>>, %arg9: memref<128x128xf32, #tpu.memory_space<vmem>>, %arg10: memref<10240x128xf32, #tpu.memory_space<vmem_shared>>, %arg11: memref<!tpu.dma_semaphore, #tpu.memory_space<semaphore_mem>>, %arg12: memref<!tpu.dma_semaphore, #tpu.memory_space<semaphore_mem>>, %arg13: memref<!tpu.dma_semaphore, #tpu.memory_space<semaphore_mem>>, %arg14: memref<!tpu.dma_semaphore, #tpu.memory_space<semaphore_mem>>) attributes {dimension_semantics = [#tpu.dimension_semantics<core_parallel>, #tpu.dimension_semantics<subcore_parallel>], iteration_bounds = array<i64: 1, 16>, scalar_prefetch = 0 : i64, scratch_operands = 9 : i64, tpu.core_type = #tpu.core_type<sc_vector_subcore>, window_params = [{transform_indices = #map}, {transform_indices = #map}, {transform_indices = #map}, {transform_indices = #map}]} {
    %mul3A = arith.constant 160 : i32
    %mul3A_0 = arith.muli %arg1, %mul3A : i32
    %broadcast_in_dim3A = arith.constant 0.000000e+00 : f32
    %broadcast_in_dim3A_1 = vector.broadcast %broadcast_in_dim3A : f32 to vector<16xf32>
    %scan3A = arith.constant 0 : i32
    %scan3A_2 = arith.constant 128 : i32
    %scan3A_3 = arith.addi %scan3A, %scan3A_2 : i32
    %scan3A_4 = arith.constant 1 : i32
    scf.for %scan3A_122 = %scan3A to %scan3A_3 step %scan3A_4  : i32 {
      %mul3A_123 = arith.constant 1 : i32
      %mul3A_124 = arith.muli %scan3A_122, %mul3A_123 : i32
      %add3A_125 = arith.constant 0 : i32
      %add3A_126 = arith.addi %add3A_125, %mul3A_124 : i32
      %swap3A = arith.index_cast %add3A_126 : i32 to index
      %swap3A_127 = arith.constant 0 : index
      %swap3A_128 = tpu.vector_load %arg8[%swap3A, %swap3A_127] {strides = array<i32>} : memref<128x128xf32, #tpu.memory_space<vmem>>, vector<1x16xf32>,
      %swap3A_129 = vector.shape_cast %swap3A_128 : vector<1x16xf32> to vector<16xf32>
      %swap3A_130 = vector.shape_cast %broadcast_in_dim3A_1 : vector<16xf32> to vector<1x16xf32>
      tpu.vector_store %arg8[%swap3A, %swap3A_127], %swap3A_130 {strides = array<i32>} : memref<128x128xf32, #tpu.memory_space<vmem>>, vector<1x16xf32>,
      %swap3A_131 = arith.index_cast %add3A_126 : i32 to index
      %swap3A_132 = arith.constant 16 : index
      %swap3A_133 = tpu.vector_load %arg8[%swap3A_131, %swap3A_132] {strides = array<i32>} : memref<128x128xf32, #tpu.memory_space<vmem>>, vector<1x16xf32>,
      %swap3A_134 = vector.shape_cast %swap3A_133 : vector<1x16xf32> to vector<16xf32>
      %swap3A_135 = vector.shape_cast %broadcast_in_dim3A_1 : vector<16xf32> to vector<1x16xf32>
      tpu.vector_store %arg8[%swap3A_131, %swap3A_132], %swap3A_135 {strides = array<i32>} : memref<128x128xf32, #tpu.memory_space<vmem>>, vector<1x16xf32>,
      %swap3A_136 = arith.index_cast %add3A_126 : i32 to index
      %swap3A_137 = arith.constant 32 : index
      %swap3A_138 = tpu.vector_load %arg8[%swap3A_136, %swap3A_137] {strides = array<i32>} : memref<128x128xf32, #tpu.memory_space<vmem>>, vector<1x16xf32>,
      %swap3A_139 = vector.shape_cast %swap3A_138 : vector<1x16xf32> to vector<16xf32>
      %swap3A_140 = vector.shape_cast %broadcast_in_dim3A_1 : vector<16xf32> to vector<1x16xf32>
      tpu.vector_store %arg8[%swap3A_136, %swap3A_137], %swap3A_140 {strides = array<i32>} : memref<128x128xf32, #tpu.memory_space<vmem>>, vector<1x16xf32>,
      %swap3A_141 = arith.index_cast %add3A_126 : i32 to index
      %swap3A_142 = arith.constant 48 : index
      %swap3A_143 = tpu.vector_load %arg8[%swap3A_141, %swap3A_142] {strides = array<i32>} : memref<128x128xf32, #tpu.memory_space<vmem>>, vector<1x16xf32>,
      %swap3A_144 = vector.shape_cast %swap3A_143 : vector<1x16xf32> to vector<16xf32>
      %swap3A_145 = vector.shape_cast %broadcast_in_dim3A_1 : vector<16xf32> to vector<1x16xf32>
      tpu.vector_store %arg8[%swap3A_141, %swap3A_142], %swap3A_145 {strides = array<i32>} : memref<128x128xf32, #tpu.memory_space<vmem>>, vector<1x16xf32>,
      %swap3A_146 = arith.index_cast %add3A_126 : i32 to index
      %swap3A_147 = arith.constant 64 : index
      %swap3A_148 = tpu.vector_load %arg8[%swap3A_146, %swap3A_147] {strides = array<i32>} : memref<128x128xf32, #tpu.memory_space<vmem>>, vector<1x16xf32>,
      %swap3A_149 = vector.shape_cast %swap3A_148 : vector<1x16xf32> to vector<16xf32>
      %swap3A_150 = vector.shape_cast %broadcast_in_dim3A_1 : vector<16xf32> to vector<1x16xf32>
      tpu.vector_store %arg8[%swap3A_146, %swap3A_147], %swap3A_150 {strides = array<i32>} : memref<128x128xf32, #tpu.memory_space<vmem>>, vector<1x16xf32>,
      %swap3A_151 = arith.index_cast %add3A_126 : i32 to index
      %swap3A_152 = arith.constant 80 : index
      %swap3A_153 = tpu.vector_load %arg8[%swap3A_151, %swap3A_152] {strides = array<i32>} : memref<128x128xf32, #tpu.memory_space<vmem>>, vector<1x16xf32>,
      %swap3A_154 = vector.shape_cast %swap3A_153 : vector<1x16xf32> to vector<16xf32>
      %swap3A_155 = vector.shape_cast %broadcast_in_dim3A_1 : vector<16xf32> to vector<1x16xf32>
      tpu.vector_store %arg8[%swap3A_151, %swap3A_152], %swap3A_155 {strides = array<i32>} : memref<128x128xf32, #tpu.memory_space<vmem>>, vector<1x16xf32>,
      %swap3A_156 = arith.index_cast %add3A_126 : i32 to index
      %swap3A_157 = arith.constant 96 : index
      %swap3A_158 = tpu.vector_load %arg8[%swap3A_156, %swap3A_157] {strides = array<i32>} : memref<128x128xf32, #tpu.memory_space<vmem>>, vector<1x16xf32>,
      %swap3A_159 = vector.shape_cast %swap3A_158 : vector<1x16xf32> to vector<16xf32>
      %swap3A_160 = vector.shape_cast %broadcast_in_dim3A_1 : vector<16xf32> to vector<1x16xf32>
      tpu.vector_store %arg8[%swap3A_156, %swap3A_157], %swap3A_160 {strides = array<i32>} : memref<128x128xf32, #tpu.memory_space<vmem>>, vector<1x16xf32>,
      %swap3A_161 = arith.index_cast %add3A_126 : i32 to index
      %swap3A_162 = arith.constant 112 : index
      %swap3A_163 = tpu.vector_load %arg8[%swap3A_161, %swap3A_162] {strides = array<i32>} : memref<128x128xf32, #tpu.memory_space<vmem>>, vector<1x16xf32>,
      %swap3A_164 = vector.shape_cast %swap3A_163 : vector<1x16xf32> to vector<16xf32>
      %swap3A_165 = vector.shape_cast %broadcast_in_dim3A_1 : vector<16xf32> to vector<1x16xf32>
      tpu.vector_store %arg8[%swap3A_161, %swap3A_162], %swap3A_165 {strides = array<i32>} : memref<128x128xf32, #tpu.memory_space<vmem>>, vector<1x16xf32>,
    }
    %scan3A_5 = arith.constant 128 : i32
    %scan3A_6 = arith.constant 0 : i32
    %scan3A_7 = arith.constant 5 : i32
    %scan3A_8 = arith.addi %scan3A_6, %scan3A_7 : i32
    %scan3A_9 = arith.constant 1 : i32
    scf.for %scan3A_122 = %scan3A_6 to %scan3A_8 step %scan3A_9  : i32 {
      %mul3A_123 = arith.constant 1 : i32
      %mul3A_124 = arith.muli %scan3A_122, %mul3A_123 : i32
      %add3A_125 = arith.constant 0 : i32
      %add3A_126 = arith.addi %add3A_125, %mul3A_124 : i32
      %mul3A_127 = arith.constant 640 : i32
      %mul3A_128 = arith.muli %arg1, %mul3A_127 : i32
      %mul3A_129 = arith.constant 128 : i32
      %mul3A_130 = arith.muli %add3A_126, %mul3A_129 : i32
      %add3A_131 = arith.addi %mul3A_128, %mul3A_130 : i32
      "tpu.region"() ({
        %run_scoped3A = tpu.sem_alloc : memref<!tpu.dma_semaphore, #tpu.memory_space<semaphore_mem>>
        %dma_start3A_132 = arith.constant 0 : i32
        %dma_start3A_133 = tpu.memref_slice %arg10[%add3A_131, %dma_start3A_132] : memref<10240x128xf32, #tpu.memory_space<vmem_shared>> -> memref<128x128xf32, #tpu.memory_space<vmem_shared>>
        %dma_start3A_134 = arith.constant 0 : i32
        %dma_start3A_135 = tpu.memref_slice %arg10[%add3A_131, %dma_start3A_134] : memref<10240x128xf32, #tpu.memory_space<vmem_shared>> -> memref<128x128xf32, #tpu.memory_space<vmem_shared>>
        tpu.enqueue_dma source(%arg8 : memref<128x128xf32, #tpu.memory_space<vmem>>) target(%dma_start3A_135 : memref<128x128xf32, #tpu.memory_space<vmem_shared>>) target_semaphore(%run_scoped3A : memref<!tpu.dma_semaphore, #tpu.memory_space<semaphore_mem>>)
        %dma_wait3A_136 = arith.constant 0 : i32
        %dma_wait3A_137 = tpu.memref_slice %arg10[%add3A_131, %dma_wait3A_136] : memref<10240x128xf32, #tpu.memory_space<vmem_shared>> -> memref<128x128xf32, #tpu.memory_space<vmem_shared>>
        %dma_wait3A_138 = arith.constant 0 : i32
        %dma_wait3A_139 = tpu.memref_slice %arg10[%add3A_131, %dma_wait3A_138] : memref<10240x128xf32, #tpu.memory_space<vmem_shared>> -> memref<128x128xf32, #tpu.memory_space<vmem_shared>>
        tpu.wait_dma2 semaphore(%run_scoped3A : memref<!tpu.dma_semaphore, #tpu.memory_space<semaphore_mem>>) src(%arg8 : memref<128x128xf32, #tpu.memory_space<vmem>>) dst(%dma_wait3A_139 : memref<128x128xf32, #tpu.memory_space<vmem_shared>>)
        tpu.yield
      }) : () -> ()
    }
    %scan3A_10 = arith.constant 5 : i32
    %barrier3A = arith.constant 0 : index
    tpu.barrier barrier_id(%barrier3A)
    %add3A = arith.constant 0 : i32
    %add3A_11 = arith.addi %mul3A_0, %add3A : i32
    %dma_start3A = arith.constant 0 : i32
    %dma_start3A_12 = arith.constant 0 : i32
    %dma_start3A_13 = arith.constant 0 : i32
    %dma_start3A_14 = tpu.memref_slice %arg6[%dma_start3A, %dma_start3A_12, %dma_start3A_13] : memref<2x8x128xi32, #tpu.memory_space<vmem>> -> memref<1x8x128xi32, #tpu.memory_space<vmem>>
    %dma_start3A_15 = tpu.memref_squeeze %dma_start3A_14 : memref<1x8x128xi32, #tpu.memory_space<vmem>> -> memref<8x128xi32, #tpu.memory_space<vmem>>
    %dma_start3A_16 = arith.constant 0 : i32
    %dma_start3A_17 = tpu.memref_slice %arg3[%add3A_11, %dma_start3A_16] : memref<2560x128xi32, #tpu.memory_space<hbm>> -> memref<8x128xi32, #tpu.memory_space<hbm>>
    %dma_start3A_18 = arith.constant 0 : i32
    %dma_start3A_19 = arith.constant 0 : i32
    %dma_start3A_20 = tpu.memref_slice %arg6[%dma_start3A, %dma_start3A_18, %dma_start3A_19] : memref<2x8x128xi32, #tpu.memory_space<vmem>> -> memref<1x8x128xi32, #tpu.memory_space<vmem>>
    %dma_start3A_21 = tpu.memref_squeeze %dma_start3A_20 : memref<1x8x128xi32, #tpu.memory_space<vmem>> -> memref<8x128xi32, #tpu.memory_space<vmem>>
    %dma_start3A_22 = arith.constant 0 : i32
    %dma_start3A_23 = tpu.memref_slice %arg3[%add3A_11, %dma_start3A_22] : memref<2560x128xi32, #tpu.memory_space<hbm>> -> memref<8x128xi32, #tpu.memory_space<hbm>>
    tpu.enqueue_dma source(%dma_start3A_23 : memref<8x128xi32, #tpu.memory_space<hbm>>) target(%dma_start3A_21 : memref<8x128xi32, #tpu.memory_space<vmem>>) target_semaphore(%arg13 : memref<!tpu.dma_semaphore, #tpu.memory_space<semaphore_mem>>)
    %add3A_24 = arith.constant 0 : i32
    %add3A_25 = arith.addi %mul3A_0, %add3A_24 : i32
    %dma_start3A_26 = arith.constant 0 : i32
    %dma_start3A_27 = arith.constant 0 : i32
    %dma_start3A_28 = arith.constant 0 : i32
    %dma_start3A_29 = tpu.memref_slice %arg7[%dma_start3A_26, %dma_start3A_27, %dma_start3A_28] : memref<2x8x128xi32, #tpu.memory_space<vmem>> -> memref<1x8x128xi32, #tpu.memory_space<vmem>>
    %dma_start3A_30 = tpu.memref_squeeze %dma_start3A_29 : memref<1x8x128xi32, #tpu.memory_space<vmem>> -> memref<8x128xi32, #tpu.memory_space<vmem>>
    %dma_start3A_31 = arith.constant 0 : i32
    %dma_start3A_32 = tpu.memref_slice %arg4[%add3A_25, %dma_start3A_31] : memref<2560x128xi32, #tpu.memory_space<hbm>> -> memref<8x128xi32, #tpu.memory_space<hbm>>
    %dma_start3A_33 = arith.constant 0 : i32
    %dma_start3A_34 = arith.constant 0 : i32
    %dma_start3A_35 = tpu.memref_slice %arg7[%dma_start3A_26, %dma_start3A_33, %dma_start3A_34] : memref<2x8x128xi32, #tpu.memory_space<vmem>> -> memref<1x8x128xi32, #tpu.memory_space<vmem>>
    %dma_start3A_36 = tpu.memref_squeeze %dma_start3A_35 : memref<1x8x128xi32, #tpu.memory_space<vmem>> -> memref<8x128xi32, #tpu.memory_space<vmem>>
    %dma_start3A_37 = arith.constant 0 : i32
    %dma_start3A_38 = tpu.memref_slice %arg4[%add3A_25, %dma_start3A_37] : memref<2560x128xi32, #tpu.memory_space<hbm>> -> memref<8x128xi32, #tpu.memory_space<hbm>>
    tpu.enqueue_dma source(%dma_start3A_38 : memref<8x128xi32, #tpu.memory_space<hbm>>) target(%dma_start3A_36 : memref<8x128xi32, #tpu.memory_space<vmem>>) target_semaphore(%arg13 : memref<!tpu.dma_semaphore, #tpu.memory_space<semaphore_mem>>)
    %dma_wait3A = arith.constant 0 : i32
    %dma_wait3A_39 = arith.constant 0 : i32
    %dma_wait3A_40 = arith.constant 0 : i32
    %dma_wait3A_41 = tpu.memref_slice %arg6[%dma_wait3A, %dma_wait3A_39, %dma_wait3A_40] : memref<2x8x128xi32, #tpu.memory_space<vmem>> -> memref<1x8x128xi32, #tpu.memory_space<vmem>>
    %dma_wait3A_42 = tpu.memref_squeeze %dma_wait3A_41 : memref<1x8x128xi32, #tpu.memory_space<vmem>> -> memref<8x128xi32, #tpu.memory_space<vmem>>
    %dma_wait3A_43 = arith.constant 0 : i32
    %dma_wait3A_44 = arith.constant 0 : i32
    %dma_wait3A_45 = tpu.memref_slice %arg3[%dma_wait3A_43, %dma_wait3A_44] : memref<2560x128xi32, #tpu.memory_space<hbm>> -> memref<8x128xi32, #tpu.memory_space<hbm>>
    %dma_wait3A_46 = arith.constant 0 : i32
    %dma_wait3A_47 = arith.constant 0 : i32
    %dma_wait3A_48 = tpu.memref_slice %arg6[%dma_wait3A, %dma_wait3A_46, %dma_wait3A_47] : memref<2x8x128xi32, #tpu.memory_space<vmem>> -> memref<1x8x128xi32, #tpu.memory_space<vmem>>
    %dma_wait3A_49 = tpu.memref_squeeze %dma_wait3A_48 : memref<1x8x128xi32, #tpu.memory_space<vmem>> -> memref<8x128xi32, #tpu.memory_space<vmem>>
    %dma_wait3A_50 = arith.constant 0 : i32
    %dma_wait3A_51 = arith.constant 0 : i32
    %dma_wait3A_52 = tpu.memref_slice %arg3[%dma_wait3A_50, %dma_wait3A_51] : memref<2560x128xi32, #tpu.memory_space<hbm>> -> memref<8x128xi32, #tpu.memory_space<hbm>>
    tpu.wait_dma2 semaphore(%arg13 : memref<!tpu.dma_semaphore, #tpu.memory_space<semaphore_mem>>) src(%dma_wait3A_52 : memref<8x128xi32, #tpu.memory_space<hbm>>) dst(%dma_wait3A_49 : memref<8x128xi32, #tpu.memory_space<vmem>>)
    %dma_wait3A_53 = arith.constant 0 : i32
    %dma_wait3A_54 = arith.constant 0 : i32
    %dma_wait3A_55 = arith.constant 0 : i32
    %dma_wait3A_56 = tpu.memref_slice %arg7[%dma_wait3A_53, %dma_wait3A_54, %dma_wait3A_55] : memref<2x8x128xi32, #tpu.memory_space<vmem>> -> memref<1x8x128xi32, #tpu.memory_space<vmem>>
    %dma_wait3A_57 = tpu.memref_squeeze %dma_wait3A_56 : memref<1x8x128xi32, #tpu.memory_space<vmem>> -> memref<8x128xi32, #tpu.memory_space<vmem>>
    %dma_wait3A_58 = arith.constant 0 : i32
    %dma_wait3A_59 = arith.constant 0 : i32
    %dma_wait3A_60 = tpu.memref_slice %arg4[%dma_wait3A_58, %dma_wait3A_59] : memref<2560x128xi32, #tpu.memory_space<hbm>> -> memref<8x128xi32, #tpu.memory_space<hbm>>
    %dma_wait3A_61 = arith.constant 0 : i32
    %dma_wait3A_62 = arith.constant 0 : i32
    %dma_wait3A_63 = tpu.memref_slice %arg7[%dma_wait3A_53, %dma_wait3A_61, %dma_wait3A_62] : memref<2x8x128xi32, #tpu.memory_space<vmem>> -> memref<1x8x128xi32, #tpu.memory_space<vmem>>
    %dma_wait3A_64 = tpu.memref_squeeze %dma_wait3A_63 : memref<1x8x128xi32, #tpu.memory_space<vmem>> -> memref<8x128xi32, #tpu.memory_space<vmem>>
    %dma_wait3A_65 = arith.constant 0 : i32
    %dma_wait3A_66 = arith.constant 0 : i32
    %dma_wait3A_67 = tpu.memref_slice %arg4[%dma_wait3A_65, %dma_wait3A_66] : memref<2560x128xi32, #tpu.memory_space<hbm>> -> memref<8x128xi32, #tpu.memory_space<hbm>>
    tpu.wait_dma2 semaphore(%arg13 : memref<!tpu.dma_semaphore, #tpu.memory_space<semaphore_mem>>) src(%dma_wait3A_67 : memref<8x128xi32, #tpu.memory_space<hbm>>) dst(%dma_wait3A_64 : memref<8x128xi32, #tpu.memory_space<vmem>>)
    %dma_start3A_68 = arith.constant 0 : i32
    %dma_start3A_69 = arith.constant 0 : i32
    %dma_start3A_70 = arith.constant 0 : i32
    %dma_start3A_71 = arith.constant 0 : i32
    %dma_start3A_72 = tpu.memref_slice %arg8[%dma_start3A_70, %dma_start3A_71] : memref<128x128xf32, #tpu.memory_space<vmem>> -> memref<64x128xf32, #tpu.memory_space<vmem>>
    %dma_start3A_73 = arith.constant 0 : i32
    %dma_start3A_74 = tpu.memref_slice %arg6[%dma_start3A_68, %dma_start3A_69, %dma_start3A_73] : memref<2x8x128xi32, #tpu.memory_space<vmem>> -> memref<1x1x64xi32, #tpu.memory_space<vmem>>
    %dma_start3A_75 = tpu.memref_squeeze %dma_start3A_74 : memref<1x1x64xi32, #tpu.memory_space<vmem>> -> memref<64xi32, #tpu.memory_space<vmem>>
    %dma_start3A_76 = arith.constant 0 : i32
    %dma_start3A_77 = arith.constant 0 : i32
    %dma_start3A_78 = tpu.memref_slice %arg2[%dma_start3A_76, %dma_start3A_77] : memref<10000x128xf32, #tpu.memory_space<hbm>> -> memref<10000x128xf32, #tpu.memory_space<hbm>>
    tpu.enqueue_indirect_dma source(%dma_start3A_78 : memref<10000x128xf32, #tpu.memory_space<hbm>>) target(%dma_start3A_72 : memref<64x128xf32, #tpu.memory_space<vmem>>) offsets(%dma_start3A_75 : memref<64xi32, #tpu.memory_space<vmem>>) semaphore(%arg11 : memref<!tpu.dma_semaphore, #tpu.memory_space<semaphore_mem>>)
    %dma_start3A_79 = arith.constant 0 : i32
    %dma_start3A_80 = arith.constant 0 : i32
    %dma_start3A_81 = arith.constant 64 : i32
    %dma_start3A_82 = arith.constant 0 : i32
    %dma_start3A_83 = tpu.memref_slice %arg8[%dma_start3A_81, %dma_start3A_82] : memref<128x128xf32, #tpu.memory_space<vmem>> -> memref<64x128xf32, #tpu.memory_space<vmem>>
    %dma_start3A_84 = arith.constant 64 : i32
    %dma_start3A_85 = tpu.memref_slice %arg6[%dma_start3A_79, %dma_start3A_80, %dma_start3A_84] : memref<2x8x128xi32, #tpu.memory_space<vmem>> -> memref<1x1x64xi32, #tpu.memory_space<vmem>>
    %dma_start3A_86 = tpu.memref_squeeze %dma_start3A_85 : memref<1x1x64xi32, #tpu.memory_space<vmem>> -> memref<64xi32, #tpu.memory_space<vmem>>
    %dma_start3A_87 = arith.constant 0 : i32
    %dma_start3A_88 = arith.constant 0 : i32
    %dma_start3A_89 = tpu.memref_slice %arg2[%dma_start3A_87, %dma_start3A_88] : memref<10000x128xf32, #tpu.memory_space<hbm>> -> memref<10000x128xf32, #tpu.memory_space<hbm>>
    tpu.enqueue_indirect_dma source(%dma_start3A_89 : memref<10000x128xf32, #tpu.memory_space<hbm>>) target(%dma_start3A_83 : memref<64x128xf32, #tpu.memory_space<vmem>>) offsets(%dma_start3A_86 : memref<64xi32, #tpu.memory_space<vmem>>) semaphore(%arg11 : memref<!tpu.dma_semaphore, #tpu.memory_space<semaphore_mem>>)
    %dma_start3A_90 = arith.constant 0 : i32
    %dma_start3A_91 = arith.constant 1 : i32
    %dma_start3A_92 = arith.constant 0 : i32
    %dma_start3A_93 = arith.constant 0 : i32
    %dma_start3A_94 = tpu.memref_slice %arg9[%dma_start3A_92, %dma_start3A_93] : memref<128x128xf32, #tpu.memory_space<vmem>> -> memref<64x128xf32, #tpu.memory_space<vmem>>
    %dma_start3A_95 = arith.constant 0 : i32
    %dma_start3A_96 = tpu.memref_slice %arg6[%dma_start3A_90, %dma_start3A_91, %dma_start3A_95] : memref<2x8x128xi32, #tpu.memory_space<vmem>> -> memref<1x1x64xi32, #tpu.memory_space<vmem>>
    %dma_start3A_97 = tpu.memref_squeeze %dma_start3A_96 : memref<1x1x64xi32, #tpu.memory_space<vmem>> -> memref<64xi32, #tpu.memory_space<vmem>>
    %dma_start3A_98 = arith.constant 0 : i32
    %dma_start3A_99 = arith.constant 0 : i32
    %dma_start3A_100 = tpu.memref_slice %arg2[%dma_start3A_98, %dma_start3A_99] : memref<10000x128xf32, #tpu.memory_space<hbm>> -> memref<10000x128xf32, #tpu.memory_space<hbm>>
    tpu.enqueue_indirect_dma source(%dma_start3A_100 : memref<10000x128xf32, #tpu.memory_space<hbm>>) target(%dma_start3A_94 : memref<64x128xf32, #tpu.memory_space<vmem>>) offsets(%dma_start3A_97 : memref<64xi32, #tpu.memory_space<vmem>>) semaphore(%arg12 : memref<!tpu.dma_semaphore, #tpu.memory_space<semaphore_mem>>)
    %dma_start3A_101 = arith.constant 0 : i32
    %dma_start3A_102 = arith.constant 1 : i32
    %dma_start3A_103 = arith.constant 64 : i32
    %dma_start3A_104 = arith.constant 0 : i32
    %dma_start3A_105 = tpu.memref_slice %arg9[%dma_start3A_103, %dma_start3A_104] : memref<128x128xf32, #tpu.memory_space<vmem>> -> memref<64x128xf32, #tpu.memory_space<vmem>>
    %dma_start3A_106 = arith.constant 64 : i32
    %dma_start3A_107 = tpu.memref_slice %arg6[%dma_start3A_101, %dma_start3A_102, %dma_start3A_106] : memref<2x8x128xi32, #tpu.memory_space<vmem>> -> memref<1x1x64xi32, #tpu.memory_space<vmem>>
    %dma_start3A_108 = tpu.memref_squeeze %dma_start3A_107 : memref<1x1x64xi32, #tpu.memory_space<vmem>> -> memref<64xi32, #tpu.memory_space<vmem>>
    %dma_start3A_109 = arith.constant 0 : i32
    %dma_start3A_110 = arith.constant 0 : i32
    %dma_start3A_111 = tpu.memref_slice %arg2[%dma_start3A_109, %dma_start3A_110] : memref<10000x128xf32, #tpu.memory_space<hbm>> -> memref<10000x128xf32, #tpu.memory_space<hbm>>
    tpu.enqueue_indirect_dma source(%dma_start3A_111 : memref<10000x128xf32, #tpu.memory_space<hbm>>) target(%dma_start3A_105 : memref<64x128xf32, #tpu.memory_space<vmem>>) offsets(%dma_start3A_108 : memref<64xi32, #tpu.memory_space<vmem>>) semaphore(%arg12 : memref<!tpu.dma_semaphore, #tpu.memory_space<semaphore_mem>>)
    %scan3A_112 = arith.constant 0 : i32
    %scan3A_113 = arith.constant 10 : i32
    %scan3A_114 = arith.addi %scan3A_112, %scan3A_113 : i32
    %scan3A_115 = arith.constant 1 : i32
    scf.for %scan3A_122 = %scan3A_112 to %scan3A_114 step %scan3A_115  : i32 {
      %mul3A_123 = arith.constant 2 : i32
      %mul3A_124 = arith.muli %scan3A_122, %mul3A_123 : i32
      %add3A_125 = arith.constant 0 : i32
      %add3A_126 = arith.addi %add3A_125, %mul3A_124 : i32
      %add3A_127 = arith.constant 0 : i32
      %add3A_128 = arith.addi %add3A_126, %add3A_127 : i32
      %add3A_129 = arith.constant 1 : i32
      %add3A_130 = arith.addi %add3A_128, %add3A_129 : i32
      %lt3A = arith.constant 20 : i32
      %lt3A_131 = arith.cmpi slt, %add3A_130, %lt3A : i32
      %convert_element_type3A = arith.extui %lt3A_131 : i1 to i32
      %cond3A = arith.constant 0 : i32
      %cond3A_132 = arith.cmpi ne, %convert_element_type3A, %cond3A : i32
      scf.if %cond3A_132 {
        %add3A_459 = arith.constant 1 : i32
        %add3A_460 = arith.addi %add3A_128, %add3A_459 : i32
        %mul3A_461 = arith.constant 8 : i32
        %mul3A_462 = arith.muli %add3A_460, %mul3A_461 : i32
        %add3A_463 = arith.addi %mul3A_0, %mul3A_462 : i32
        %dma_start3A_464 = arith.constant 1 : i32
        %dma_start3A_465 = arith.constant 0 : i32
        %dma_start3A_466 = arith.constant 0 : i32
        %dma_start3A_467 = tpu.memref_slice %arg6[%dma_start3A_464, %dma_start3A_465, %dma_start3A_466] : memref<2x8x128xi32, #tpu.memory_space<vmem>> -> memref<1x8x128xi32, #tpu.memory_space<vmem>>
        %dma_start3A_468 = tpu.memref_squeeze %dma_start3A_467 : memref<1x8x128xi32, #tpu.memory_space<vmem>> -> memref<8x128xi32, #tpu.memory_space<vmem>>
        %dma_start3A_469 = arith.constant 0 : i32
        %dma_start3A_470 = tpu.memref_slice %arg3[%add3A_463, %dma_start3A_469] : memref<2560x128xi32, #tpu.memory_space<hbm>> -> memref<8x128xi32, #tpu.memory_space<hbm>>
        %dma_start3A_471 = arith.constant 0 : i32
        %dma_start3A_472 = arith.constant 0 : i32
        %dma_start3A_473 = tpu.memref_slice %arg6[%dma_start3A_464, %dma_start3A_471, %dma_start3A_472] : memref<2x8x128xi32, #tpu.memory_space<vmem>> -> memref<1x8x128xi32, #tpu.memory_space<vmem>>
        %dma_start3A_474 = tpu.memref_squeeze %dma_start3A_473 : memref<1x8x128xi32, #tpu.memory_space<vmem>> -> memref<8x128xi32, #tpu.memory_space<vmem>>
        %dma_start3A_475 = arith.constant 0 : i32
        %dma_start3A_476 = tpu.memref_slice %arg3[%add3A_463, %dma_start3A_475] : memref<2560x128xi32, #tpu.memory_space<hbm>> -> memref<8x128xi32, #tpu.memory_space<hbm>>
        tpu.enqueue_dma source(%dma_start3A_476 : memref<8x128xi32, #tpu.memory_space<hbm>>) target(%dma_start3A_474 : memref<8x128xi32, #tpu.memory_space<vmem>>) target_semaphore(%arg14 : memref<!tpu.dma_semaphore, #tpu.memory_space<semaphore_mem>>)
        %mul3A_477 = arith.constant 8 : i32
        %mul3A_478 = arith.muli %add3A_460, %mul3A_477 : i32
        %add3A_479 = arith.addi %mul3A_0, %mul3A_478 : i32
        %dma_start3A_480 = arith.constant 1 : i32
        %dma_start3A_481 = arith.constant 0 : i32
        %dma_start3A_482 = arith.constant 0 : i32
        %dma_start3A_483 = tpu.memref_slice %arg7[%dma_start3A_480, %dma_start3A_481, %dma_start3A_482] : memref<2x8x128xi32, #tpu.memory_space<vmem>> -> memref<1x8x128xi32, #tpu.memory_space<vmem>>
        %dma_start3A_484 = tpu.memref_squeeze %dma_start3A_483 : memref<1x8x128xi32, #tpu.memory_space<vmem>> -> memref<8x128xi32, #tpu.memory_space<vmem>>
        %dma_start3A_485 = arith.constant 0 : i32
        %dma_start3A_486 = tpu.memref_slice %arg4[%add3A_479, %dma_start3A_485] : memref<2560x128xi32, #tpu.memory_space<hbm>> -> memref<8x128xi32, #tpu.memory_space<hbm>>
        %dma_start3A_487 = arith.constant 0 : i32
        %dma_start3A_488 = arith.constant 0 : i32
        %dma_start3A_489 = tpu.memref_slice %arg7[%dma_start3A_480, %dma_start3A_487, %dma_start3A_488] : memref<2x8x128xi32, #tpu.memory_space<vmem>> -> memref<1x8x128xi32, #tpu.memory_space<vmem>>
        %dma_start3A_490 = tpu.memref_squeeze %dma_start3A_489 : memref<1x8x128xi32, #tpu.memory_space<vmem>> -> memref<8x128xi32, #tpu.memory_space<vmem>>
        %dma_start3A_491 = arith.constant 0 : i32
        %dma_start3A_492 = tpu.memref_slice %arg4[%add3A_479, %dma_start3A_491] : memref<2560x128xi32, #tpu.memory_space<hbm>> -> memref<8x128xi32, #tpu.memory_space<hbm>>
        tpu.enqueue_dma source(%dma_start3A_492 : memref<8x128xi32, #tpu.memory_space<hbm>>) target(%dma_start3A_490 : memref<8x128xi32, #tpu.memory_space<vmem>>) target_semaphore(%arg14 : memref<!tpu.dma_semaphore, #tpu.memory_space<semaphore_mem>>)
      } else {
      }
      %mul3A_133 = arith.constant 8 : i32
      %mul3A_134 = arith.muli %add3A_128, %mul3A_133 : i32
      %add3A_135 = arith.constant 0 : i32
      %add3A_136 = arith.addi %mul3A_134, %add3A_135 : i32
      %dma_wait3A_137 = arith.constant 0 : i32
      %dma_wait3A_138 = arith.constant 0 : i32
      %dma_wait3A_139 = tpu.memref_slice %arg2[%dma_wait3A_137, %dma_wait3A_138] : memref<10000x128xf32, #tpu.memory_space<hbm>> -> memref<128x128xf32, #tpu.memory_space<hbm>>
      %dma_wait3A_140 = arith.constant 0 : i32
      %dma_wait3A_141 = arith.constant 0 : i32
      %dma_wait3A_142 = tpu.memref_slice %arg2[%dma_wait3A_140, %dma_wait3A_141] : memref<10000x128xf32, #tpu.memory_space<hbm>> -> memref<128x128xf32, #tpu.memory_space<hbm>>
      tpu.wait_dma2 semaphore(%arg11 : memref<!tpu.dma_semaphore, #tpu.memory_space<semaphore_mem>>) src(%dma_wait3A_142 : memref<128x128xf32, #tpu.memory_space<hbm>>) dst(%arg8 : memref<128x128xf32, #tpu.memory_space<vmem>>)
      %run_scoped3A = arith.constant 0 : i32
      %run_scoped3A_143 = arith.constant 0 : i32
      "tpu.region"() ({
        %run_scoped3A_459 = tpu.sem_alloc : memref<!tpu.dma_semaphore, #tpu.memory_space<semaphore_mem>>
        %dma_start3A_460 = arith.constant 0 : i32
        %dma_start3A_461 = tpu.memref_slice %arg7[%run_scoped3A, %run_scoped3A_143, %dma_start3A_460] : memref<2x8x128xi32, #tpu.memory_space<vmem>> -> memref<1x1x128xi32, #tpu.memory_space<vmem>>
        %dma_start3A_462 = tpu.memref_squeeze %dma_start3A_461 : memref<1x1x128xi32, #tpu.memory_space<vmem>> -> memref<128xi32, #tpu.memory_space<vmem>>
        %dma_start3A_463 = arith.constant 0 : i32
        %dma_start3A_464 = arith.constant 0 : i32
        %dma_start3A_465 = tpu.memref_slice %arg10[%dma_start3A_463, %dma_start3A_464] : memref<10240x128xf32, #tpu.memory_space<vmem_shared>> -> memref<10240x128xf32, #tpu.memory_space<vmem_shared>>
        tpu.enqueue_indirect_dma source(%arg8 : memref<128x128xf32, #tpu.memory_space<vmem>>) target(%dma_start3A_465 : memref<10240x128xf32, #tpu.memory_space<vmem_shared>>) offsets(%dma_start3A_462 : memref<128xi32, #tpu.memory_space<vmem>>) semaphore(%run_scoped3A_459 : memref<!tpu.dma_semaphore, #tpu.memory_space<semaphore_mem>>) {add = true}
        %dma_wait3A_466 = arith.constant 0 : i32
        %dma_wait3A_467 = tpu.memref_slice %arg7[%run_scoped3A, %run_scoped3A_143, %dma_wait3A_466] : memref<2x8x128xi32, #tpu.memory_space<vmem>> -> memref<1x1x128xi32, #tpu.memory_space<vmem>>
        %dma_wait3A_468 = tpu.memref_squeeze %dma_wait3A_467 : memref<1x1x128xi32, #tpu.memory_space<vmem>> -> memref<128xi32, #tpu.memory_space<vmem>>
        %dma_wait3A_469 = arith.constant 0 : i32
        %dma_wait3A_470 = arith.constant 0 : i32
        %dma_wait3A_471 = tpu.memref_slice %arg10[%dma_wait3A_469, %dma_wait3A_470] : memref<10240x128xf32, #tpu.memory_space<vmem_shared>> -> memref<10240x128xf32, #tpu.memory_space<vmem_shared>>
        tpu.wait_indirect_dma semaphore(%run_scoped3A_459 : memref<!tpu.dma_semaphore, #tpu.memory_space<semaphore_mem>>) src(%arg8 : memref<128x128xf32, #tpu.memory_space<vmem>>) dst(%dma_wait3A_471 : memref<10240x128xf32, #tpu.memory_space<vmem_shared>>)
        tpu.yield
      }) : () -> ()
      %add3A_144 = arith.constant 2 : i32
      %add3A_145 = arith.addi %add3A_136, %add3A_144 : i32
      %lt3A_146 = arith.constant 160 : i32
      %lt3A_147 = arith.cmpi slt, %add3A_145, %lt3A_146 : i32
      %convert_element_type3A_148 = arith.extui %lt3A_147 : i1 to i32
      %cond3A_149 = arith.constant 0 : i32
      %cond3A_150 = arith.cmpi ne, %convert_element_type3A_148, %cond3A_149 : i32
      scf.if %cond3A_150 {
        %dma_start3A_459 = arith.constant 0 : i32
        %dma_start3A_460 = arith.constant 2 : i32
        %dma_start3A_461 = arith.constant 0 : i32
        %dma_start3A_462 = arith.constant 0 : i32
        %dma_start3A_463 = tpu.memref_slice %arg8[%dma_start3A_461, %dma_start3A_462] : memref<128x128xf32, #tpu.memory_space<vmem>> -> memref<64x128xf32, #tpu.memory_space<vmem>>
        %dma_start3A_464 = arith.constant 0 : i32
        %dma_start3A_465 = tpu.memref_slice %arg6[%dma_start3A_459, %dma_start3A_460, %dma_start3A_464] : memref<2x8x128xi32, #tpu.memory_space<vmem>> -> memref<1x1x64xi32, #tpu.memory_space<vmem>>
        %dma_start3A_466 = tpu.memref_squeeze %dma_start3A_465 : memref<1x1x64xi32, #tpu.memory_space<vmem>> -> memref<64xi32, #tpu.memory_space<vmem>>
        %dma_start3A_467 = arith.constant 0 : i32
        %dma_start3A_468 = arith.constant 0 : i32
        %dma_start3A_469 = tpu.memref_slice %arg2[%dma_start3A_467, %dma_start3A_468] : memref<10000x128xf32, #tpu.memory_space<hbm>> -> memref<10000x128xf32, #tpu.memory_space<hbm>>
        tpu.enqueue_indirect_dma source(%dma_start3A_469 : memref<10000x128xf32, #tpu.memory_space<hbm>>) target(%dma_start3A_463 : memref<64x128xf32, #tpu.memory_space<vmem>>) offsets(%dma_start3A_466 : memref<64xi32, #tpu.memory_space<vmem>>) semaphore(%arg11 : memref<!tpu.dma_semaphore, #tpu.memory_space<semaphore_mem>>)
        %dma_start3A_470 = arith.constant 0 : i32
        %dma_start3A_471 = arith.constant 2 : i32
        %dma_start3A_472 = arith.constant 64 : i32
        %dma_start3A_473 = arith.constant 0 : i32
        %dma_start3A_474 = tpu.memref_slice %arg8[%dma_start3A_472, %dma_start3A_473] : memref<128x128xf32, #tpu.memory_space<vmem>> -> memref<64x128xf32, #tpu.memory_space<vmem>>
        %dma_start3A_475 = arith.constant 64 : i32
        %dma_start3A_476 = tpu.memref_slice %arg6[%dma_start3A_470, %dma_start3A_471, %dma_start3A_475] : memref<2x8x128xi32, #tpu.memory_space<vmem>> -> memref<1x1x64xi32, #tpu.memory_space<vmem>>
        %dma_start3A_477 = tpu.memref_squeeze %dma_start3A_476 : memref<1x1x64xi32, #tpu.memory_space<vmem>> -> memref<64xi32, #tpu.memory_space<vmem>>
        %dma_start3A_478 = arith.constant 0 : i32
        %dma_start3A_479 = arith.constant 0 : i32
        %dma_start3A_480 = tpu.memref_slice %arg2[%dma_start3A_478, %dma_start3A_479] : memref<10000x128xf32, #tpu.memory_space<hbm>> -> memref<10000x128xf32, #tpu.memory_space<hbm>>
        tpu.enqueue_indirect_dma source(%dma_start3A_480 : memref<10000x128xf32, #tpu.memory_space<hbm>>) target(%dma_start3A_474 : memref<64x128xf32, #tpu.memory_space<vmem>>) offsets(%dma_start3A_477 : memref<64xi32, #tpu.memory_space<vmem>>) semaphore(%arg11 : memref<!tpu.dma_semaphore, #tpu.memory_space<semaphore_mem>>)
      } else {
      }
      %mul3A_151 = arith.constant 8 : i32
      %mul3A_152 = arith.muli %add3A_128, %mul3A_151 : i32
      %add3A_153 = arith.constant 1 : i32
      %add3A_154 = arith.addi %mul3A_152, %add3A_153 : i32
      %dma_wait3A_155 = arith.constant 0 : i32
      %dma_wait3A_156 = arith.constant 0 : i32
      %dma_wait3A_157 = tpu.memref_slice %arg2[%dma_wait3A_155, %dma_wait3A_156] : memref<10000x128xf32, #tpu.memory_space<hbm>> -> memref<128x128xf32, #tpu.memory_space<hbm>>
      %dma_wait3A_158 = arith.constant 0 : i32
      %dma_wait3A_159 = arith.constant 0 : i32
      %dma_wait3A_160 = tpu.memref_slice %arg2[%dma_wait3A_158, %dma_wait3A_159] : memref<10000x128xf32, #tpu.memory_space<hbm>> -> memref<128x128xf32, #tpu.memory_space<hbm>>
      tpu.wait_dma2 semaphore(%arg12 : memref<!tpu.dma_semaphore, #tpu.memory_space<semaphore_mem>>) src(%dma_wait3A_160 : memref<128x128xf32, #tpu.memory_space<hbm>>) dst(%arg9 : memref<128x128xf32, #tpu.memory_space<vmem>>)
      %run_scoped3A_161 = arith.constant 0 : i32
      %run_scoped3A_162 = arith.constant 1 : i32
      "tpu.region"() ({
        %run_scoped3A_459 = tpu.sem_alloc : memref<!tpu.dma_semaphore, #tpu.memory_space<semaphore_mem>>
        %dma_start3A_460 = arith.constant 0 : i32
        %dma_start3A_461 = tpu.memref_slice %arg7[%run_scoped3A_161, %run_scoped3A_162, %dma_start3A_460] : memref<2x8x128xi32, #tpu.memory_space<vmem>> -> memref<1x1x128xi32, #tpu.memory_space<vmem>>
        %dma_start3A_462 = tpu.memref_squeeze %dma_start3A_461 : memref<1x1x128xi32, #tpu.memory_space<vmem>> -> memref<128xi32, #tpu.memory_space<vmem>>
        %dma_start3A_463 = arith.constant 0 : i32
        %dma_start3A_464 = arith.constant 0 : i32
        %dma_start3A_465 = tpu.memref_slice %arg10[%dma_start3A_463, %dma_start3A_464] : memref<10240x128xf32, #tpu.memory_space<vmem_shared>> -> memref<10240x128xf32, #tpu.memory_space<vmem_shared>>
        tpu.enqueue_indirect_dma source(%arg9 : memref<128x128xf32, #tpu.memory_space<vmem>>) target(%dma_start3A_465 : memref<10240x128xf32, #tpu.memory_space<vmem_shared>>) offsets(%dma_start3A_462 : memref<128xi32, #tpu.memory_space<vmem>>) semaphore(%run_scoped3A_459 : memref<!tpu.dma_semaphore, #tpu.memory_space<semaphore_mem>>) {add = true}
        %dma_wait3A_466 = arith.constant 0 : i32
        %dma_wait3A_467 = tpu.memref_slice %arg7[%run_scoped3A_161, %run_scoped3A_162, %dma_wait3A_466] : memref<2x8x128xi32, #tpu.memory_space<vmem>> -> memref<1x1x128xi32, #tpu.memory_space<vmem>>
        %dma_wait3A_468 = tpu.memref_squeeze %dma_wait3A_467 : memref<1x1x128xi32, #tpu.memory_space<vmem>> -> memref<128xi32, #tpu.memory_space<vmem>>
        %dma_wait3A_469 = arith.constant 0 : i32
        %dma_wait3A_470 = arith.constant 0 : i32
        %dma_wait3A_471 = tpu.memref_slice %arg10[%dma_wait3A_469, %dma_wait3A_470] : memref<10240x128xf32, #tpu.memory_space<vmem_shared>> -> memref<10240x128xf32, #tpu.memory_space<vmem_shared>>
        tpu.wait_indirect_dma semaphore(%run_scoped3A_459 : memref<!tpu.dma_semaphore, #tpu.memory_space<semaphore_mem>>) src(%arg9 : memref<128x128xf32, #tpu.memory_space<vmem>>) dst(%dma_wait3A_471 : memref<10240x128xf32, #tpu.memory_space<vmem_shared>>)
        tpu.yield
      }) : () -> ()
      %add3A_163 = arith.constant 2 : i32
      %add3A_164 = arith.addi %add3A_154, %add3A_163 : i32
      %lt3A_165 = arith.constant 160 : i32
      %lt3A_166 = arith.cmpi slt, %add3A_164, %lt3A_165 : i32
      %convert_element_type3A_167 = arith.extui %lt3A_166 : i1 to i32
      %cond3A_168 = arith.constant 0 : i32
      %cond3A_169 = arith.cmpi ne, %convert_element_type3A_167, %cond3A_168 : i32
      scf.if %cond3A_169 {
        %dma_start3A_459 = arith.constant 0 : i32
        %dma_start3A_460 = arith.constant 3 : i32
        %dma_start3A_461 = arith.constant 0 : i32
        %dma_start3A_462 = arith.constant 0 : i32
        %dma_start3A_463 = tpu.memref_slice %arg9[%dma_start3A_461, %dma_start3A_462] : memref<128x128xf32, #tpu.memory_space<vmem>> -> memref<64x128xf32, #tpu.memory_space<vmem>>
        %dma_start3A_464 = arith.constant 0 : i32
        %dma_start3A_465 = tpu.memref_slice %arg6[%dma_start3A_459, %dma_start3A_460, %dma_start3A_464] : memref<2x8x128xi32, #tpu.memory_space<vmem>> -> memref<1x1x64xi32, #tpu.memory_space<vmem>>
        %dma_start3A_466 = tpu.memref_squeeze %dma_start3A_465 : memref<1x1x64xi32, #tpu.memory_space<vmem>> -> memref<64xi32, #tpu.memory_space<vmem>>
        %dma_start3A_467 = arith.constant 0 : i32
        %dma_start3A_468 = arith.constant 0 : i32
        %dma_start3A_469 = tpu.memref_slice %arg2[%dma_start3A_467, %dma_start3A_468] : memref<10000x128xf32, #tpu.memory_space<hbm>> -> memref<10000x128xf32, #tpu.memory_space<hbm>>
        tpu.enqueue_indirect_dma source(%dma_start3A_469 : memref<10000x128xf32, #tpu.memory_space<hbm>>) target(%dma_start3A_463 : memref<64x128xf32, #tpu.memory_space<vmem>>) offsets(%dma_start3A_466 : memref<64xi32, #tpu.memory_space<vmem>>) semaphore(%arg12 : memref<!tpu.dma_semaphore, #tpu.memory_space<semaphore_mem>>)
        %dma_start3A_470 = arith.constant 0 : i32
        %dma_start3A_471 = arith.constant 3 : i32
        %dma_start3A_472 = arith.constant 64 : i32
        %dma_start3A_473 = arith.constant 0 : i32
        %dma_start3A_474 = tpu.memref_slice %arg9[%dma_start3A_472, %dma_start3A_473] : memref<128x128xf32, #tpu.memory_space<vmem>> -> memref<64x128xf32, #tpu.memory_space<vmem>>
        %dma_start3A_475 = arith.constant 64 : i32
        %dma_start3A_476 = tpu.memref_slice %arg6[%dma_start3A_470, %dma_start3A_471, %dma_start3A_475] : memref<2x8x128xi32, #tpu.memory_space<vmem>> -> memref<1x1x64xi32, #tpu.memory_space<vmem>>
        %dma_start3A_477 = tpu.memref_squeeze %dma_start3A_476 : memref<1x1x64xi32, #tpu.memory_space<vmem>> -> memref<64xi32, #tpu.memory_space<vmem>>
        %dma_start3A_478 = arith.constant 0 : i32
        %dma_start3A_479 = arith.constant 0 : i32
        %dma_start3A_480 = tpu.memref_slice %arg2[%dma_start3A_478, %dma_start3A_479] : memref<10000x128xf32, #tpu.memory_space<hbm>> -> memref<10000x128xf32, #tpu.memory_space<hbm>>
        tpu.enqueue_indirect_dma source(%dma_start3A_480 : memref<10000x128xf32, #tpu.memory_space<hbm>>) target(%dma_start3A_474 : memref<64x128xf32, #tpu.memory_space<vmem>>) offsets(%dma_start3A_477 : memref<64xi32, #tpu.memory_space<vmem>>) semaphore(%arg12 : memref<!tpu.dma_semaphore, #tpu.memory_space<semaphore_mem>>)
      } else {
      }
      %mul3A_170 = arith.constant 8 : i32
      %mul3A_171 = arith.muli %add3A_128, %mul3A_170 : i32
      %add3A_172 = arith.constant 2 : i32
      %add3A_173 = arith.addi %mul3A_171, %add3A_172 : i32
      %dma_wait3A_174 = arith.constant 0 : i32
      %dma_wait3A_175 = arith.constant 0 : i32
      %dma_wait3A_176 = tpu.memref_slice %arg2[%dma_wait3A_174, %dma_wait3A_175] : memref<10000x128xf32, #tpu.memory_space<hbm>> -> memref<128x128xf32, #tpu.memory_space<hbm>>
      %dma_wait3A_177 = arith.constant 0 : i32
      %dma_wait3A_178 = arith.constant 0 : i32
      %dma_wait3A_179 = tpu.memref_slice %arg2[%dma_wait3A_177, %dma_wait3A_178] : memref<10000x128xf32, #tpu.memory_space<hbm>> -> memref<128x128xf32, #tpu.memory_space<hbm>>
      tpu.wait_dma2 semaphore(%arg11 : memref<!tpu.dma_semaphore, #tpu.memory_space<semaphore_mem>>) src(%dma_wait3A_179 : memref<128x128xf32, #tpu.memory_space<hbm>>) dst(%arg8 : memref<128x128xf32, #tpu.memory_space<vmem>>)
      %run_scoped3A_180 = arith.constant 0 : i32
      %run_scoped3A_181 = arith.constant 2 : i32
      "tpu.region"() ({
        %run_scoped3A_459 = tpu.sem_alloc : memref<!tpu.dma_semaphore, #tpu.memory_space<semaphore_mem>>
        %dma_start3A_460 = arith.constant 0 : i32
        %dma_start3A_461 = tpu.memref_slice %arg7[%run_scoped3A_180, %run_scoped3A_181, %dma_start3A_460] : memref<2x8x128xi32, #tpu.memory_space<vmem>> -> memref<1x1x128xi32, #tpu.memory_space<vmem>>
        %dma_start3A_462 = tpu.memref_squeeze %dma_start3A_461 : memref<1x1x128xi32, #tpu.memory_space<vmem>> -> memref<128xi32, #tpu.memory_space<vmem>>
        %dma_start3A_463 = arith.constant 0 : i32
        %dma_start3A_464 = arith.constant 0 : i32
        %dma_start3A_465 = tpu.memref_slice %arg10[%dma_start3A_463, %dma_start3A_464] : memref<10240x128xf32, #tpu.memory_space<vmem_shared>> -> memref<10240x128xf32, #tpu.memory_space<vmem_shared>>
        tpu.enqueue_indirect_dma source(%arg8 : memref<128x128xf32, #tpu.memory_space<vmem>>) target(%dma_start3A_465 : memref<10240x128xf32, #tpu.memory_space<vmem_shared>>) offsets(%dma_start3A_462 : memref<128xi32, #tpu.memory_space<vmem>>) semaphore(%run_scoped3A_459 : memref<!tpu.dma_semaphore, #tpu.memory_space<semaphore_mem>>) {add = true}
        %dma_wait3A_466 = arith.constant 0 : i32
        %dma_wait3A_467 = tpu.memref_slice %arg7[%run_scoped3A_180, %run_scoped3A_181, %dma_wait3A_466] : memref<2x8x128xi32, #tpu.memory_space<vmem>> -> memref<1x1x128xi32, #tpu.memory_space<vmem>>
        %dma_wait3A_468 = tpu.memref_squeeze %dma_wait3A_467 : memref<1x1x128xi32, #tpu.memory_space<vmem>> -> memref<128xi32, #tpu.memory_space<vmem>>
        %dma_wait3A_469 = arith.constant 0 : i32
        %dma_wait3A_470 = arith.constant 0 : i32
        %dma_wait3A_471 = tpu.memref_slice %arg10[%dma_wait3A_469, %dma_wait3A_470] : memref<10240x128xf32, #tpu.memory_space<vmem_shared>> -> memref<10240x128xf32, #tpu.memory_space<vmem_shared>>
        tpu.wait_indirect_dma semaphore(%run_scoped3A_459 : memref<!tpu.dma_semaphore, #tpu.memory_space<semaphore_mem>>) src(%arg8 : memref<128x128xf32, #tpu.memory_space<vmem>>) dst(%dma_wait3A_471 : memref<10240x128xf32, #tpu.memory_space<vmem_shared>>)
        tpu.yield
      }) : () -> ()
      %add3A_182 = arith.constant 2 : i32
      %add3A_183 = arith.addi %add3A_173, %add3A_182 : i32
      %lt3A_184 = arith.constant 160 : i32
      %lt3A_185 = arith.cmpi slt, %add3A_183, %lt3A_184 : i32
      %convert_element_type3A_186 = arith.extui %lt3A_185 : i1 to i32
      %cond3A_187 = arith.constant 0 : i32
      %cond3A_188 = arith.cmpi ne, %convert_element_type3A_186, %cond3A_187 : i32
      scf.if %cond3A_188 {
        %dma_start3A_459 = arith.constant 0 : i32
        %dma_start3A_460 = arith.constant 4 : i32
        %dma_start3A_461 = arith.constant 0 : i32
        %dma_start3A_462 = arith.constant 0 : i32
        %dma_start3A_463 = tpu.memref_slice %arg8[%dma_start3A_461, %dma_start3A_462] : memref<128x128xf32, #tpu.memory_space<vmem>> -> memref<64x128xf32, #tpu.memory_space<vmem>>
        %dma_start3A_464 = arith.constant 0 : i32
        %dma_start3A_465 = tpu.memref_slice %arg6[%dma_start3A_459, %dma_start3A_460, %dma_start3A_464] : memref<2x8x128xi32, #tpu.memory_space<vmem>> -> memref<1x1x64xi32, #tpu.memory_space<vmem>>
        %dma_start3A_466 = tpu.memref_squeeze %dma_start3A_465 : memref<1x1x64xi32, #tpu.memory_space<vmem>> -> memref<64xi32, #tpu.memory_space<vmem>>
        %dma_start3A_467 = arith.constant 0 : i32
        %dma_start3A_468 = arith.constant 0 : i32
        %dma_start3A_469 = tpu.memref_slice %arg2[%dma_start3A_467, %dma_start3A_468] : memref<10000x128xf32, #tpu.memory_space<hbm>> -> memref<10000x128xf32, #tpu.memory_space<hbm>>
        tpu.enqueue_indirect_dma source(%dma_start3A_469 : memref<10000x128xf32, #tpu.memory_space<hbm>>) target(%dma_start3A_463 : memref<64x128xf32, #tpu.memory_space<vmem>>) offsets(%dma_start3A_466 : memref<64xi32, #tpu.memory_space<vmem>>) semaphore(%arg11 : memref<!tpu.dma_semaphore, #tpu.memory_space<semaphore_mem>>)
        %dma_start3A_470 = arith.constant 0 : i32
        %dma_start3A_471 = arith.constant 4 : i32
        %dma_start3A_472 = arith.constant 64 : i32
        %dma_start3A_473 = arith.constant 0 : i32
        %dma_start3A_474 = tpu.memref_slice %arg8[%dma_start3A_472, %dma_start3A_473] : memref<128x128xf32, #tpu.memory_space<vmem>> -> memref<64x128xf32, #tpu.memory_space<vmem>>
        %dma_start3A_475 = arith.constant 64 : i32
        %dma_start3A_476 = tpu.memref_slice %arg6[%dma_start3A_470, %dma_start3A_471, %dma_start3A_475] : memref<2x8x128xi32, #tpu.memory_space<vmem>> -> memref<1x1x64xi32, #tpu.memory_space<vmem>>
        %dma_start3A_477 = tpu.memref_squeeze %dma_start3A_476 : memref<1x1x64xi32, #tpu.memory_space<vmem>> -> memref<64xi32, #tpu.memory_space<vmem>>
        %dma_start3A_478 = arith.constant 0 : i32
        %dma_start3A_479 = arith.constant 0 : i32
        %dma_start3A_480 = tpu.memref_slice %arg2[%dma_start3A_478, %dma_start3A_479] : memref<10000x128xf32, #tpu.memory_space<hbm>> -> memref<10000x128xf32, #tpu.memory_space<hbm>>
        tpu.enqueue_indirect_dma source(%dma_start3A_480 : memref<10000x128xf32, #tpu.memory_space<hbm>>) target(%dma_start3A_474 : memref<64x128xf32, #tpu.memory_space<vmem>>) offsets(%dma_start3A_477 : memref<64xi32, #tpu.memory_space<vmem>>) semaphore(%arg11 : memref<!tpu.dma_semaphore, #tpu.memory_space<semaphore_mem>>)
      } else {
      }
      %mul3A_189 = arith.constant 8 : i32
      %mul3A_190 = arith.muli %add3A_128, %mul3A_189 : i32
      %add3A_191 = arith.constant 3 : i32
      %add3A_192 = arith.addi %mul3A_190, %add3A_191 : i32
      %dma_wait3A_193 = arith.constant 0 : i32
      %dma_wait3A_194 = arith.constant 0 : i32
      %dma_wait3A_195 = tpu.memref_slice %arg2[%dma_wait3A_193, %dma_wait3A_194] : memref<10000x128xf32, #tpu.memory_space<hbm>> -> memref<128x128xf32, #tpu.memory_space<hbm>>
      %dma_wait3A_196 = arith.constant 0 : i32
      %dma_wait3A_197 = arith.constant 0 : i32
      %dma_wait3A_198 = tpu.memref_slice %arg2[%dma_wait3A_196, %dma_wait3A_197] : memref<10000x128xf32, #tpu.memory_space<hbm>> -> memref<128x128xf32, #tpu.memory_space<hbm>>
      tpu.wait_dma2 semaphore(%arg12 : memref<!tpu.dma_semaphore, #tpu.memory_space<semaphore_mem>>) src(%dma_wait3A_198 : memref<128x128xf32, #tpu.memory_space<hbm>>) dst(%arg9 : memref<128x128xf32, #tpu.memory_space<vmem>>)
      %run_scoped3A_199 = arith.constant 0 : i32
      %run_scoped3A_200 = arith.constant 3 : i32
      "tpu.region"() ({
        %run_scoped3A_459 = tpu.sem_alloc : memref<!tpu.dma_semaphore, #tpu.memory_space<semaphore_mem>>
        %dma_start3A_460 = arith.constant 0 : i32
        %dma_start3A_461 = tpu.memref_slice %arg7[%run_scoped3A_199, %run_scoped3A_200, %dma_start3A_460] : memref<2x8x128xi32, #tpu.memory_space<vmem>> -> memref<1x1x128xi32, #tpu.memory_space<vmem>>
        %dma_start3A_462 = tpu.memref_squeeze %dma_start3A_461 : memref<1x1x128xi32, #tpu.memory_space<vmem>> -> memref<128xi32, #tpu.memory_space<vmem>>
        %dma_start3A_463 = arith.constant 0 : i32
        %dma_start3A_464 = arith.constant 0 : i32
        %dma_start3A_465 = tpu.memref_slice %arg10[%dma_start3A_463, %dma_start3A_464] : memref<10240x128xf32, #tpu.memory_space<vmem_shared>> -> memref<10240x128xf32, #tpu.memory_space<vmem_shared>>
        tpu.enqueue_indirect_dma source(%arg9 : memref<128x128xf32, #tpu.memory_space<vmem>>) target(%dma_start3A_465 : memref<10240x128xf32, #tpu.memory_space<vmem_shared>>) offsets(%dma_start3A_462 : memref<128xi32, #tpu.memory_space<vmem>>) semaphore(%run_scoped3A_459 : memref<!tpu.dma_semaphore, #tpu.memory_space<semaphore_mem>>) {add = true}
        %dma_wait3A_466 = arith.constant 0 : i32
        %dma_wait3A_467 = tpu.memref_slice %arg7[%run_scoped3A_199, %run_scoped3A_200, %dma_wait3A_466] : memref<2x8x128xi32, #tpu.memory_space<vmem>> -> memref<1x1x128xi32, #tpu.memory_space<vmem>>
        %dma_wait3A_468 = tpu.memref_squeeze %dma_wait3A_467 : memref<1x1x128xi32, #tpu.memory_space<vmem>> -> memref<128xi32, #tpu.memory_space<vmem>>
        %dma_wait3A_469 = arith.constant 0 : i32
        %dma_wait3A_470 = arith.constant 0 : i32
        %dma_wait3A_471 = tpu.memref_slice %arg10[%dma_wait3A_469, %dma_wait3A_470] : memref<10240x128xf32, #tpu.memory_space<vmem_shared>> -> memref<10240x128xf32, #tpu.memory_space<vmem_shared>>
        tpu.wait_indirect_dma semaphore(%run_scoped3A_459 : memref<!tpu.dma_semaphore, #tpu.memory_space<semaphore_mem>>) src(%arg9 : memref<128x128xf32, #tpu.memory_space<vmem>>) dst(%dma_wait3A_471 : memref<10240x128xf32, #tpu.memory_space<vmem_shared>>)
        tpu.yield
      }) : () -> ()
      %add3A_201 = arith.constant 2 : i32
      %add3A_202 = arith.addi %add3A_192, %add3A_201 : i32
      %lt3A_203 = arith.constant 160 : i32
      %lt3A_204 = arith.cmpi slt, %add3A_202, %lt3A_203 : i32
      %convert_element_type3A_205 = arith.extui %lt3A_204 : i1 to i32
      %cond3A_206 = arith.constant 0 : i32
      %cond3A_207 = arith.cmpi ne, %convert_element_type3A_205, %cond3A_206 : i32
      scf.if %cond3A_207 {
        %dma_start3A_459 = arith.constant 0 : i32
        %dma_start3A_460 = arith.constant 5 : i32
        %dma_start3A_461 = arith.constant 0 : i32
        %dma_start3A_462 = arith.constant 0 : i32
        %dma_start3A_463 = tpu.memref_slice %arg9[%dma_start3A_461, %dma_start3A_462] : memref<128x128xf32, #tpu.memory_space<vmem>> -> memref<64x128xf32, #tpu.memory_space<vmem>>
        %dma_start3A_464 = arith.constant 0 : i32
        %dma_start3A_465 = tpu.memref_slice %arg6[%dma_start3A_459, %dma_start3A_460, %dma_start3A_464] : memref<2x8x128xi32, #tpu.memory_space<vmem>> -> memref<1x1x64xi32, #tpu.memory_space<vmem>>
        %dma_start3A_466 = tpu.memref_squeeze %dma_start3A_465 : memref<1x1x64xi32, #tpu.memory_space<vmem>> -> memref<64xi32, #tpu.memory_space<vmem>>
        %dma_start3A_467 = arith.constant 0 : i32
        %dma_start3A_468 = arith.constant 0 : i32
        %dma_start3A_469 = tpu.memref_slice %arg2[%dma_start3A_467, %dma_start3A_468] : memref<10000x128xf32, #tpu.memory_space<hbm>> -> memref<10000x128xf32, #tpu.memory_space<hbm>>
        tpu.enqueue_indirect_dma source(%dma_start3A_469 : memref<10000x128xf32, #tpu.memory_space<hbm>>) target(%dma_start3A_463 : memref<64x128xf32, #tpu.memory_space<vmem>>) offsets(%dma_start3A_466 : memref<64xi32, #tpu.memory_space<vmem>>) semaphore(%arg12 : memref<!tpu.dma_semaphore, #tpu.memory_space<semaphore_mem>>)
        %dma_start3A_470 = arith.constant 0 : i32
        %dma_start3A_471 = arith.constant 5 : i32
        %dma_start3A_472 = arith.constant 64 : i32
        %dma_start3A_473 = arith.constant 0 : i32
        %dma_start3A_474 = tpu.memref_slice %arg9[%dma_start3A_472, %dma_start3A_473] : memref<128x128xf32, #tpu.memory_space<vmem>> -> memref<64x128xf32, #tpu.memory_space<vmem>>
        %dma_start3A_475 = arith.constant 64 : i32
        %dma_start3A_476 = tpu.memref_slice %arg6[%dma_start3A_470, %dma_start3A_471, %dma_start3A_475] : memref<2x8x128xi32, #tpu.memory_space<vmem>> -> memref<1x1x64xi32, #tpu.memory_space<vmem>>
        %dma_start3A_477 = tpu.memref_squeeze %dma_start3A_476 : memref<1x1x64xi32, #tpu.memory_space<vmem>> -> memref<64xi32, #tpu.memory_space<vmem>>
        %dma_start3A_478 = arith.constant 0 : i32
        %dma_start3A_479 = arith.constant 0 : i32
        %dma_start3A_480 = tpu.memref_slice %arg2[%dma_start3A_478, %dma_start3A_479] : memref<10000x128xf32, #tpu.memory_space<hbm>> -> memref<10000x128xf32, #tpu.memory_space<hbm>>
        tpu.enqueue_indirect_dma source(%dma_start3A_480 : memref<10000x128xf32, #tpu.memory_space<hbm>>) target(%dma_start3A_474 : memref<64x128xf32, #tpu.memory_space<vmem>>) offsets(%dma_start3A_477 : memref<64xi32, #tpu.memory_space<vmem>>) semaphore(%arg12 : memref<!tpu.dma_semaphore, #tpu.memory_space<semaphore_mem>>)
      } else {
      }
      %mul3A_208 = arith.constant 8 : i32
      %mul3A_209 = arith.muli %add3A_128, %mul3A_208 : i32
      %add3A_210 = arith.constant 4 : i32
      %add3A_211 = arith.addi %mul3A_209, %add3A_210 : i32
      %dma_wait3A_212 = arith.constant 0 : i32
      %dma_wait3A_213 = arith.constant 0 : i32
      %dma_wait3A_214 = tpu.memref_slice %arg2[%dma_wait3A_212, %dma_wait3A_213] : memref<10000x128xf32, #tpu.memory_space<hbm>> -> memref<128x128xf32, #tpu.memory_space<hbm>>
      %dma_wait3A_215 = arith.constant 0 : i32
      %dma_wait3A_216 = arith.constant 0 : i32
      %dma_wait3A_217 = tpu.memref_slice %arg2[%dma_wait3A_215, %dma_wait3A_216] : memref<10000x128xf32, #tpu.memory_space<hbm>> -> memref<128x128xf32, #tpu.memory_space<hbm>>
      tpu.wait_dma2 semaphore(%arg11 : memref<!tpu.dma_semaphore, #tpu.memory_space<semaphore_mem>>) src(%dma_wait3A_217 : memref<128x128xf32, #tpu.memory_space<hbm>>) dst(%arg8 : memref<128x128xf32, #tpu.memory_space<vmem>>)
      %run_scoped3A_218 = arith.constant 0 : i32
      %run_scoped3A_219 = arith.constant 4 : i32
      "tpu.region"() ({
        %run_scoped3A_459 = tpu.sem_alloc : memref<!tpu.dma_semaphore, #tpu.memory_space<semaphore_mem>>
        %dma_start3A_460 = arith.constant 0 : i32
        %dma_start3A_461 = tpu.memref_slice %arg7[%run_scoped3A_218, %run_scoped3A_219, %dma_start3A_460] : memref<2x8x128xi32, #tpu.memory_space<vmem>> -> memref<1x1x128xi32, #tpu.memory_space<vmem>>
        %dma_start3A_462 = tpu.memref_squeeze %dma_start3A_461 : memref<1x1x128xi32, #tpu.memory_space<vmem>> -> memref<128xi32, #tpu.memory_space<vmem>>
        %dma_start3A_463 = arith.constant 0 : i32
        %dma_start3A_464 = arith.constant 0 : i32
        %dma_start3A_465 = tpu.memref_slice %arg10[%dma_start3A_463, %dma_start3A_464] : memref<10240x128xf32, #tpu.memory_space<vmem_shared>> -> memref<10240x128xf32, #tpu.memory_space<vmem_shared>>
        tpu.enqueue_indirect_dma source(%arg8 : memref<128x128xf32, #tpu.memory_space<vmem>>) target(%dma_start3A_465 : memref<10240x128xf32, #tpu.memory_space<vmem_shared>>) offsets(%dma_start3A_462 : memref<128xi32, #tpu.memory_space<vmem>>) semaphore(%run_scoped3A_459 : memref<!tpu.dma_semaphore, #tpu.memory_space<semaphore_mem>>) {add = true}
        %dma_wait3A_466 = arith.constant 0 : i32
        %dma_wait3A_467 = tpu.memref_slice %arg7[%run_scoped3A_218, %run_scoped3A_219, %dma_wait3A_466] : memref<2x8x128xi32, #tpu.memory_space<vmem>> -> memref<1x1x128xi32, #tpu.memory_space<vmem>>
        %dma_wait3A_468 = tpu.memref_squeeze %dma_wait3A_467 : memref<1x1x128xi32, #tpu.memory_space<vmem>> -> memref<128xi32, #tpu.memory_space<vmem>>
        %dma_wait3A_469 = arith.constant 0 : i32
        %dma_wait3A_470 = arith.constant 0 : i32
        %dma_wait3A_471 = tpu.memref_slice %arg10[%dma_wait3A_469, %dma_wait3A_470] : memref<10240x128xf32, #tpu.memory_space<vmem_shared>> -> memref<10240x128xf32, #tpu.memory_space<vmem_shared>>
        tpu.wait_indirect_dma semaphore(%run_scoped3A_459 : memref<!tpu.dma_semaphore, #tpu.memory_space<semaphore_mem>>) src(%arg8 : memref<128x128xf32, #tpu.memory_space<vmem>>) dst(%dma_wait3A_471 : memref<10240x128xf32, #tpu.memory_space<vmem_shared>>)
        tpu.yield
      }) : () -> ()
      %add3A_220 = arith.constant 2 : i32
      %add3A_221 = arith.addi %add3A_211, %add3A_220 : i32
      %lt3A_222 = arith.constant 160 : i32
      %lt3A_223 = arith.cmpi slt, %add3A_221, %lt3A_222 : i32
      %convert_element_type3A_224 = arith.extui %lt3A_223 : i1 to i32
      %cond3A_225 = arith.constant 0 : i32
      %cond3A_226 = arith.cmpi ne, %convert_element_type3A_224, %cond3A_225 : i32
      scf.if %cond3A_226 {
        %dma_start3A_459 = arith.constant 0 : i32
        %dma_start3A_460 = arith.constant 6 : i32
        %dma_start3A_461 = arith.constant 0 : i32
        %dma_start3A_462 = arith.constant 0 : i32
        %dma_start3A_463 = tpu.memref_slice %arg8[%dma_start3A_461, %dma_start3A_462] : memref<128x128xf32, #tpu.memory_space<vmem>> -> memref<64x128xf32, #tpu.memory_space<vmem>>
        %dma_start3A_464 = arith.constant 0 : i32
        %dma_start3A_465 = tpu.memref_slice %arg6[%dma_start3A_459, %dma_start3A_460, %dma_start3A_464] : memref<2x8x128xi32, #tpu.memory_space<vmem>> -> memref<1x1x64xi32, #tpu.memory_space<vmem>>
        %dma_start3A_466 = tpu.memref_squeeze %dma_start3A_465 : memref<1x1x64xi32, #tpu.memory_space<vmem>> -> memref<64xi32, #tpu.memory_space<vmem>>
        %dma_start3A_467 = arith.constant 0 : i32
        %dma_start3A_468 = arith.constant 0 : i32
        %dma_start3A_469 = tpu.memref_slice %arg2[%dma_start3A_467, %dma_start3A_468] : memref<10000x128xf32, #tpu.memory_space<hbm>> -> memref<10000x128xf32, #tpu.memory_space<hbm>>
        tpu.enqueue_indirect_dma source(%dma_start3A_469 : memref<10000x128xf32, #tpu.memory_space<hbm>>) target(%dma_start3A_463 : memref<64x128xf32, #tpu.memory_space<vmem>>) offsets(%dma_start3A_466 : memref<64xi32, #tpu.memory_space<vmem>>) semaphore(%arg11 : memref<!tpu.dma_semaphore, #tpu.memory_space<semaphore_mem>>)
        %dma_start3A_470 = arith.constant 0 : i32
        %dma_start3A_471 = arith.constant 6 : i32
        %dma_start3A_472 = arith.constant 64 : i32
        %dma_start3A_473 = arith.constant 0 : i32
        %dma_start3A_474 = tpu.memref_slice %arg8[%dma_start3A_472, %dma_start3A_473] : memref<128x128xf32, #tpu.memory_space<vmem>> -> memref<64x128xf32, #tpu.memory_space<vmem>>
        %dma_start3A_475 = arith.constant 64 : i32
        %dma_start3A_476 = tpu.memref_slice %arg6[%dma_start3A_470, %dma_start3A_471, %dma_start3A_475] : memref<2x8x128xi32, #tpu.memory_space<vmem>> -> memref<1x1x64xi32, #tpu.memory_space<vmem>>
        %dma_start3A_477 = tpu.memref_squeeze %dma_start3A_476 : memref<1x1x64xi32, #tpu.memory_space<vmem>> -> memref<64xi32, #tpu.memory_space<vmem>>
        %dma_start3A_478 = arith.constant 0 : i32
        %dma_start3A_479 = arith.constant 0 : i32
        %dma_start3A_480 = tpu.memref_slice %arg2[%dma_start3A_478, %dma_start3A_479] : memref<10000x128xf32, #tpu.memory_space<hbm>> -> memref<10000x128xf32, #tpu.memory_space<hbm>>
        tpu.enqueue_indirect_dma source(%dma_start3A_480 : memref<10000x128xf32, #tpu.memory_space<hbm>>) target(%dma_start3A_474 : memref<64x128xf32, #tpu.memory_space<vmem>>) offsets(%dma_start3A_477 : memref<64xi32, #tpu.memory_space<vmem>>) semaphore(%arg11 : memref<!tpu.dma_semaphore, #tpu.memory_space<semaphore_mem>>)
      } else {
      }
      %mul3A_227 = arith.constant 8 : i32
      %mul3A_228 = arith.muli %add3A_128, %mul3A_227 : i32
      %add3A_229 = arith.constant 5 : i32
      %add3A_230 = arith.addi %mul3A_228, %add3A_229 : i32
      %dma_wait3A_231 = arith.constant 0 : i32
      %dma_wait3A_232 = arith.constant 0 : i32
      %dma_wait3A_233 = tpu.memref_slice %arg2[%dma_wait3A_231, %dma_wait3A_232] : memref<10000x128xf32, #tpu.memory_space<hbm>> -> memref<128x128xf32, #tpu.memory_space<hbm>>
      %dma_wait3A_234 = arith.constant 0 : i32
      %dma_wait3A_235 = arith.constant 0 : i32
      %dma_wait3A_236 = tpu.memref_slice %arg2[%dma_wait3A_234, %dma_wait3A_235] : memref<10000x128xf32, #tpu.memory_space<hbm>> -> memref<128x128xf32, #tpu.memory_space<hbm>>
      tpu.wait_dma2 semaphore(%arg12 : memref<!tpu.dma_semaphore, #tpu.memory_space<semaphore_mem>>) src(%dma_wait3A_236 : memref<128x128xf32, #tpu.memory_space<hbm>>) dst(%arg9 : memref<128x128xf32, #tpu.memory_space<vmem>>)
      %run_scoped3A_237 = arith.constant 0 : i32
      %run_scoped3A_238 = arith.constant 5 : i32
      "tpu.region"() ({
        %run_scoped3A_459 = tpu.sem_alloc : memref<!tpu.dma_semaphore, #tpu.memory_space<semaphore_mem>>
        %dma_start3A_460 = arith.constant 0 : i32
        %dma_start3A_461 = tpu.memref_slice %arg7[%run_scoped3A_237, %run_scoped3A_238, %dma_start3A_460] : memref<2x8x128xi32, #tpu.memory_space<vmem>> -> memref<1x1x128xi32, #tpu.memory_space<vmem>>
        %dma_start3A_462 = tpu.memref_squeeze %dma_start3A_461 : memref<1x1x128xi32, #tpu.memory_space<vmem>> -> memref<128xi32, #tpu.memory_space<vmem>>
        %dma_start3A_463 = arith.constant 0 : i32
        %dma_start3A_464 = arith.constant 0 : i32
        %dma_start3A_465 = tpu.memref_slice %arg10[%dma_start3A_463, %dma_start3A_464] : memref<10240x128xf32, #tpu.memory_space<vmem_shared>> -> memref<10240x128xf32, #tpu.memory_space<vmem_shared>>
        tpu.enqueue_indirect_dma source(%arg9 : memref<128x128xf32, #tpu.memory_space<vmem>>) target(%dma_start3A_465 : memref<10240x128xf32, #tpu.memory_space<vmem_shared>>) offsets(%dma_start3A_462 : memref<128xi32, #tpu.memory_space<vmem>>) semaphore(%run_scoped3A_459 : memref<!tpu.dma_semaphore, #tpu.memory_space<semaphore_mem>>) {add = true}
        %dma_wait3A_466 = arith.constant 0 : i32
        %dma_wait3A_467 = tpu.memref_slice %arg7[%run_scoped3A_237, %run_scoped3A_238, %dma_wait3A_466] : memref<2x8x128xi32, #tpu.memory_space<vmem>> -> memref<1x1x128xi32, #tpu.memory_space<vmem>>
        %dma_wait3A_468 = tpu.memref_squeeze %dma_wait3A_467 : memref<1x1x128xi32, #tpu.memory_space<vmem>> -> memref<128xi32, #tpu.memory_space<vmem>>
        %dma_wait3A_469 = arith.constant 0 : i32
        %dma_wait3A_470 = arith.constant 0 : i32
        %dma_wait3A_471 = tpu.memref_slice %arg10[%dma_wait3A_469, %dma_wait3A_470] : memref<10240x128xf32, #tpu.memory_space<vmem_shared>> -> memref<10240x128xf32, #tpu.memory_space<vmem_shared>>
        tpu.wait_indirect_dma semaphore(%run_scoped3A_459 : memref<!tpu.dma_semaphore, #tpu.memory_space<semaphore_mem>>) src(%arg9 : memref<128x128xf32, #tpu.memory_space<vmem>>) dst(%dma_wait3A_471 : memref<10240x128xf32, #tpu.memory_space<vmem_shared>>)
        tpu.yield
      }) : () -> ()
      %add3A_239 = arith.constant 2 : i32
      %add3A_240 = arith.addi %add3A_230, %add3A_239 : i32
      %lt3A_241 = arith.constant 160 : i32
      %lt3A_242 = arith.cmpi slt, %add3A_240, %lt3A_241 : i32
      %convert_element_type3A_243 = arith.extui %lt3A_242 : i1 to i32
      %cond3A_244 = arith.constant 0 : i32
      %cond3A_245 = arith.cmpi ne, %convert_element_type3A_243, %cond3A_244 : i32
      scf.if %cond3A_245 {
        %dma_start3A_459 = arith.constant 0 : i32
        %dma_start3A_460 = arith.constant 7 : i32
        %dma_start3A_461 = arith.constant 0 : i32
        %dma_start3A_462 = arith.constant 0 : i32
        %dma_start3A_463 = tpu.memref_slice %arg9[%dma_start3A_461, %dma_start3A_462] : memref<128x128xf32, #tpu.memory_space<vmem>> -> memref<64x128xf32, #tpu.memory_space<vmem>>
        %dma_start3A_464 = arith.constant 0 : i32
        %dma_start3A_465 = tpu.memref_slice %arg6[%dma_start3A_459, %dma_start3A_460, %dma_start3A_464] : memref<2x8x128xi32, #tpu.memory_space<vmem>> -> memref<1x1x64xi32, #tpu.memory_space<vmem>>
        %dma_start3A_466 = tpu.memref_squeeze %dma_start3A_465 : memref<1x1x64xi32, #tpu.memory_space<vmem>> -> memref<64xi32, #tpu.memory_space<vmem>>
        %dma_start3A_467 = arith.constant 0 : i32
        %dma_start3A_468 = arith.constant 0 : i32
        %dma_start3A_469 = tpu.memref_slice %arg2[%dma_start3A_467, %dma_start3A_468] : memref<10000x128xf32, #tpu.memory_space<hbm>> -> memref<10000x128xf32, #tpu.memory_space<hbm>>
        tpu.enqueue_indirect_dma source(%dma_start3A_469 : memref<10000x128xf32, #tpu.memory_space<hbm>>) target(%dma_start3A_463 : memref<64x128xf32, #tpu.memory_space<vmem>>) offsets(%dma_start3A_466 : memref<64xi32, #tpu.memory_space<vmem>>) semaphore(%arg12 : memref<!tpu.dma_semaphore, #tpu.memory_space<semaphore_mem>>)
        %dma_start3A_470 = arith.constant 0 : i32
        %dma_start3A_471 = arith.constant 7 : i32
        %dma_start3A_472 = arith.constant 64 : i32
        %dma_start3A_473 = arith.constant 0 : i32
        %dma_start3A_474 = tpu.memref_slice %arg9[%dma_start3A_472, %dma_start3A_473] : memref<128x128xf32, #tpu.memory_space<vmem>> -> memref<64x128xf32, #tpu.memory_space<vmem>>
        %dma_start3A_475 = arith.constant 64 : i32
        %dma_start3A_476 = tpu.memref_slice %arg6[%dma_start3A_470, %dma_start3A_471, %dma_start3A_475] : memref<2x8x128xi32, #tpu.memory_space<vmem>> -> memref<1x1x64xi32, #tpu.memory_space<vmem>>
        %dma_start3A_477 = tpu.memref_squeeze %dma_start3A_476 : memref<1x1x64xi32, #tpu.memory_space<vmem>> -> memref<64xi32, #tpu.memory_space<vmem>>
        %dma_start3A_478 = arith.constant 0 : i32
        %dma_start3A_479 = arith.constant 0 : i32
        %dma_start3A_480 = tpu.memref_slice %arg2[%dma_start3A_478, %dma_start3A_479] : memref<10000x128xf32, #tpu.memory_space<hbm>> -> memref<10000x128xf32, #tpu.memory_space<hbm>>
        tpu.enqueue_indirect_dma source(%dma_start3A_480 : memref<10000x128xf32, #tpu.memory_space<hbm>>) target(%dma_start3A_474 : memref<64x128xf32, #tpu.memory_space<vmem>>) offsets(%dma_start3A_477 : memref<64xi32, #tpu.memory_space<vmem>>) semaphore(%arg12 : memref<!tpu.dma_semaphore, #tpu.memory_space<semaphore_mem>>)
      } else {
      }
      %mul3A_246 = arith.constant 8 : i32
      %mul3A_247 = arith.muli %add3A_128, %mul3A_246 : i32
      %add3A_248 = arith.constant 6 : i32
      %add3A_249 = arith.addi %mul3A_247, %add3A_248 : i32
      %dma_wait3A_250 = arith.constant 0 : i32
      %dma_wait3A_251 = arith.constant 0 : i32
      %dma_wait3A_252 = tpu.memref_slice %arg2[%dma_wait3A_250, %dma_wait3A_251] : memref<10000x128xf32, #tpu.memory_space<hbm>> -> memref<128x128xf32, #tpu.memory_space<hbm>>
      %dma_wait3A_253 = arith.constant 0 : i32
      %dma_wait3A_254 = arith.constant 0 : i32
      %dma_wait3A_255 = tpu.memref_slice %arg2[%dma_wait3A_253, %dma_wait3A_254] : memref<10000x128xf32, #tpu.memory_space<hbm>> -> memref<128x128xf32, #tpu.memory_space<hbm>>
      tpu.wait_dma2 semaphore(%arg11 : memref<!tpu.dma_semaphore, #tpu.memory_space<semaphore_mem>>) src(%dma_wait3A_255 : memref<128x128xf32, #tpu.memory_space<hbm>>) dst(%arg8 : memref<128x128xf32, #tpu.memory_space<vmem>>)
      %run_scoped3A_256 = arith.constant 0 : i32
      %run_scoped3A_257 = arith.constant 6 : i32
      "tpu.region"() ({
        %run_scoped3A_459 = tpu.sem_alloc : memref<!tpu.dma_semaphore, #tpu.memory_space<semaphore_mem>>
        %dma_start3A_460 = arith.constant 0 : i32
        %dma_start3A_461 = tpu.memref_slice %arg7[%run_scoped3A_256, %run_scoped3A_257, %dma_start3A_460] : memref<2x8x128xi32, #tpu.memory_space<vmem>> -> memref<1x1x128xi32, #tpu.memory_space<vmem>>
        %dma_start3A_462 = tpu.memref_squeeze %dma_start3A_461 : memref<1x1x128xi32, #tpu.memory_space<vmem>> -> memref<128xi32, #tpu.memory_space<vmem>>
        %dma_start3A_463 = arith.constant 0 : i32
        %dma_start3A_464 = arith.constant 0 : i32
        %dma_start3A_465 = tpu.memref_slice %arg10[%dma_start3A_463, %dma_start3A_464] : memref<10240x128xf32, #tpu.memory_space<vmem_shared>> -> memref<10240x128xf32, #tpu.memory_space<vmem_shared>>
        tpu.enqueue_indirect_dma source(%arg8 : memref<128x128xf32, #tpu.memory_space<vmem>>) target(%dma_start3A_465 : memref<10240x128xf32, #tpu.memory_space<vmem_shared>>) offsets(%dma_start3A_462 : memref<128xi32, #tpu.memory_space<vmem>>) semaphore(%run_scoped3A_459 : memref<!tpu.dma_semaphore, #tpu.memory_space<semaphore_mem>>) {add = true}
        %dma_wait3A_466 = arith.constant 0 : i32
        %dma_wait3A_467 = tpu.memref_slice %arg7[%run_scoped3A_256, %run_scoped3A_257, %dma_wait3A_466] : memref<2x8x128xi32, #tpu.memory_space<vmem>> -> memref<1x1x128xi32, #tpu.memory_space<vmem>>
        %dma_wait3A_468 = tpu.memref_squeeze %dma_wait3A_467 : memref<1x1x128xi32, #tpu.memory_space<vmem>> -> memref<128xi32, #tpu.memory_space<vmem>>
        %dma_wait3A_469 = arith.constant 0 : i32
        %dma_wait3A_470 = arith.constant 0 : i32
        %dma_wait3A_471 = tpu.memref_slice %arg10[%dma_wait3A_469, %dma_wait3A_470] : memref<10240x128xf32, #tpu.memory_space<vmem_shared>> -> memref<10240x128xf32, #tpu.memory_space<vmem_shared>>
        tpu.wait_indirect_dma semaphore(%run_scoped3A_459 : memref<!tpu.dma_semaphore, #tpu.memory_space<semaphore_mem>>) src(%arg8 : memref<128x128xf32, #tpu.memory_space<vmem>>) dst(%dma_wait3A_471 : memref<10240x128xf32, #tpu.memory_space<vmem_shared>>)
        tpu.yield
      }) : () -> ()
      %add3A_258 = arith.constant 1 : i32
      %add3A_259 = arith.addi %add3A_128, %add3A_258 : i32
      %lt3A_260 = arith.constant 20 : i32
      %lt3A_261 = arith.cmpi slt, %add3A_259, %lt3A_260 : i32
      %convert_element_type3A_262 = arith.extui %lt3A_261 : i1 to i32
      %cond3A_263 = arith.constant 0 : i32
      %cond3A_264 = arith.cmpi ne, %convert_element_type3A_262, %cond3A_263 : i32
      scf.if %cond3A_264 {
        %dma_wait3A_459 = arith.constant 1 : i32
        %dma_wait3A_460 = arith.constant 0 : i32
        %dma_wait3A_461 = arith.constant 0 : i32
        %dma_wait3A_462 = tpu.memref_slice %arg6[%dma_wait3A_459, %dma_wait3A_460, %dma_wait3A_461] : memref<2x8x128xi32, #tpu.memory_space<vmem>> -> memref<1x8x128xi32, #tpu.memory_space<vmem>>
        %dma_wait3A_463 = tpu.memref_squeeze %dma_wait3A_462 : memref<1x8x128xi32, #tpu.memory_space<vmem>> -> memref<8x128xi32, #tpu.memory_space<vmem>>
        %dma_wait3A_464 = arith.constant 0 : i32
        %dma_wait3A_465 = arith.constant 0 : i32
        %dma_wait3A_466 = tpu.memref_slice %arg3[%dma_wait3A_464, %dma_wait3A_465] : memref<2560x128xi32, #tpu.memory_space<hbm>> -> memref<8x128xi32, #tpu.memory_space<hbm>>
        %dma_wait3A_467 = arith.constant 0 : i32
        %dma_wait3A_468 = arith.constant 0 : i32
        %dma_wait3A_469 = tpu.memref_slice %arg6[%dma_wait3A_459, %dma_wait3A_467, %dma_wait3A_468] : memref<2x8x128xi32, #tpu.memory_space<vmem>> -> memref<1x8x128xi32, #tpu.memory_space<vmem>>
        %dma_wait3A_470 = tpu.memref_squeeze %dma_wait3A_469 : memref<1x8x128xi32, #tpu.memory_space<vmem>> -> memref<8x128xi32, #tpu.memory_space<vmem>>
        %dma_wait3A_471 = arith.constant 0 : i32
        %dma_wait3A_472 = arith.constant 0 : i32
        %dma_wait3A_473 = tpu.memref_slice %arg3[%dma_wait3A_471, %dma_wait3A_472] : memref<2560x128xi32, #tpu.memory_space<hbm>> -> memref<8x128xi32, #tpu.memory_space<hbm>>
        tpu.wait_dma2 semaphore(%arg14 : memref<!tpu.dma_semaphore, #tpu.memory_space<semaphore_mem>>) src(%dma_wait3A_473 : memref<8x128xi32, #tpu.memory_space<hbm>>) dst(%dma_wait3A_470 : memref<8x128xi32, #tpu.memory_space<vmem>>)
        %dma_wait3A_474 = arith.constant 1 : i32
        %dma_wait3A_475 = arith.constant 0 : i32
        %dma_wait3A_476 = arith.constant 0 : i32
        %dma_wait3A_477 = tpu.memref_slice %arg7[%dma_wait3A_474, %dma_wait3A_475, %dma_wait3A_476] : memref<2x8x128xi32, #tpu.memory_space<vmem>> -> memref<1x8x128xi32, #tpu.memory_space<vmem>>
        %dma_wait3A_478 = tpu.memref_squeeze %dma_wait3A_477 : memref<1x8x128xi32, #tpu.memory_space<vmem>> -> memref<8x128xi32, #tpu.memory_space<vmem>>
        %dma_wait3A_479 = arith.constant 0 : i32
        %dma_wait3A_480 = arith.constant 0 : i32
        %dma_wait3A_481 = tpu.memref_slice %arg4[%dma_wait3A_479, %dma_wait3A_480] : memref<2560x128xi32, #tpu.memory_space<hbm>> -> memref<8x128xi32, #tpu.memory_space<hbm>>
        %dma_wait3A_482 = arith.constant 0 : i32
        %dma_wait3A_483 = arith.constant 0 : i32
        %dma_wait3A_484 = tpu.memref_slice %arg7[%dma_wait3A_474, %dma_wait3A_482, %dma_wait3A_483] : memref<2x8x128xi32, #tpu.memory_space<vmem>> -> memref<1x8x128xi32, #tpu.memory_space<vmem>>
        %dma_wait3A_485 = tpu.memref_squeeze %dma_wait3A_484 : memref<1x8x128xi32, #tpu.memory_space<vmem>> -> memref<8x128xi32, #tpu.memory_space<vmem>>
        %dma_wait3A_486 = arith.constant 0 : i32
        %dma_wait3A_487 = arith.constant 0 : i32
        %dma_wait3A_488 = tpu.memref_slice %arg4[%dma_wait3A_486, %dma_wait3A_487] : memref<2560x128xi32, #tpu.memory_space<hbm>> -> memref<8x128xi32, #tpu.memory_space<hbm>>
        tpu.wait_dma2 semaphore(%arg14 : memref<!tpu.dma_semaphore, #tpu.memory_space<semaphore_mem>>) src(%dma_wait3A_488 : memref<8x128xi32, #tpu.memory_space<hbm>>) dst(%dma_wait3A_485 : memref<8x128xi32, #tpu.memory_space<vmem>>)
      } else {
      }
      %add3A_265 = arith.constant 2 : i32
      %add3A_266 = arith.addi %add3A_249, %add3A_265 : i32
      %lt3A_267 = arith.constant 160 : i32
      %lt3A_268 = arith.cmpi slt, %add3A_266, %lt3A_267 : i32
      %convert_element_type3A_269 = arith.extui %lt3A_268 : i1 to i32
      %cond3A_270 = arith.constant 0 : i32
      %cond3A_271 = arith.cmpi ne, %convert_element_type3A_269, %cond3A_270 : i32
      scf.if %cond3A_271 {
        %dma_start3A_459 = arith.constant 1 : i32
        %dma_start3A_460 = arith.constant 0 : i32
        %dma_start3A_461 = arith.constant 0 : i32
        %dma_start3A_462 = arith.constant 0 : i32
        %dma_start3A_463 = tpu.memref_slice %arg8[%dma_start3A_461, %dma_start3A_462] : memref<128x128xf32, #tpu.memory_space<vmem>> -> memref<64x128xf32, #tpu.memory_space<vmem>>
        %dma_start3A_464 = arith.constant 0 : i32
        %dma_start3A_465 = tpu.memref_slice %arg6[%dma_start3A_459, %dma_start3A_460, %dma_start3A_464] : memref<2x8x128xi32, #tpu.memory_space<vmem>> -> memref<1x1x64xi32, #tpu.memory_space<vmem>>
        %dma_start3A_466 = tpu.memref_squeeze %dma_start3A_465 : memref<1x1x64xi32, #tpu.memory_space<vmem>> -> memref<64xi32, #tpu.memory_space<vmem>>
        %dma_start3A_467 = arith.constant 0 : i32
        %dma_start3A_468 = arith.constant 0 : i32
        %dma_start3A_469 = tpu.memref_slice %arg2[%dma_start3A_467, %dma_start3A_468] : memref<10000x128xf32, #tpu.memory_space<hbm>> -> memref<10000x128xf32, #tpu.memory_space<hbm>>
        tpu.enqueue_indirect_dma source(%dma_start3A_469 : memref<10000x128xf32, #tpu.memory_space<hbm>>) target(%dma_start3A_463 : memref<64x128xf32, #tpu.memory_space<vmem>>) offsets(%dma_start3A_466 : memref<64xi32, #tpu.memory_space<vmem>>) semaphore(%arg11 : memref<!tpu.dma_semaphore, #tpu.memory_space<semaphore_mem>>)
        %dma_start3A_470 = arith.constant 1 : i32
        %dma_start3A_471 = arith.constant 0 : i32
        %dma_start3A_472 = arith.constant 64 : i32
        %dma_start3A_473 = arith.constant 0 : i32
        %dma_start3A_474 = tpu.memref_slice %arg8[%dma_start3A_472, %dma_start3A_473] : memref<128x128xf32, #tpu.memory_space<vmem>> -> memref<64x128xf32, #tpu.memory_space<vmem>>
        %dma_start3A_475 = arith.constant 64 : i32
        %dma_start3A_476 = tpu.memref_slice %arg6[%dma_start3A_470, %dma_start3A_471, %dma_start3A_475] : memref<2x8x128xi32, #tpu.memory_space<vmem>> -> memref<1x1x64xi32, #tpu.memory_space<vmem>>
        %dma_start3A_477 = tpu.memref_squeeze %dma_start3A_476 : memref<1x1x64xi32, #tpu.memory_space<vmem>> -> memref<64xi32, #tpu.memory_space<vmem>>
        %dma_start3A_478 = arith.constant 0 : i32
        %dma_start3A_479 = arith.constant 0 : i32
        %dma_start3A_480 = tpu.memref_slice %arg2[%dma_start3A_478, %dma_start3A_479] : memref<10000x128xf32, #tpu.memory_space<hbm>> -> memref<10000x128xf32, #tpu.memory_space<hbm>>
        tpu.enqueue_indirect_dma source(%dma_start3A_480 : memref<10000x128xf32, #tpu.memory_space<hbm>>) target(%dma_start3A_474 : memref<64x128xf32, #tpu.memory_space<vmem>>) offsets(%dma_start3A_477 : memref<64xi32, #tpu.memory_space<vmem>>) semaphore(%arg11 : memref<!tpu.dma_semaphore, #tpu.memory_space<semaphore_mem>>)
      } else {
      }
      %mul3A_272 = arith.constant 8 : i32
      %mul3A_273 = arith.muli %add3A_128, %mul3A_272 : i32
      %add3A_274 = arith.constant 7 : i32
      %add3A_275 = arith.addi %mul3A_273, %add3A_274 : i32
      %dma_wait3A_276 = arith.constant 0 : i32
      %dma_wait3A_277 = arith.constant 0 : i32
      %dma_wait3A_278 = tpu.memref_slice %arg2[%dma_wait3A_276, %dma_wait3A_277] : memref<10000x128xf32, #tpu.memory_space<hbm>> -> memref<128x128xf32, #tpu.memory_space<hbm>>
      %dma_wait3A_279 = arith.constant 0 : i32
      %dma_wait3A_280 = arith.constant 0 : i32
      %dma_wait3A_281 = tpu.memref_slice %arg2[%dma_wait3A_279, %dma_wait3A_280] : memref<10000x128xf32, #tpu.memory_space<hbm>> -> memref<128x128xf32, #tpu.memory_space<hbm>>
      tpu.wait_dma2 semaphore(%arg12 : memref<!tpu.dma_semaphore, #tpu.memory_space<semaphore_mem>>) src(%dma_wait3A_281 : memref<128x128xf32, #tpu.memory_space<hbm>>) dst(%arg9 : memref<128x128xf32, #tpu.memory_space<vmem>>)
      %run_scoped3A_282 = arith.constant 0 : i32
      %run_scoped3A_283 = arith.constant 7 : i32
      "tpu.region"() ({
        %run_scoped3A_459 = tpu.sem_alloc : memref<!tpu.dma_semaphore, #tpu.memory_space<semaphore_mem>>
        %dma_start3A_460 = arith.constant 0 : i32
        %dma_start3A_461 = tpu.memref_slice %arg7[%run_scoped3A_282, %run_scoped3A_283, %dma_start3A_460] : memref<2x8x128xi32, #tpu.memory_space<vmem>> -> memref<1x1x128xi32, #tpu.memory_space<vmem>>
        %dma_start3A_462 = tpu.memref_squeeze %dma_start3A_461 : memref<1x1x128xi32, #tpu.memory_space<vmem>> -> memref<128xi32, #tpu.memory_space<vmem>>
        %dma_start3A_463 = arith.constant 0 : i32
        %dma_start3A_464 = arith.constant 0 : i32
        %dma_start3A_465 = tpu.memref_slice %arg10[%dma_start3A_463, %dma_start3A_464] : memref<10240x128xf32, #tpu.memory_space<vmem_shared>> -> memref<10240x128xf32, #tpu.memory_space<vmem_shared>>
        tpu.enqueue_indirect_dma source(%arg9 : memref<128x128xf32, #tpu.memory_space<vmem>>) target(%dma_start3A_465 : memref<10240x128xf32, #tpu.memory_space<vmem_shared>>) offsets(%dma_start3A_462 : memref<128xi32, #tpu.memory_space<vmem>>) semaphore(%run_scoped3A_459 : memref<!tpu.dma_semaphore, #tpu.memory_space<semaphore_mem>>) {add = true}
        %dma_wait3A_466 = arith.constant 0 : i32
        %dma_wait3A_467 = tpu.memref_slice %arg7[%run_scoped3A_282, %run_scoped3A_283, %dma_wait3A_466] : memref<2x8x128xi32, #tpu.memory_space<vmem>> -> memref<1x1x128xi32, #tpu.memory_space<vmem>>
        %dma_wait3A_468 = tpu.memref_squeeze %dma_wait3A_467 : memref<1x1x128xi32, #tpu.memory_space<vmem>> -> memref<128xi32, #tpu.memory_space<vmem>>
        %dma_wait3A_469 = arith.constant 0 : i32
        %dma_wait3A_470 = arith.constant 0 : i32
        %dma_wait3A_471 = tpu.memref_slice %arg10[%dma_wait3A_469, %dma_wait3A_470] : memref<10240x128xf32, #tpu.memory_space<vmem_shared>> -> memref<10240x128xf32, #tpu.memory_space<vmem_shared>>
        tpu.wait_indirect_dma semaphore(%run_scoped3A_459 : memref<!tpu.dma_semaphore, #tpu.memory_space<semaphore_mem>>) src(%arg9 : memref<128x128xf32, #tpu.memory_space<vmem>>) dst(%dma_wait3A_471 : memref<10240x128xf32, #tpu.memory_space<vmem_shared>>)
        tpu.yield
      }) : () -> ()
      %add3A_284 = arith.constant 2 : i32
      %add3A_285 = arith.addi %add3A_275, %add3A_284 : i32
      %lt3A_286 = arith.constant 160 : i32
      %lt3A_287 = arith.cmpi slt, %add3A_285, %lt3A_286 : i32
      %convert_element_type3A_288 = arith.extui %lt3A_287 : i1 to i32
      %cond3A_289 = arith.constant 0 : i32
      %cond3A_290 = arith.cmpi ne, %convert_element_type3A_288, %cond3A_289 : i32
      scf.if %cond3A_290 {
        %dma_start3A_459 = arith.constant 1 : i32
        %dma_start3A_460 = arith.constant 1 : i32
        %dma_start3A_461 = arith.constant 0 : i32
        %dma_start3A_462 = arith.constant 0 : i32
        %dma_start3A_463 = tpu.memref_slice %arg9[%dma_start3A_461, %dma_start3A_462] : memref<128x128xf32, #tpu.memory_space<vmem>> -> memref<64x128xf32, #tpu.memory_space<vmem>>
        %dma_start3A_464 = arith.constant 0 : i32
        %dma_start3A_465 = tpu.memref_slice %arg6[%dma_start3A_459, %dma_start3A_460, %dma_start3A_464] : memref<2x8x128xi32, #tpu.memory_space<vmem>> -> memref<1x1x64xi32, #tpu.memory_space<vmem>>
        %dma_start3A_466 = tpu.memref_squeeze %dma_start3A_465 : memref<1x1x64xi32, #tpu.memory_space<vmem>> -> memref<64xi32, #tpu.memory_space<vmem>>
        %dma_start3A_467 = arith.constant 0 : i32
        %dma_start3A_468 = arith.constant 0 : i32
        %dma_start3A_469 = tpu.memref_slice %arg2[%dma_start3A_467, %dma_start3A_468] : memref<10000x128xf32, #tpu.memory_space<hbm>> -> memref<10000x128xf32, #tpu.memory_space<hbm>>
        tpu.enqueue_indirect_dma source(%dma_start3A_469 : memref<10000x128xf32, #tpu.memory_space<hbm>>) target(%dma_start3A_463 : memref<64x128xf32, #tpu.memory_space<vmem>>) offsets(%dma_start3A_466 : memref<64xi32, #tpu.memory_space<vmem>>) semaphore(%arg12 : memref<!tpu.dma_semaphore, #tpu.memory_space<semaphore_mem>>)
        %dma_start3A_470 = arith.constant 1 : i32
        %dma_start3A_471 = arith.constant 1 : i32
        %dma_start3A_472 = arith.constant 64 : i32
        %dma_start3A_473 = arith.constant 0 : i32
        %dma_start3A_474 = tpu.memref_slice %arg9[%dma_start3A_472, %dma_start3A_473] : memref<128x128xf32, #tpu.memory_space<vmem>> -> memref<64x128xf32, #tpu.memory_space<vmem>>
        %dma_start3A_475 = arith.constant 64 : i32
        %dma_start3A_476 = tpu.memref_slice %arg6[%dma_start3A_470, %dma_start3A_471, %dma_start3A_475] : memref<2x8x128xi32, #tpu.memory_space<vmem>> -> memref<1x1x64xi32, #tpu.memory_space<vmem>>
        %dma_start3A_477 = tpu.memref_squeeze %dma_start3A_476 : memref<1x1x64xi32, #tpu.memory_space<vmem>> -> memref<64xi32, #tpu.memory_space<vmem>>
        %dma_start3A_478 = arith.constant 0 : i32
        %dma_start3A_479 = arith.constant 0 : i32
        %dma_start3A_480 = tpu.memref_slice %arg2[%dma_start3A_478, %dma_start3A_479] : memref<10000x128xf32, #tpu.memory_space<hbm>> -> memref<10000x128xf32, #tpu.memory_space<hbm>>
        tpu.enqueue_indirect_dma source(%dma_start3A_480 : memref<10000x128xf32, #tpu.memory_space<hbm>>) target(%dma_start3A_474 : memref<64x128xf32, #tpu.memory_space<vmem>>) offsets(%dma_start3A_477 : memref<64xi32, #tpu.memory_space<vmem>>) semaphore(%arg12 : memref<!tpu.dma_semaphore, #tpu.memory_space<semaphore_mem>>)
      } else {
      }
      %add3A_291 = arith.constant 1 : i32
      %add3A_292 = arith.addi %add3A_126, %add3A_291 : i32
      %add3A_293 = arith.constant 1 : i32
      %add3A_294 = arith.addi %add3A_292, %add3A_293 : i32
      %lt3A_295 = arith.constant 20 : i32
      %lt3A_296 = arith.cmpi slt, %add3A_294, %lt3A_295 : i32
      %convert_element_type3A_297 = arith.extui %lt3A_296 : i1 to i32
      %cond3A_298 = arith.constant 0 : i32
      %cond3A_299 = arith.cmpi ne, %convert_element_type3A_297, %cond3A_298 : i32
      scf.if %cond3A_299 {
        %add3A_459 = arith.constant 1 : i32
        %add3A_460 = arith.addi %add3A_292, %add3A_459 : i32
        %mul3A_461 = arith.constant 8 : i32
        %mul3A_462 = arith.muli %add3A_460, %mul3A_461 : i32
        %add3A_463 = arith.addi %mul3A_0, %mul3A_462 : i32
        %dma_start3A_464 = arith.constant 0 : i32
        %dma_start3A_465 = arith.constant 0 : i32
        %dma_start3A_466 = arith.constant 0 : i32
        %dma_start3A_467 = tpu.memref_slice %arg6[%dma_start3A_464, %dma_start3A_465, %dma_start3A_466] : memref<2x8x128xi32, #tpu.memory_space<vmem>> -> memref<1x8x128xi32, #tpu.memory_space<vmem>>
        %dma_start3A_468 = tpu.memref_squeeze %dma_start3A_467 : memref<1x8x128xi32, #tpu.memory_space<vmem>> -> memref<8x128xi32, #tpu.memory_space<vmem>>
        %dma_start3A_469 = arith.constant 0 : i32
        %dma_start3A_470 = tpu.memref_slice %arg3[%add3A_463, %dma_start3A_469] : memref<2560x128xi32, #tpu.memory_space<hbm>> -> memref<8x128xi32, #tpu.memory_space<hbm>>
        %dma_start3A_471 = arith.constant 0 : i32
        %dma_start3A_472 = arith.constant 0 : i32
        %dma_start3A_473 = tpu.memref_slice %arg6[%dma_start3A_464, %dma_start3A_471, %dma_start3A_472] : memref<2x8x128xi32, #tpu.memory_space<vmem>> -> memref<1x8x128xi32, #tpu.memory_space<vmem>>
        %dma_start3A_474 = tpu.memref_squeeze %dma_start3A_473 : memref<1x8x128xi32, #tpu.memory_space<vmem>> -> memref<8x128xi32, #tpu.memory_space<vmem>>
        %dma_start3A_475 = arith.constant 0 : i32
        %dma_start3A_476 = tpu.memref_slice %arg3[%add3A_463, %dma_start3A_475] : memref<2560x128xi32, #tpu.memory_space<hbm>> -> memref<8x128xi32, #tpu.memory_space<hbm>>
        tpu.enqueue_dma source(%dma_start3A_476 : memref<8x128xi32, #tpu.memory_space<hbm>>) target(%dma_start3A_474 : memref<8x128xi32, #tpu.memory_space<vmem>>) target_semaphore(%arg13 : memref<!tpu.dma_semaphore, #tpu.memory_space<semaphore_mem>>)
        %mul3A_477 = arith.constant 8 : i32
        %mul3A_478 = arith.muli %add3A_460, %mul3A_477 : i32
        %add3A_479 = arith.addi %mul3A_0, %mul3A_478 : i32
        %dma_start3A_480 = arith.constant 0 : i32
        %dma_start3A_481 = arith.constant 0 : i32
        %dma_start3A_482 = arith.constant 0 : i32
        %dma_start3A_483 = tpu.memref_slice %arg7[%dma_start3A_480, %dma_start3A_481, %dma_start3A_482] : memref<2x8x128xi32, #tpu.memory_space<vmem>> -> memref<1x8x128xi32, #tpu.memory_space<vmem>>
        %dma_start3A_484 = tpu.memref_squeeze %dma_start3A_483 : memref<1x8x128xi32, #tpu.memory_space<vmem>> -> memref<8x128xi32, #tpu.memory_space<vmem>>
        %dma_start3A_485 = arith.constant 0 : i32
        %dma_start3A_486 = tpu.memref_slice %arg4[%add3A_479, %dma_start3A_485] : memref<2560x128xi32, #tpu.memory_space<hbm>> -> memref<8x128xi32, #tpu.memory_space<hbm>>
        %dma_start3A_487 = arith.constant 0 : i32
        %dma_start3A_488 = arith.constant 0 : i32
        %dma_start3A_489 = tpu.memref_slice %arg7[%dma_start3A_480, %dma_start3A_487, %dma_start3A_488] : memref<2x8x128xi32, #tpu.memory_space<vmem>> -> memref<1x8x128xi32, #tpu.memory_space<vmem>>
        %dma_start3A_490 = tpu.memref_squeeze %dma_start3A_489 : memref<1x8x128xi32, #tpu.memory_space<vmem>> -> memref<8x128xi32, #tpu.memory_space<vmem>>
        %dma_start3A_491 = arith.constant 0 : i32
        %dma_start3A_492 = tpu.memref_slice %arg4[%add3A_479, %dma_start3A_491] : memref<2560x128xi32, #tpu.memory_space<hbm>> -> memref<8x128xi32, #tpu.memory_space<hbm>>
        tpu.enqueue_dma source(%dma_start3A_492 : memref<8x128xi32, #tpu.memory_space<hbm>>) target(%dma_start3A_490 : memref<8x128xi32, #tpu.memory_space<vmem>>) target_semaphore(%arg13 : memref<!tpu.dma_semaphore, #tpu.memory_space<semaphore_mem>>)
      } else {
      }
      %mul3A_300 = arith.constant 8 : i32
      %mul3A_301 = arith.muli %add3A_292, %mul3A_300 : i32
      %add3A_302 = arith.constant 0 : i32
      %add3A_303 = arith.addi %mul3A_301, %add3A_302 : i32
      %dma_wait3A_304 = arith.constant 0 : i32
      %dma_wait3A_305 = arith.constant 0 : i32
      %dma_wait3A_306 = tpu.memref_slice %arg2[%dma_wait3A_304, %dma_wait3A_305] : memref<10000x128xf32, #tpu.memory_space<hbm>> -> memref<128x128xf32, #tpu.memory_space<hbm>>
      %dma_wait3A_307 = arith.constant 0 : i32
      %dma_wait3A_308 = arith.constant 0 : i32
      %dma_wait3A_309 = tpu.memref_slice %arg2[%dma_wait3A_307, %dma_wait3A_308] : memref<10000x128xf32, #tpu.memory_space<hbm>> -> memref<128x128xf32, #tpu.memory_space<hbm>>
      tpu.wait_dma2 semaphore(%arg11 : memref<!tpu.dma_semaphore, #tpu.memory_space<semaphore_mem>>) src(%dma_wait3A_309 : memref<128x128xf32, #tpu.memory_space<hbm>>) dst(%arg8 : memref<128x128xf32, #tpu.memory_space<vmem>>)
      %run_scoped3A_310 = arith.constant 1 : i32
      %run_scoped3A_311 = arith.constant 0 : i32
      "tpu.region"() ({
        %run_scoped3A_459 = tpu.sem_alloc : memref<!tpu.dma_semaphore, #tpu.memory_space<semaphore_mem>>
        %dma_start3A_460 = arith.constant 0 : i32
        %dma_start3A_461 = tpu.memref_slice %arg7[%run_scoped3A_310, %run_scoped3A_311, %dma_start3A_460] : memref<2x8x128xi32, #tpu.memory_space<vmem>> -> memref<1x1x128xi32, #tpu.memory_space<vmem>>
        %dma_start3A_462 = tpu.memref_squeeze %dma_start3A_461 : memref<1x1x128xi32, #tpu.memory_space<vmem>> -> memref<128xi32, #tpu.memory_space<vmem>>
        %dma_start3A_463 = arith.constant 0 : i32
        %dma_start3A_464 = arith.constant 0 : i32
        %dma_start3A_465 = tpu.memref_slice %arg10[%dma_start3A_463, %dma_start3A_464] : memref<10240x128xf32, #tpu.memory_space<vmem_shared>> -> memref<10240x128xf32, #tpu.memory_space<vmem_shared>>
        tpu.enqueue_indirect_dma source(%arg8 : memref<128x128xf32, #tpu.memory_space<vmem>>) target(%dma_start3A_465 : memref<10240x128xf32, #tpu.memory_space<vmem_shared>>) offsets(%dma_start3A_462 : memref<128xi32, #tpu.memory_space<vmem>>) semaphore(%run_scoped3A_459 : memref<!tpu.dma_semaphore, #tpu.memory_space<semaphore_mem>>) {add = true}
        %dma_wait3A_466 = arith.constant 0 : i32
        %dma_wait3A_467 = tpu.memref_slice %arg7[%run_scoped3A_310, %run_scoped3A_311, %dma_wait3A_466] : memref<2x8x128xi32, #tpu.memory_space<vmem>> -> memref<1x1x128xi32, #tpu.memory_space<vmem>>
        %dma_wait3A_468 = tpu.memref_squeeze %dma_wait3A_467 : memref<1x1x128xi32, #tpu.memory_space<vmem>> -> memref<128xi32, #tpu.memory_space<vmem>>
        %dma_wait3A_469 = arith.constant 0 : i32
        %dma_wait3A_470 = arith.constant 0 : i32
        %dma_wait3A_471 = tpu.memref_slice %arg10[%dma_wait3A_469, %dma_wait3A_470] : memref<10240x128xf32, #tpu.memory_space<vmem_shared>> -> memref<10240x128xf32, #tpu.memory_space<vmem_shared>>
        tpu.wait_indirect_dma semaphore(%run_scoped3A_459 : memref<!tpu.dma_semaphore, #tpu.memory_space<semaphore_mem>>) src(%arg8 : memref<128x128xf32, #tpu.memory_space<vmem>>) dst(%dma_wait3A_471 : memref<10240x128xf32, #tpu.memory_space<vmem_shared>>)
        tpu.yield
      }) : () -> ()
      %add3A_312 = arith.constant 2 : i32
      %add3A_313 = arith.addi %add3A_303, %add3A_312 : i32
      %lt3A_314 = arith.constant 160 : i32
      %lt3A_315 = arith.cmpi slt, %add3A_313, %lt3A_314 : i32
      %convert_element_type3A_316 = arith.extui %lt3A_315 : i1 to i32
      %cond3A_317 = arith.constant 0 : i32
      %cond3A_318 = arith.cmpi ne, %convert_element_type3A_316, %cond3A_317 : i32
      scf.if %cond3A_318 {
        %dma_start3A_459 = arith.constant 1 : i32
        %dma_start3A_460 = arith.constant 2 : i32
        %dma_start3A_461 = arith.constant 0 : i32
        %dma_start3A_462 = arith.constant 0 : i32
        %dma_start3A_463 = tpu.memref_slice %arg8[%dma_start3A_461, %dma_start3A_462] : memref<128x128xf32, #tpu.memory_space<vmem>> -> memref<64x128xf32, #tpu.memory_space<vmem>>
        %dma_start3A_464 = arith.constant 0 : i32
        %dma_start3A_465 = tpu.memref_slice %arg6[%dma_start3A_459, %dma_start3A_460, %dma_start3A_464] : memref<2x8x128xi32, #tpu.memory_space<vmem>> -> memref<1x1x64xi32, #tpu.memory_space<vmem>>
        %dma_start3A_466 = tpu.memref_squeeze %dma_start3A_465 : memref<1x1x64xi32, #tpu.memory_space<vmem>> -> memref<64xi32, #tpu.memory_space<vmem>>
        %dma_start3A_467 = arith.constant 0 : i32
        %dma_start3A_468 = arith.constant 0 : i32
        %dma_start3A_469 = tpu.memref_slice %arg2[%dma_start3A_467, %dma_start3A_468] : memref<10000x128xf32, #tpu.memory_space<hbm>> -> memref<10000x128xf32, #tpu.memory_space<hbm>>
        tpu.enqueue_indirect_dma source(%dma_start3A_469 : memref<10000x128xf32, #tpu.memory_space<hbm>>) target(%dma_start3A_463 : memref<64x128xf32, #tpu.memory_space<vmem>>) offsets(%dma_start3A_466 : memref<64xi32, #tpu.memory_space<vmem>>) semaphore(%arg11 : memref<!tpu.dma_semaphore, #tpu.memory_space<semaphore_mem>>)
        %dma_start3A_470 = arith.constant 1 : i32
        %dma_start3A_471 = arith.constant 2 : i32
        %dma_start3A_472 = arith.constant 64 : i32
        %dma_start3A_473 = arith.constant 0 : i32
        %dma_start3A_474 = tpu.memref_slice %arg8[%dma_start3A_472, %dma_start3A_473] : memref<128x128xf32, #tpu.memory_space<vmem>> -> memref<64x128xf32, #tpu.memory_space<vmem>>
        %dma_start3A_475 = arith.constant 64 : i32
        %dma_start3A_476 = tpu.memref_slice %arg6[%dma_start3A_470, %dma_start3A_471, %dma_start3A_475] : memref<2x8x128xi32, #tpu.memory_space<vmem>> -> memref<1x1x64xi32, #tpu.memory_space<vmem>>
        %dma_start3A_477 = tpu.memref_squeeze %dma_start3A_476 : memref<1x1x64xi32, #tpu.memory_space<vmem>> -> memref<64xi32, #tpu.memory_space<vmem>>
        %dma_start3A_478 = arith.constant 0 : i32
        %dma_start3A_479 = arith.constant 0 : i32
        %dma_start3A_480 = tpu.memref_slice %arg2[%dma_start3A_478, %dma_start3A_479] : memref<10000x128xf32, #tpu.memory_space<hbm>> -> memref<10000x128xf32, #tpu.memory_space<hbm>>
        tpu.enqueue_indirect_dma source(%dma_start3A_480 : memref<10000x128xf32, #tpu.memory_space<hbm>>) target(%dma_start3A_474 : memref<64x128xf32, #tpu.memory_space<vmem>>) offsets(%dma_start3A_477 : memref<64xi32, #tpu.memory_space<vmem>>) semaphore(%arg11 : memref<!tpu.dma_semaphore, #tpu.memory_space<semaphore_mem>>)
      } else {
      }
      %mul3A_319 = arith.constant 8 : i32
      %mul3A_320 = arith.muli %add3A_292, %mul3A_319 : i32
      %add3A_321 = arith.constant 1 : i32
      %add3A_322 = arith.addi %mul3A_320, %add3A_321 : i32
      %dma_wait3A_323 = arith.constant 0 : i32
      %dma_wait3A_324 = arith.constant 0 : i32
      %dma_wait3A_325 = tpu.memref_slice %arg2[%dma_wait3A_323, %dma_wait3A_324] : memref<10000x128xf32, #tpu.memory_space<hbm>> -> memref<128x128xf32, #tpu.memory_space<hbm>>
      %dma_wait3A_326 = arith.constant 0 : i32
      %dma_wait3A_327 = arith.constant 0 : i32
      %dma_wait3A_328 = tpu.memref_slice %arg2[%dma_wait3A_326, %dma_wait3A_327] : memref<10000x128xf32, #tpu.memory_space<hbm>> -> memref<128x128xf32, #tpu.memory_space<hbm>>
      tpu.wait_dma2 semaphore(%arg12 : memref<!tpu.dma_semaphore, #tpu.memory_space<semaphore_mem>>) src(%dma_wait3A_328 : memref<128x128xf32, #tpu.memory_space<hbm>>) dst(%arg9 : memref<128x128xf32, #tpu.memory_space<vmem>>)
      %run_scoped3A_329 = arith.constant 1 : i32
      %run_scoped3A_330 = arith.constant 1 : i32
      "tpu.region"() ({
        %run_scoped3A_459 = tpu.sem_alloc : memref<!tpu.dma_semaphore, #tpu.memory_space<semaphore_mem>>
        %dma_start3A_460 = arith.constant 0 : i32
        %dma_start3A_461 = tpu.memref_slice %arg7[%run_scoped3A_329, %run_scoped3A_330, %dma_start3A_460] : memref<2x8x128xi32, #tpu.memory_space<vmem>> -> memref<1x1x128xi32, #tpu.memory_space<vmem>>
        %dma_start3A_462 = tpu.memref_squeeze %dma_start3A_461 : memref<1x1x128xi32, #tpu.memory_space<vmem>> -> memref<128xi32, #tpu.memory_space<vmem>>
        %dma_start3A_463 = arith.constant 0 : i32
        %dma_start3A_464 = arith.constant 0 : i32
        %dma_start3A_465 = tpu.memref_slice %arg10[%dma_start3A_463, %dma_start3A_464] : memref<10240x128xf32, #tpu.memory_space<vmem_shared>> -> memref<10240x128xf32, #tpu.memory_space<vmem_shared>>
        tpu.enqueue_indirect_dma source(%arg9 : memref<128x128xf32, #tpu.memory_space<vmem>>) target(%dma_start3A_465 : memref<10240x128xf32, #tpu.memory_space<vmem_shared>>) offsets(%dma_start3A_462 : memref<128xi32, #tpu.memory_space<vmem>>) semaphore(%run_scoped3A_459 : memref<!tpu.dma_semaphore, #tpu.memory_space<semaphore_mem>>) {add = true}
        %dma_wait3A_466 = arith.constant 0 : i32
        %dma_wait3A_467 = tpu.memref_slice %arg7[%run_scoped3A_329, %run_scoped3A_330, %dma_wait3A_466] : memref<2x8x128xi32, #tpu.memory_space<vmem>> -> memref<1x1x128xi32, #tpu.memory_space<vmem>>
        %dma_wait3A_468 = tpu.memref_squeeze %dma_wait3A_467 : memref<1x1x128xi32, #tpu.memory_space<vmem>> -> memref<128xi32, #tpu.memory_space<vmem>>
        %dma_wait3A_469 = arith.constant 0 : i32
        %dma_wait3A_470 = arith.constant 0 : i32
        %dma_wait3A_471 = tpu.memref_slice %arg10[%dma_wait3A_469, %dma_wait3A_470] : memref<10240x128xf32, #tpu.memory_space<vmem_shared>> -> memref<10240x128xf32, #tpu.memory_space<vmem_shared>>
        tpu.wait_indirect_dma semaphore(%run_scoped3A_459 : memref<!tpu.dma_semaphore, #tpu.memory_space<semaphore_mem>>) src(%arg9 : memref<128x128xf32, #tpu.memory_space<vmem>>) dst(%dma_wait3A_471 : memref<10240x128xf32, #tpu.memory_space<vmem_shared>>)
        tpu.yield
      }) : () -> ()
      %add3A_331 = arith.constant 2 : i32
      %add3A_332 = arith.addi %add3A_322, %add3A_331 : i32
      %lt3A_333 = arith.constant 160 : i32
      %lt3A_334 = arith.cmpi slt, %add3A_332, %lt3A_333 : i32
      %convert_element_type3A_335 = arith.extui %lt3A_334 : i1 to i32
      %cond3A_336 = arith.constant 0 : i32
      %cond3A_337 = arith.cmpi ne, %convert_element_type3A_335, %cond3A_336 : i32
      scf.if %cond3A_337 {
        %dma_start3A_459 = arith.constant 1 : i32
        %dma_start3A_460 = arith.constant 3 : i32
        %dma_start3A_461 = arith.constant 0 : i32
        %dma_start3A_462 = arith.constant 0 : i32
        %dma_start3A_463 = tpu.memref_slice %arg9[%dma_start3A_461, %dma_start3A_462] : memref<128x128xf32, #tpu.memory_space<vmem>> -> memref<64x128xf32, #tpu.memory_space<vmem>>
        %dma_start3A_464 = arith.constant 0 : i32
        %dma_start3A_465 = tpu.memref_slice %arg6[%dma_start3A_459, %dma_start3A_460, %dma_start3A_464] : memref<2x8x128xi32, #tpu.memory_space<vmem>> -> memref<1x1x64xi32, #tpu.memory_space<vmem>>
        %dma_start3A_466 = tpu.memref_squeeze %dma_start3A_465 : memref<1x1x64xi32, #tpu.memory_space<vmem>> -> memref<64xi32, #tpu.memory_space<vmem>>
        %dma_start3A_467 = arith.constant 0 : i32
        %dma_start3A_468 = arith.constant 0 : i32
        %dma_start3A_469 = tpu.memref_slice %arg2[%dma_start3A_467, %dma_start3A_468] : memref<10000x128xf32, #tpu.memory_space<hbm>> -> memref<10000x128xf32, #tpu.memory_space<hbm>>
        tpu.enqueue_indirect_dma source(%dma_start3A_469 : memref<10000x128xf32, #tpu.memory_space<hbm>>) target(%dma_start3A_463 : memref<64x128xf32, #tpu.memory_space<vmem>>) offsets(%dma_start3A_466 : memref<64xi32, #tpu.memory_space<vmem>>) semaphore(%arg12 : memref<!tpu.dma_semaphore, #tpu.memory_space<semaphore_mem>>)
        %dma_start3A_470 = arith.constant 1 : i32
        %dma_start3A_471 = arith.constant 3 : i32
        %dma_start3A_472 = arith.constant 64 : i32
        %dma_start3A_473 = arith.constant 0 : i32
        %dma_start3A_474 = tpu.memref_slice %arg9[%dma_start3A_472, %dma_start3A_473] : memref<128x128xf32, #tpu.memory_space<vmem>> -> memref<64x128xf32, #tpu.memory_space<vmem>>
        %dma_start3A_475 = arith.constant 64 : i32
        %dma_start3A_476 = tpu.memref_slice %arg6[%dma_start3A_470, %dma_start3A_471, %dma_start3A_475] : memref<2x8x128xi32, #tpu.memory_space<vmem>> -> memref<1x1x64xi32, #tpu.memory_space<vmem>>
        %dma_start3A_477 = tpu.memref_squeeze %dma_start3A_476 : memref<1x1x64xi32, #tpu.memory_space<vmem>> -> memref<64xi32, #tpu.memory_space<vmem>>
        %dma_start3A_478 = arith.constant 0 : i32
        %dma_start3A_479 = arith.constant 0 : i32
        %dma_start3A_480 = tpu.memref_slice %arg2[%dma_start3A_478, %dma_start3A_479] : memref<10000x128xf32, #tpu.memory_space<hbm>> -> memref<10000x128xf32, #tpu.memory_space<hbm>>
        tpu.enqueue_indirect_dma source(%dma_start3A_480 : memref<10000x128xf32, #tpu.memory_space<hbm>>) target(%dma_start3A_474 : memref<64x128xf32, #tpu.memory_space<vmem>>) offsets(%dma_start3A_477 : memref<64xi32, #tpu.memory_space<vmem>>) semaphore(%arg12 : memref<!tpu.dma_semaphore, #tpu.memory_space<semaphore_mem>>)
      } else {
      }
      %mul3A_338 = arith.constant 8 : i32
      %mul3A_339 = arith.muli %add3A_292, %mul3A_338 : i32
      %add3A_340 = arith.constant 2 : i32
      %add3A_341 = arith.addi %mul3A_339, %add3A_340 : i32
      %dma_wait3A_342 = arith.constant 0 : i32
      %dma_wait3A_343 = arith.constant 0 : i32
      %dma_wait3A_344 = tpu.memref_slice %arg2[%dma_wait3A_342, %dma_wait3A_343] : memref<10000x128xf32, #tpu.memory_space<hbm>> -> memref<128x128xf32, #tpu.memory_space<hbm>>
      %dma_wait3A_345 = arith.constant 0 : i32
      %dma_wait3A_346 = arith.constant 0 : i32
      %dma_wait3A_347 = tpu.memref_slice %arg2[%dma_wait3A_345, %dma_wait3A_346] : memref<10000x128xf32, #tpu.memory_space<hbm>> -> memref<128x128xf32, #tpu.memory_space<hbm>>
      tpu.wait_dma2 semaphore(%arg11 : memref<!tpu.dma_semaphore, #tpu.memory_space<semaphore_mem>>) src(%dma_wait3A_347 : memref<128x128xf32, #tpu.memory_space<hbm>>) dst(%arg8 : memref<128x128xf32, #tpu.memory_space<vmem>>)
      %run_scoped3A_348 = arith.constant 1 : i32
      %run_scoped3A_349 = arith.constant 2 : i32
      "tpu.region"() ({
        %run_scoped3A_459 = tpu.sem_alloc : memref<!tpu.dma_semaphore, #tpu.memory_space<semaphore_mem>>
        %dma_start3A_460 = arith.constant 0 : i32
        %dma_start3A_461 = tpu.memref_slice %arg7[%run_scoped3A_348, %run_scoped3A_349, %dma_start3A_460] : memref<2x8x128xi32, #tpu.memory_space<vmem>> -> memref<1x1x128xi32, #tpu.memory_space<vmem>>
        %dma_start3A_462 = tpu.memref_squeeze %dma_start3A_461 : memref<1x1x128xi32, #tpu.memory_space<vmem>> -> memref<128xi32, #tpu.memory_space<vmem>>
        %dma_start3A_463 = arith.constant 0 : i32
        %dma_start3A_464 = arith.constant 0 : i32
        %dma_start3A_465 = tpu.memref_slice %arg10[%dma_start3A_463, %dma_start3A_464] : memref<10240x128xf32, #tpu.memory_space<vmem_shared>> -> memref<10240x128xf32, #tpu.memory_space<vmem_shared>>
        tpu.enqueue_indirect_dma source(%arg8 : memref<128x128xf32, #tpu.memory_space<vmem>>) target(%dma_start3A_465 : memref<10240x128xf32, #tpu.memory_space<vmem_shared>>) offsets(%dma_start3A_462 : memref<128xi32, #tpu.memory_space<vmem>>) semaphore(%run_scoped3A_459 : memref<!tpu.dma_semaphore, #tpu.memory_space<semaphore_mem>>) {add = true}
        %dma_wait3A_466 = arith.constant 0 : i32
        %dma_wait3A_467 = tpu.memref_slice %arg7[%run_scoped3A_348, %run_scoped3A_349, %dma_wait3A_466] : memref<2x8x128xi32, #tpu.memory_space<vmem>> -> memref<1x1x128xi32, #tpu.memory_space<vmem>>
        %dma_wait3A_468 = tpu.memref_squeeze %dma_wait3A_467 : memref<1x1x128xi32, #tpu.memory_space<vmem>> -> memref<128xi32, #tpu.memory_space<vmem>>
        %dma_wait3A_469 = arith.constant 0 : i32
        %dma_wait3A_470 = arith.constant 0 : i32
        %dma_wait3A_471 = tpu.memref_slice %arg10[%dma_wait3A_469, %dma_wait3A_470] : memref<10240x128xf32, #tpu.memory_space<vmem_shared>> -> memref<10240x128xf32, #tpu.memory_space<vmem_shared>>
        tpu.wait_indirect_dma semaphore(%run_scoped3A_459 : memref<!tpu.dma_semaphore, #tpu.memory_space<semaphore_mem>>) src(%arg8 : memref<128x128xf32, #tpu.memory_space<vmem>>) dst(%dma_wait3A_471 : memref<10240x128xf32, #tpu.memory_space<vmem_shared>>)
        tpu.yield
      }) : () -> ()
      %add3A_350 = arith.constant 2 : i32
      %add3A_351 = arith.addi %add3A_341, %add3A_350 : i32
      %lt3A_352 = arith.constant 160 : i32
      %lt3A_353 = arith.cmpi slt, %add3A_351, %lt3A_352 : i32
      %convert_element_type3A_354 = arith.extui %lt3A_353 : i1 to i32
      %cond3A_355 = arith.constant 0 : i32
      %cond3A_356 = arith.cmpi ne, %convert_element_type3A_354, %cond3A_355 : i32
      scf.if %cond3A_356 {
        %dma_start3A_459 = arith.constant 1 : i32
        %dma_start3A_460 = arith.constant 4 : i32
        %dma_start3A_461 = arith.constant 0 : i32
        %dma_start3A_462 = arith.constant 0 : i32
        %dma_start3A_463 = tpu.memref_slice %arg8[%dma_start3A_461, %dma_start3A_462] : memref<128x128xf32, #tpu.memory_space<vmem>> -> memref<64x128xf32, #tpu.memory_space<vmem>>
        %dma_start3A_464 = arith.constant 0 : i32
        %dma_start3A_465 = tpu.memref_slice %arg6[%dma_start3A_459, %dma_start3A_460, %dma_start3A_464] : memref<2x8x128xi32, #tpu.memory_space<vmem>> -> memref<1x1x64xi32, #tpu.memory_space<vmem>>
        %dma_start3A_466 = tpu.memref_squeeze %dma_start3A_465 : memref<1x1x64xi32, #tpu.memory_space<vmem>> -> memref<64xi32, #tpu.memory_space<vmem>>
        %dma_start3A_467 = arith.constant 0 : i32
        %dma_start3A_468 = arith.constant 0 : i32
        %dma_start3A_469 = tpu.memref_slice %arg2[%dma_start3A_467, %dma_start3A_468] : memref<10000x128xf32, #tpu.memory_space<hbm>> -> memref<10000x128xf32, #tpu.memory_space<hbm>>
        tpu.enqueue_indirect_dma source(%dma_start3A_469 : memref<10000x128xf32, #tpu.memory_space<hbm>>) target(%dma_start3A_463 : memref<64x128xf32, #tpu.memory_space<vmem>>) offsets(%dma_start3A_466 : memref<64xi32, #tpu.memory_space<vmem>>) semaphore(%arg11 : memref<!tpu.dma_semaphore, #tpu.memory_space<semaphore_mem>>)
        %dma_start3A_470 = arith.constant 1 : i32
        %dma_start3A_471 = arith.constant 4 : i32
        %dma_start3A_472 = arith.constant 64 : i32
        %dma_start3A_473 = arith.constant 0 : i32
        %dma_start3A_474 = tpu.memref_slice %arg8[%dma_start3A_472, %dma_start3A_473] : memref<128x128xf32, #tpu.memory_space<vmem>> -> memref<64x128xf32, #tpu.memory_space<vmem>>
        %dma_start3A_475 = arith.constant 64 : i32
        %dma_start3A_476 = tpu.memref_slice %arg6[%dma_start3A_470, %dma_start3A_471, %dma_start3A_475] : memref<2x8x128xi32, #tpu.memory_space<vmem>> -> memref<1x1x64xi32, #tpu.memory_space<vmem>>
        %dma_start3A_477 = tpu.memref_squeeze %dma_start3A_476 : memref<1x1x64xi32, #tpu.memory_space<vmem>> -> memref<64xi32, #tpu.memory_space<vmem>>
        %dma_start3A_478 = arith.constant 0 : i32
        %dma_start3A_479 = arith.constant 0 : i32
        %dma_start3A_480 = tpu.memref_slice %arg2[%dma_start3A_478, %dma_start3A_479] : memref<10000x128xf32, #tpu.memory_space<hbm>> -> memref<10000x128xf32, #tpu.memory_space<hbm>>
        tpu.enqueue_indirect_dma source(%dma_start3A_480 : memref<10000x128xf32, #tpu.memory_space<hbm>>) target(%dma_start3A_474 : memref<64x128xf32, #tpu.memory_space<vmem>>) offsets(%dma_start3A_477 : memref<64xi32, #tpu.memory_space<vmem>>) semaphore(%arg11 : memref<!tpu.dma_semaphore, #tpu.memory_space<semaphore_mem>>)
      } else {
      }
      %mul3A_357 = arith.constant 8 : i32
      %mul3A_358 = arith.muli %add3A_292, %mul3A_357 : i32
      %add3A_359 = arith.constant 3 : i32
      %add3A_360 = arith.addi %mul3A_358, %add3A_359 : i32
      %dma_wait3A_361 = arith.constant 0 : i32
      %dma_wait3A_362 = arith.constant 0 : i32
      %dma_wait3A_363 = tpu.memref_slice %arg2[%dma_wait3A_361, %dma_wait3A_362] : memref<10000x128xf32, #tpu.memory_space<hbm>> -> memref<128x128xf32, #tpu.memory_space<hbm>>
      %dma_wait3A_364 = arith.constant 0 : i32
      %dma_wait3A_365 = arith.constant 0 : i32
      %dma_wait3A_366 = tpu.memref_slice %arg2[%dma_wait3A_364, %dma_wait3A_365] : memref<10000x128xf32, #tpu.memory_space<hbm>> -> memref<128x128xf32, #tpu.memory_space<hbm>>
      tpu.wait_dma2 semaphore(%arg12 : memref<!tpu.dma_semaphore, #tpu.memory_space<semaphore_mem>>) src(%dma_wait3A_366 : memref<128x128xf32, #tpu.memory_space<hbm>>) dst(%arg9 : memref<128x128xf32, #tpu.memory_space<vmem>>)
      %run_scoped3A_367 = arith.constant 1 : i32
      %run_scoped3A_368 = arith.constant 3 : i32
      "tpu.region"() ({
        %run_scoped3A_459 = tpu.sem_alloc : memref<!tpu.dma_semaphore, #tpu.memory_space<semaphore_mem>>
        %dma_start3A_460 = arith.constant 0 : i32
        %dma_start3A_461 = tpu.memref_slice %arg7[%run_scoped3A_367, %run_scoped3A_368, %dma_start3A_460] : memref<2x8x128xi32, #tpu.memory_space<vmem>> -> memref<1x1x128xi32, #tpu.memory_space<vmem>>
        %dma_start3A_462 = tpu.memref_squeeze %dma_start3A_461 : memref<1x1x128xi32, #tpu.memory_space<vmem>> -> memref<128xi32, #tpu.memory_space<vmem>>
        %dma_start3A_463 = arith.constant 0 : i32
        %dma_start3A_464 = arith.constant 0 : i32
        %dma_start3A_465 = tpu.memref_slice %arg10[%dma_start3A_463, %dma_start3A_464] : memref<10240x128xf32, #tpu.memory_space<vmem_shared>> -> memref<10240x128xf32, #tpu.memory_space<vmem_shared>>
        tpu.enqueue_indirect_dma source(%arg9 : memref<128x128xf32, #tpu.memory_space<vmem>>) target(%dma_start3A_465 : memref<10240x128xf32, #tpu.memory_space<vmem_shared>>) offsets(%dma_start3A_462 : memref<128xi32, #tpu.memory_space<vmem>>) semaphore(%run_scoped3A_459 : memref<!tpu.dma_semaphore, #tpu.memory_space<semaphore_mem>>) {add = true}
        %dma_wait3A_466 = arith.constant 0 : i32
        %dma_wait3A_467 = tpu.memref_slice %arg7[%run_scoped3A_367, %run_scoped3A_368, %dma_wait3A_466] : memref<2x8x128xi32, #tpu.memory_space<vmem>> -> memref<1x1x128xi32, #tpu.memory_space<vmem>>
        %dma_wait3A_468 = tpu.memref_squeeze %dma_wait3A_467 : memref<1x1x128xi32, #tpu.memory_space<vmem>> -> memref<128xi32, #tpu.memory_space<vmem>>
        %dma_wait3A_469 = arith.constant 0 : i32
        %dma_wait3A_470 = arith.constant 0 : i32
        %dma_wait3A_471 = tpu.memref_slice %arg10[%dma_wait3A_469, %dma_wait3A_470] : memref<10240x128xf32, #tpu.memory_space<vmem_shared>> -> memref<10240x128xf32, #tpu.memory_space<vmem_shared>>
        tpu.wait_indirect_dma semaphore(%run_scoped3A_459 : memref<!tpu.dma_semaphore, #tpu.memory_space<semaphore_mem>>) src(%arg9 : memref<128x128xf32, #tpu.memory_space<vmem>>) dst(%dma_wait3A_471 : memref<10240x128xf32, #tpu.memory_space<vmem_shared>>)
        tpu.yield
      }) : () -> ()
      %add3A_369 = arith.constant 2 : i32
      %add3A_370 = arith.addi %add3A_360, %add3A_369 : i32
      %lt3A_371 = arith.constant 160 : i32
      %lt3A_372 = arith.cmpi slt, %add3A_370, %lt3A_371 : i32
      %convert_element_type3A_373 = arith.extui %lt3A_372 : i1 to i32
      %cond3A_374 = arith.constant 0 : i32
      %cond3A_375 = arith.cmpi ne, %convert_element_type3A_373, %cond3A_374 : i32
      scf.if %cond3A_375 {
        %dma_start3A_459 = arith.constant 1 : i32
        %dma_start3A_460 = arith.constant 5 : i32
        %dma_start3A_461 = arith.constant 0 : i32
        %dma_start3A_462 = arith.constant 0 : i32
        %dma_start3A_463 = tpu.memref_slice %arg9[%dma_start3A_461, %dma_start3A_462] : memref<128x128xf32, #tpu.memory_space<vmem>> -> memref<64x128xf32, #tpu.memory_space<vmem>>
        %dma_start3A_464 = arith.constant 0 : i32
        %dma_start3A_465 = tpu.memref_slice %arg6[%dma_start3A_459, %dma_start3A_460, %dma_start3A_464] : memref<2x8x128xi32, #tpu.memory_space<vmem>> -> memref<1x1x64xi32, #tpu.memory_space<vmem>>
        %dma_start3A_466 = tpu.memref_squeeze %dma_start3A_465 : memref<1x1x64xi32, #tpu.memory_space<vmem>> -> memref<64xi32, #tpu.memory_space<vmem>>
        %dma_start3A_467 = arith.constant 0 : i32
        %dma_start3A_468 = arith.constant 0 : i32
        %dma_start3A_469 = tpu.memref_slice %arg2[%dma_start3A_467, %dma_start3A_468] : memref<10000x128xf32, #tpu.memory_space<hbm>> -> memref<10000x128xf32, #tpu.memory_space<hbm>>
        tpu.enqueue_indirect_dma source(%dma_start3A_469 : memref<10000x128xf32, #tpu.memory_space<hbm>>) target(%dma_start3A_463 : memref<64x128xf32, #tpu.memory_space<vmem>>) offsets(%dma_start3A_466 : memref<64xi32, #tpu.memory_space<vmem>>) semaphore(%arg12 : memref<!tpu.dma_semaphore, #tpu.memory_space<semaphore_mem>>)
        %dma_start3A_470 = arith.constant 1 : i32
        %dma_start3A_471 = arith.constant 5 : i32
        %dma_start3A_472 = arith.constant 64 : i32
        %dma_start3A_473 = arith.constant 0 : i32
        %dma_start3A_474 = tpu.memref_slice %arg9[%dma_start3A_472, %dma_start3A_473] : memref<128x128xf32, #tpu.memory_space<vmem>> -> memref<64x128xf32, #tpu.memory_space<vmem>>
        %dma_start3A_475 = arith.constant 64 : i32
        %dma_start3A_476 = tpu.memref_slice %arg6[%dma_start3A_470, %dma_start3A_471, %dma_start3A_475] : memref<2x8x128xi32, #tpu.memory_space<vmem>> -> memref<1x1x64xi32, #tpu.memory_space<vmem>>
        %dma_start3A_477 = tpu.memref_squeeze %dma_start3A_476 : memref<1x1x64xi32, #tpu.memory_space<vmem>> -> memref<64xi32, #tpu.memory_space<vmem>>
        %dma_start3A_478 = arith.constant 0 : i32
        %dma_start3A_479 = arith.constant 0 : i32
        %dma_start3A_480 = tpu.memref_slice %arg2[%dma_start3A_478, %dma_start3A_479] : memref<10000x128xf32, #tpu.memory_space<hbm>> -> memref<10000x128xf32, #tpu.memory_space<hbm>>
        tpu.enqueue_indirect_dma source(%dma_start3A_480 : memref<10000x128xf32, #tpu.memory_space<hbm>>) target(%dma_start3A_474 : memref<64x128xf32, #tpu.memory_space<vmem>>) offsets(%dma_start3A_477 : memref<64xi32, #tpu.memory_space<vmem>>) semaphore(%arg12 : memref<!tpu.dma_semaphore, #tpu.memory_space<semaphore_mem>>)
      } else {
      }
      %mul3A_376 = arith.constant 8 : i32
      %mul3A_377 = arith.muli %add3A_292, %mul3A_376 : i32
      %add3A_378 = arith.constant 4 : i32
      %add3A_379 = arith.addi %mul3A_377, %add3A_378 : i32
      %dma_wait3A_380 = arith.constant 0 : i32
      %dma_wait3A_381 = arith.constant 0 : i32
      %dma_wait3A_382 = tpu.memref_slice %arg2[%dma_wait3A_380, %dma_wait3A_381] : memref<10000x128xf32, #tpu.memory_space<hbm>> -> memref<128x128xf32, #tpu.memory_space<hbm>>
      %dma_wait3A_383 = arith.constant 0 : i32
      %dma_wait3A_384 = arith.constant 0 : i32
      %dma_wait3A_385 = tpu.memref_slice %arg2[%dma_wait3A_383, %dma_wait3A_384] : memref<10000x128xf32, #tpu.memory_space<hbm>> -> memref<128x128xf32, #tpu.memory_space<hbm>>
      tpu.wait_dma2 semaphore(%arg11 : memref<!tpu.dma_semaphore, #tpu.memory_space<semaphore_mem>>) src(%dma_wait3A_385 : memref<128x128xf32, #tpu.memory_space<hbm>>) dst(%arg8 : memref<128x128xf32, #tpu.memory_space<vmem>>)
      %run_scoped3A_386 = arith.constant 1 : i32
      %run_scoped3A_387 = arith.constant 4 : i32
      "tpu.region"() ({
        %run_scoped3A_459 = tpu.sem_alloc : memref<!tpu.dma_semaphore, #tpu.memory_space<semaphore_mem>>
        %dma_start3A_460 = arith.constant 0 : i32
        %dma_start3A_461 = tpu.memref_slice %arg7[%run_scoped3A_386, %run_scoped3A_387, %dma_start3A_460] : memref<2x8x128xi32, #tpu.memory_space<vmem>> -> memref<1x1x128xi32, #tpu.memory_space<vmem>>
        %dma_start3A_462 = tpu.memref_squeeze %dma_start3A_461 : memref<1x1x128xi32, #tpu.memory_space<vmem>> -> memref<128xi32, #tpu.memory_space<vmem>>
        %dma_start3A_463 = arith.constant 0 : i32
        %dma_start3A_464 = arith.constant 0 : i32
        %dma_start3A_465 = tpu.memref_slice %arg10[%dma_start3A_463, %dma_start3A_464] : memref<10240x128xf32, #tpu.memory_space<vmem_shared>> -> memref<10240x128xf32, #tpu.memory_space<vmem_shared>>
        tpu.enqueue_indirect_dma source(%arg8 : memref<128x128xf32, #tpu.memory_space<vmem>>) target(%dma_start3A_465 : memref<10240x128xf32, #tpu.memory_space<vmem_shared>>) offsets(%dma_start3A_462 : memref<128xi32, #tpu.memory_space<vmem>>) semaphore(%run_scoped3A_459 : memref<!tpu.dma_semaphore, #tpu.memory_space<semaphore_mem>>) {add = true}
        %dma_wait3A_466 = arith.constant 0 : i32
        %dma_wait3A_467 = tpu.memref_slice %arg7[%run_scoped3A_386, %run_scoped3A_387, %dma_wait3A_466] : memref<2x8x128xi32, #tpu.memory_space<vmem>> -> memref<1x1x128xi32, #tpu.memory_space<vmem>>
        %dma_wait3A_468 = tpu.memref_squeeze %dma_wait3A_467 : memref<1x1x128xi32, #tpu.memory_space<vmem>> -> memref<128xi32, #tpu.memory_space<vmem>>
        %dma_wait3A_469 = arith.constant 0 : i32
        %dma_wait3A_470 = arith.constant 0 : i32
        %dma_wait3A_471 = tpu.memref_slice %arg10[%dma_wait3A_469, %dma_wait3A_470] : memref<10240x128xf32, #tpu.memory_space<vmem_shared>> -> memref<10240x128xf32, #tpu.memory_space<vmem_shared>>
        tpu.wait_indirect_dma semaphore(%run_scoped3A_459 : memref<!tpu.dma_semaphore, #tpu.memory_space<semaphore_mem>>) src(%arg8 : memref<128x128xf32, #tpu.memory_space<vmem>>) dst(%dma_wait3A_471 : memref<10240x128xf32, #tpu.memory_space<vmem_shared>>)
        tpu.yield
      }) : () -> ()
      %add3A_388 = arith.constant 2 : i32
      %add3A_389 = arith.addi %add3A_379, %add3A_388 : i32
      %lt3A_390 = arith.constant 160 : i32
      %lt3A_391 = arith.cmpi slt, %add3A_389, %lt3A_390 : i32
      %convert_element_type3A_392 = arith.extui %lt3A_391 : i1 to i32
      %cond3A_393 = arith.constant 0 : i32
      %cond3A_394 = arith.cmpi ne, %convert_element_type3A_392, %cond3A_393 : i32
      scf.if %cond3A_394 {
        %dma_start3A_459 = arith.constant 1 : i32
        %dma_start3A_460 = arith.constant 6 : i32
        %dma_start3A_461 = arith.constant 0 : i32
        %dma_start3A_462 = arith.constant 0 : i32
        %dma_start3A_463 = tpu.memref_slice %arg8[%dma_start3A_461, %dma_start3A_462] : memref<128x128xf32, #tpu.memory_space<vmem>> -> memref<64x128xf32, #tpu.memory_space<vmem>>
        %dma_start3A_464 = arith.constant 0 : i32
        %dma_start3A_465 = tpu.memref_slice %arg6[%dma_start3A_459, %dma_start3A_460, %dma_start3A_464] : memref<2x8x128xi32, #tpu.memory_space<vmem>> -> memref<1x1x64xi32, #tpu.memory_space<vmem>>
        %dma_start3A_466 = tpu.memref_squeeze %dma_start3A_465 : memref<1x1x64xi32, #tpu.memory_space<vmem>> -> memref<64xi32, #tpu.memory_space<vmem>>
        %dma_start3A_467 = arith.constant 0 : i32
        %dma_start3A_468 = arith.constant 0 : i32
        %dma_start3A_469 = tpu.memref_slice %arg2[%dma_start3A_467, %dma_start3A_468] : memref<10000x128xf32, #tpu.memory_space<hbm>> -> memref<10000x128xf32, #tpu.memory_space<hbm>>
        tpu.enqueue_indirect_dma source(%dma_start3A_469 : memref<10000x128xf32, #tpu.memory_space<hbm>>) target(%dma_start3A_463 : memref<64x128xf32, #tpu.memory_space<vmem>>) offsets(%dma_start3A_466 : memref<64xi32, #tpu.memory_space<vmem>>) semaphore(%arg11 : memref<!tpu.dma_semaphore, #tpu.memory_space<semaphore_mem>>)
        %dma_start3A_470 = arith.constant 1 : i32
        %dma_start3A_471 = arith.constant 6 : i32
        %dma_start3A_472 = arith.constant 64 : i32
        %dma_start3A_473 = arith.constant 0 : i32
        %dma_start3A_474 = tpu.memref_slice %arg8[%dma_start3A_472, %dma_start3A_473] : memref<128x128xf32, #tpu.memory_space<vmem>> -> memref<64x128xf32, #tpu.memory_space<vmem>>
        %dma_start3A_475 = arith.constant 64 : i32
        %dma_start3A_476 = tpu.memref_slice %arg6[%dma_start3A_470, %dma_start3A_471, %dma_start3A_475] : memref<2x8x128xi32, #tpu.memory_space<vmem>> -> memref<1x1x64xi32, #tpu.memory_space<vmem>>
        %dma_start3A_477 = tpu.memref_squeeze %dma_start3A_476 : memref<1x1x64xi32, #tpu.memory_space<vmem>> -> memref<64xi32, #tpu.memory_space<vmem>>
        %dma_start3A_478 = arith.constant 0 : i32
        %dma_start3A_479 = arith.constant 0 : i32
        %dma_start3A_480 = tpu.memref_slice %arg2[%dma_start3A_478, %dma_start3A_479] : memref<10000x128xf32, #tpu.memory_space<hbm>> -> memref<10000x128xf32, #tpu.memory_space<hbm>>
        tpu.enqueue_indirect_dma source(%dma_start3A_480 : memref<10000x128xf32, #tpu.memory_space<hbm>>) target(%dma_start3A_474 : memref<64x128xf32, #tpu.memory_space<vmem>>) offsets(%dma_start3A_477 : memref<64xi32, #tpu.memory_space<vmem>>) semaphore(%arg11 : memref<!tpu.dma_semaphore, #tpu.memory_space<semaphore_mem>>)
      } else {
      }
      %mul3A_395 = arith.constant 8 : i32
      %mul3A_396 = arith.muli %add3A_292, %mul3A_395 : i32
      %add3A_397 = arith.constant 5 : i32
      %add3A_398 = arith.addi %mul3A_396, %add3A_397 : i32
      %dma_wait3A_399 = arith.constant 0 : i32
      %dma_wait3A_400 = arith.constant 0 : i32
      %dma_wait3A_401 = tpu.memref_slice %arg2[%dma_wait3A_399, %dma_wait3A_400] : memref<10000x128xf32, #tpu.memory_space<hbm>> -> memref<128x128xf32, #tpu.memory_space<hbm>>
      %dma_wait3A_402 = arith.constant 0 : i32
      %dma_wait3A_403 = arith.constant 0 : i32
      %dma_wait3A_404 = tpu.memref_slice %arg2[%dma_wait3A_402, %dma_wait3A_403] : memref<10000x128xf32, #tpu.memory_space<hbm>> -> memref<128x128xf32, #tpu.memory_space<hbm>>
      tpu.wait_dma2 semaphore(%arg12 : memref<!tpu.dma_semaphore, #tpu.memory_space<semaphore_mem>>) src(%dma_wait3A_404 : memref<128x128xf32, #tpu.memory_space<hbm>>) dst(%arg9 : memref<128x128xf32, #tpu.memory_space<vmem>>)
      %run_scoped3A_405 = arith.constant 1 : i32
      %run_scoped3A_406 = arith.constant 5 : i32
      "tpu.region"() ({
        %run_scoped3A_459 = tpu.sem_alloc : memref<!tpu.dma_semaphore, #tpu.memory_space<semaphore_mem>>
        %dma_start3A_460 = arith.constant 0 : i32
        %dma_start3A_461 = tpu.memref_slice %arg7[%run_scoped3A_405, %run_scoped3A_406, %dma_start3A_460] : memref<2x8x128xi32, #tpu.memory_space<vmem>> -> memref<1x1x128xi32, #tpu.memory_space<vmem>>
        %dma_start3A_462 = tpu.memref_squeeze %dma_start3A_461 : memref<1x1x128xi32, #tpu.memory_space<vmem>> -> memref<128xi32, #tpu.memory_space<vmem>>
        %dma_start3A_463 = arith.constant 0 : i32
        %dma_start3A_464 = arith.constant 0 : i32
        %dma_start3A_465 = tpu.memref_slice %arg10[%dma_start3A_463, %dma_start3A_464] : memref<10240x128xf32, #tpu.memory_space<vmem_shared>> -> memref<10240x128xf32, #tpu.memory_space<vmem_shared>>
        tpu.enqueue_indirect_dma source(%arg9 : memref<128x128xf32, #tpu.memory_space<vmem>>) target(%dma_start3A_465 : memref<10240x128xf32, #tpu.memory_space<vmem_shared>>) offsets(%dma_start3A_462 : memref<128xi32, #tpu.memory_space<vmem>>) semaphore(%run_scoped3A_459 : memref<!tpu.dma_semaphore, #tpu.memory_space<semaphore_mem>>) {add = true}
        %dma_wait3A_466 = arith.constant 0 : i32
        %dma_wait3A_467 = tpu.memref_slice %arg7[%run_scoped3A_405, %run_scoped3A_406, %dma_wait3A_466] : memref<2x8x128xi32, #tpu.memory_space<vmem>> -> memref<1x1x128xi32, #tpu.memory_space<vmem>>
        %dma_wait3A_468 = tpu.memref_squeeze %dma_wait3A_467 : memref<1x1x128xi32, #tpu.memory_space<vmem>> -> memref<128xi32, #tpu.memory_space<vmem>>
        %dma_wait3A_469 = arith.constant 0 : i32
        %dma_wait3A_470 = arith.constant 0 : i32
        %dma_wait3A_471 = tpu.memref_slice %arg10[%dma_wait3A_469, %dma_wait3A_470] : memref<10240x128xf32, #tpu.memory_space<vmem_shared>> -> memref<10240x128xf32, #tpu.memory_space<vmem_shared>>
        tpu.wait_indirect_dma semaphore(%run_scoped3A_459 : memref<!tpu.dma_semaphore, #tpu.memory_space<semaphore_mem>>) src(%arg9 : memref<128x128xf32, #tpu.memory_space<vmem>>) dst(%dma_wait3A_471 : memref<10240x128xf32, #tpu.memory_space<vmem_shared>>)
        tpu.yield
      }) : () -> ()
      %add3A_407 = arith.constant 2 : i32
      %add3A_408 = arith.addi %add3A_398, %add3A_407 : i32
      %lt3A_409 = arith.constant 160 : i32
      %lt3A_410 = arith.cmpi slt, %add3A_408, %lt3A_409 : i32
      %convert_element_type3A_411 = arith.extui %lt3A_410 : i1 to i32
      %cond3A_412 = arith.constant 0 : i32
      %cond3A_413 = arith.cmpi ne, %convert_element_type3A_411, %cond3A_412 : i32
      scf.if %cond3A_413 {
        %dma_start3A_459 = arith.constant 1 : i32
        %dma_start3A_460 = arith.constant 7 : i32
        %dma_start3A_461 = arith.constant 0 : i32
        %dma_start3A_462 = arith.constant 0 : i32
        %dma_start3A_463 = tpu.memref_slice %arg9[%dma_start3A_461, %dma_start3A_462] : memref<128x128xf32, #tpu.memory_space<vmem>> -> memref<64x128xf32, #tpu.memory_space<vmem>>
        %dma_start3A_464 = arith.constant 0 : i32
        %dma_start3A_465 = tpu.memref_slice %arg6[%dma_start3A_459, %dma_start3A_460, %dma_start3A_464] : memref<2x8x128xi32, #tpu.memory_space<vmem>> -> memref<1x1x64xi32, #tpu.memory_space<vmem>>
        %dma_start3A_466 = tpu.memref_squeeze %dma_start3A_465 : memref<1x1x64xi32, #tpu.memory_space<vmem>> -> memref<64xi32, #tpu.memory_space<vmem>>
        %dma_start3A_467 = arith.constant 0 : i32
        %dma_start3A_468 = arith.constant 0 : i32
        %dma_start3A_469 = tpu.memref_slice %arg2[%dma_start3A_467, %dma_start3A_468] : memref<10000x128xf32, #tpu.memory_space<hbm>> -> memref<10000x128xf32, #tpu.memory_space<hbm>>
        tpu.enqueue_indirect_dma source(%dma_start3A_469 : memref<10000x128xf32, #tpu.memory_space<hbm>>) target(%dma_start3A_463 : memref<64x128xf32, #tpu.memory_space<vmem>>) offsets(%dma_start3A_466 : memref<64xi32, #tpu.memory_space<vmem>>) semaphore(%arg12 : memref<!tpu.dma_semaphore, #tpu.memory_space<semaphore_mem>>)
        %dma_start3A_470 = arith.constant 1 : i32
        %dma_start3A_471 = arith.constant 7 : i32
        %dma_start3A_472 = arith.constant 64 : i32
        %dma_start3A_473 = arith.constant 0 : i32
        %dma_start3A_474 = tpu.memref_slice %arg9[%dma_start3A_472, %dma_start3A_473] : memref<128x128xf32, #tpu.memory_space<vmem>> -> memref<64x128xf32, #tpu.memory_space<vmem>>
        %dma_start3A_475 = arith.constant 64 : i32
        %dma_start3A_476 = tpu.memref_slice %arg6[%dma_start3A_470, %dma_start3A_471, %dma_start3A_475] : memref<2x8x128xi32, #tpu.memory_space<vmem>> -> memref<1x1x64xi32, #tpu.memory_space<vmem>>
        %dma_start3A_477 = tpu.memref_squeeze %dma_start3A_476 : memref<1x1x64xi32, #tpu.memory_space<vmem>> -> memref<64xi32, #tpu.memory_space<vmem>>
        %dma_start3A_478 = arith.constant 0 : i32
        %dma_start3A_479 = arith.constant 0 : i32
        %dma_start3A_480 = tpu.memref_slice %arg2[%dma_start3A_478, %dma_start3A_479] : memref<10000x128xf32, #tpu.memory_space<hbm>> -> memref<10000x128xf32, #tpu.memory_space<hbm>>
        tpu.enqueue_indirect_dma source(%dma_start3A_480 : memref<10000x128xf32, #tpu.memory_space<hbm>>) target(%dma_start3A_474 : memref<64x128xf32, #tpu.memory_space<vmem>>) offsets(%dma_start3A_477 : memref<64xi32, #tpu.memory_space<vmem>>) semaphore(%arg12 : memref<!tpu.dma_semaphore, #tpu.memory_space<semaphore_mem>>)
      } else {
      }
      %mul3A_414 = arith.constant 8 : i32
      %mul3A_415 = arith.muli %add3A_292, %mul3A_414 : i32
      %add3A_416 = arith.constant 6 : i32
      %add3A_417 = arith.addi %mul3A_415, %add3A_416 : i32
      %dma_wait3A_418 = arith.constant 0 : i32
      %dma_wait3A_419 = arith.constant 0 : i32
      %dma_wait3A_420 = tpu.memref_slice %arg2[%dma_wait3A_418, %dma_wait3A_419] : memref<10000x128xf32, #tpu.memory_space<hbm>> -> memref<128x128xf32, #tpu.memory_space<hbm>>
      %dma_wait3A_421 = arith.constant 0 : i32
      %dma_wait3A_422 = arith.constant 0 : i32
      %dma_wait3A_423 = tpu.memref_slice %arg2[%dma_wait3A_421, %dma_wait3A_422] : memref<10000x128xf32, #tpu.memory_space<hbm>> -> memref<128x128xf32, #tpu.memory_space<hbm>>
      tpu.wait_dma2 semaphore(%arg11 : memref<!tpu.dma_semaphore, #tpu.memory_space<semaphore_mem>>) src(%dma_wait3A_423 : memref<128x128xf32, #tpu.memory_space<hbm>>) dst(%arg8 : memref<128x128xf32, #tpu.memory_space<vmem>>)
      %run_scoped3A_424 = arith.constant 1 : i32
      %run_scoped3A_425 = arith.constant 6 : i32
      "tpu.region"() ({
        %run_scoped3A_459 = tpu.sem_alloc : memref<!tpu.dma_semaphore, #tpu.memory_space<semaphore_mem>>
        %dma_start3A_460 = arith.constant 0 : i32
        %dma_start3A_461 = tpu.memref_slice %arg7[%run_scoped3A_424, %run_scoped3A_425, %dma_start3A_460] : memref<2x8x128xi32, #tpu.memory_space<vmem>> -> memref<1x1x128xi32, #tpu.memory_space<vmem>>
        %dma_start3A_462 = tpu.memref_squeeze %dma_start3A_461 : memref<1x1x128xi32, #tpu.memory_space<vmem>> -> memref<128xi32, #tpu.memory_space<vmem>>
        %dma_start3A_463 = arith.constant 0 : i32
        %dma_start3A_464 = arith.constant 0 : i32
        %dma_start3A_465 = tpu.memref_slice %arg10[%dma_start3A_463, %dma_start3A_464] : memref<10240x128xf32, #tpu.memory_space<vmem_shared>> -> memref<10240x128xf32, #tpu.memory_space<vmem_shared>>
        tpu.enqueue_indirect_dma source(%arg8 : memref<128x128xf32, #tpu.memory_space<vmem>>) target(%dma_start3A_465 : memref<10240x128xf32, #tpu.memory_space<vmem_shared>>) offsets(%dma_start3A_462 : memref<128xi32, #tpu.memory_space<vmem>>) semaphore(%run_scoped3A_459 : memref<!tpu.dma_semaphore, #tpu.memory_space<semaphore_mem>>) {add = true}
        %dma_wait3A_466 = arith.constant 0 : i32
        %dma_wait3A_467 = tpu.memref_slice %arg7[%run_scoped3A_424, %run_scoped3A_425, %dma_wait3A_466] : memref<2x8x128xi32, #tpu.memory_space<vmem>> -> memref<1x1x128xi32, #tpu.memory_space<vmem>>
        %dma_wait3A_468 = tpu.memref_squeeze %dma_wait3A_467 : memref<1x1x128xi32, #tpu.memory_space<vmem>> -> memref<128xi32, #tpu.memory_space<vmem>>
        %dma_wait3A_469 = arith.constant 0 : i32
        %dma_wait3A_470 = arith.constant 0 : i32
        %dma_wait3A_471 = tpu.memref_slice %arg10[%dma_wait3A_469, %dma_wait3A_470] : memref<10240x128xf32, #tpu.memory_space<vmem_shared>> -> memref<10240x128xf32, #tpu.memory_space<vmem_shared>>
        tpu.wait_indirect_dma semaphore(%run_scoped3A_459 : memref<!tpu.dma_semaphore, #tpu.memory_space<semaphore_mem>>) src(%arg8 : memref<128x128xf32, #tpu.memory_space<vmem>>) dst(%dma_wait3A_471 : memref<10240x128xf32, #tpu.memory_space<vmem_shared>>)
        tpu.yield
      }) : () -> ()
      %add3A_426 = arith.constant 1 : i32
      %add3A_427 = arith.addi %add3A_292, %add3A_426 : i32
      %lt3A_428 = arith.constant 20 : i32
      %lt3A_429 = arith.cmpi slt, %add3A_427, %lt3A_428 : i32
      %convert_element_type3A_430 = arith.extui %lt3A_429 : i1 to i32
      %cond3A_431 = arith.constant 0 : i32
      %cond3A_432 = arith.cmpi ne, %convert_element_type3A_430, %cond3A_431 : i32
      scf.if %cond3A_432 {
        %dma_wait3A_459 = arith.constant 0 : i32
        %dma_wait3A_460 = arith.constant 0 : i32
        %dma_wait3A_461 = arith.constant 0 : i32
        %dma_wait3A_462 = tpu.memref_slice %arg6[%dma_wait3A_459, %dma_wait3A_460, %dma_wait3A_461] : memref<2x8x128xi32, #tpu.memory_space<vmem>> -> memref<1x8x128xi32, #tpu.memory_space<vmem>>
        %dma_wait3A_463 = tpu.memref_squeeze %dma_wait3A_462 : memref<1x8x128xi32, #tpu.memory_space<vmem>> -> memref<8x128xi32, #tpu.memory_space<vmem>>
        %dma_wait3A_464 = arith.constant 0 : i32
        %dma_wait3A_465 = arith.constant 0 : i32
        %dma_wait3A_466 = tpu.memref_slice %arg3[%dma_wait3A_464, %dma_wait3A_465] : memref<2560x128xi32, #tpu.memory_space<hbm>> -> memref<8x128xi32, #tpu.memory_space<hbm>>
        %dma_wait3A_467 = arith.constant 0 : i32
        %dma_wait3A_468 = arith.constant 0 : i32
        %dma_wait3A_469 = tpu.memref_slice %arg6[%dma_wait3A_459, %dma_wait3A_467, %dma_wait3A_468] : memref<2x8x128xi32, #tpu.memory_space<vmem>> -> memref<1x8x128xi32, #tpu.memory_space<vmem>>
        %dma_wait3A_470 = tpu.memref_squeeze %dma_wait3A_469 : memref<1x8x128xi32, #tpu.memory_space<vmem>> -> memref<8x128xi32, #tpu.memory_space<vmem>>
        %dma_wait3A_471 = arith.constant 0 : i32
        %dma_wait3A_472 = arith.constant 0 : i32
        %dma_wait3A_473 = tpu.memref_slice %arg3[%dma_wait3A_471, %dma_wait3A_472] : memref<2560x128xi32, #tpu.memory_space<hbm>> -> memref<8x128xi32, #tpu.memory_space<hbm>>
        tpu.wait_dma2 semaphore(%arg13 : memref<!tpu.dma_semaphore, #tpu.memory_space<semaphore_mem>>) src(%dma_wait3A_473 : memref<8x128xi32, #tpu.memory_space<hbm>>) dst(%dma_wait3A_470 : memref<8x128xi32, #tpu.memory_space<vmem>>)
        %dma_wait3A_474 = arith.constant 0 : i32
        %dma_wait3A_475 = arith.constant 0 : i32
        %dma_wait3A_476 = arith.constant 0 : i32
        %dma_wait3A_477 = tpu.memref_slice %arg7[%dma_wait3A_474, %dma_wait3A_475, %dma_wait3A_476] : memref<2x8x128xi32, #tpu.memory_space<vmem>> -> memref<1x8x128xi32, #tpu.memory_space<vmem>>
        %dma_wait3A_478 = tpu.memref_squeeze %dma_wait3A_477 : memref<1x8x128xi32, #tpu.memory_space<vmem>> -> memref<8x128xi32, #tpu.memory_space<vmem>>
        %dma_wait3A_479 = arith.constant 0 : i32
        %dma_wait3A_480 = arith.constant 0 : i32
        %dma_wait3A_481 = tpu.memref_slice %arg4[%dma_wait3A_479, %dma_wait3A_480] : memref<2560x128xi32, #tpu.memory_space<hbm>> -> memref<8x128xi32, #tpu.memory_space<hbm>>
        %dma_wait3A_482 = arith.constant 0 : i32
        %dma_wait3A_483 = arith.constant 0 : i32
        %dma_wait3A_484 = tpu.memref_slice %arg7[%dma_wait3A_474, %dma_wait3A_482, %dma_wait3A_483] : memref<2x8x128xi32, #tpu.memory_space<vmem>> -> memref<1x8x128xi32, #tpu.memory_space<vmem>>
        %dma_wait3A_485 = tpu.memref_squeeze %dma_wait3A_484 : memref<1x8x128xi32, #tpu.memory_space<vmem>> -> memref<8x128xi32, #tpu.memory_space<vmem>>
        %dma_wait3A_486 = arith.constant 0 : i32
        %dma_wait3A_487 = arith.constant 0 : i32
        %dma_wait3A_488 = tpu.memref_slice %arg4[%dma_wait3A_486, %dma_wait3A_487] : memref<2560x128xi32, #tpu.memory_space<hbm>> -> memref<8x128xi32, #tpu.memory_space<hbm>>
        tpu.wait_dma2 semaphore(%arg13 : memref<!tpu.dma_semaphore, #tpu.memory_space<semaphore_mem>>) src(%dma_wait3A_488 : memref<8x128xi32, #tpu.memory_space<hbm>>) dst(%dma_wait3A_485 : memref<8x128xi32, #tpu.memory_space<vmem>>)
      } else {
      }
      %add3A_433 = arith.constant 2 : i32
      %add3A_434 = arith.addi %add3A_417, %add3A_433 : i32
      %lt3A_435 = arith.constant 160 : i32
      %lt3A_436 = arith.cmpi slt, %add3A_434, %lt3A_435 : i32
      %convert_element_type3A_437 = arith.extui %lt3A_436 : i1 to i32
      %cond3A_438 = arith.constant 0 : i32
      %cond3A_439 = arith.cmpi ne, %convert_element_type3A_437, %cond3A_438 : i32
      scf.if %cond3A_439 {
        %dma_start3A_459 = arith.constant 0 : i32
        %dma_start3A_460 = arith.constant 0 : i32
        %dma_start3A_461 = arith.constant 0 : i32
        %dma_start3A_462 = arith.constant 0 : i32
        %dma_start3A_463 = tpu.memref_slice %arg8[%dma_start3A_461, %dma_start3A_462] : memref<128x128xf32, #tpu.memory_space<vmem>> -> memref<64x128xf32, #tpu.memory_space<vmem>>
        %dma_start3A_464 = arith.constant 0 : i32
        %dma_start3A_465 = tpu.memref_slice %arg6[%dma_start3A_459, %dma_start3A_460, %dma_start3A_464] : memref<2x8x128xi32, #tpu.memory_space<vmem>> -> memref<1x1x64xi32, #tpu.memory_space<vmem>>
        %dma_start3A_466 = tpu.memref_squeeze %dma_start3A_465 : memref<1x1x64xi32, #tpu.memory_space<vmem>> -> memref<64xi32, #tpu.memory_space<vmem>>
        %dma_start3A_467 = arith.constant 0 : i32
        %dma_start3A_468 = arith.constant 0 : i32
        %dma_start3A_469 = tpu.memref_slice %arg2[%dma_start3A_467, %dma_start3A_468] : memref<10000x128xf32, #tpu.memory_space<hbm>> -> memref<10000x128xf32, #tpu.memory_space<hbm>>
        tpu.enqueue_indirect_dma source(%dma_start3A_469 : memref<10000x128xf32, #tpu.memory_space<hbm>>) target(%dma_start3A_463 : memref<64x128xf32, #tpu.memory_space<vmem>>) offsets(%dma_start3A_466 : memref<64xi32, #tpu.memory_space<vmem>>) semaphore(%arg11 : memref<!tpu.dma_semaphore, #tpu.memory_space<semaphore_mem>>)
        %dma_start3A_470 = arith.constant 0 : i32
        %dma_start3A_471 = arith.constant 0 : i32
        %dma_start3A_472 = arith.constant 64 : i32
        %dma_start3A_473 = arith.constant 0 : i32
        %dma_start3A_474 = tpu.memref_slice %arg8[%dma_start3A_472, %dma_start3A_473] : memref<128x128xf32, #tpu.memory_space<vmem>> -> memref<64x128xf32, #tpu.memory_space<vmem>>
        %dma_start3A_475 = arith.constant 64 : i32
        %dma_start3A_476 = tpu.memref_slice %arg6[%dma_start3A_470, %dma_start3A_471, %dma_start3A_475] : memref<2x8x128xi32, #tpu.memory_space<vmem>> -> memref<1x1x64xi32, #tpu.memory_space<vmem>>
        %dma_start3A_477 = tpu.memref_squeeze %dma_start3A_476 : memref<1x1x64xi32, #tpu.memory_space<vmem>> -> memref<64xi32, #tpu.memory_space<vmem>>
        %dma_start3A_478 = arith.constant 0 : i32
        %dma_start3A_479 = arith.constant 0 : i32
        %dma_start3A_480 = tpu.memref_slice %arg2[%dma_start3A_478, %dma_start3A_479] : memref<10000x128xf32, #tpu.memory_space<hbm>> -> memref<10000x128xf32, #tpu.memory_space<hbm>>
        tpu.enqueue_indirect_dma source(%dma_start3A_480 : memref<10000x128xf32, #tpu.memory_space<hbm>>) target(%dma_start3A_474 : memref<64x128xf32, #tpu.memory_space<vmem>>) offsets(%dma_start3A_477 : memref<64xi32, #tpu.memory_space<vmem>>) semaphore(%arg11 : memref<!tpu.dma_semaphore, #tpu.memory_space<semaphore_mem>>)
      } else {
      }
      %mul3A_440 = arith.constant 8 : i32
      %mul3A_441 = arith.muli %add3A_292, %mul3A_440 : i32
      %add3A_442 = arith.constant 7 : i32
      %add3A_443 = arith.addi %mul3A_441, %add3A_442 : i32
      %dma_wait3A_444 = arith.constant 0 : i32
      %dma_wait3A_445 = arith.constant 0 : i32
      %dma_wait3A_446 = tpu.memref_slice %arg2[%dma_wait3A_444, %dma_wait3A_445] : memref<10000x128xf32, #tpu.memory_space<hbm>> -> memref<128x128xf32, #tpu.memory_space<hbm>>
      %dma_wait3A_447 = arith.constant 0 : i32
      %dma_wait3A_448 = arith.constant 0 : i32
      %dma_wait3A_449 = tpu.memref_slice %arg2[%dma_wait3A_447, %dma_wait3A_448] : memref<10000x128xf32, #tpu.memory_space<hbm>> -> memref<128x128xf32, #tpu.memory_space<hbm>>
      tpu.wait_dma2 semaphore(%arg12 : memref<!tpu.dma_semaphore, #tpu.memory_space<semaphore_mem>>) src(%dma_wait3A_449 : memref<128x128xf32, #tpu.memory_space<hbm>>) dst(%arg9 : memref<128x128xf32, #tpu.memory_space<vmem>>)
      %run_scoped3A_450 = arith.constant 1 : i32
      %run_scoped3A_451 = arith.constant 7 : i32
      "tpu.region"() ({
        %run_scoped3A_459 = tpu.sem_alloc : memref<!tpu.dma_semaphore, #tpu.memory_space<semaphore_mem>>
        %dma_start3A_460 = arith.constant 0 : i32
        %dma_start3A_461 = tpu.memref_slice %arg7[%run_scoped3A_450, %run_scoped3A_451, %dma_start3A_460] : memref<2x8x128xi32, #tpu.memory_space<vmem>> -> memref<1x1x128xi32, #tpu.memory_space<vmem>>
        %dma_start3A_462 = tpu.memref_squeeze %dma_start3A_461 : memref<1x1x128xi32, #tpu.memory_space<vmem>> -> memref<128xi32, #tpu.memory_space<vmem>>
        %dma_start3A_463 = arith.constant 0 : i32
        %dma_start3A_464 = arith.constant 0 : i32
        %dma_start3A_465 = tpu.memref_slice %arg10[%dma_start3A_463, %dma_start3A_464] : memref<10240x128xf32, #tpu.memory_space<vmem_shared>> -> memref<10240x128xf32, #tpu.memory_space<vmem_shared>>
        tpu.enqueue_indirect_dma source(%arg9 : memref<128x128xf32, #tpu.memory_space<vmem>>) target(%dma_start3A_465 : memref<10240x128xf32, #tpu.memory_space<vmem_shared>>) offsets(%dma_start3A_462 : memref<128xi32, #tpu.memory_space<vmem>>) semaphore(%run_scoped3A_459 : memref<!tpu.dma_semaphore, #tpu.memory_space<semaphore_mem>>) {add = true}
        %dma_wait3A_466 = arith.constant 0 : i32
        %dma_wait3A_467 = tpu.memref_slice %arg7[%run_scoped3A_450, %run_scoped3A_451, %dma_wait3A_466] : memref<2x8x128xi32, #tpu.memory_space<vmem>> -> memref<1x1x128xi32, #tpu.memory_space<vmem>>
        %dma_wait3A_468 = tpu.memref_squeeze %dma_wait3A_467 : memref<1x1x128xi32, #tpu.memory_space<vmem>> -> memref<128xi32, #tpu.memory_space<vmem>>
        %dma_wait3A_469 = arith.constant 0 : i32
        %dma_wait3A_470 = arith.constant 0 : i32
        %dma_wait3A_471 = tpu.memref_slice %arg10[%dma_wait3A_469, %dma_wait3A_470] : memref<10240x128xf32, #tpu.memory_space<vmem_shared>> -> memref<10240x128xf32, #tpu.memory_space<vmem_shared>>
        tpu.wait_indirect_dma semaphore(%run_scoped3A_459 : memref<!tpu.dma_semaphore, #tpu.memory_space<semaphore_mem>>) src(%arg9 : memref<128x128xf32, #tpu.memory_space<vmem>>) dst(%dma_wait3A_471 : memref<10240x128xf32, #tpu.memory_space<vmem_shared>>)
        tpu.yield
      }) : () -> ()
      %add3A_452 = arith.constant 2 : i32
      %add3A_453 = arith.addi %add3A_443, %add3A_452 : i32
      %lt3A_454 = arith.constant 160 : i32
      %lt3A_455 = arith.cmpi slt, %add3A_453, %lt3A_454 : i32
      %convert_element_type3A_456 = arith.extui %lt3A_455 : i1 to i32
      %cond3A_457 = arith.constant 0 : i32
      %cond3A_458 = arith.cmpi ne, %convert_element_type3A_456, %cond3A_457 : i32
      scf.if %cond3A_458 {
        %dma_start3A_459 = arith.constant 0 : i32
        %dma_start3A_460 = arith.constant 1 : i32
        %dma_start3A_461 = arith.constant 0 : i32
        %dma_start3A_462 = arith.constant 0 : i32
        %dma_start3A_463 = tpu.memref_slice %arg9[%dma_start3A_461, %dma_start3A_462] : memref<128x128xf32, #tpu.memory_space<vmem>> -> memref<64x128xf32, #tpu.memory_space<vmem>>
        %dma_start3A_464 = arith.constant 0 : i32
        %dma_start3A_465 = tpu.memref_slice %arg6[%dma_start3A_459, %dma_start3A_460, %dma_start3A_464] : memref<2x8x128xi32, #tpu.memory_space<vmem>> -> memref<1x1x64xi32, #tpu.memory_space<vmem>>
        %dma_start3A_466 = tpu.memref_squeeze %dma_start3A_465 : memref<1x1x64xi32, #tpu.memory_space<vmem>> -> memref<64xi32, #tpu.memory_space<vmem>>
        %dma_start3A_467 = arith.constant 0 : i32
        %dma_start3A_468 = arith.constant 0 : i32
        %dma_start3A_469 = tpu.memref_slice %arg2[%dma_start3A_467, %dma_start3A_468] : memref<10000x128xf32, #tpu.memory_space<hbm>> -> memref<10000x128xf32, #tpu.memory_space<hbm>>
        tpu.enqueue_indirect_dma source(%dma_start3A_469 : memref<10000x128xf32, #tpu.memory_space<hbm>>) target(%dma_start3A_463 : memref<64x128xf32, #tpu.memory_space<vmem>>) offsets(%dma_start3A_466 : memref<64xi32, #tpu.memory_space<vmem>>) semaphore(%arg12 : memref<!tpu.dma_semaphore, #tpu.memory_space<semaphore_mem>>)
        %dma_start3A_470 = arith.constant 0 : i32
        %dma_start3A_471 = arith.constant 1 : i32
        %dma_start3A_472 = arith.constant 64 : i32
        %dma_start3A_473 = arith.constant 0 : i32
        %dma_start3A_474 = tpu.memref_slice %arg9[%dma_start3A_472, %dma_start3A_473] : memref<128x128xf32, #tpu.memory_space<vmem>> -> memref<64x128xf32, #tpu.memory_space<vmem>>
        %dma_start3A_475 = arith.constant 64 : i32
        %dma_start3A_476 = tpu.memref_slice %arg6[%dma_start3A_470, %dma_start3A_471, %dma_start3A_475] : memref<2x8x128xi32, #tpu.memory_space<vmem>> -> memref<1x1x64xi32, #tpu.memory_space<vmem>>
        %dma_start3A_477 = tpu.memref_squeeze %dma_start3A_476 : memref<1x1x64xi32, #tpu.memory_space<vmem>> -> memref<64xi32, #tpu.memory_space<vmem>>
        %dma_start3A_478 = arith.constant 0 : i32
        %dma_start3A_479 = arith.constant 0 : i32
        %dma_start3A_480 = tpu.memref_slice %arg2[%dma_start3A_478, %dma_start3A_479] : memref<10000x128xf32, #tpu.memory_space<hbm>> -> memref<10000x128xf32, #tpu.memory_space<hbm>>
        tpu.enqueue_indirect_dma source(%dma_start3A_480 : memref<10000x128xf32, #tpu.memory_space<hbm>>) target(%dma_start3A_474 : memref<64x128xf32, #tpu.memory_space<vmem>>) offsets(%dma_start3A_477 : memref<64xi32, #tpu.memory_space<vmem>>) semaphore(%arg12 : memref<!tpu.dma_semaphore, #tpu.memory_space<semaphore_mem>>)
      } else {
      }
    }
    %scan3A_116 = arith.constant 10 : i32
    %barrier3A_117 = arith.constant 0 : index
    tpu.barrier barrier_id(%barrier3A_117)
    %mul3A_118 = arith.constant 640 : i32
    %mul3A_119 = arith.muli %arg1, %mul3A_118 : i32
    %mul3A_120 = arith.constant 640 : i32
    %mul3A_121 = arith.muli %arg1, %mul3A_120 : i32
    "tpu.region"() ({
      %run_scoped3A = tpu.sem_alloc : memref<!tpu.dma_semaphore, #tpu.memory_space<semaphore_mem>>
      %dma_start3A_122 = arith.constant 0 : i32
      %dma_start3A_123 = tpu.memref_slice %arg5[%mul3A_121, %dma_start3A_122] : memref<10240x128xf32, #tpu.memory_space<hbm>> -> memref<640x128xf32, #tpu.memory_space<hbm>>
      %dma_start3A_124 = arith.constant 0 : i32
      %dma_start3A_125 = tpu.memref_slice %arg10[%mul3A_119, %dma_start3A_124] : memref<10240x128xf32, #tpu.memory_space<vmem_shared>> -> memref<640x128xf32, #tpu.memory_space<vmem_shared>>
      tpu.enqueue_dma source(%dma_start3A_125 : memref<640x128xf32, #tpu.memory_space<vmem_shared>>) target(%dma_start3A_123 : memref<640x128xf32, #tpu.memory_space<hbm>>) target_semaphore(%run_scoped3A : memref<!tpu.dma_semaphore, #tpu.memory_space<semaphore_mem>>)
      %dma_wait3A_126 = arith.constant 0 : i32
      %dma_wait3A_127 = tpu.memref_slice %arg5[%mul3A_121, %dma_wait3A_126] : memref<10240x128xf32, #tpu.memory_space<hbm>> -> memref<640x128xf32, #tpu.memory_space<hbm>>
      %dma_wait3A_128 = arith.constant 0 : i32
      %dma_wait3A_129 = tpu.memref_slice %arg10[%mul3A_119, %dma_wait3A_128] : memref<10240x128xf32, #tpu.memory_space<vmem_shared>> -> memref<640x128xf32, #tpu.memory_space<vmem_shared>>
      tpu.wait_dma2 semaphore(%run_scoped3A : memref<!tpu.dma_semaphore, #tpu.memory_space<semaphore_mem>>) src(%dma_wait3A_129 : memref<640x128xf32, #tpu.memory_space<vmem_shared>>) dst(%dma_wait3A_127 : memref<640x128xf32, #tpu.memory_space<hbm>>)
      tpu.yield
    }) : () -> ()
    return
  }
}

#map = affine_map<(d0, d1) -> (0, 0)>
module attributes {stable_mosaic.version = 14 : i64} {
  func.func @_edge_agg_body(%arg0: i32, %arg1: i32, %arg2: memref<10000x128xf32, #tpu.memory_space<hbm>>, %arg3: memref<2560x128xi32, #tpu.memory_space<hbm>>, %arg4: memref<2560x128xi32, #tpu.memory_space<hbm>>, %arg5: memref<10240x128xf32, #tpu.memory_space<hbm>>, %arg6: memref<2x8x128xi32, #tpu.memory_space<vmem>>, %arg7: memref<2x8x128xi32, #tpu.memory_space<vmem>>, %arg8: memref<128x128xf32, #tpu.memory_space<vmem>>, %arg9: memref<128x128xf32, #tpu.memory_space<vmem>>, %arg10: memref<10240x128xf32, #tpu.memory_space<vmem_shared>>, %arg11: memref<!tpu.dma_semaphore, #tpu.memory_space<semaphore_mem>>, %arg12: memref<!tpu.dma_semaphore, #tpu.memory_space<semaphore_mem>>, %arg13: memref<!tpu.dma_semaphore, #tpu.memory_space<semaphore_mem>>, %arg14: memref<!tpu.dma_semaphore, #tpu.memory_space<semaphore_mem>>) attributes {dimension_semantics = [#tpu.dimension_semantics<core_parallel>, #tpu.dimension_semantics<subcore_parallel>], iteration_bounds = array<i64: 1, 16>, scalar_prefetch = 0 : i64, scratch_operands = 9 : i64, tpu.core_type = #tpu.core_type<sc_vector_subcore>, window_params = [{transform_indices = #map}, {transform_indices = #map}, {transform_indices = #map}, {transform_indices = #map}]} {
    %mul3A = arith.constant 160 : i32
    %mul3A_0 = arith.muli %arg1, %mul3A : i32
    %broadcast_in_dim3A = arith.constant 0.000000e+00 : f32
    %broadcast_in_dim3A_1 = vector.broadcast %broadcast_in_dim3A : f32 to vector<16xf32>
    %scan3A = arith.constant 0 : i32
    %scan3A_2 = arith.constant 128 : i32
    %scan3A_3 = arith.addi %scan3A, %scan3A_2 : i32
    %scan3A_4 = arith.constant 1 : i32
    scf.for %scan3A_122 = %scan3A to %scan3A_3 step %scan3A_4  : i32 {
      %mul3A_123 = arith.constant 1 : i32
      %mul3A_124 = arith.muli %scan3A_122, %mul3A_123 : i32
      %add3A_125 = arith.constant 0 : i32
      %add3A_126 = arith.addi %add3A_125, %mul3A_124 : i32
      %swap3A = arith.index_cast %add3A_126 : i32 to index
      %swap3A_127 = arith.constant 0 : index
      %swap3A_128 = tpu.vector_load %arg8[%swap3A, %swap3A_127] {strides = array<i32>} : memref<128x128xf32, #tpu.memory_space<vmem>>, vector<1x16xf32>,
      %swap3A_129 = vector.shape_cast %swap3A_128 : vector<1x16xf32> to vector<16xf32>
      %swap3A_130 = vector.shape_cast %broadcast_in_dim3A_1 : vector<16xf32> to vector<1x16xf32>
      tpu.vector_store %arg8[%swap3A, %swap3A_127], %swap3A_130 {strides = array<i32>} : memref<128x128xf32, #tpu.memory_space<vmem>>, vector<1x16xf32>,
      %swap3A_131 = arith.index_cast %add3A_126 : i32 to index
      %swap3A_132 = arith.constant 16 : index
      %swap3A_133 = tpu.vector_load %arg8[%swap3A_131, %swap3A_132] {strides = array<i32>} : memref<128x128xf32, #tpu.memory_space<vmem>>, vector<1x16xf32>,
      %swap3A_134 = vector.shape_cast %swap3A_133 : vector<1x16xf32> to vector<16xf32>
      %swap3A_135 = vector.shape_cast %broadcast_in_dim3A_1 : vector<16xf32> to vector<1x16xf32>
      tpu.vector_store %arg8[%swap3A_131, %swap3A_132], %swap3A_135 {strides = array<i32>} : memref<128x128xf32, #tpu.memory_space<vmem>>, vector<1x16xf32>,
      %swap3A_136 = arith.index_cast %add3A_126 : i32 to index
      %swap3A_137 = arith.constant 32 : index
      %swap3A_138 = tpu.vector_load %arg8[%swap3A_136, %swap3A_137] {strides = array<i32>} : memref<128x128xf32, #tpu.memory_space<vmem>>, vector<1x16xf32>,
      %swap3A_139 = vector.shape_cast %swap3A_138 : vector<1x16xf32> to vector<16xf32>
      %swap3A_140 = vector.shape_cast %broadcast_in_dim3A_1 : vector<16xf32> to vector<1x16xf32>
      tpu.vector_store %arg8[%swap3A_136, %swap3A_137], %swap3A_140 {strides = array<i32>} : memref<128x128xf32, #tpu.memory_space<vmem>>, vector<1x16xf32>,
      %swap3A_141 = arith.index_cast %add3A_126 : i32 to index
      %swap3A_142 = arith.constant 48 : index
      %swap3A_143 = tpu.vector_load %arg8[%swap3A_141, %swap3A_142] {strides = array<i32>} : memref<128x128xf32, #tpu.memory_space<vmem>>, vector<1x16xf32>,
      %swap3A_144 = vector.shape_cast %swap3A_143 : vector<1x16xf32> to vector<16xf32>
      %swap3A_145 = vector.shape_cast %broadcast_in_dim3A_1 : vector<16xf32> to vector<1x16xf32>
      tpu.vector_store %arg8[%swap3A_141, %swap3A_142], %swap3A_145 {strides = array<i32>} : memref<128x128xf32, #tpu.memory_space<vmem>>, vector<1x16xf32>,
      %swap3A_146 = arith.index_cast %add3A_126 : i32 to index
      %swap3A_147 = arith.constant 64 : index
      %swap3A_148 = tpu.vector_load %arg8[%swap3A_146, %swap3A_147] {strides = array<i32>} : memref<128x128xf32, #tpu.memory_space<vmem>>, vector<1x16xf32>,
      %swap3A_149 = vector.shape_cast %swap3A_148 : vector<1x16xf32> to vector<16xf32>
      %swap3A_150 = vector.shape_cast %broadcast_in_dim3A_1 : vector<16xf32> to vector<1x16xf32>
      tpu.vector_store %arg8[%swap3A_146, %swap3A_147], %swap3A_150 {strides = array<i32>} : memref<128x128xf32, #tpu.memory_space<vmem>>, vector<1x16xf32>,
      %swap3A_151 = arith.index_cast %add3A_126 : i32 to index
      %swap3A_152 = arith.constant 80 : index
      %swap3A_153 = tpu.vector_load %arg8[%swap3A_151, %swap3A_152] {strides = array<i32>} : memref<128x128xf32, #tpu.memory_space<vmem>>, vector<1x16xf32>,
      %swap3A_154 = vector.shape_cast %swap3A_153 : vector<1x16xf32> to vector<16xf32>
      %swap3A_155 = vector.shape_cast %broadcast_in_dim3A_1 : vector<16xf32> to vector<1x16xf32>
      tpu.vector_store %arg8[%swap3A_151, %swap3A_152], %swap3A_155 {strides = array<i32>} : memref<128x128xf32, #tpu.memory_space<vmem>>, vector<1x16xf32>,
      %swap3A_156 = arith.index_cast %add3A_126 : i32 to index
      %swap3A_157 = arith.constant 96 : index
      %swap3A_158 = tpu.vector_load %arg8[%swap3A_156, %swap3A_157] {strides = array<i32>} : memref<128x128xf32, #tpu.memory_space<vmem>>, vector<1x16xf32>,
      %swap3A_159 = vector.shape_cast %swap3A_158 : vector<1x16xf32> to vector<16xf32>
      %swap3A_160 = vector.shape_cast %broadcast_in_dim3A_1 : vector<16xf32> to vector<1x16xf32>
      tpu.vector_store %arg8[%swap3A_156, %swap3A_157], %swap3A_160 {strides = array<i32>} : memref<128x128xf32, #tpu.memory_space<vmem>>, vector<1x16xf32>,
      %swap3A_161 = arith.index_cast %add3A_126 : i32 to index
      %swap3A_162 = arith.constant 112 : index
      %swap3A_163 = tpu.vector_load %arg8[%swap3A_161, %swap3A_162] {strides = array<i32>} : memref<128x128xf32, #tpu.memory_space<vmem>>, vector<1x16xf32>,
      %swap3A_164 = vector.shape_cast %swap3A_163 : vector<1x16xf32> to vector<16xf32>
      %swap3A_165 = vector.shape_cast %broadcast_in_dim3A_1 : vector<16xf32> to vector<1x16xf32>
      tpu.vector_store %arg8[%swap3A_161, %swap3A_162], %swap3A_165 {strides = array<i32>} : memref<128x128xf32, #tpu.memory_space<vmem>>, vector<1x16xf32>,
    }
    %scan3A_5 = arith.constant 128 : i32
    %scan3A_6 = arith.constant 0 : i32
    %scan3A_7 = arith.constant 5 : i32
    %scan3A_8 = arith.addi %scan3A_6, %scan3A_7 : i32
    %scan3A_9 = arith.constant 1 : i32
    scf.for %scan3A_122 = %scan3A_6 to %scan3A_8 step %scan3A_9  : i32 {
      %mul3A_123 = arith.constant 1 : i32
      %mul3A_124 = arith.muli %scan3A_122, %mul3A_123 : i32
      %add3A_125 = arith.constant 0 : i32
      %add3A_126 = arith.addi %add3A_125, %mul3A_124 : i32
      %mul3A_127 = arith.constant 640 : i32
      %mul3A_128 = arith.muli %arg1, %mul3A_127 : i32
      %mul3A_129 = arith.constant 128 : i32
      %mul3A_130 = arith.muli %add3A_126, %mul3A_129 : i32
      %add3A_131 = arith.addi %mul3A_128, %mul3A_130 : i32
      "tpu.region"() ({
        %run_scoped3A = tpu.sem_alloc : memref<!tpu.dma_semaphore, #tpu.memory_space<semaphore_mem>>
        %dma_start3A_132 = arith.constant 0 : i32
        %dma_start3A_133 = tpu.memref_slice %arg10[%add3A_131, %dma_start3A_132] : memref<10240x128xf32, #tpu.memory_space<vmem_shared>> -> memref<128x128xf32, #tpu.memory_space<vmem_shared>>
        %dma_start3A_134 = arith.constant 0 : i32
        %dma_start3A_135 = tpu.memref_slice %arg10[%add3A_131, %dma_start3A_134] : memref<10240x128xf32, #tpu.memory_space<vmem_shared>> -> memref<128x128xf32, #tpu.memory_space<vmem_shared>>
        tpu.enqueue_dma source(%arg8 : memref<128x128xf32, #tpu.memory_space<vmem>>) target(%dma_start3A_135 : memref<128x128xf32, #tpu.memory_space<vmem_shared>>) target_semaphore(%run_scoped3A : memref<!tpu.dma_semaphore, #tpu.memory_space<semaphore_mem>>)
        %dma_wait3A_136 = arith.constant 0 : i32
        %dma_wait3A_137 = tpu.memref_slice %arg10[%add3A_131, %dma_wait3A_136] : memref<10240x128xf32, #tpu.memory_space<vmem_shared>> -> memref<128x128xf32, #tpu.memory_space<vmem_shared>>
        %dma_wait3A_138 = arith.constant 0 : i32
        %dma_wait3A_139 = tpu.memref_slice %arg10[%add3A_131, %dma_wait3A_138] : memref<10240x128xf32, #tpu.memory_space<vmem_shared>> -> memref<128x128xf32, #tpu.memory_space<vmem_shared>>
        tpu.wait_dma2 semaphore(%run_scoped3A : memref<!tpu.dma_semaphore, #tpu.memory_space<semaphore_mem>>) src(%arg8 : memref<128x128xf32, #tpu.memory_space<vmem>>) dst(%dma_wait3A_139 : memref<128x128xf32, #tpu.memory_space<vmem_shared>>)
        tpu.yield
      }) : () -> ()
    }
    %scan3A_10 = arith.constant 5 : i32
    %barrier3A = arith.constant 0 : index
    tpu.barrier barrier_id(%barrier3A)
    %add3A = arith.constant 0 : i32
    %add3A_11 = arith.addi %mul3A_0, %add3A : i32
    %dma_start3A = arith.constant 0 : i32
    %dma_start3A_12 = arith.constant 0 : i32
    %dma_start3A_13 = arith.constant 0 : i32
    %dma_start3A_14 = tpu.memref_slice %arg6[%dma_start3A, %dma_start3A_12, %dma_start3A_13] : memref<2x8x128xi32, #tpu.memory_space<vmem>> -> memref<1x8x128xi32, #tpu.memory_space<vmem>>
    %dma_start3A_15 = tpu.memref_squeeze %dma_start3A_14 : memref<1x8x128xi32, #tpu.memory_space<vmem>> -> memref<8x128xi32, #tpu.memory_space<vmem>>
    %dma_start3A_16 = arith.constant 0 : i32
    %dma_start3A_17 = tpu.memref_slice %arg3[%add3A_11, %dma_start3A_16] : memref<2560x128xi32, #tpu.memory_space<hbm>> -> memref<8x128xi32, #tpu.memory_space<hbm>>
    %dma_start3A_18 = arith.constant 0 : i32
    %dma_start3A_19 = arith.constant 0 : i32
    %dma_start3A_20 = tpu.memref_slice %arg6[%dma_start3A, %dma_start3A_18, %dma_start3A_19] : memref<2x8x128xi32, #tpu.memory_space<vmem>> -> memref<1x8x128xi32, #tpu.memory_space<vmem>>
    %dma_start3A_21 = tpu.memref_squeeze %dma_start3A_20 : memref<1x8x128xi32, #tpu.memory_space<vmem>> -> memref<8x128xi32, #tpu.memory_space<vmem>>
    %dma_start3A_22 = arith.constant 0 : i32
    %dma_start3A_23 = tpu.memref_slice %arg3[%add3A_11, %dma_start3A_22] : memref<2560x128xi32, #tpu.memory_space<hbm>> -> memref<8x128xi32, #tpu.memory_space<hbm>>
    tpu.enqueue_dma source(%dma_start3A_23 : memref<8x128xi32, #tpu.memory_space<hbm>>) target(%dma_start3A_21 : memref<8x128xi32, #tpu.memory_space<vmem>>) target_semaphore(%arg13 : memref<!tpu.dma_semaphore, #tpu.memory_space<semaphore_mem>>)
    %add3A_24 = arith.constant 0 : i32
    %add3A_25 = arith.addi %mul3A_0, %add3A_24 : i32
    %dma_start3A_26 = arith.constant 0 : i32
    %dma_start3A_27 = arith.constant 0 : i32
    %dma_start3A_28 = arith.constant 0 : i32
    %dma_start3A_29 = tpu.memref_slice %arg7[%dma_start3A_26, %dma_start3A_27, %dma_start3A_28] : memref<2x8x128xi32, #tpu.memory_space<vmem>> -> memref<1x8x128xi32, #tpu.memory_space<vmem>>
    %dma_start3A_30 = tpu.memref_squeeze %dma_start3A_29 : memref<1x8x128xi32, #tpu.memory_space<vmem>> -> memref<8x128xi32, #tpu.memory_space<vmem>>
    %dma_start3A_31 = arith.constant 0 : i32
    %dma_start3A_32 = tpu.memref_slice %arg4[%add3A_25, %dma_start3A_31] : memref<2560x128xi32, #tpu.memory_space<hbm>> -> memref<8x128xi32, #tpu.memory_space<hbm>>
    %dma_start3A_33 = arith.constant 0 : i32
    %dma_start3A_34 = arith.constant 0 : i32
    %dma_start3A_35 = tpu.memref_slice %arg7[%dma_start3A_26, %dma_start3A_33, %dma_start3A_34] : memref<2x8x128xi32, #tpu.memory_space<vmem>> -> memref<1x8x128xi32, #tpu.memory_space<vmem>>
    %dma_start3A_36 = tpu.memref_squeeze %dma_start3A_35 : memref<1x8x128xi32, #tpu.memory_space<vmem>> -> memref<8x128xi32, #tpu.memory_space<vmem>>
    %dma_start3A_37 = arith.constant 0 : i32
    %dma_start3A_38 = tpu.memref_slice %arg4[%add3A_25, %dma_start3A_37] : memref<2560x128xi32, #tpu.memory_space<hbm>> -> memref<8x128xi32, #tpu.memory_space<hbm>>
    tpu.enqueue_dma source(%dma_start3A_38 : memref<8x128xi32, #tpu.memory_space<hbm>>) target(%dma_start3A_36 : memref<8x128xi32, #tpu.memory_space<vmem>>) target_semaphore(%arg13 : memref<!tpu.dma_semaphore, #tpu.memory_space<semaphore_mem>>)
    %dma_wait3A = arith.constant 0 : i32
    %dma_wait3A_39 = arith.constant 0 : i32
    %dma_wait3A_40 = arith.constant 0 : i32
    %dma_wait3A_41 = tpu.memref_slice %arg6[%dma_wait3A, %dma_wait3A_39, %dma_wait3A_40] : memref<2x8x128xi32, #tpu.memory_space<vmem>> -> memref<1x8x128xi32, #tpu.memory_space<vmem>>
    %dma_wait3A_42 = tpu.memref_squeeze %dma_wait3A_41 : memref<1x8x128xi32, #tpu.memory_space<vmem>> -> memref<8x128xi32, #tpu.memory_space<vmem>>
    %dma_wait3A_43 = arith.constant 0 : i32
    %dma_wait3A_44 = arith.constant 0 : i32
    %dma_wait3A_45 = tpu.memref_slice %arg3[%dma_wait3A_43, %dma_wait3A_44] : memref<2560x128xi32, #tpu.memory_space<hbm>> -> memref<8x128xi32, #tpu.memory_space<hbm>>
    %dma_wait3A_46 = arith.constant 0 : i32
    %dma_wait3A_47 = arith.constant 0 : i32
    %dma_wait3A_48 = tpu.memref_slice %arg6[%dma_wait3A, %dma_wait3A_46, %dma_wait3A_47] : memref<2x8x128xi32, #tpu.memory_space<vmem>> -> memref<1x8x128xi32, #tpu.memory_space<vmem>>
    %dma_wait3A_49 = tpu.memref_squeeze %dma_wait3A_48 : memref<1x8x128xi32, #tpu.memory_space<vmem>> -> memref<8x128xi32, #tpu.memory_space<vmem>>
    %dma_wait3A_50 = arith.constant 0 : i32
    %dma_wait3A_51 = arith.constant 0 : i32
    %dma_wait3A_52 = tpu.memref_slice %arg3[%dma_wait3A_50, %dma_wait3A_51] : memref<2560x128xi32, #tpu.memory_space<hbm>> -> memref<8x128xi32, #tpu.memory_space<hbm>>
    tpu.wait_dma2 semaphore(%arg13 : memref<!tpu.dma_semaphore, #tpu.memory_space<semaphore_mem>>) src(%dma_wait3A_52 : memref<8x128xi32, #tpu.memory_space<hbm>>) dst(%dma_wait3A_49 : memref<8x128xi32, #tpu.memory_space<vmem>>)
    %dma_wait3A_53 = arith.constant 0 : i32
    %dma_wait3A_54 = arith.constant 0 : i32
    %dma_wait3A_55 = arith.constant 0 : i32
    %dma_wait3A_56 = tpu.memref_slice %arg7[%dma_wait3A_53, %dma_wait3A_54, %dma_wait3A_55] : memref<2x8x128xi32, #tpu.memory_space<vmem>> -> memref<1x8x128xi32, #tpu.memory_space<vmem>>
    %dma_wait3A_57 = tpu.memref_squeeze %dma_wait3A_56 : memref<1x8x128xi32, #tpu.memory_space<vmem>> -> memref<8x128xi32, #tpu.memory_space<vmem>>
    %dma_wait3A_58 = arith.constant 0 : i32
    %dma_wait3A_59 = arith.constant 0 : i32
    %dma_wait3A_60 = tpu.memref_slice %arg4[%dma_wait3A_58, %dma_wait3A_59] : memref<2560x128xi32, #tpu.memory_space<hbm>> -> memref<8x128xi32, #tpu.memory_space<hbm>>
    %dma_wait3A_61 = arith.constant 0 : i32
    %dma_wait3A_62 = arith.constant 0 : i32
    %dma_wait3A_63 = tpu.memref_slice %arg7[%dma_wait3A_53, %dma_wait3A_61, %dma_wait3A_62] : memref<2x8x128xi32, #tpu.memory_space<vmem>> -> memref<1x8x128xi32, #tpu.memory_space<vmem>>
    %dma_wait3A_64 = tpu.memref_squeeze %dma_wait3A_63 : memref<1x8x128xi32, #tpu.memory_space<vmem>> -> memref<8x128xi32, #tpu.memory_space<vmem>>
    %dma_wait3A_65 = arith.constant 0 : i32
    %dma_wait3A_66 = arith.constant 0 : i32
    %dma_wait3A_67 = tpu.memref_slice %arg4[%dma_wait3A_65, %dma_wait3A_66] : memref<2560x128xi32, #tpu.memory_space<hbm>> -> memref<8x128xi32, #tpu.memory_space<hbm>>
    tpu.wait_dma2 semaphore(%arg13 : memref<!tpu.dma_semaphore, #tpu.memory_space<semaphore_mem>>) src(%dma_wait3A_67 : memref<8x128xi32, #tpu.memory_space<hbm>>) dst(%dma_wait3A_64 : memref<8x128xi32, #tpu.memory_space<vmem>>)
    %dma_start3A_68 = arith.constant 0 : i32
    %dma_start3A_69 = arith.constant 0 : i32
    %dma_start3A_70 = arith.constant 0 : i32
    %dma_start3A_71 = arith.constant 0 : i32
    %dma_start3A_72 = tpu.memref_slice %arg8[%dma_start3A_70, %dma_start3A_71] : memref<128x128xf32, #tpu.memory_space<vmem>> -> memref<64x128xf32, #tpu.memory_space<vmem>>
    %dma_start3A_73 = arith.constant 0 : i32
    %dma_start3A_74 = tpu.memref_slice %arg6[%dma_start3A_68, %dma_start3A_69, %dma_start3A_73] : memref<2x8x128xi32, #tpu.memory_space<vmem>> -> memref<1x1x64xi32, #tpu.memory_space<vmem>>
    %dma_start3A_75 = tpu.memref_squeeze %dma_start3A_74 : memref<1x1x64xi32, #tpu.memory_space<vmem>> -> memref<64xi32, #tpu.memory_space<vmem>>
    %dma_start3A_76 = arith.constant 0 : i32
    %dma_start3A_77 = arith.constant 0 : i32
    %dma_start3A_78 = tpu.memref_slice %arg2[%dma_start3A_76, %dma_start3A_77] : memref<10000x128xf32, #tpu.memory_space<hbm>> -> memref<10000x128xf32, #tpu.memory_space<hbm>>
    tpu.enqueue_indirect_dma source(%dma_start3A_78 : memref<10000x128xf32, #tpu.memory_space<hbm>>) target(%dma_start3A_72 : memref<64x128xf32, #tpu.memory_space<vmem>>) offsets(%dma_start3A_75 : memref<64xi32, #tpu.memory_space<vmem>>) semaphore(%arg11 : memref<!tpu.dma_semaphore, #tpu.memory_space<semaphore_mem>>)
    %dma_start3A_79 = arith.constant 0 : i32
    %dma_start3A_80 = arith.constant 0 : i32
    %dma_start3A_81 = arith.constant 64 : i32
    %dma_start3A_82 = arith.constant 0 : i32
    %dma_start3A_83 = tpu.memref_slice %arg8[%dma_start3A_81, %dma_start3A_82] : memref<128x128xf32, #tpu.memory_space<vmem>> -> memref<64x128xf32, #tpu.memory_space<vmem>>
    %dma_start3A_84 = arith.constant 64 : i32
    %dma_start3A_85 = tpu.memref_slice %arg6[%dma_start3A_79, %dma_start3A_80, %dma_start3A_84] : memref<2x8x128xi32, #tpu.memory_space<vmem>> -> memref<1x1x64xi32, #tpu.memory_space<vmem>>
    %dma_start3A_86 = tpu.memref_squeeze %dma_start3A_85 : memref<1x1x64xi32, #tpu.memory_space<vmem>> -> memref<64xi32, #tpu.memory_space<vmem>>
    %dma_start3A_87 = arith.constant 0 : i32
    %dma_start3A_88 = arith.constant 0 : i32
    %dma_start3A_89 = tpu.memref_slice %arg2[%dma_start3A_87, %dma_start3A_88] : memref<10000x128xf32, #tpu.memory_space<hbm>> -> memref<10000x128xf32, #tpu.memory_space<hbm>>
    tpu.enqueue_indirect_dma source(%dma_start3A_89 : memref<10000x128xf32, #tpu.memory_space<hbm>>) target(%dma_start3A_83 : memref<64x128xf32, #tpu.memory_space<vmem>>) offsets(%dma_start3A_86 : memref<64xi32, #tpu.memory_space<vmem>>) semaphore(%arg11 : memref<!tpu.dma_semaphore, #tpu.memory_space<semaphore_mem>>)
    %dma_start3A_90 = arith.constant 0 : i32
    %dma_start3A_91 = arith.constant 1 : i32
    %dma_start3A_92 = arith.constant 0 : i32
    %dma_start3A_93 = arith.constant 0 : i32
    %dma_start3A_94 = tpu.memref_slice %arg9[%dma_start3A_92, %dma_start3A_93] : memref<128x128xf32, #tpu.memory_space<vmem>> -> memref<64x128xf32, #tpu.memory_space<vmem>>
    %dma_start3A_95 = arith.constant 0 : i32
    %dma_start3A_96 = tpu.memref_slice %arg6[%dma_start3A_90, %dma_start3A_91, %dma_start3A_95] : memref<2x8x128xi32, #tpu.memory_space<vmem>> -> memref<1x1x64xi32, #tpu.memory_space<vmem>>
    %dma_start3A_97 = tpu.memref_squeeze %dma_start3A_96 : memref<1x1x64xi32, #tpu.memory_space<vmem>> -> memref<64xi32, #tpu.memory_space<vmem>>
    %dma_start3A_98 = arith.constant 0 : i32
    %dma_start3A_99 = arith.constant 0 : i32
    %dma_start3A_100 = tpu.memref_slice %arg2[%dma_start3A_98, %dma_start3A_99] : memref<10000x128xf32, #tpu.memory_space<hbm>> -> memref<10000x128xf32, #tpu.memory_space<hbm>>
    tpu.enqueue_indirect_dma source(%dma_start3A_100 : memref<10000x128xf32, #tpu.memory_space<hbm>>) target(%dma_start3A_94 : memref<64x128xf32, #tpu.memory_space<vmem>>) offsets(%dma_start3A_97 : memref<64xi32, #tpu.memory_space<vmem>>) semaphore(%arg12 : memref<!tpu.dma_semaphore, #tpu.memory_space<semaphore_mem>>)
    %dma_start3A_101 = arith.constant 0 : i32
    %dma_start3A_102 = arith.constant 1 : i32
    %dma_start3A_103 = arith.constant 64 : i32
    %dma_start3A_104 = arith.constant 0 : i32
    %dma_start3A_105 = tpu.memref_slice %arg9[%dma_start3A_103, %dma_start3A_104] : memref<128x128xf32, #tpu.memory_space<vmem>> -> memref<64x128xf32, #tpu.memory_space<vmem>>
    %dma_start3A_106 = arith.constant 64 : i32
    %dma_start3A_107 = tpu.memref_slice %arg6[%dma_start3A_101, %dma_start3A_102, %dma_start3A_106] : memref<2x8x128xi32, #tpu.memory_space<vmem>> -> memref<1x1x64xi32, #tpu.memory_space<vmem>>
    %dma_start3A_108 = tpu.memref_squeeze %dma_start3A_107 : memref<1x1x64xi32, #tpu.memory_space<vmem>> -> memref<64xi32, #tpu.memory_space<vmem>>
    %dma_start3A_109 = arith.constant 0 : i32
    %dma_start3A_110 = arith.constant 0 : i32
    %dma_start3A_111 = tpu.memref_slice %arg2[%dma_start3A_109, %dma_start3A_110] : memref<10000x128xf32, #tpu.memory_space<hbm>> -> memref<10000x128xf32, #tpu.memory_space<hbm>>
    tpu.enqueue_indirect_dma source(%dma_start3A_111 : memref<10000x128xf32, #tpu.memory_space<hbm>>) target(%dma_start3A_105 : memref<64x128xf32, #tpu.memory_space<vmem>>) offsets(%dma_start3A_108 : memref<64xi32, #tpu.memory_space<vmem>>) semaphore(%arg12 : memref<!tpu.dma_semaphore, #tpu.memory_space<semaphore_mem>>)
    %scan3A_112 = arith.constant 0 : i32
    %scan3A_113 = arith.constant 10 : i32
    %scan3A_114 = arith.addi %scan3A_112, %scan3A_113 : i32
    %scan3A_115 = arith.constant 1 : i32
    scf.for %scan3A_122 = %scan3A_112 to %scan3A_114 step %scan3A_115  : i32 {
      %mul3A_123 = arith.constant 2 : i32
      %mul3A_124 = arith.muli %scan3A_122, %mul3A_123 : i32
      %add3A_125 = arith.constant 0 : i32
      %add3A_126 = arith.addi %add3A_125, %mul3A_124 : i32
      %add3A_127 = arith.constant 0 : i32
      %add3A_128 = arith.addi %add3A_126, %add3A_127 : i32
      %add3A_129 = arith.constant 1 : i32
      %add3A_130 = arith.addi %add3A_128, %add3A_129 : i32
      %lt3A = arith.constant 20 : i32
      %lt3A_131 = arith.cmpi slt, %add3A_130, %lt3A : i32
      %convert_element_type3A = arith.extui %lt3A_131 : i1 to i32
      %cond3A = arith.constant 0 : i32
      %cond3A_132 = arith.cmpi ne, %convert_element_type3A, %cond3A : i32
      scf.if %cond3A_132 {
        %add3A_459 = arith.constant 1 : i32
        %add3A_460 = arith.addi %add3A_128, %add3A_459 : i32
        %mul3A_461 = arith.constant 8 : i32
        %mul3A_462 = arith.muli %add3A_460, %mul3A_461 : i32
        %add3A_463 = arith.addi %mul3A_0, %mul3A_462 : i32
        %dma_start3A_464 = arith.constant 1 : i32
        %dma_start3A_465 = arith.constant 0 : i32
        %dma_start3A_466 = arith.constant 0 : i32
        %dma_start3A_467 = tpu.memref_slice %arg6[%dma_start3A_464, %dma_start3A_465, %dma_start3A_466] : memref<2x8x128xi32, #tpu.memory_space<vmem>> -> memref<1x8x128xi32, #tpu.memory_space<vmem>>
        %dma_start3A_468 = tpu.memref_squeeze %dma_start3A_467 : memref<1x8x128xi32, #tpu.memory_space<vmem>> -> memref<8x128xi32, #tpu.memory_space<vmem>>
        %dma_start3A_469 = arith.constant 0 : i32
        %dma_start3A_470 = tpu.memref_slice %arg3[%add3A_463, %dma_start3A_469] : memref<2560x128xi32, #tpu.memory_space<hbm>> -> memref<8x128xi32, #tpu.memory_space<hbm>>
        %dma_start3A_471 = arith.constant 0 : i32
        %dma_start3A_472 = arith.constant 0 : i32
        %dma_start3A_473 = tpu.memref_slice %arg6[%dma_start3A_464, %dma_start3A_471, %dma_start3A_472] : memref<2x8x128xi32, #tpu.memory_space<vmem>> -> memref<1x8x128xi32, #tpu.memory_space<vmem>>
        %dma_start3A_474 = tpu.memref_squeeze %dma_start3A_473 : memref<1x8x128xi32, #tpu.memory_space<vmem>> -> memref<8x128xi32, #tpu.memory_space<vmem>>
        %dma_start3A_475 = arith.constant 0 : i32
        %dma_start3A_476 = tpu.memref_slice %arg3[%add3A_463, %dma_start3A_475] : memref<2560x128xi32, #tpu.memory_space<hbm>> -> memref<8x128xi32, #tpu.memory_space<hbm>>
        tpu.enqueue_dma source(%dma_start3A_476 : memref<8x128xi32, #tpu.memory_space<hbm>>) target(%dma_start3A_474 : memref<8x128xi32, #tpu.memory_space<vmem>>) target_semaphore(%arg14 : memref<!tpu.dma_semaphore, #tpu.memory_space<semaphore_mem>>)
        %mul3A_477 = arith.constant 8 : i32
        %mul3A_478 = arith.muli %add3A_460, %mul3A_477 : i32
        %add3A_479 = arith.addi %mul3A_0, %mul3A_478 : i32
        %dma_start3A_480 = arith.constant 1 : i32
        %dma_start3A_481 = arith.constant 0 : i32
        %dma_start3A_482 = arith.constant 0 : i32
        %dma_start3A_483 = tpu.memref_slice %arg7[%dma_start3A_480, %dma_start3A_481, %dma_start3A_482] : memref<2x8x128xi32, #tpu.memory_space<vmem>> -> memref<1x8x128xi32, #tpu.memory_space<vmem>>
        %dma_start3A_484 = tpu.memref_squeeze %dma_start3A_483 : memref<1x8x128xi32, #tpu.memory_space<vmem>> -> memref<8x128xi32, #tpu.memory_space<vmem>>
        %dma_start3A_485 = arith.constant 0 : i32
        %dma_start3A_486 = tpu.memref_slice %arg4[%add3A_479, %dma_start3A_485] : memref<2560x128xi32, #tpu.memory_space<hbm>> -> memref<8x128xi32, #tpu.memory_space<hbm>>
        %dma_start3A_487 = arith.constant 0 : i32
        %dma_start3A_488 = arith.constant 0 : i32
        %dma_start3A_489 = tpu.memref_slice %arg7[%dma_start3A_480, %dma_start3A_487, %dma_start3A_488] : memref<2x8x128xi32, #tpu.memory_space<vmem>> -> memref<1x8x128xi32, #tpu.memory_space<vmem>>
        %dma_start3A_490 = tpu.memref_squeeze %dma_start3A_489 : memref<1x8x128xi32, #tpu.memory_space<vmem>> -> memref<8x128xi32, #tpu.memory_space<vmem>>
        %dma_start3A_491 = arith.constant 0 : i32
        %dma_start3A_492 = tpu.memref_slice %arg4[%add3A_479, %dma_start3A_491] : memref<2560x128xi32, #tpu.memory_space<hbm>> -> memref<8x128xi32, #tpu.memory_space<hbm>>
        tpu.enqueue_dma source(%dma_start3A_492 : memref<8x128xi32, #tpu.memory_space<hbm>>) target(%dma_start3A_490 : memref<8x128xi32, #tpu.memory_space<vmem>>) target_semaphore(%arg14 : memref<!tpu.dma_semaphore, #tpu.memory_space<semaphore_mem>>)
      } else {
      }
      %mul3A_133 = arith.constant 8 : i32
      %mul3A_134 = arith.muli %add3A_128, %mul3A_133 : i32
      %add3A_135 = arith.constant 0 : i32
      %add3A_136 = arith.addi %mul3A_134, %add3A_135 : i32
      %dma_wait3A_137 = arith.constant 0 : i32
      %dma_wait3A_138 = arith.constant 0 : i32
      %dma_wait3A_139 = tpu.memref_slice %arg2[%dma_wait3A_137, %dma_wait3A_138] : memref<10000x128xf32, #tpu.memory_space<hbm>> -> memref<128x128xf32, #tpu.memory_space<hbm>>
      %dma_wait3A_140 = arith.constant 0 : i32
      %dma_wait3A_141 = arith.constant 0 : i32
      %dma_wait3A_142 = tpu.memref_slice %arg2[%dma_wait3A_140, %dma_wait3A_141] : memref<10000x128xf32, #tpu.memory_space<hbm>> -> memref<128x128xf32, #tpu.memory_space<hbm>>
      tpu.wait_dma2 semaphore(%arg11 : memref<!tpu.dma_semaphore, #tpu.memory_space<semaphore_mem>>) src(%dma_wait3A_142 : memref<128x128xf32, #tpu.memory_space<hbm>>) dst(%arg8 : memref<128x128xf32, #tpu.memory_space<vmem>>)
      %run_scoped3A = arith.constant 0 : i32
      %run_scoped3A_143 = arith.constant 0 : i32
      "tpu.region"() ({
        %run_scoped3A_459 = tpu.sem_alloc : memref<!tpu.dma_semaphore, #tpu.memory_space<semaphore_mem>>
        %dma_start3A_460 = arith.constant 0 : i32
        %dma_start3A_461 = tpu.memref_slice %arg7[%run_scoped3A, %run_scoped3A_143, %dma_start3A_460] : memref<2x8x128xi32, #tpu.memory_space<vmem>> -> memref<1x1x128xi32, #tpu.memory_space<vmem>>
        %dma_start3A_462 = tpu.memref_squeeze %dma_start3A_461 : memref<1x1x128xi32, #tpu.memory_space<vmem>> -> memref<128xi32, #tpu.memory_space<vmem>>
        %dma_start3A_463 = arith.constant 0 : i32
        %dma_start3A_464 = arith.constant 0 : i32
        %dma_start3A_465 = tpu.memref_slice %arg10[%dma_start3A_463, %dma_start3A_464] : memref<10240x128xf32, #tpu.memory_space<vmem_shared>> -> memref<10240x128xf32, #tpu.memory_space<vmem_shared>>
        tpu.enqueue_indirect_dma source(%arg8 : memref<128x128xf32, #tpu.memory_space<vmem>>) target(%dma_start3A_465 : memref<10240x128xf32, #tpu.memory_space<vmem_shared>>) offsets(%dma_start3A_462 : memref<128xi32, #tpu.memory_space<vmem>>) semaphore(%run_scoped3A_459 : memref<!tpu.dma_semaphore, #tpu.memory_space<semaphore_mem>>) {add = true}
        %dma_wait3A_466 = arith.constant 0 : i32
        %dma_wait3A_467 = tpu.memref_slice %arg7[%run_scoped3A, %run_scoped3A_143, %dma_wait3A_466] : memref<2x8x128xi32, #tpu.memory_space<vmem>> -> memref<1x1x128xi32, #tpu.memory_space<vmem>>
        %dma_wait3A_468 = tpu.memref_squeeze %dma_wait3A_467 : memref<1x1x128xi32, #tpu.memory_space<vmem>> -> memref<128xi32, #tpu.memory_space<vmem>>
        %dma_wait3A_469 = arith.constant 0 : i32
        %dma_wait3A_470 = arith.constant 0 : i32
        %dma_wait3A_471 = tpu.memref_slice %arg10[%dma_wait3A_469, %dma_wait3A_470] : memref<10240x128xf32, #tpu.memory_space<vmem_shared>> -> memref<10240x128xf32, #tpu.memory_space<vmem_shared>>
        tpu.wait_indirect_dma semaphore(%run_scoped3A_459 : memref<!tpu.dma_semaphore, #tpu.memory_space<semaphore_mem>>) src(%arg8 : memref<128x128xf32, #tpu.memory_space<vmem>>) dst(%dma_wait3A_471 : memref<10240x128xf32, #tpu.memory_space<vmem_shared>>)
        tpu.yield
      }) : () -> ()
      %add3A_144 = arith.constant 2 : i32
      %add3A_145 = arith.addi %add3A_136, %add3A_144 : i32
      %lt3A_146 = arith.constant 160 : i32
      %lt3A_147 = arith.cmpi slt, %add3A_145, %lt3A_146 : i32
      %convert_element_type3A_148 = arith.extui %lt3A_147 : i1 to i32
      %cond3A_149 = arith.constant 0 : i32
      %cond3A_150 = arith.cmpi ne, %convert_element_type3A_148, %cond3A_149 : i32
      scf.if %cond3A_150 {
        %dma_start3A_459 = arith.constant 0 : i32
        %dma_start3A_460 = arith.constant 2 : i32
        %dma_start3A_461 = arith.constant 0 : i32
        %dma_start3A_462 = arith.constant 0 : i32
        %dma_start3A_463 = tpu.memref_slice %arg8[%dma_start3A_461, %dma_start3A_462] : memref<128x128xf32, #tpu.memory_space<vmem>> -> memref<64x128xf32, #tpu.memory_space<vmem>>
        %dma_start3A_464 = arith.constant 0 : i32
        %dma_start3A_465 = tpu.memref_slice %arg6[%dma_start3A_459, %dma_start3A_460, %dma_start3A_464] : memref<2x8x128xi32, #tpu.memory_space<vmem>> -> memref<1x1x64xi32, #tpu.memory_space<vmem>>
        %dma_start3A_466 = tpu.memref_squeeze %dma_start3A_465 : memref<1x1x64xi32, #tpu.memory_space<vmem>> -> memref<64xi32, #tpu.memory_space<vmem>>
        %dma_start3A_467 = arith.constant 0 : i32
        %dma_start3A_468 = arith.constant 0 : i32
        %dma_start3A_469 = tpu.memref_slice %arg2[%dma_start3A_467, %dma_start3A_468] : memref<10000x128xf32, #tpu.memory_space<hbm>> -> memref<10000x128xf32, #tpu.memory_space<hbm>>
        tpu.enqueue_indirect_dma source(%dma_start3A_469 : memref<10000x128xf32, #tpu.memory_space<hbm>>) target(%dma_start3A_463 : memref<64x128xf32, #tpu.memory_space<vmem>>) offsets(%dma_start3A_466 : memref<64xi32, #tpu.memory_space<vmem>>) semaphore(%arg11 : memref<!tpu.dma_semaphore, #tpu.memory_space<semaphore_mem>>)
        %dma_start3A_470 = arith.constant 0 : i32
        %dma_start3A_471 = arith.constant 2 : i32
        %dma_start3A_472 = arith.constant 64 : i32
        %dma_start3A_473 = arith.constant 0 : i32
        %dma_start3A_474 = tpu.memref_slice %arg8[%dma_start3A_472, %dma_start3A_473] : memref<128x128xf32, #tpu.memory_space<vmem>> -> memref<64x128xf32, #tpu.memory_space<vmem>>
        %dma_start3A_475 = arith.constant 64 : i32
        %dma_start3A_476 = tpu.memref_slice %arg6[%dma_start3A_470, %dma_start3A_471, %dma_start3A_475] : memref<2x8x128xi32, #tpu.memory_space<vmem>> -> memref<1x1x64xi32, #tpu.memory_space<vmem>>
        %dma_start3A_477 = tpu.memref_squeeze %dma_start3A_476 : memref<1x1x64xi32, #tpu.memory_space<vmem>> -> memref<64xi32, #tpu.memory_space<vmem>>
        %dma_start3A_478 = arith.constant 0 : i32
        %dma_start3A_479 = arith.constant 0 : i32
        %dma_start3A_480 = tpu.memref_slice %arg2[%dma_start3A_478, %dma_start3A_479] : memref<10000x128xf32, #tpu.memory_space<hbm>> -> memref<10000x128xf32, #tpu.memory_space<hbm>>
        tpu.enqueue_indirect_dma source(%dma_start3A_480 : memref<10000x128xf32, #tpu.memory_space<hbm>>) target(%dma_start3A_474 : memref<64x128xf32, #tpu.memory_space<vmem>>) offsets(%dma_start3A_477 : memref<64xi32, #tpu.memory_space<vmem>>) semaphore(%arg11 : memref<!tpu.dma_semaphore, #tpu.memory_space<semaphore_mem>>)
      } else {
      }
      %mul3A_151 = arith.constant 8 : i32
      %mul3A_152 = arith.muli %add3A_128, %mul3A_151 : i32
      %add3A_153 = arith.constant 1 : i32
      %add3A_154 = arith.addi %mul3A_152, %add3A_153 : i32
      %dma_wait3A_155 = arith.constant 0 : i32
      %dma_wait3A_156 = arith.constant 0 : i32
      %dma_wait3A_157 = tpu.memref_slice %arg2[%dma_wait3A_155, %dma_wait3A_156] : memref<10000x128xf32, #tpu.memory_space<hbm>> -> memref<128x128xf32, #tpu.memory_space<hbm>>
      %dma_wait3A_158 = arith.constant 0 : i32
      %dma_wait3A_159 = arith.constant 0 : i32
      %dma_wait3A_160 = tpu.memref_slice %arg2[%dma_wait3A_158, %dma_wait3A_159] : memref<10000x128xf32, #tpu.memory_space<hbm>> -> memref<128x128xf32, #tpu.memory_space<hbm>>
      tpu.wait_dma2 semaphore(%arg12 : memref<!tpu.dma_semaphore, #tpu.memory_space<semaphore_mem>>) src(%dma_wait3A_160 : memref<128x128xf32, #tpu.memory_space<hbm>>) dst(%arg9 : memref<128x128xf32, #tpu.memory_space<vmem>>)
      %run_scoped3A_161 = arith.constant 0 : i32
      %run_scoped3A_162 = arith.constant 1 : i32
      "tpu.region"() ({
        %run_scoped3A_459 = tpu.sem_alloc : memref<!tpu.dma_semaphore, #tpu.memory_space<semaphore_mem>>
        %dma_start3A_460 = arith.constant 0 : i32
        %dma_start3A_461 = tpu.memref_slice %arg7[%run_scoped3A_161, %run_scoped3A_162, %dma_start3A_460] : memref<2x8x128xi32, #tpu.memory_space<vmem>> -> memref<1x1x128xi32, #tpu.memory_space<vmem>>
        %dma_start3A_462 = tpu.memref_squeeze %dma_start3A_461 : memref<1x1x128xi32, #tpu.memory_space<vmem>> -> memref<128xi32, #tpu.memory_space<vmem>>
        %dma_start3A_463 = arith.constant 0 : i32
        %dma_start3A_464 = arith.constant 0 : i32
        %dma_start3A_465 = tpu.memref_slice %arg10[%dma_start3A_463, %dma_start3A_464] : memref<10240x128xf32, #tpu.memory_space<vmem_shared>> -> memref<10240x128xf32, #tpu.memory_space<vmem_shared>>
        tpu.enqueue_indirect_dma source(%arg9 : memref<128x128xf32, #tpu.memory_space<vmem>>) target(%dma_start3A_465 : memref<10240x128xf32, #tpu.memory_space<vmem_shared>>) offsets(%dma_start3A_462 : memref<128xi32, #tpu.memory_space<vmem>>) semaphore(%run_scoped3A_459 : memref<!tpu.dma_semaphore, #tpu.memory_space<semaphore_mem>>) {add = true}
        %dma_wait3A_466 = arith.constant 0 : i32
        %dma_wait3A_467 = tpu.memref_slice %arg7[%run_scoped3A_161, %run_scoped3A_162, %dma_wait3A_466] : memref<2x8x128xi32, #tpu.memory_space<vmem>> -> memref<1x1x128xi32, #tpu.memory_space<vmem>>
        %dma_wait3A_468 = tpu.memref_squeeze %dma_wait3A_467 : memref<1x1x128xi32, #tpu.memory_space<vmem>> -> memref<128xi32, #tpu.memory_space<vmem>>
        %dma_wait3A_469 = arith.constant 0 : i32
        %dma_wait3A_470 = arith.constant 0 : i32
        %dma_wait3A_471 = tpu.memref_slice %arg10[%dma_wait3A_469, %dma_wait3A_470] : memref<10240x128xf32, #tpu.memory_space<vmem_shared>> -> memref<10240x128xf32, #tpu.memory_space<vmem_shared>>
        tpu.wait_indirect_dma semaphore(%run_scoped3A_459 : memref<!tpu.dma_semaphore, #tpu.memory_space<semaphore_mem>>) src(%arg9 : memref<128x128xf32, #tpu.memory_space<vmem>>) dst(%dma_wait3A_471 : memref<10240x128xf32, #tpu.memory_space<vmem_shared>>)
        tpu.yield
      }) : () -> ()
      %add3A_163 = arith.constant 2 : i32
      %add3A_164 = arith.addi %add3A_154, %add3A_163 : i32
      %lt3A_165 = arith.constant 160 : i32
      %lt3A_166 = arith.cmpi slt, %add3A_164, %lt3A_165 : i32
      %convert_element_type3A_167 = arith.extui %lt3A_166 : i1 to i32
      %cond3A_168 = arith.constant 0 : i32
      %cond3A_169 = arith.cmpi ne, %convert_element_type3A_167, %cond3A_168 : i32
      scf.if %cond3A_169 {
        %dma_start3A_459 = arith.constant 0 : i32
        %dma_start3A_460 = arith.constant 3 : i32
        %dma_start3A_461 = arith.constant 0 : i32
        %dma_start3A_462 = arith.constant 0 : i32
        %dma_start3A_463 = tpu.memref_slice %arg9[%dma_start3A_461, %dma_start3A_462] : memref<128x128xf32, #tpu.memory_space<vmem>> -> memref<64x128xf32, #tpu.memory_space<vmem>>
        %dma_start3A_464 = arith.constant 0 : i32
        %dma_start3A_465 = tpu.memref_slice %arg6[%dma_start3A_459, %dma_start3A_460, %dma_start3A_464] : memref<2x8x128xi32, #tpu.memory_space<vmem>> -> memref<1x1x64xi32, #tpu.memory_space<vmem>>
        %dma_start3A_466 = tpu.memref_squeeze %dma_start3A_465 : memref<1x1x64xi32, #tpu.memory_space<vmem>> -> memref<64xi32, #tpu.memory_space<vmem>>
        %dma_start3A_467 = arith.constant 0 : i32
        %dma_start3A_468 = arith.constant 0 : i32
        %dma_start3A_469 = tpu.memref_slice %arg2[%dma_start3A_467, %dma_start3A_468] : memref<10000x128xf32, #tpu.memory_space<hbm>> -> memref<10000x128xf32, #tpu.memory_space<hbm>>
        tpu.enqueue_indirect_dma source(%dma_start3A_469 : memref<10000x128xf32, #tpu.memory_space<hbm>>) target(%dma_start3A_463 : memref<64x128xf32, #tpu.memory_space<vmem>>) offsets(%dma_start3A_466 : memref<64xi32, #tpu.memory_space<vmem>>) semaphore(%arg12 : memref<!tpu.dma_semaphore, #tpu.memory_space<semaphore_mem>>)
        %dma_start3A_470 = arith.constant 0 : i32
        %dma_start3A_471 = arith.constant 3 : i32
        %dma_start3A_472 = arith.constant 64 : i32
        %dma_start3A_473 = arith.constant 0 : i32
        %dma_start3A_474 = tpu.memref_slice %arg9[%dma_start3A_472, %dma_start3A_473] : memref<128x128xf32, #tpu.memory_space<vmem>> -> memref<64x128xf32, #tpu.memory_space<vmem>>
        %dma_start3A_475 = arith.constant 64 : i32
        %dma_start3A_476 = tpu.memref_slice %arg6[%dma_start3A_470, %dma_start3A_471, %dma_start3A_475] : memref<2x8x128xi32, #tpu.memory_space<vmem>> -> memref<1x1x64xi32, #tpu.memory_space<vmem>>
        %dma_start3A_477 = tpu.memref_squeeze %dma_start3A_476 : memref<1x1x64xi32, #tpu.memory_space<vmem>> -> memref<64xi32, #tpu.memory_space<vmem>>
        %dma_start3A_478 = arith.constant 0 : i32
        %dma_start3A_479 = arith.constant 0 : i32
        %dma_start3A_480 = tpu.memref_slice %arg2[%dma_start3A_478, %dma_start3A_479] : memref<10000x128xf32, #tpu.memory_space<hbm>> -> memref<10000x128xf32, #tpu.memory_space<hbm>>
        tpu.enqueue_indirect_dma source(%dma_start3A_480 : memref<10000x128xf32, #tpu.memory_space<hbm>>) target(%dma_start3A_474 : memref<64x128xf32, #tpu.memory_space<vmem>>) offsets(%dma_start3A_477 : memref<64xi32, #tpu.memory_space<vmem>>) semaphore(%arg12 : memref<!tpu.dma_semaphore, #tpu.memory_space<semaphore_mem>>)
      } else {
      }
      %mul3A_170 = arith.constant 8 : i32
      %mul3A_171 = arith.muli %add3A_128, %mul3A_170 : i32
      %add3A_172 = arith.constant 2 : i32
      %add3A_173 = arith.addi %mul3A_171, %add3A_172 : i32
      %dma_wait3A_174 = arith.constant 0 : i32
      %dma_wait3A_175 = arith.constant 0 : i32
      %dma_wait3A_176 = tpu.memref_slice %arg2[%dma_wait3A_174, %dma_wait3A_175] : memref<10000x128xf32, #tpu.memory_space<hbm>> -> memref<128x128xf32, #tpu.memory_space<hbm>>
      %dma_wait3A_177 = arith.constant 0 : i32
      %dma_wait3A_178 = arith.constant 0 : i32
      %dma_wait3A_179 = tpu.memref_slice %arg2[%dma_wait3A_177, %dma_wait3A_178] : memref<10000x128xf32, #tpu.memory_space<hbm>> -> memref<128x128xf32, #tpu.memory_space<hbm>>
      tpu.wait_dma2 semaphore(%arg11 : memref<!tpu.dma_semaphore, #tpu.memory_space<semaphore_mem>>) src(%dma_wait3A_179 : memref<128x128xf32, #tpu.memory_space<hbm>>) dst(%arg8 : memref<128x128xf32, #tpu.memory_space<vmem>>)
      %run_scoped3A_180 = arith.constant 0 : i32
      %run_scoped3A_181 = arith.constant 2 : i32
      "tpu.region"() ({
        %run_scoped3A_459 = tpu.sem_alloc : memref<!tpu.dma_semaphore, #tpu.memory_space<semaphore_mem>>
        %dma_start3A_460 = arith.constant 0 : i32
        %dma_start3A_461 = tpu.memref_slice %arg7[%run_scoped3A_180, %run_scoped3A_181, %dma_start3A_460] : memref<2x8x128xi32, #tpu.memory_space<vmem>> -> memref<1x1x128xi32, #tpu.memory_space<vmem>>
        %dma_start3A_462 = tpu.memref_squeeze %dma_start3A_461 : memref<1x1x128xi32, #tpu.memory_space<vmem>> -> memref<128xi32, #tpu.memory_space<vmem>>
        %dma_start3A_463 = arith.constant 0 : i32
        %dma_start3A_464 = arith.constant 0 : i32
        %dma_start3A_465 = tpu.memref_slice %arg10[%dma_start3A_463, %dma_start3A_464] : memref<10240x128xf32, #tpu.memory_space<vmem_shared>> -> memref<10240x128xf32, #tpu.memory_space<vmem_shared>>
        tpu.enqueue_indirect_dma source(%arg8 : memref<128x128xf32, #tpu.memory_space<vmem>>) target(%dma_start3A_465 : memref<10240x128xf32, #tpu.memory_space<vmem_shared>>) offsets(%dma_start3A_462 : memref<128xi32, #tpu.memory_space<vmem>>) semaphore(%run_scoped3A_459 : memref<!tpu.dma_semaphore, #tpu.memory_space<semaphore_mem>>) {add = true}
        %dma_wait3A_466 = arith.constant 0 : i32
        %dma_wait3A_467 = tpu.memref_slice %arg7[%run_scoped3A_180, %run_scoped3A_181, %dma_wait3A_466] : memref<2x8x128xi32, #tpu.memory_space<vmem>> -> memref<1x1x128xi32, #tpu.memory_space<vmem>>
        %dma_wait3A_468 = tpu.memref_squeeze %dma_wait3A_467 : memref<1x1x128xi32, #tpu.memory_space<vmem>> -> memref<128xi32, #tpu.memory_space<vmem>>
        %dma_wait3A_469 = arith.constant 0 : i32
        %dma_wait3A_470 = arith.constant 0 : i32
        %dma_wait3A_471 = tpu.memref_slice %arg10[%dma_wait3A_469, %dma_wait3A_470] : memref<10240x128xf32, #tpu.memory_space<vmem_shared>> -> memref<10240x128xf32, #tpu.memory_space<vmem_shared>>
        tpu.wait_indirect_dma semaphore(%run_scoped3A_459 : memref<!tpu.dma_semaphore, #tpu.memory_space<semaphore_mem>>) src(%arg8 : memref<128x128xf32, #tpu.memory_space<vmem>>) dst(%dma_wait3A_471 : memref<10240x128xf32, #tpu.memory_space<vmem_shared>>)
        tpu.yield
      }) : () -> ()
      %add3A_182 = arith.constant 2 : i32
      %add3A_183 = arith.addi %add3A_173, %add3A_182 : i32
      %lt3A_184 = arith.constant 160 : i32
      %lt3A_185 = arith.cmpi slt, %add3A_183, %lt3A_184 : i32
      %convert_element_type3A_186 = arith.extui %lt3A_185 : i1 to i32
      %cond3A_187 = arith.constant 0 : i32
      %cond3A_188 = arith.cmpi ne, %convert_element_type3A_186, %cond3A_187 : i32
      scf.if %cond3A_188 {
        %dma_start3A_459 = arith.constant 0 : i32
        %dma_start3A_460 = arith.constant 4 : i32
        %dma_start3A_461 = arith.constant 0 : i32
        %dma_start3A_462 = arith.constant 0 : i32
        %dma_start3A_463 = tpu.memref_slice %arg8[%dma_start3A_461, %dma_start3A_462] : memref<128x128xf32, #tpu.memory_space<vmem>> -> memref<64x128xf32, #tpu.memory_space<vmem>>
        %dma_start3A_464 = arith.constant 0 : i32
        %dma_start3A_465 = tpu.memref_slice %arg6[%dma_start3A_459, %dma_start3A_460, %dma_start3A_464] : memref<2x8x128xi32, #tpu.memory_space<vmem>> -> memref<1x1x64xi32, #tpu.memory_space<vmem>>
        %dma_start3A_466 = tpu.memref_squeeze %dma_start3A_465 : memref<1x1x64xi32, #tpu.memory_space<vmem>> -> memref<64xi32, #tpu.memory_space<vmem>>
        %dma_start3A_467 = arith.constant 0 : i32
        %dma_start3A_468 = arith.constant 0 : i32
        %dma_start3A_469 = tpu.memref_slice %arg2[%dma_start3A_467, %dma_start3A_468] : memref<10000x128xf32, #tpu.memory_space<hbm>> -> memref<10000x128xf32, #tpu.memory_space<hbm>>
        tpu.enqueue_indirect_dma source(%dma_start3A_469 : memref<10000x128xf32, #tpu.memory_space<hbm>>) target(%dma_start3A_463 : memref<64x128xf32, #tpu.memory_space<vmem>>) offsets(%dma_start3A_466 : memref<64xi32, #tpu.memory_space<vmem>>) semaphore(%arg11 : memref<!tpu.dma_semaphore, #tpu.memory_space<semaphore_mem>>)
        %dma_start3A_470 = arith.constant 0 : i32
        %dma_start3A_471 = arith.constant 4 : i32
        %dma_start3A_472 = arith.constant 64 : i32
        %dma_start3A_473 = arith.constant 0 : i32
        %dma_start3A_474 = tpu.memref_slice %arg8[%dma_start3A_472, %dma_start3A_473] : memref<128x128xf32, #tpu.memory_space<vmem>> -> memref<64x128xf32, #tpu.memory_space<vmem>>
        %dma_start3A_475 = arith.constant 64 : i32
        %dma_start3A_476 = tpu.memref_slice %arg6[%dma_start3A_470, %dma_start3A_471, %dma_start3A_475] : memref<2x8x128xi32, #tpu.memory_space<vmem>> -> memref<1x1x64xi32, #tpu.memory_space<vmem>>
        %dma_start3A_477 = tpu.memref_squeeze %dma_start3A_476 : memref<1x1x64xi32, #tpu.memory_space<vmem>> -> memref<64xi32, #tpu.memory_space<vmem>>
        %dma_start3A_478 = arith.constant 0 : i32
        %dma_start3A_479 = arith.constant 0 : i32
        %dma_start3A_480 = tpu.memref_slice %arg2[%dma_start3A_478, %dma_start3A_479] : memref<10000x128xf32, #tpu.memory_space<hbm>> -> memref<10000x128xf32, #tpu.memory_space<hbm>>
        tpu.enqueue_indirect_dma source(%dma_start3A_480 : memref<10000x128xf32, #tpu.memory_space<hbm>>) target(%dma_start3A_474 : memref<64x128xf32, #tpu.memory_space<vmem>>) offsets(%dma_start3A_477 : memref<64xi32, #tpu.memory_space<vmem>>) semaphore(%arg11 : memref<!tpu.dma_semaphore, #tpu.memory_space<semaphore_mem>>)
      } else {
      }
      %mul3A_189 = arith.constant 8 : i32
      %mul3A_190 = arith.muli %add3A_128, %mul3A_189 : i32
      %add3A_191 = arith.constant 3 : i32
      %add3A_192 = arith.addi %mul3A_190, %add3A_191 : i32
      %dma_wait3A_193 = arith.constant 0 : i32
      %dma_wait3A_194 = arith.constant 0 : i32
      %dma_wait3A_195 = tpu.memref_slice %arg2[%dma_wait3A_193, %dma_wait3A_194] : memref<10000x128xf32, #tpu.memory_space<hbm>> -> memref<128x128xf32, #tpu.memory_space<hbm>>
      %dma_wait3A_196 = arith.constant 0 : i32
      %dma_wait3A_197 = arith.constant 0 : i32
      %dma_wait3A_198 = tpu.memref_slice %arg2[%dma_wait3A_196, %dma_wait3A_197] : memref<10000x128xf32, #tpu.memory_space<hbm>> -> memref<128x128xf32, #tpu.memory_space<hbm>>
      tpu.wait_dma2 semaphore(%arg12 : memref<!tpu.dma_semaphore, #tpu.memory_space<semaphore_mem>>) src(%dma_wait3A_198 : memref<128x128xf32, #tpu.memory_space<hbm>>) dst(%arg9 : memref<128x128xf32, #tpu.memory_space<vmem>>)
      %run_scoped3A_199 = arith.constant 0 : i32
      %run_scoped3A_200 = arith.constant 3 : i32
      "tpu.region"() ({
        %run_scoped3A_459 = tpu.sem_alloc : memref<!tpu.dma_semaphore, #tpu.memory_space<semaphore_mem>>
        %dma_start3A_460 = arith.constant 0 : i32
        %dma_start3A_461 = tpu.memref_slice %arg7[%run_scoped3A_199, %run_scoped3A_200, %dma_start3A_460] : memref<2x8x128xi32, #tpu.memory_space<vmem>> -> memref<1x1x128xi32, #tpu.memory_space<vmem>>
        %dma_start3A_462 = tpu.memref_squeeze %dma_start3A_461 : memref<1x1x128xi32, #tpu.memory_space<vmem>> -> memref<128xi32, #tpu.memory_space<vmem>>
        %dma_start3A_463 = arith.constant 0 : i32
        %dma_start3A_464 = arith.constant 0 : i32
        %dma_start3A_465 = tpu.memref_slice %arg10[%dma_start3A_463, %dma_start3A_464] : memref<10240x128xf32, #tpu.memory_space<vmem_shared>> -> memref<10240x128xf32, #tpu.memory_space<vmem_shared>>
        tpu.enqueue_indirect_dma source(%arg9 : memref<128x128xf32, #tpu.memory_space<vmem>>) target(%dma_start3A_465 : memref<10240x128xf32, #tpu.memory_space<vmem_shared>>) offsets(%dma_start3A_462 : memref<128xi32, #tpu.memory_space<vmem>>) semaphore(%run_scoped3A_459 : memref<!tpu.dma_semaphore, #tpu.memory_space<semaphore_mem>>) {add = true}
        %dma_wait3A_466 = arith.constant 0 : i32
        %dma_wait3A_467 = tpu.memref_slice %arg7[%run_scoped3A_199, %run_scoped3A_200, %dma_wait3A_466] : memref<2x8x128xi32, #tpu.memory_space<vmem>> -> memref<1x1x128xi32, #tpu.memory_space<vmem>>
        %dma_wait3A_468 = tpu.memref_squeeze %dma_wait3A_467 : memref<1x1x128xi32, #tpu.memory_space<vmem>> -> memref<128xi32, #tpu.memory_space<vmem>>
        %dma_wait3A_469 = arith.constant 0 : i32
        %dma_wait3A_470 = arith.constant 0 : i32
        %dma_wait3A_471 = tpu.memref_slice %arg10[%dma_wait3A_469, %dma_wait3A_470] : memref<10240x128xf32, #tpu.memory_space<vmem_shared>> -> memref<10240x128xf32, #tpu.memory_space<vmem_shared>>
        tpu.wait_indirect_dma semaphore(%run_scoped3A_459 : memref<!tpu.dma_semaphore, #tpu.memory_space<semaphore_mem>>) src(%arg9 : memref<128x128xf32, #tpu.memory_space<vmem>>) dst(%dma_wait3A_471 : memref<10240x128xf32, #tpu.memory_space<vmem_shared>>)
        tpu.yield
      }) : () -> ()
      %add3A_201 = arith.constant 2 : i32
      %add3A_202 = arith.addi %add3A_192, %add3A_201 : i32
      %lt3A_203 = arith.constant 160 : i32
      %lt3A_204 = arith.cmpi slt, %add3A_202, %lt3A_203 : i32
      %convert_element_type3A_205 = arith.extui %lt3A_204 : i1 to i32
      %cond3A_206 = arith.constant 0 : i32
      %cond3A_207 = arith.cmpi ne, %convert_element_type3A_205, %cond3A_206 : i32
      scf.if %cond3A_207 {
        %dma_start3A_459 = arith.constant 0 : i32
        %dma_start3A_460 = arith.constant 5 : i32
        %dma_start3A_461 = arith.constant 0 : i32
        %dma_start3A_462 = arith.constant 0 : i32
        %dma_start3A_463 = tpu.memref_slice %arg9[%dma_start3A_461, %dma_start3A_462] : memref<128x128xf32, #tpu.memory_space<vmem>> -> memref<64x128xf32, #tpu.memory_space<vmem>>
        %dma_start3A_464 = arith.constant 0 : i32
        %dma_start3A_465 = tpu.memref_slice %arg6[%dma_start3A_459, %dma_start3A_460, %dma_start3A_464] : memref<2x8x128xi32, #tpu.memory_space<vmem>> -> memref<1x1x64xi32, #tpu.memory_space<vmem>>
        %dma_start3A_466 = tpu.memref_squeeze %dma_start3A_465 : memref<1x1x64xi32, #tpu.memory_space<vmem>> -> memref<64xi32, #tpu.memory_space<vmem>>
        %dma_start3A_467 = arith.constant 0 : i32
        %dma_start3A_468 = arith.constant 0 : i32
        %dma_start3A_469 = tpu.memref_slice %arg2[%dma_start3A_467, %dma_start3A_468] : memref<10000x128xf32, #tpu.memory_space<hbm>> -> memref<10000x128xf32, #tpu.memory_space<hbm>>
        tpu.enqueue_indirect_dma source(%dma_start3A_469 : memref<10000x128xf32, #tpu.memory_space<hbm>>) target(%dma_start3A_463 : memref<64x128xf32, #tpu.memory_space<vmem>>) offsets(%dma_start3A_466 : memref<64xi32, #tpu.memory_space<vmem>>) semaphore(%arg12 : memref<!tpu.dma_semaphore, #tpu.memory_space<semaphore_mem>>)
        %dma_start3A_470 = arith.constant 0 : i32
        %dma_start3A_471 = arith.constant 5 : i32
        %dma_start3A_472 = arith.constant 64 : i32
        %dma_start3A_473 = arith.constant 0 : i32
        %dma_start3A_474 = tpu.memref_slice %arg9[%dma_start3A_472, %dma_start3A_473] : memref<128x128xf32, #tpu.memory_space<vmem>> -> memref<64x128xf32, #tpu.memory_space<vmem>>
        %dma_start3A_475 = arith.constant 64 : i32
        %dma_start3A_476 = tpu.memref_slice %arg6[%dma_start3A_470, %dma_start3A_471, %dma_start3A_475] : memref<2x8x128xi32, #tpu.memory_space<vmem>> -> memref<1x1x64xi32, #tpu.memory_space<vmem>>
        %dma_start3A_477 = tpu.memref_squeeze %dma_start3A_476 : memref<1x1x64xi32, #tpu.memory_space<vmem>> -> memref<64xi32, #tpu.memory_space<vmem>>
        %dma_start3A_478 = arith.constant 0 : i32
        %dma_start3A_479 = arith.constant 0 : i32
        %dma_start3A_480 = tpu.memref_slice %arg2[%dma_start3A_478, %dma_start3A_479] : memref<10000x128xf32, #tpu.memory_space<hbm>> -> memref<10000x128xf32, #tpu.memory_space<hbm>>
        tpu.enqueue_indirect_dma source(%dma_start3A_480 : memref<10000x128xf32, #tpu.memory_space<hbm>>) target(%dma_start3A_474 : memref<64x128xf32, #tpu.memory_space<vmem>>) offsets(%dma_start3A_477 : memref<64xi32, #tpu.memory_space<vmem>>) semaphore(%arg12 : memref<!tpu.dma_semaphore, #tpu.memory_space<semaphore_mem>>)
      } else {
      }
      %mul3A_208 = arith.constant 8 : i32
      %mul3A_209 = arith.muli %add3A_128, %mul3A_208 : i32
      %add3A_210 = arith.constant 4 : i32
      %add3A_211 = arith.addi %mul3A_209, %add3A_210 : i32
      %dma_wait3A_212 = arith.constant 0 : i32
      %dma_wait3A_213 = arith.constant 0 : i32
      %dma_wait3A_214 = tpu.memref_slice %arg2[%dma_wait3A_212, %dma_wait3A_213] : memref<10000x128xf32, #tpu.memory_space<hbm>> -> memref<128x128xf32, #tpu.memory_space<hbm>>
      %dma_wait3A_215 = arith.constant 0 : i32
      %dma_wait3A_216 = arith.constant 0 : i32
      %dma_wait3A_217 = tpu.memref_slice %arg2[%dma_wait3A_215, %dma_wait3A_216] : memref<10000x128xf32, #tpu.memory_space<hbm>> -> memref<128x128xf32, #tpu.memory_space<hbm>>
      tpu.wait_dma2 semaphore(%arg11 : memref<!tpu.dma_semaphore, #tpu.memory_space<semaphore_mem>>) src(%dma_wait3A_217 : memref<128x128xf32, #tpu.memory_space<hbm>>) dst(%arg8 : memref<128x128xf32, #tpu.memory_space<vmem>>)
      %run_scoped3A_218 = arith.constant 0 : i32
      %run_scoped3A_219 = arith.constant 4 : i32
      "tpu.region"() ({
        %run_scoped3A_459 = tpu.sem_alloc : memref<!tpu.dma_semaphore, #tpu.memory_space<semaphore_mem>>
        %dma_start3A_460 = arith.constant 0 : i32
        %dma_start3A_461 = tpu.memref_slice %arg7[%run_scoped3A_218, %run_scoped3A_219, %dma_start3A_460] : memref<2x8x128xi32, #tpu.memory_space<vmem>> -> memref<1x1x128xi32, #tpu.memory_space<vmem>>
        %dma_start3A_462 = tpu.memref_squeeze %dma_start3A_461 : memref<1x1x128xi32, #tpu.memory_space<vmem>> -> memref<128xi32, #tpu.memory_space<vmem>>
        %dma_start3A_463 = arith.constant 0 : i32
        %dma_start3A_464 = arith.constant 0 : i32
        %dma_start3A_465 = tpu.memref_slice %arg10[%dma_start3A_463, %dma_start3A_464] : memref<10240x128xf32, #tpu.memory_space<vmem_shared>> -> memref<10240x128xf32, #tpu.memory_space<vmem_shared>>
        tpu.enqueue_indirect_dma source(%arg8 : memref<128x128xf32, #tpu.memory_space<vmem>>) target(%dma_start3A_465 : memref<10240x128xf32, #tpu.memory_space<vmem_shared>>) offsets(%dma_start3A_462 : memref<128xi32, #tpu.memory_space<vmem>>) semaphore(%run_scoped3A_459 : memref<!tpu.dma_semaphore, #tpu.memory_space<semaphore_mem>>) {add = true}
        %dma_wait3A_466 = arith.constant 0 : i32
        %dma_wait3A_467 = tpu.memref_slice %arg7[%run_scoped3A_218, %run_scoped3A_219, %dma_wait3A_466] : memref<2x8x128xi32, #tpu.memory_space<vmem>> -> memref<1x1x128xi32, #tpu.memory_space<vmem>>
        %dma_wait3A_468 = tpu.memref_squeeze %dma_wait3A_467 : memref<1x1x128xi32, #tpu.memory_space<vmem>> -> memref<128xi32, #tpu.memory_space<vmem>>
        %dma_wait3A_469 = arith.constant 0 : i32
        %dma_wait3A_470 = arith.constant 0 : i32
        %dma_wait3A_471 = tpu.memref_slice %arg10[%dma_wait3A_469, %dma_wait3A_470] : memref<10240x128xf32, #tpu.memory_space<vmem_shared>> -> memref<10240x128xf32, #tpu.memory_space<vmem_shared>>
        tpu.wait_indirect_dma semaphore(%run_scoped3A_459 : memref<!tpu.dma_semaphore, #tpu.memory_space<semaphore_mem>>) src(%arg8 : memref<128x128xf32, #tpu.memory_space<vmem>>) dst(%dma_wait3A_471 : memref<10240x128xf32, #tpu.memory_space<vmem_shared>>)
        tpu.yield
      }) : () -> ()
      %add3A_220 = arith.constant 2 : i32
      %add3A_221 = arith.addi %add3A_211, %add3A_220 : i32
      %lt3A_222 = arith.constant 160 : i32
      %lt3A_223 = arith.cmpi slt, %add3A_221, %lt3A_222 : i32
      %convert_element_type3A_224 = arith.extui %lt3A_223 : i1 to i32
      %cond3A_225 = arith.constant 0 : i32
      %cond3A_226 = arith.cmpi ne, %convert_element_type3A_224, %cond3A_225 : i32
      scf.if %cond3A_226 {
        %dma_start3A_459 = arith.constant 0 : i32
        %dma_start3A_460 = arith.constant 6 : i32
        %dma_start3A_461 = arith.constant 0 : i32
        %dma_start3A_462 = arith.constant 0 : i32
        %dma_start3A_463 = tpu.memref_slice %arg8[%dma_start3A_461, %dma_start3A_462] : memref<128x128xf32, #tpu.memory_space<vmem>> -> memref<64x128xf32, #tpu.memory_space<vmem>>
        %dma_start3A_464 = arith.constant 0 : i32
        %dma_start3A_465 = tpu.memref_slice %arg6[%dma_start3A_459, %dma_start3A_460, %dma_start3A_464] : memref<2x8x128xi32, #tpu.memory_space<vmem>> -> memref<1x1x64xi32, #tpu.memory_space<vmem>>
        %dma_start3A_466 = tpu.memref_squeeze %dma_start3A_465 : memref<1x1x64xi32, #tpu.memory_space<vmem>> -> memref<64xi32, #tpu.memory_space<vmem>>
        %dma_start3A_467 = arith.constant 0 : i32
        %dma_start3A_468 = arith.constant 0 : i32
        %dma_start3A_469 = tpu.memref_slice %arg2[%dma_start3A_467, %dma_start3A_468] : memref<10000x128xf32, #tpu.memory_space<hbm>> -> memref<10000x128xf32, #tpu.memory_space<hbm>>
        tpu.enqueue_indirect_dma source(%dma_start3A_469 : memref<10000x128xf32, #tpu.memory_space<hbm>>) target(%dma_start3A_463 : memref<64x128xf32, #tpu.memory_space<vmem>>) offsets(%dma_start3A_466 : memref<64xi32, #tpu.memory_space<vmem>>) semaphore(%arg11 : memref<!tpu.dma_semaphore, #tpu.memory_space<semaphore_mem>>)
        %dma_start3A_470 = arith.constant 0 : i32
        %dma_start3A_471 = arith.constant 6 : i32
        %dma_start3A_472 = arith.constant 64 : i32
        %dma_start3A_473 = arith.constant 0 : i32
        %dma_start3A_474 = tpu.memref_slice %arg8[%dma_start3A_472, %dma_start3A_473] : memref<128x128xf32, #tpu.memory_space<vmem>> -> memref<64x128xf32, #tpu.memory_space<vmem>>
        %dma_start3A_475 = arith.constant 64 : i32
        %dma_start3A_476 = tpu.memref_slice %arg6[%dma_start3A_470, %dma_start3A_471, %dma_start3A_475] : memref<2x8x128xi32, #tpu.memory_space<vmem>> -> memref<1x1x64xi32, #tpu.memory_space<vmem>>
        %dma_start3A_477 = tpu.memref_squeeze %dma_start3A_476 : memref<1x1x64xi32, #tpu.memory_space<vmem>> -> memref<64xi32, #tpu.memory_space<vmem>>
        %dma_start3A_478 = arith.constant 0 : i32
        %dma_start3A_479 = arith.constant 0 : i32
        %dma_start3A_480 = tpu.memref_slice %arg2[%dma_start3A_478, %dma_start3A_479] : memref<10000x128xf32, #tpu.memory_space<hbm>> -> memref<10000x128xf32, #tpu.memory_space<hbm>>
        tpu.enqueue_indirect_dma source(%dma_start3A_480 : memref<10000x128xf32, #tpu.memory_space<hbm>>) target(%dma_start3A_474 : memref<64x128xf32, #tpu.memory_space<vmem>>) offsets(%dma_start3A_477 : memref<64xi32, #tpu.memory_space<vmem>>) semaphore(%arg11 : memref<!tpu.dma_semaphore, #tpu.memory_space<semaphore_mem>>)
      } else {
      }
      %mul3A_227 = arith.constant 8 : i32
      %mul3A_228 = arith.muli %add3A_128, %mul3A_227 : i32
      %add3A_229 = arith.constant 5 : i32
      %add3A_230 = arith.addi %mul3A_228, %add3A_229 : i32
      %dma_wait3A_231 = arith.constant 0 : i32
      %dma_wait3A_232 = arith.constant 0 : i32
      %dma_wait3A_233 = tpu.memref_slice %arg2[%dma_wait3A_231, %dma_wait3A_232] : memref<10000x128xf32, #tpu.memory_space<hbm>> -> memref<128x128xf32, #tpu.memory_space<hbm>>
      %dma_wait3A_234 = arith.constant 0 : i32
      %dma_wait3A_235 = arith.constant 0 : i32
      %dma_wait3A_236 = tpu.memref_slice %arg2[%dma_wait3A_234, %dma_wait3A_235] : memref<10000x128xf32, #tpu.memory_space<hbm>> -> memref<128x128xf32, #tpu.memory_space<hbm>>
      tpu.wait_dma2 semaphore(%arg12 : memref<!tpu.dma_semaphore, #tpu.memory_space<semaphore_mem>>) src(%dma_wait3A_236 : memref<128x128xf32, #tpu.memory_space<hbm>>) dst(%arg9 : memref<128x128xf32, #tpu.memory_space<vmem>>)
      %run_scoped3A_237 = arith.constant 0 : i32
      %run_scoped3A_238 = arith.constant 5 : i32
      "tpu.region"() ({
        %run_scoped3A_459 = tpu.sem_alloc : memref<!tpu.dma_semaphore, #tpu.memory_space<semaphore_mem>>
        %dma_start3A_460 = arith.constant 0 : i32
        %dma_start3A_461 = tpu.memref_slice %arg7[%run_scoped3A_237, %run_scoped3A_238, %dma_start3A_460] : memref<2x8x128xi32, #tpu.memory_space<vmem>> -> memref<1x1x128xi32, #tpu.memory_space<vmem>>
        %dma_start3A_462 = tpu.memref_squeeze %dma_start3A_461 : memref<1x1x128xi32, #tpu.memory_space<vmem>> -> memref<128xi32, #tpu.memory_space<vmem>>
        %dma_start3A_463 = arith.constant 0 : i32
        %dma_start3A_464 = arith.constant 0 : i32
        %dma_start3A_465 = tpu.memref_slice %arg10[%dma_start3A_463, %dma_start3A_464] : memref<10240x128xf32, #tpu.memory_space<vmem_shared>> -> memref<10240x128xf32, #tpu.memory_space<vmem_shared>>
        tpu.enqueue_indirect_dma source(%arg9 : memref<128x128xf32, #tpu.memory_space<vmem>>) target(%dma_start3A_465 : memref<10240x128xf32, #tpu.memory_space<vmem_shared>>) offsets(%dma_start3A_462 : memref<128xi32, #tpu.memory_space<vmem>>) semaphore(%run_scoped3A_459 : memref<!tpu.dma_semaphore, #tpu.memory_space<semaphore_mem>>) {add = true}
        %dma_wait3A_466 = arith.constant 0 : i32
        %dma_wait3A_467 = tpu.memref_slice %arg7[%run_scoped3A_237, %run_scoped3A_238, %dma_wait3A_466] : memref<2x8x128xi32, #tpu.memory_space<vmem>> -> memref<1x1x128xi32, #tpu.memory_space<vmem>>
        %dma_wait3A_468 = tpu.memref_squeeze %dma_wait3A_467 : memref<1x1x128xi32, #tpu.memory_space<vmem>> -> memref<128xi32, #tpu.memory_space<vmem>>
        %dma_wait3A_469 = arith.constant 0 : i32
        %dma_wait3A_470 = arith.constant 0 : i32
        %dma_wait3A_471 = tpu.memref_slice %arg10[%dma_wait3A_469, %dma_wait3A_470] : memref<10240x128xf32, #tpu.memory_space<vmem_shared>> -> memref<10240x128xf32, #tpu.memory_space<vmem_shared>>
        tpu.wait_indirect_dma semaphore(%run_scoped3A_459 : memref<!tpu.dma_semaphore, #tpu.memory_space<semaphore_mem>>) src(%arg9 : memref<128x128xf32, #tpu.memory_space<vmem>>) dst(%dma_wait3A_471 : memref<10240x128xf32, #tpu.memory_space<vmem_shared>>)
        tpu.yield
      }) : () -> ()
      %add3A_239 = arith.constant 2 : i32
      %add3A_240 = arith.addi %add3A_230, %add3A_239 : i32
      %lt3A_241 = arith.constant 160 : i32
      %lt3A_242 = arith.cmpi slt, %add3A_240, %lt3A_241 : i32
      %convert_element_type3A_243 = arith.extui %lt3A_242 : i1 to i32
      %cond3A_244 = arith.constant 0 : i32
      %cond3A_245 = arith.cmpi ne, %convert_element_type3A_243, %cond3A_244 : i32
      scf.if %cond3A_245 {
        %dma_start3A_459 = arith.constant 0 : i32
        %dma_start3A_460 = arith.constant 7 : i32
        %dma_start3A_461 = arith.constant 0 : i32
        %dma_start3A_462 = arith.constant 0 : i32
        %dma_start3A_463 = tpu.memref_slice %arg9[%dma_start3A_461, %dma_start3A_462] : memref<128x128xf32, #tpu.memory_space<vmem>> -> memref<64x128xf32, #tpu.memory_space<vmem>>
        %dma_start3A_464 = arith.constant 0 : i32
        %dma_start3A_465 = tpu.memref_slice %arg6[%dma_start3A_459, %dma_start3A_460, %dma_start3A_464] : memref<2x8x128xi32, #tpu.memory_space<vmem>> -> memref<1x1x64xi32, #tpu.memory_space<vmem>>
        %dma_start3A_466 = tpu.memref_squeeze %dma_start3A_465 : memref<1x1x64xi32, #tpu.memory_space<vmem>> -> memref<64xi32, #tpu.memory_space<vmem>>
        %dma_start3A_467 = arith.constant 0 : i32
        %dma_start3A_468 = arith.constant 0 : i32
        %dma_start3A_469 = tpu.memref_slice %arg2[%dma_start3A_467, %dma_start3A_468] : memref<10000x128xf32, #tpu.memory_space<hbm>> -> memref<10000x128xf32, #tpu.memory_space<hbm>>
        tpu.enqueue_indirect_dma source(%dma_start3A_469 : memref<10000x128xf32, #tpu.memory_space<hbm>>) target(%dma_start3A_463 : memref<64x128xf32, #tpu.memory_space<vmem>>) offsets(%dma_start3A_466 : memref<64xi32, #tpu.memory_space<vmem>>) semaphore(%arg12 : memref<!tpu.dma_semaphore, #tpu.memory_space<semaphore_mem>>)
        %dma_start3A_470 = arith.constant 0 : i32
        %dma_start3A_471 = arith.constant 7 : i32
        %dma_start3A_472 = arith.constant 64 : i32
        %dma_start3A_473 = arith.constant 0 : i32
        %dma_start3A_474 = tpu.memref_slice %arg9[%dma_start3A_472, %dma_start3A_473] : memref<128x128xf32, #tpu.memory_space<vmem>> -> memref<64x128xf32, #tpu.memory_space<vmem>>
        %dma_start3A_475 = arith.constant 64 : i32
        %dma_start3A_476 = tpu.memref_slice %arg6[%dma_start3A_470, %dma_start3A_471, %dma_start3A_475] : memref<2x8x128xi32, #tpu.memory_space<vmem>> -> memref<1x1x64xi32, #tpu.memory_space<vmem>>
        %dma_start3A_477 = tpu.memref_squeeze %dma_start3A_476 : memref<1x1x64xi32, #tpu.memory_space<vmem>> -> memref<64xi32, #tpu.memory_space<vmem>>
        %dma_start3A_478 = arith.constant 0 : i32
        %dma_start3A_479 = arith.constant 0 : i32
        %dma_start3A_480 = tpu.memref_slice %arg2[%dma_start3A_478, %dma_start3A_479] : memref<10000x128xf32, #tpu.memory_space<hbm>> -> memref<10000x128xf32, #tpu.memory_space<hbm>>
        tpu.enqueue_indirect_dma source(%dma_start3A_480 : memref<10000x128xf32, #tpu.memory_space<hbm>>) target(%dma_start3A_474 : memref<64x128xf32, #tpu.memory_space<vmem>>) offsets(%dma_start3A_477 : memref<64xi32, #tpu.memory_space<vmem>>) semaphore(%arg12 : memref<!tpu.dma_semaphore, #tpu.memory_space<semaphore_mem>>)
      } else {
      }
      %mul3A_246 = arith.constant 8 : i32
      %mul3A_247 = arith.muli %add3A_128, %mul3A_246 : i32
      %add3A_248 = arith.constant 6 : i32
      %add3A_249 = arith.addi %mul3A_247, %add3A_248 : i32
      %dma_wait3A_250 = arith.constant 0 : i32
      %dma_wait3A_251 = arith.constant 0 : i32
      %dma_wait3A_252 = tpu.memref_slice %arg2[%dma_wait3A_250, %dma_wait3A_251] : memref<10000x128xf32, #tpu.memory_space<hbm>> -> memref<128x128xf32, #tpu.memory_space<hbm>>
      %dma_wait3A_253 = arith.constant 0 : i32
      %dma_wait3A_254 = arith.constant 0 : i32
      %dma_wait3A_255 = tpu.memref_slice %arg2[%dma_wait3A_253, %dma_wait3A_254] : memref<10000x128xf32, #tpu.memory_space<hbm>> -> memref<128x128xf32, #tpu.memory_space<hbm>>
      tpu.wait_dma2 semaphore(%arg11 : memref<!tpu.dma_semaphore, #tpu.memory_space<semaphore_mem>>) src(%dma_wait3A_255 : memref<128x128xf32, #tpu.memory_space<hbm>>) dst(%arg8 : memref<128x128xf32, #tpu.memory_space<vmem>>)
      %run_scoped3A_256 = arith.constant 0 : i32
      %run_scoped3A_257 = arith.constant 6 : i32
      "tpu.region"() ({
        %run_scoped3A_459 = tpu.sem_alloc : memref<!tpu.dma_semaphore, #tpu.memory_space<semaphore_mem>>
        %dma_start3A_460 = arith.constant 0 : i32
        %dma_start3A_461 = tpu.memref_slice %arg7[%run_scoped3A_256, %run_scoped3A_257, %dma_start3A_460] : memref<2x8x128xi32, #tpu.memory_space<vmem>> -> memref<1x1x128xi32, #tpu.memory_space<vmem>>
        %dma_start3A_462 = tpu.memref_squeeze %dma_start3A_461 : memref<1x1x128xi32, #tpu.memory_space<vmem>> -> memref<128xi32, #tpu.memory_space<vmem>>
        %dma_start3A_463 = arith.constant 0 : i32
        %dma_start3A_464 = arith.constant 0 : i32
        %dma_start3A_465 = tpu.memref_slice %arg10[%dma_start3A_463, %dma_start3A_464] : memref<10240x128xf32, #tpu.memory_space<vmem_shared>> -> memref<10240x128xf32, #tpu.memory_space<vmem_shared>>
        tpu.enqueue_indirect_dma source(%arg8 : memref<128x128xf32, #tpu.memory_space<vmem>>) target(%dma_start3A_465 : memref<10240x128xf32, #tpu.memory_space<vmem_shared>>) offsets(%dma_start3A_462 : memref<128xi32, #tpu.memory_space<vmem>>) semaphore(%run_scoped3A_459 : memref<!tpu.dma_semaphore, #tpu.memory_space<semaphore_mem>>) {add = true}
        %dma_wait3A_466 = arith.constant 0 : i32
        %dma_wait3A_467 = tpu.memref_slice %arg7[%run_scoped3A_256, %run_scoped3A_257, %dma_wait3A_466] : memref<2x8x128xi32, #tpu.memory_space<vmem>> -> memref<1x1x128xi32, #tpu.memory_space<vmem>>
        %dma_wait3A_468 = tpu.memref_squeeze %dma_wait3A_467 : memref<1x1x128xi32, #tpu.memory_space<vmem>> -> memref<128xi32, #tpu.memory_space<vmem>>
        %dma_wait3A_469 = arith.constant 0 : i32
        %dma_wait3A_470 = arith.constant 0 : i32
        %dma_wait3A_471 = tpu.memref_slice %arg10[%dma_wait3A_469, %dma_wait3A_470] : memref<10240x128xf32, #tpu.memory_space<vmem_shared>> -> memref<10240x128xf32, #tpu.memory_space<vmem_shared>>
        tpu.wait_indirect_dma semaphore(%run_scoped3A_459 : memref<!tpu.dma_semaphore, #tpu.memory_space<semaphore_mem>>) src(%arg8 : memref<128x128xf32, #tpu.memory_space<vmem>>) dst(%dma_wait3A_471 : memref<10240x128xf32, #tpu.memory_space<vmem_shared>>)
        tpu.yield
      }) : () -> ()
      %add3A_258 = arith.constant 1 : i32
      %add3A_259 = arith.addi %add3A_128, %add3A_258 : i32
      %lt3A_260 = arith.constant 20 : i32
      %lt3A_261 = arith.cmpi slt, %add3A_259, %lt3A_260 : i32
      %convert_element_type3A_262 = arith.extui %lt3A_261 : i1 to i32
      %cond3A_263 = arith.constant 0 : i32
      %cond3A_264 = arith.cmpi ne, %convert_element_type3A_262, %cond3A_263 : i32
      scf.if %cond3A_264 {
        %dma_wait3A_459 = arith.constant 1 : i32
        %dma_wait3A_460 = arith.constant 0 : i32
        %dma_wait3A_461 = arith.constant 0 : i32
        %dma_wait3A_462 = tpu.memref_slice %arg6[%dma_wait3A_459, %dma_wait3A_460, %dma_wait3A_461] : memref<2x8x128xi32, #tpu.memory_space<vmem>> -> memref<1x8x128xi32, #tpu.memory_space<vmem>>
        %dma_wait3A_463 = tpu.memref_squeeze %dma_wait3A_462 : memref<1x8x128xi32, #tpu.memory_space<vmem>> -> memref<8x128xi32, #tpu.memory_space<vmem>>
        %dma_wait3A_464 = arith.constant 0 : i32
        %dma_wait3A_465 = arith.constant 0 : i32
        %dma_wait3A_466 = tpu.memref_slice %arg3[%dma_wait3A_464, %dma_wait3A_465] : memref<2560x128xi32, #tpu.memory_space<hbm>> -> memref<8x128xi32, #tpu.memory_space<hbm>>
        %dma_wait3A_467 = arith.constant 0 : i32
        %dma_wait3A_468 = arith.constant 0 : i32
        %dma_wait3A_469 = tpu.memref_slice %arg6[%dma_wait3A_459, %dma_wait3A_467, %dma_wait3A_468] : memref<2x8x128xi32, #tpu.memory_space<vmem>> -> memref<1x8x128xi32, #tpu.memory_space<vmem>>
        %dma_wait3A_470 = tpu.memref_squeeze %dma_wait3A_469 : memref<1x8x128xi32, #tpu.memory_space<vmem>> -> memref<8x128xi32, #tpu.memory_space<vmem>>
        %dma_wait3A_471 = arith.constant 0 : i32
        %dma_wait3A_472 = arith.constant 0 : i32
        %dma_wait3A_473 = tpu.memref_slice %arg3[%dma_wait3A_471, %dma_wait3A_472] : memref<2560x128xi32, #tpu.memory_space<hbm>> -> memref<8x128xi32, #tpu.memory_space<hbm>>
        tpu.wait_dma2 semaphore(%arg14 : memref<!tpu.dma_semaphore, #tpu.memory_space<semaphore_mem>>) src(%dma_wait3A_473 : memref<8x128xi32, #tpu.memory_space<hbm>>) dst(%dma_wait3A_470 : memref<8x128xi32, #tpu.memory_space<vmem>>)
        %dma_wait3A_474 = arith.constant 1 : i32
        %dma_wait3A_475 = arith.constant 0 : i32
        %dma_wait3A_476 = arith.constant 0 : i32
        %dma_wait3A_477 = tpu.memref_slice %arg7[%dma_wait3A_474, %dma_wait3A_475, %dma_wait3A_476] : memref<2x8x128xi32, #tpu.memory_space<vmem>> -> memref<1x8x128xi32, #tpu.memory_space<vmem>>
        %dma_wait3A_478 = tpu.memref_squeeze %dma_wait3A_477 : memref<1x8x128xi32, #tpu.memory_space<vmem>> -> memref<8x128xi32, #tpu.memory_space<vmem>>
        %dma_wait3A_479 = arith.constant 0 : i32
        %dma_wait3A_480 = arith.constant 0 : i32
        %dma_wait3A_481 = tpu.memref_slice %arg4[%dma_wait3A_479, %dma_wait3A_480] : memref<2560x128xi32, #tpu.memory_space<hbm>> -> memref<8x128xi32, #tpu.memory_space<hbm>>
        %dma_wait3A_482 = arith.constant 0 : i32
        %dma_wait3A_483 = arith.constant 0 : i32
        %dma_wait3A_484 = tpu.memref_slice %arg7[%dma_wait3A_474, %dma_wait3A_482, %dma_wait3A_483] : memref<2x8x128xi32, #tpu.memory_space<vmem>> -> memref<1x8x128xi32, #tpu.memory_space<vmem>>
        %dma_wait3A_485 = tpu.memref_squeeze %dma_wait3A_484 : memref<1x8x128xi32, #tpu.memory_space<vmem>> -> memref<8x128xi32, #tpu.memory_space<vmem>>
        %dma_wait3A_486 = arith.constant 0 : i32
        %dma_wait3A_487 = arith.constant 0 : i32
        %dma_wait3A_488 = tpu.memref_slice %arg4[%dma_wait3A_486, %dma_wait3A_487] : memref<2560x128xi32, #tpu.memory_space<hbm>> -> memref<8x128xi32, #tpu.memory_space<hbm>>
        tpu.wait_dma2 semaphore(%arg14 : memref<!tpu.dma_semaphore, #tpu.memory_space<semaphore_mem>>) src(%dma_wait3A_488 : memref<8x128xi32, #tpu.memory_space<hbm>>) dst(%dma_wait3A_485 : memref<8x128xi32, #tpu.memory_space<vmem>>)
      } else {
      }
      %add3A_265 = arith.constant 2 : i32
      %add3A_266 = arith.addi %add3A_249, %add3A_265 : i32
      %lt3A_267 = arith.constant 160 : i32
      %lt3A_268 = arith.cmpi slt, %add3A_266, %lt3A_267 : i32
      %convert_element_type3A_269 = arith.extui %lt3A_268 : i1 to i32
      %cond3A_270 = arith.constant 0 : i32
      %cond3A_271 = arith.cmpi ne, %convert_element_type3A_269, %cond3A_270 : i32
      scf.if %cond3A_271 {
        %dma_start3A_459 = arith.constant 1 : i32
        %dma_start3A_460 = arith.constant 0 : i32
        %dma_start3A_461 = arith.constant 0 : i32
        %dma_start3A_462 = arith.constant 0 : i32
        %dma_start3A_463 = tpu.memref_slice %arg8[%dma_start3A_461, %dma_start3A_462] : memref<128x128xf32, #tpu.memory_space<vmem>> -> memref<64x128xf32, #tpu.memory_space<vmem>>
        %dma_start3A_464 = arith.constant 0 : i32
        %dma_start3A_465 = tpu.memref_slice %arg6[%dma_start3A_459, %dma_start3A_460, %dma_start3A_464] : memref<2x8x128xi32, #tpu.memory_space<vmem>> -> memref<1x1x64xi32, #tpu.memory_space<vmem>>
        %dma_start3A_466 = tpu.memref_squeeze %dma_start3A_465 : memref<1x1x64xi32, #tpu.memory_space<vmem>> -> memref<64xi32, #tpu.memory_space<vmem>>
        %dma_start3A_467 = arith.constant 0 : i32
        %dma_start3A_468 = arith.constant 0 : i32
        %dma_start3A_469 = tpu.memref_slice %arg2[%dma_start3A_467, %dma_start3A_468] : memref<10000x128xf32, #tpu.memory_space<hbm>> -> memref<10000x128xf32, #tpu.memory_space<hbm>>
        tpu.enqueue_indirect_dma source(%dma_start3A_469 : memref<10000x128xf32, #tpu.memory_space<hbm>>) target(%dma_start3A_463 : memref<64x128xf32, #tpu.memory_space<vmem>>) offsets(%dma_start3A_466 : memref<64xi32, #tpu.memory_space<vmem>>) semaphore(%arg11 : memref<!tpu.dma_semaphore, #tpu.memory_space<semaphore_mem>>)
        %dma_start3A_470 = arith.constant 1 : i32
        %dma_start3A_471 = arith.constant 0 : i32
        %dma_start3A_472 = arith.constant 64 : i32
        %dma_start3A_473 = arith.constant 0 : i32
        %dma_start3A_474 = tpu.memref_slice %arg8[%dma_start3A_472, %dma_start3A_473] : memref<128x128xf32, #tpu.memory_space<vmem>> -> memref<64x128xf32, #tpu.memory_space<vmem>>
        %dma_start3A_475 = arith.constant 64 : i32
        %dma_start3A_476 = tpu.memref_slice %arg6[%dma_start3A_470, %dma_start3A_471, %dma_start3A_475] : memref<2x8x128xi32, #tpu.memory_space<vmem>> -> memref<1x1x64xi32, #tpu.memory_space<vmem>>
        %dma_start3A_477 = tpu.memref_squeeze %dma_start3A_476 : memref<1x1x64xi32, #tpu.memory_space<vmem>> -> memref<64xi32, #tpu.memory_space<vmem>>
        %dma_start3A_478 = arith.constant 0 : i32
        %dma_start3A_479 = arith.constant 0 : i32
        %dma_start3A_480 = tpu.memref_slice %arg2[%dma_start3A_478, %dma_start3A_479] : memref<10000x128xf32, #tpu.memory_space<hbm>> -> memref<10000x128xf32, #tpu.memory_space<hbm>>
        tpu.enqueue_indirect_dma source(%dma_start3A_480 : memref<10000x128xf32, #tpu.memory_space<hbm>>) target(%dma_start3A_474 : memref<64x128xf32, #tpu.memory_space<vmem>>) offsets(%dma_start3A_477 : memref<64xi32, #tpu.memory_space<vmem>>) semaphore(%arg11 : memref<!tpu.dma_semaphore, #tpu.memory_space<semaphore_mem>>)
      } else {
      }
      %mul3A_272 = arith.constant 8 : i32
      %mul3A_273 = arith.muli %add3A_128, %mul3A_272 : i32
      %add3A_274 = arith.constant 7 : i32
      %add3A_275 = arith.addi %mul3A_273, %add3A_274 : i32
      %dma_wait3A_276 = arith.constant 0 : i32
      %dma_wait3A_277 = arith.constant 0 : i32
      %dma_wait3A_278 = tpu.memref_slice %arg2[%dma_wait3A_276, %dma_wait3A_277] : memref<10000x128xf32, #tpu.memory_space<hbm>> -> memref<128x128xf32, #tpu.memory_space<hbm>>
      %dma_wait3A_279 = arith.constant 0 : i32
      %dma_wait3A_280 = arith.constant 0 : i32
      %dma_wait3A_281 = tpu.memref_slice %arg2[%dma_wait3A_279, %dma_wait3A_280] : memref<10000x128xf32, #tpu.memory_space<hbm>> -> memref<128x128xf32, #tpu.memory_space<hbm>>
      tpu.wait_dma2 semaphore(%arg12 : memref<!tpu.dma_semaphore, #tpu.memory_space<semaphore_mem>>) src(%dma_wait3A_281 : memref<128x128xf32, #tpu.memory_space<hbm>>) dst(%arg9 : memref<128x128xf32, #tpu.memory_space<vmem>>)
      %run_scoped3A_282 = arith.constant 0 : i32
      %run_scoped3A_283 = arith.constant 7 : i32
      "tpu.region"() ({
        %run_scoped3A_459 = tpu.sem_alloc : memref<!tpu.dma_semaphore, #tpu.memory_space<semaphore_mem>>
        %dma_start3A_460 = arith.constant 0 : i32
        %dma_start3A_461 = tpu.memref_slice %arg7[%run_scoped3A_282, %run_scoped3A_283, %dma_start3A_460] : memref<2x8x128xi32, #tpu.memory_space<vmem>> -> memref<1x1x128xi32, #tpu.memory_space<vmem>>
        %dma_start3A_462 = tpu.memref_squeeze %dma_start3A_461 : memref<1x1x128xi32, #tpu.memory_space<vmem>> -> memref<128xi32, #tpu.memory_space<vmem>>
        %dma_start3A_463 = arith.constant 0 : i32
        %dma_start3A_464 = arith.constant 0 : i32
        %dma_start3A_465 = tpu.memref_slice %arg10[%dma_start3A_463, %dma_start3A_464] : memref<10240x128xf32, #tpu.memory_space<vmem_shared>> -> memref<10240x128xf32, #tpu.memory_space<vmem_shared>>
        tpu.enqueue_indirect_dma source(%arg9 : memref<128x128xf32, #tpu.memory_space<vmem>>) target(%dma_start3A_465 : memref<10240x128xf32, #tpu.memory_space<vmem_shared>>) offsets(%dma_start3A_462 : memref<128xi32, #tpu.memory_space<vmem>>) semaphore(%run_scoped3A_459 : memref<!tpu.dma_semaphore, #tpu.memory_space<semaphore_mem>>) {add = true}
        %dma_wait3A_466 = arith.constant 0 : i32
        %dma_wait3A_467 = tpu.memref_slice %arg7[%run_scoped3A_282, %run_scoped3A_283, %dma_wait3A_466] : memref<2x8x128xi32, #tpu.memory_space<vmem>> -> memref<1x1x128xi32, #tpu.memory_space<vmem>>
        %dma_wait3A_468 = tpu.memref_squeeze %dma_wait3A_467 : memref<1x1x128xi32, #tpu.memory_space<vmem>> -> memref<128xi32, #tpu.memory_space<vmem>>
        %dma_wait3A_469 = arith.constant 0 : i32
        %dma_wait3A_470 = arith.constant 0 : i32
        %dma_wait3A_471 = tpu.memref_slice %arg10[%dma_wait3A_469, %dma_wait3A_470] : memref<10240x128xf32, #tpu.memory_space<vmem_shared>> -> memref<10240x128xf32, #tpu.memory_space<vmem_shared>>
        tpu.wait_indirect_dma semaphore(%run_scoped3A_459 : memref<!tpu.dma_semaphore, #tpu.memory_space<semaphore_mem>>) src(%arg9 : memref<128x128xf32, #tpu.memory_space<vmem>>) dst(%dma_wait3A_471 : memref<10240x128xf32, #tpu.memory_space<vmem_shared>>)
        tpu.yield
      }) : () -> ()
      %add3A_284 = arith.constant 2 : i32
      %add3A_285 = arith.addi %add3A_275, %add3A_284 : i32
      %lt3A_286 = arith.constant 160 : i32
      %lt3A_287 = arith.cmpi slt, %add3A_285, %lt3A_286 : i32
      %convert_element_type3A_288 = arith.extui %lt3A_287 : i1 to i32
      %cond3A_289 = arith.constant 0 : i32
      %cond3A_290 = arith.cmpi ne, %convert_element_type3A_288, %cond3A_289 : i32
      scf.if %cond3A_290 {
        %dma_start3A_459 = arith.constant 1 : i32
        %dma_start3A_460 = arith.constant 1 : i32
        %dma_start3A_461 = arith.constant 0 : i32
        %dma_start3A_462 = arith.constant 0 : i32
        %dma_start3A_463 = tpu.memref_slice %arg9[%dma_start3A_461, %dma_start3A_462] : memref<128x128xf32, #tpu.memory_space<vmem>> -> memref<64x128xf32, #tpu.memory_space<vmem>>
        %dma_start3A_464 = arith.constant 0 : i32
        %dma_start3A_465 = tpu.memref_slice %arg6[%dma_start3A_459, %dma_start3A_460, %dma_start3A_464] : memref<2x8x128xi32, #tpu.memory_space<vmem>> -> memref<1x1x64xi32, #tpu.memory_space<vmem>>
        %dma_start3A_466 = tpu.memref_squeeze %dma_start3A_465 : memref<1x1x64xi32, #tpu.memory_space<vmem>> -> memref<64xi32, #tpu.memory_space<vmem>>
        %dma_start3A_467 = arith.constant 0 : i32
        %dma_start3A_468 = arith.constant 0 : i32
        %dma_start3A_469 = tpu.memref_slice %arg2[%dma_start3A_467, %dma_start3A_468] : memref<10000x128xf32, #tpu.memory_space<hbm>> -> memref<10000x128xf32, #tpu.memory_space<hbm>>
        tpu.enqueue_indirect_dma source(%dma_start3A_469 : memref<10000x128xf32, #tpu.memory_space<hbm>>) target(%dma_start3A_463 : memref<64x128xf32, #tpu.memory_space<vmem>>) offsets(%dma_start3A_466 : memref<64xi32, #tpu.memory_space<vmem>>) semaphore(%arg12 : memref<!tpu.dma_semaphore, #tpu.memory_space<semaphore_mem>>)
        %dma_start3A_470 = arith.constant 1 : i32
        %dma_start3A_471 = arith.constant 1 : i32
        %dma_start3A_472 = arith.constant 64 : i32
        %dma_start3A_473 = arith.constant 0 : i32
        %dma_start3A_474 = tpu.memref_slice %arg9[%dma_start3A_472, %dma_start3A_473] : memref<128x128xf32, #tpu.memory_space<vmem>> -> memref<64x128xf32, #tpu.memory_space<vmem>>
        %dma_start3A_475 = arith.constant 64 : i32
        %dma_start3A_476 = tpu.memref_slice %arg6[%dma_start3A_470, %dma_start3A_471, %dma_start3A_475] : memref<2x8x128xi32, #tpu.memory_space<vmem>> -> memref<1x1x64xi32, #tpu.memory_space<vmem>>
        %dma_start3A_477 = tpu.memref_squeeze %dma_start3A_476 : memref<1x1x64xi32, #tpu.memory_space<vmem>> -> memref<64xi32, #tpu.memory_space<vmem>>
        %dma_start3A_478 = arith.constant 0 : i32
        %dma_start3A_479 = arith.constant 0 : i32
        %dma_start3A_480 = tpu.memref_slice %arg2[%dma_start3A_478, %dma_start3A_479] : memref<10000x128xf32, #tpu.memory_space<hbm>> -> memref<10000x128xf32, #tpu.memory_space<hbm>>
        tpu.enqueue_indirect_dma source(%dma_start3A_480 : memref<10000x128xf32, #tpu.memory_space<hbm>>) target(%dma_start3A_474 : memref<64x128xf32, #tpu.memory_space<vmem>>) offsets(%dma_start3A_477 : memref<64xi32, #tpu.memory_space<vmem>>) semaphore(%arg12 : memref<!tpu.dma_semaphore, #tpu.memory_space<semaphore_mem>>)
      } else {
      }
      %add3A_291 = arith.constant 1 : i32
      %add3A_292 = arith.addi %add3A_126, %add3A_291 : i32
      %add3A_293 = arith.constant 1 : i32
      %add3A_294 = arith.addi %add3A_292, %add3A_293 : i32
      %lt3A_295 = arith.constant 20 : i32
      %lt3A_296 = arith.cmpi slt, %add3A_294, %lt3A_295 : i32
      %convert_element_type3A_297 = arith.extui %lt3A_296 : i1 to i32
      %cond3A_298 = arith.constant 0 : i32
      %cond3A_299 = arith.cmpi ne, %convert_element_type3A_297, %cond3A_298 : i32
      scf.if %cond3A_299 {
        %add3A_459 = arith.constant 1 : i32
        %add3A_460 = arith.addi %add3A_292, %add3A_459 : i32
        %mul3A_461 = arith.constant 8 : i32
        %mul3A_462 = arith.muli %add3A_460, %mul3A_461 : i32
        %add3A_463 = arith.addi %mul3A_0, %mul3A_462 : i32
        %dma_start3A_464 = arith.constant 0 : i32
        %dma_start3A_465 = arith.constant 0 : i32
        %dma_start3A_466 = arith.constant 0 : i32
        %dma_start3A_467 = tpu.memref_slice %arg6[%dma_start3A_464, %dma_start3A_465, %dma_start3A_466] : memref<2x8x128xi32, #tpu.memory_space<vmem>> -> memref<1x8x128xi32, #tpu.memory_space<vmem>>
        %dma_start3A_468 = tpu.memref_squeeze %dma_start3A_467 : memref<1x8x128xi32, #tpu.memory_space<vmem>> -> memref<8x128xi32, #tpu.memory_space<vmem>>
        %dma_start3A_469 = arith.constant 0 : i32
        %dma_start3A_470 = tpu.memref_slice %arg3[%add3A_463, %dma_start3A_469] : memref<2560x128xi32, #tpu.memory_space<hbm>> -> memref<8x128xi32, #tpu.memory_space<hbm>>
        %dma_start3A_471 = arith.constant 0 : i32
        %dma_start3A_472 = arith.constant 0 : i32
        %dma_start3A_473 = tpu.memref_slice %arg6[%dma_start3A_464, %dma_start3A_471, %dma_start3A_472] : memref<2x8x128xi32, #tpu.memory_space<vmem>> -> memref<1x8x128xi32, #tpu.memory_space<vmem>>
        %dma_start3A_474 = tpu.memref_squeeze %dma_start3A_473 : memref<1x8x128xi32, #tpu.memory_space<vmem>> -> memref<8x128xi32, #tpu.memory_space<vmem>>
        %dma_start3A_475 = arith.constant 0 : i32
        %dma_start3A_476 = tpu.memref_slice %arg3[%add3A_463, %dma_start3A_475] : memref<2560x128xi32, #tpu.memory_space<hbm>> -> memref<8x128xi32, #tpu.memory_space<hbm>>
        tpu.enqueue_dma source(%dma_start3A_476 : memref<8x128xi32, #tpu.memory_space<hbm>>) target(%dma_start3A_474 : memref<8x128xi32, #tpu.memory_space<vmem>>) target_semaphore(%arg13 : memref<!tpu.dma_semaphore, #tpu.memory_space<semaphore_mem>>)
        %mul3A_477 = arith.constant 8 : i32
        %mul3A_478 = arith.muli %add3A_460, %mul3A_477 : i32
        %add3A_479 = arith.addi %mul3A_0, %mul3A_478 : i32
        %dma_start3A_480 = arith.constant 0 : i32
        %dma_start3A_481 = arith.constant 0 : i32
        %dma_start3A_482 = arith.constant 0 : i32
        %dma_start3A_483 = tpu.memref_slice %arg7[%dma_start3A_480, %dma_start3A_481, %dma_start3A_482] : memref<2x8x128xi32, #tpu.memory_space<vmem>> -> memref<1x8x128xi32, #tpu.memory_space<vmem>>
        %dma_start3A_484 = tpu.memref_squeeze %dma_start3A_483 : memref<1x8x128xi32, #tpu.memory_space<vmem>> -> memref<8x128xi32, #tpu.memory_space<vmem>>
        %dma_start3A_485 = arith.constant 0 : i32
        %dma_start3A_486 = tpu.memref_slice %arg4[%add3A_479, %dma_start3A_485] : memref<2560x128xi32, #tpu.memory_space<hbm>> -> memref<8x128xi32, #tpu.memory_space<hbm>>
        %dma_start3A_487 = arith.constant 0 : i32
        %dma_start3A_488 = arith.constant 0 : i32
        %dma_start3A_489 = tpu.memref_slice %arg7[%dma_start3A_480, %dma_start3A_487, %dma_start3A_488] : memref<2x8x128xi32, #tpu.memory_space<vmem>> -> memref<1x8x128xi32, #tpu.memory_space<vmem>>
        %dma_start3A_490 = tpu.memref_squeeze %dma_start3A_489 : memref<1x8x128xi32, #tpu.memory_space<vmem>> -> memref<8x128xi32, #tpu.memory_space<vmem>>
        %dma_start3A_491 = arith.constant 0 : i32
        %dma_start3A_492 = tpu.memref_slice %arg4[%add3A_479, %dma_start3A_491] : memref<2560x128xi32, #tpu.memory_space<hbm>> -> memref<8x128xi32, #tpu.memory_space<hbm>>
        tpu.enqueue_dma source(%dma_start3A_492 : memref<8x128xi32, #tpu.memory_space<hbm>>) target(%dma_start3A_490 : memref<8x128xi32, #tpu.memory_space<vmem>>) target_semaphore(%arg13 : memref<!tpu.dma_semaphore, #tpu.memory_space<semaphore_mem>>)
      } else {
      }
      %mul3A_300 = arith.constant 8 : i32
      %mul3A_301 = arith.muli %add3A_292, %mul3A_300 : i32
      %add3A_302 = arith.constant 0 : i32
      %add3A_303 = arith.addi %mul3A_301, %add3A_302 : i32
      %dma_wait3A_304 = arith.constant 0 : i32
      %dma_wait3A_305 = arith.constant 0 : i32
      %dma_wait3A_306 = tpu.memref_slice %arg2[%dma_wait3A_304, %dma_wait3A_305] : memref<10000x128xf32, #tpu.memory_space<hbm>> -> memref<128x128xf32, #tpu.memory_space<hbm>>
      %dma_wait3A_307 = arith.constant 0 : i32
      %dma_wait3A_308 = arith.constant 0 : i32
      %dma_wait3A_309 = tpu.memref_slice %arg2[%dma_wait3A_307, %dma_wait3A_308] : memref<10000x128xf32, #tpu.memory_space<hbm>> -> memref<128x128xf32, #tpu.memory_space<hbm>>
      tpu.wait_dma2 semaphore(%arg11 : memref<!tpu.dma_semaphore, #tpu.memory_space<semaphore_mem>>) src(%dma_wait3A_309 : memref<128x128xf32, #tpu.memory_space<hbm>>) dst(%arg8 : memref<128x128xf32, #tpu.memory_space<vmem>>)
      %run_scoped3A_310 = arith.constant 1 : i32
      %run_scoped3A_311 = arith.constant 0 : i32
      "tpu.region"() ({
        %run_scoped3A_459 = tpu.sem_alloc : memref<!tpu.dma_semaphore, #tpu.memory_space<semaphore_mem>>
        %dma_start3A_460 = arith.constant 0 : i32
        %dma_start3A_461 = tpu.memref_slice %arg7[%run_scoped3A_310, %run_scoped3A_311, %dma_start3A_460] : memref<2x8x128xi32, #tpu.memory_space<vmem>> -> memref<1x1x128xi32, #tpu.memory_space<vmem>>
        %dma_start3A_462 = tpu.memref_squeeze %dma_start3A_461 : memref<1x1x128xi32, #tpu.memory_space<vmem>> -> memref<128xi32, #tpu.memory_space<vmem>>
        %dma_start3A_463 = arith.constant 0 : i32
        %dma_start3A_464 = arith.constant 0 : i32
        %dma_start3A_465 = tpu.memref_slice %arg10[%dma_start3A_463, %dma_start3A_464] : memref<10240x128xf32, #tpu.memory_space<vmem_shared>> -> memref<10240x128xf32, #tpu.memory_space<vmem_shared>>
        tpu.enqueue_indirect_dma source(%arg8 : memref<128x128xf32, #tpu.memory_space<vmem>>) target(%dma_start3A_465 : memref<10240x128xf32, #tpu.memory_space<vmem_shared>>) offsets(%dma_start3A_462 : memref<128xi32, #tpu.memory_space<vmem>>) semaphore(%run_scoped3A_459 : memref<!tpu.dma_semaphore, #tpu.memory_space<semaphore_mem>>) {add = true}
        %dma_wait3A_466 = arith.constant 0 : i32
        %dma_wait3A_467 = tpu.memref_slice %arg7[%run_scoped3A_310, %run_scoped3A_311, %dma_wait3A_466] : memref<2x8x128xi32, #tpu.memory_space<vmem>> -> memref<1x1x128xi32, #tpu.memory_space<vmem>>
        %dma_wait3A_468 = tpu.memref_squeeze %dma_wait3A_467 : memref<1x1x128xi32, #tpu.memory_space<vmem>> -> memref<128xi32, #tpu.memory_space<vmem>>
        %dma_wait3A_469 = arith.constant 0 : i32
        %dma_wait3A_470 = arith.constant 0 : i32
        %dma_wait3A_471 = tpu.memref_slice %arg10[%dma_wait3A_469, %dma_wait3A_470] : memref<10240x128xf32, #tpu.memory_space<vmem_shared>> -> memref<10240x128xf32, #tpu.memory_space<vmem_shared>>
        tpu.wait_indirect_dma semaphore(%run_scoped3A_459 : memref<!tpu.dma_semaphore, #tpu.memory_space<semaphore_mem>>) src(%arg8 : memref<128x128xf32, #tpu.memory_space<vmem>>) dst(%dma_wait3A_471 : memref<10240x128xf32, #tpu.memory_space<vmem_shared>>)
        tpu.yield
      }) : () -> ()
      %add3A_312 = arith.constant 2 : i32
      %add3A_313 = arith.addi %add3A_303, %add3A_312 : i32
      %lt3A_314 = arith.constant 160 : i32
      %lt3A_315 = arith.cmpi slt, %add3A_313, %lt3A_314 : i32
      %convert_element_type3A_316 = arith.extui %lt3A_315 : i1 to i32
      %cond3A_317 = arith.constant 0 : i32
      %cond3A_318 = arith.cmpi ne, %convert_element_type3A_316, %cond3A_317 : i32
      scf.if %cond3A_318 {
        %dma_start3A_459 = arith.constant 1 : i32
        %dma_start3A_460 = arith.constant 2 : i32
        %dma_start3A_461 = arith.constant 0 : i32
        %dma_start3A_462 = arith.constant 0 : i32
        %dma_start3A_463 = tpu.memref_slice %arg8[%dma_start3A_461, %dma_start3A_462] : memref<128x128xf32, #tpu.memory_space<vmem>> -> memref<64x128xf32, #tpu.memory_space<vmem>>
        %dma_start3A_464 = arith.constant 0 : i32
        %dma_start3A_465 = tpu.memref_slice %arg6[%dma_start3A_459, %dma_start3A_460, %dma_start3A_464] : memref<2x8x128xi32, #tpu.memory_space<vmem>> -> memref<1x1x64xi32, #tpu.memory_space<vmem>>
        %dma_start3A_466 = tpu.memref_squeeze %dma_start3A_465 : memref<1x1x64xi32, #tpu.memory_space<vmem>> -> memref<64xi32, #tpu.memory_space<vmem>>
        %dma_start3A_467 = arith.constant 0 : i32
        %dma_start3A_468 = arith.constant 0 : i32
        %dma_start3A_469 = tpu.memref_slice %arg2[%dma_start3A_467, %dma_start3A_468] : memref<10000x128xf32, #tpu.memory_space<hbm>> -> memref<10000x128xf32, #tpu.memory_space<hbm>>
        tpu.enqueue_indirect_dma source(%dma_start3A_469 : memref<10000x128xf32, #tpu.memory_space<hbm>>) target(%dma_start3A_463 : memref<64x128xf32, #tpu.memory_space<vmem>>) offsets(%dma_start3A_466 : memref<64xi32, #tpu.memory_space<vmem>>) semaphore(%arg11 : memref<!tpu.dma_semaphore, #tpu.memory_space<semaphore_mem>>)
        %dma_start3A_470 = arith.constant 1 : i32
        %dma_start3A_471 = arith.constant 2 : i32
        %dma_start3A_472 = arith.constant 64 : i32
        %dma_start3A_473 = arith.constant 0 : i32
        %dma_start3A_474 = tpu.memref_slice %arg8[%dma_start3A_472, %dma_start3A_473] : memref<128x128xf32, #tpu.memory_space<vmem>> -> memref<64x128xf32, #tpu.memory_space<vmem>>
        %dma_start3A_475 = arith.constant 64 : i32
        %dma_start3A_476 = tpu.memref_slice %arg6[%dma_start3A_470, %dma_start3A_471, %dma_start3A_475] : memref<2x8x128xi32, #tpu.memory_space<vmem>> -> memref<1x1x64xi32, #tpu.memory_space<vmem>>
        %dma_start3A_477 = tpu.memref_squeeze %dma_start3A_476 : memref<1x1x64xi32, #tpu.memory_space<vmem>> -> memref<64xi32, #tpu.memory_space<vmem>>
        %dma_start3A_478 = arith.constant 0 : i32
        %dma_start3A_479 = arith.constant 0 : i32
        %dma_start3A_480 = tpu.memref_slice %arg2[%dma_start3A_478, %dma_start3A_479] : memref<10000x128xf32, #tpu.memory_space<hbm>> -> memref<10000x128xf32, #tpu.memory_space<hbm>>
        tpu.enqueue_indirect_dma source(%dma_start3A_480 : memref<10000x128xf32, #tpu.memory_space<hbm>>) target(%dma_start3A_474 : memref<64x128xf32, #tpu.memory_space<vmem>>) offsets(%dma_start3A_477 : memref<64xi32, #tpu.memory_space<vmem>>) semaphore(%arg11 : memref<!tpu.dma_semaphore, #tpu.memory_space<semaphore_mem>>)
      } else {
      }
      %mul3A_319 = arith.constant 8 : i32
      %mul3A_320 = arith.muli %add3A_292, %mul3A_319 : i32
      %add3A_321 = arith.constant 1 : i32
      %add3A_322 = arith.addi %mul3A_320, %add3A_321 : i32
      %dma_wait3A_323 = arith.constant 0 : i32
      %dma_wait3A_324 = arith.constant 0 : i32
      %dma_wait3A_325 = tpu.memref_slice %arg2[%dma_wait3A_323, %dma_wait3A_324] : memref<10000x128xf32, #tpu.memory_space<hbm>> -> memref<128x128xf32, #tpu.memory_space<hbm>>
      %dma_wait3A_326 = arith.constant 0 : i32
      %dma_wait3A_327 = arith.constant 0 : i32
      %dma_wait3A_328 = tpu.memref_slice %arg2[%dma_wait3A_326, %dma_wait3A_327] : memref<10000x128xf32, #tpu.memory_space<hbm>> -> memref<128x128xf32, #tpu.memory_space<hbm>>
      tpu.wait_dma2 semaphore(%arg12 : memref<!tpu.dma_semaphore, #tpu.memory_space<semaphore_mem>>) src(%dma_wait3A_328 : memref<128x128xf32, #tpu.memory_space<hbm>>) dst(%arg9 : memref<128x128xf32, #tpu.memory_space<vmem>>)
      %run_scoped3A_329 = arith.constant 1 : i32
      %run_scoped3A_330 = arith.constant 1 : i32
      "tpu.region"() ({
        %run_scoped3A_459 = tpu.sem_alloc : memref<!tpu.dma_semaphore, #tpu.memory_space<semaphore_mem>>
        %dma_start3A_460 = arith.constant 0 : i32
        %dma_start3A_461 = tpu.memref_slice %arg7[%run_scoped3A_329, %run_scoped3A_330, %dma_start3A_460] : memref<2x8x128xi32, #tpu.memory_space<vmem>> -> memref<1x1x128xi32, #tpu.memory_space<vmem>>
        %dma_start3A_462 = tpu.memref_squeeze %dma_start3A_461 : memref<1x1x128xi32, #tpu.memory_space<vmem>> -> memref<128xi32, #tpu.memory_space<vmem>>
        %dma_start3A_463 = arith.constant 0 : i32
        %dma_start3A_464 = arith.constant 0 : i32
        %dma_start3A_465 = tpu.memref_slice %arg10[%dma_start3A_463, %dma_start3A_464] : memref<10240x128xf32, #tpu.memory_space<vmem_shared>> -> memref<10240x128xf32, #tpu.memory_space<vmem_shared>>
        tpu.enqueue_indirect_dma source(%arg9 : memref<128x128xf32, #tpu.memory_space<vmem>>) target(%dma_start3A_465 : memref<10240x128xf32, #tpu.memory_space<vmem_shared>>) offsets(%dma_start3A_462 : memref<128xi32, #tpu.memory_space<vmem>>) semaphore(%run_scoped3A_459 : memref<!tpu.dma_semaphore, #tpu.memory_space<semaphore_mem>>) {add = true}
        %dma_wait3A_466 = arith.constant 0 : i32
        %dma_wait3A_467 = tpu.memref_slice %arg7[%run_scoped3A_329, %run_scoped3A_330, %dma_wait3A_466] : memref<2x8x128xi32, #tpu.memory_space<vmem>> -> memref<1x1x128xi32, #tpu.memory_space<vmem>>
        %dma_wait3A_468 = tpu.memref_squeeze %dma_wait3A_467 : memref<1x1x128xi32, #tpu.memory_space<vmem>> -> memref<128xi32, #tpu.memory_space<vmem>>
        %dma_wait3A_469 = arith.constant 0 : i32
        %dma_wait3A_470 = arith.constant 0 : i32
        %dma_wait3A_471 = tpu.memref_slice %arg10[%dma_wait3A_469, %dma_wait3A_470] : memref<10240x128xf32, #tpu.memory_space<vmem_shared>> -> memref<10240x128xf32, #tpu.memory_space<vmem_shared>>
        tpu.wait_indirect_dma semaphore(%run_scoped3A_459 : memref<!tpu.dma_semaphore, #tpu.memory_space<semaphore_mem>>) src(%arg9 : memref<128x128xf32, #tpu.memory_space<vmem>>) dst(%dma_wait3A_471 : memref<10240x128xf32, #tpu.memory_space<vmem_shared>>)
        tpu.yield
      }) : () -> ()
      %add3A_331 = arith.constant 2 : i32
      %add3A_332 = arith.addi %add3A_322, %add3A_331 : i32
      %lt3A_333 = arith.constant 160 : i32
      %lt3A_334 = arith.cmpi slt, %add3A_332, %lt3A_333 : i32
      %convert_element_type3A_335 = arith.extui %lt3A_334 : i1 to i32
      %cond3A_336 = arith.constant 0 : i32
      %cond3A_337 = arith.cmpi ne, %convert_element_type3A_335, %cond3A_336 : i32
      scf.if %cond3A_337 {
        %dma_start3A_459 = arith.constant 1 : i32
        %dma_start3A_460 = arith.constant 3 : i32
        %dma_start3A_461 = arith.constant 0 : i32
        %dma_start3A_462 = arith.constant 0 : i32
        %dma_start3A_463 = tpu.memref_slice %arg9[%dma_start3A_461, %dma_start3A_462] : memref<128x128xf32, #tpu.memory_space<vmem>> -> memref<64x128xf32, #tpu.memory_space<vmem>>
        %dma_start3A_464 = arith.constant 0 : i32
        %dma_start3A_465 = tpu.memref_slice %arg6[%dma_start3A_459, %dma_start3A_460, %dma_start3A_464] : memref<2x8x128xi32, #tpu.memory_space<vmem>> -> memref<1x1x64xi32, #tpu.memory_space<vmem>>
        %dma_start3A_466 = tpu.memref_squeeze %dma_start3A_465 : memref<1x1x64xi32, #tpu.memory_space<vmem>> -> memref<64xi32, #tpu.memory_space<vmem>>
        %dma_start3A_467 = arith.constant 0 : i32
        %dma_start3A_468 = arith.constant 0 : i32
        %dma_start3A_469 = tpu.memref_slice %arg2[%dma_start3A_467, %dma_start3A_468] : memref<10000x128xf32, #tpu.memory_space<hbm>> -> memref<10000x128xf32, #tpu.memory_space<hbm>>
        tpu.enqueue_indirect_dma source(%dma_start3A_469 : memref<10000x128xf32, #tpu.memory_space<hbm>>) target(%dma_start3A_463 : memref<64x128xf32, #tpu.memory_space<vmem>>) offsets(%dma_start3A_466 : memref<64xi32, #tpu.memory_space<vmem>>) semaphore(%arg12 : memref<!tpu.dma_semaphore, #tpu.memory_space<semaphore_mem>>)
        %dma_start3A_470 = arith.constant 1 : i32
        %dma_start3A_471 = arith.constant 3 : i32
        %dma_start3A_472 = arith.constant 64 : i32
        %dma_start3A_473 = arith.constant 0 : i32
        %dma_start3A_474 = tpu.memref_slice %arg9[%dma_start3A_472, %dma_start3A_473] : memref<128x128xf32, #tpu.memory_space<vmem>> -> memref<64x128xf32, #tpu.memory_space<vmem>>
        %dma_start3A_475 = arith.constant 64 : i32
        %dma_start3A_476 = tpu.memref_slice %arg6[%dma_start3A_470, %dma_start3A_471, %dma_start3A_475] : memref<2x8x128xi32, #tpu.memory_space<vmem>> -> memref<1x1x64xi32, #tpu.memory_space<vmem>>
        %dma_start3A_477 = tpu.memref_squeeze %dma_start3A_476 : memref<1x1x64xi32, #tpu.memory_space<vmem>> -> memref<64xi32, #tpu.memory_space<vmem>>
        %dma_start3A_478 = arith.constant 0 : i32
        %dma_start3A_479 = arith.constant 0 : i32
        %dma_start3A_480 = tpu.memref_slice %arg2[%dma_start3A_478, %dma_start3A_479] : memref<10000x128xf32, #tpu.memory_space<hbm>> -> memref<10000x128xf32, #tpu.memory_space<hbm>>
        tpu.enqueue_indirect_dma source(%dma_start3A_480 : memref<10000x128xf32, #tpu.memory_space<hbm>>) target(%dma_start3A_474 : memref<64x128xf32, #tpu.memory_space<vmem>>) offsets(%dma_start3A_477 : memref<64xi32, #tpu.memory_space<vmem>>) semaphore(%arg12 : memref<!tpu.dma_semaphore, #tpu.memory_space<semaphore_mem>>)
      } else {
      }
      %mul3A_338 = arith.constant 8 : i32
      %mul3A_339 = arith.muli %add3A_292, %mul3A_338 : i32
      %add3A_340 = arith.constant 2 : i32
      %add3A_341 = arith.addi %mul3A_339, %add3A_340 : i32
      %dma_wait3A_342 = arith.constant 0 : i32
      %dma_wait3A_343 = arith.constant 0 : i32
      %dma_wait3A_344 = tpu.memref_slice %arg2[%dma_wait3A_342, %dma_wait3A_343] : memref<10000x128xf32, #tpu.memory_space<hbm>> -> memref<128x128xf32, #tpu.memory_space<hbm>>
      %dma_wait3A_345 = arith.constant 0 : i32
      %dma_wait3A_346 = arith.constant 0 : i32
      %dma_wait3A_347 = tpu.memref_slice %arg2[%dma_wait3A_345, %dma_wait3A_346] : memref<10000x128xf32, #tpu.memory_space<hbm>> -> memref<128x128xf32, #tpu.memory_space<hbm>>
      tpu.wait_dma2 semaphore(%arg11 : memref<!tpu.dma_semaphore, #tpu.memory_space<semaphore_mem>>) src(%dma_wait3A_347 : memref<128x128xf32, #tpu.memory_space<hbm>>) dst(%arg8 : memref<128x128xf32, #tpu.memory_space<vmem>>)
      %run_scoped3A_348 = arith.constant 1 : i32
      %run_scoped3A_349 = arith.constant 2 : i32
      "tpu.region"() ({
        %run_scoped3A_459 = tpu.sem_alloc : memref<!tpu.dma_semaphore, #tpu.memory_space<semaphore_mem>>
        %dma_start3A_460 = arith.constant 0 : i32
        %dma_start3A_461 = tpu.memref_slice %arg7[%run_scoped3A_348, %run_scoped3A_349, %dma_start3A_460] : memref<2x8x128xi32, #tpu.memory_space<vmem>> -> memref<1x1x128xi32, #tpu.memory_space<vmem>>
        %dma_start3A_462 = tpu.memref_squeeze %dma_start3A_461 : memref<1x1x128xi32, #tpu.memory_space<vmem>> -> memref<128xi32, #tpu.memory_space<vmem>>
        %dma_start3A_463 = arith.constant 0 : i32
        %dma_start3A_464 = arith.constant 0 : i32
        %dma_start3A_465 = tpu.memref_slice %arg10[%dma_start3A_463, %dma_start3A_464] : memref<10240x128xf32, #tpu.memory_space<vmem_shared>> -> memref<10240x128xf32, #tpu.memory_space<vmem_shared>>
        tpu.enqueue_indirect_dma source(%arg8 : memref<128x128xf32, #tpu.memory_space<vmem>>) target(%dma_start3A_465 : memref<10240x128xf32, #tpu.memory_space<vmem_shared>>) offsets(%dma_start3A_462 : memref<128xi32, #tpu.memory_space<vmem>>) semaphore(%run_scoped3A_459 : memref<!tpu.dma_semaphore, #tpu.memory_space<semaphore_mem>>) {add = true}
        %dma_wait3A_466 = arith.constant 0 : i32
        %dma_wait3A_467 = tpu.memref_slice %arg7[%run_scoped3A_348, %run_scoped3A_349, %dma_wait3A_466] : memref<2x8x128xi32, #tpu.memory_space<vmem>> -> memref<1x1x128xi32, #tpu.memory_space<vmem>>
        %dma_wait3A_468 = tpu.memref_squeeze %dma_wait3A_467 : memref<1x1x128xi32, #tpu.memory_space<vmem>> -> memref<128xi32, #tpu.memory_space<vmem>>
        %dma_wait3A_469 = arith.constant 0 : i32
        %dma_wait3A_470 = arith.constant 0 : i32
        %dma_wait3A_471 = tpu.memref_slice %arg10[%dma_wait3A_469, %dma_wait3A_470] : memref<10240x128xf32, #tpu.memory_space<vmem_shared>> -> memref<10240x128xf32, #tpu.memory_space<vmem_shared>>
        tpu.wait_indirect_dma semaphore(%run_scoped3A_459 : memref<!tpu.dma_semaphore, #tpu.memory_space<semaphore_mem>>) src(%arg8 : memref<128x128xf32, #tpu.memory_space<vmem>>) dst(%dma_wait3A_471 : memref<10240x128xf32, #tpu.memory_space<vmem_shared>>)
        tpu.yield
      }) : () -> ()
      %add3A_350 = arith.constant 2 : i32
      %add3A_351 = arith.addi %add3A_341, %add3A_350 : i32
      %lt3A_352 = arith.constant 160 : i32
      %lt3A_353 = arith.cmpi slt, %add3A_351, %lt3A_352 : i32
      %convert_element_type3A_354 = arith.extui %lt3A_353 : i1 to i32
      %cond3A_355 = arith.constant 0 : i32
      %cond3A_356 = arith.cmpi ne, %convert_element_type3A_354, %cond3A_355 : i32
      scf.if %cond3A_356 {
        %dma_start3A_459 = arith.constant 1 : i32
        %dma_start3A_460 = arith.constant 4 : i32
        %dma_start3A_461 = arith.constant 0 : i32
        %dma_start3A_462 = arith.constant 0 : i32
        %dma_start3A_463 = tpu.memref_slice %arg8[%dma_start3A_461, %dma_start3A_462] : memref<128x128xf32, #tpu.memory_space<vmem>> -> memref<64x128xf32, #tpu.memory_space<vmem>>
        %dma_start3A_464 = arith.constant 0 : i32
        %dma_start3A_465 = tpu.memref_slice %arg6[%dma_start3A_459, %dma_start3A_460, %dma_start3A_464] : memref<2x8x128xi32, #tpu.memory_space<vmem>> -> memref<1x1x64xi32, #tpu.memory_space<vmem>>
        %dma_start3A_466 = tpu.memref_squeeze %dma_start3A_465 : memref<1x1x64xi32, #tpu.memory_space<vmem>> -> memref<64xi32, #tpu.memory_space<vmem>>
        %dma_start3A_467 = arith.constant 0 : i32
        %dma_start3A_468 = arith.constant 0 : i32
        %dma_start3A_469 = tpu.memref_slice %arg2[%dma_start3A_467, %dma_start3A_468] : memref<10000x128xf32, #tpu.memory_space<hbm>> -> memref<10000x128xf32, #tpu.memory_space<hbm>>
        tpu.enqueue_indirect_dma source(%dma_start3A_469 : memref<10000x128xf32, #tpu.memory_space<hbm>>) target(%dma_start3A_463 : memref<64x128xf32, #tpu.memory_space<vmem>>) offsets(%dma_start3A_466 : memref<64xi32, #tpu.memory_space<vmem>>) semaphore(%arg11 : memref<!tpu.dma_semaphore, #tpu.memory_space<semaphore_mem>>)
        %dma_start3A_470 = arith.constant 1 : i32
        %dma_start3A_471 = arith.constant 4 : i32
        %dma_start3A_472 = arith.constant 64 : i32
        %dma_start3A_473 = arith.constant 0 : i32
        %dma_start3A_474 = tpu.memref_slice %arg8[%dma_start3A_472, %dma_start3A_473] : memref<128x128xf32, #tpu.memory_space<vmem>> -> memref<64x128xf32, #tpu.memory_space<vmem>>
        %dma_start3A_475 = arith.constant 64 : i32
        %dma_start3A_476 = tpu.memref_slice %arg6[%dma_start3A_470, %dma_start3A_471, %dma_start3A_475] : memref<2x8x128xi32, #tpu.memory_space<vmem>> -> memref<1x1x64xi32, #tpu.memory_space<vmem>>
        %dma_start3A_477 = tpu.memref_squeeze %dma_start3A_476 : memref<1x1x64xi32, #tpu.memory_space<vmem>> -> memref<64xi32, #tpu.memory_space<vmem>>
        %dma_start3A_478 = arith.constant 0 : i32
        %dma_start3A_479 = arith.constant 0 : i32
        %dma_start3A_480 = tpu.memref_slice %arg2[%dma_start3A_478, %dma_start3A_479] : memref<10000x128xf32, #tpu.memory_space<hbm>> -> memref<10000x128xf32, #tpu.memory_space<hbm>>
        tpu.enqueue_indirect_dma source(%dma_start3A_480 : memref<10000x128xf32, #tpu.memory_space<hbm>>) target(%dma_start3A_474 : memref<64x128xf32, #tpu.memory_space<vmem>>) offsets(%dma_start3A_477 : memref<64xi32, #tpu.memory_space<vmem>>) semaphore(%arg11 : memref<!tpu.dma_semaphore, #tpu.memory_space<semaphore_mem>>)
      } else {
      }
      %mul3A_357 = arith.constant 8 : i32
      %mul3A_358 = arith.muli %add3A_292, %mul3A_357 : i32
      %add3A_359 = arith.constant 3 : i32
      %add3A_360 = arith.addi %mul3A_358, %add3A_359 : i32
      %dma_wait3A_361 = arith.constant 0 : i32
      %dma_wait3A_362 = arith.constant 0 : i32
      %dma_wait3A_363 = tpu.memref_slice %arg2[%dma_wait3A_361, %dma_wait3A_362] : memref<10000x128xf32, #tpu.memory_space<hbm>> -> memref<128x128xf32, #tpu.memory_space<hbm>>
      %dma_wait3A_364 = arith.constant 0 : i32
      %dma_wait3A_365 = arith.constant 0 : i32
      %dma_wait3A_366 = tpu.memref_slice %arg2[%dma_wait3A_364, %dma_wait3A_365] : memref<10000x128xf32, #tpu.memory_space<hbm>> -> memref<128x128xf32, #tpu.memory_space<hbm>>
      tpu.wait_dma2 semaphore(%arg12 : memref<!tpu.dma_semaphore, #tpu.memory_space<semaphore_mem>>) src(%dma_wait3A_366 : memref<128x128xf32, #tpu.memory_space<hbm>>) dst(%arg9 : memref<128x128xf32, #tpu.memory_space<vmem>>)
      %run_scoped3A_367 = arith.constant 1 : i32
      %run_scoped3A_368 = arith.constant 3 : i32
      "tpu.region"() ({
        %run_scoped3A_459 = tpu.sem_alloc : memref<!tpu.dma_semaphore, #tpu.memory_space<semaphore_mem>>
        %dma_start3A_460 = arith.constant 0 : i32
        %dma_start3A_461 = tpu.memref_slice %arg7[%run_scoped3A_367, %run_scoped3A_368, %dma_start3A_460] : memref<2x8x128xi32, #tpu.memory_space<vmem>> -> memref<1x1x128xi32, #tpu.memory_space<vmem>>
        %dma_start3A_462 = tpu.memref_squeeze %dma_start3A_461 : memref<1x1x128xi32, #tpu.memory_space<vmem>> -> memref<128xi32, #tpu.memory_space<vmem>>
        %dma_start3A_463 = arith.constant 0 : i32
        %dma_start3A_464 = arith.constant 0 : i32
        %dma_start3A_465 = tpu.memref_slice %arg10[%dma_start3A_463, %dma_start3A_464] : memref<10240x128xf32, #tpu.memory_space<vmem_shared>> -> memref<10240x128xf32, #tpu.memory_space<vmem_shared>>
        tpu.enqueue_indirect_dma source(%arg9 : memref<128x128xf32, #tpu.memory_space<vmem>>) target(%dma_start3A_465 : memref<10240x128xf32, #tpu.memory_space<vmem_shared>>) offsets(%dma_start3A_462 : memref<128xi32, #tpu.memory_space<vmem>>) semaphore(%run_scoped3A_459 : memref<!tpu.dma_semaphore, #tpu.memory_space<semaphore_mem>>) {add = true}
        %dma_wait3A_466 = arith.constant 0 : i32
        %dma_wait3A_467 = tpu.memref_slice %arg7[%run_scoped3A_367, %run_scoped3A_368, %dma_wait3A_466] : memref<2x8x128xi32, #tpu.memory_space<vmem>> -> memref<1x1x128xi32, #tpu.memory_space<vmem>>
        %dma_wait3A_468 = tpu.memref_squeeze %dma_wait3A_467 : memref<1x1x128xi32, #tpu.memory_space<vmem>> -> memref<128xi32, #tpu.memory_space<vmem>>
        %dma_wait3A_469 = arith.constant 0 : i32
        %dma_wait3A_470 = arith.constant 0 : i32
        %dma_wait3A_471 = tpu.memref_slice %arg10[%dma_wait3A_469, %dma_wait3A_470] : memref<10240x128xf32, #tpu.memory_space<vmem_shared>> -> memref<10240x128xf32, #tpu.memory_space<vmem_shared>>
        tpu.wait_indirect_dma semaphore(%run_scoped3A_459 : memref<!tpu.dma_semaphore, #tpu.memory_space<semaphore_mem>>) src(%arg9 : memref<128x128xf32, #tpu.memory_space<vmem>>) dst(%dma_wait3A_471 : memref<10240x128xf32, #tpu.memory_space<vmem_shared>>)
        tpu.yield
      }) : () -> ()
      %add3A_369 = arith.constant 2 : i32
      %add3A_370 = arith.addi %add3A_360, %add3A_369 : i32
      %lt3A_371 = arith.constant 160 : i32
      %lt3A_372 = arith.cmpi slt, %add3A_370, %lt3A_371 : i32
      %convert_element_type3A_373 = arith.extui %lt3A_372 : i1 to i32
      %cond3A_374 = arith.constant 0 : i32
      %cond3A_375 = arith.cmpi ne, %convert_element_type3A_373, %cond3A_374 : i32
      scf.if %cond3A_375 {
        %dma_start3A_459 = arith.constant 1 : i32
        %dma_start3A_460 = arith.constant 5 : i32
        %dma_start3A_461 = arith.constant 0 : i32
        %dma_start3A_462 = arith.constant 0 : i32
        %dma_start3A_463 = tpu.memref_slice %arg9[%dma_start3A_461, %dma_start3A_462] : memref<128x128xf32, #tpu.memory_space<vmem>> -> memref<64x128xf32, #tpu.memory_space<vmem>>
        %dma_start3A_464 = arith.constant 0 : i32
        %dma_start3A_465 = tpu.memref_slice %arg6[%dma_start3A_459, %dma_start3A_460, %dma_start3A_464] : memref<2x8x128xi32, #tpu.memory_space<vmem>> -> memref<1x1x64xi32, #tpu.memory_space<vmem>>
        %dma_start3A_466 = tpu.memref_squeeze %dma_start3A_465 : memref<1x1x64xi32, #tpu.memory_space<vmem>> -> memref<64xi32, #tpu.memory_space<vmem>>
        %dma_start3A_467 = arith.constant 0 : i32
        %dma_start3A_468 = arith.constant 0 : i32
        %dma_start3A_469 = tpu.memref_slice %arg2[%dma_start3A_467, %dma_start3A_468] : memref<10000x128xf32, #tpu.memory_space<hbm>> -> memref<10000x128xf32, #tpu.memory_space<hbm>>
        tpu.enqueue_indirect_dma source(%dma_start3A_469 : memref<10000x128xf32, #tpu.memory_space<hbm>>) target(%dma_start3A_463 : memref<64x128xf32, #tpu.memory_space<vmem>>) offsets(%dma_start3A_466 : memref<64xi32, #tpu.memory_space<vmem>>) semaphore(%arg12 : memref<!tpu.dma_semaphore, #tpu.memory_space<semaphore_mem>>)
        %dma_start3A_470 = arith.constant 1 : i32
        %dma_start3A_471 = arith.constant 5 : i32
        %dma_start3A_472 = arith.constant 64 : i32
        %dma_start3A_473 = arith.constant 0 : i32
        %dma_start3A_474 = tpu.memref_slice %arg9[%dma_start3A_472, %dma_start3A_473] : memref<128x128xf32, #tpu.memory_space<vmem>> -> memref<64x128xf32, #tpu.memory_space<vmem>>
        %dma_start3A_475 = arith.constant 64 : i32
        %dma_start3A_476 = tpu.memref_slice %arg6[%dma_start3A_470, %dma_start3A_471, %dma_start3A_475] : memref<2x8x128xi32, #tpu.memory_space<vmem>> -> memref<1x1x64xi32, #tpu.memory_space<vmem>>
        %dma_start3A_477 = tpu.memref_squeeze %dma_start3A_476 : memref<1x1x64xi32, #tpu.memory_space<vmem>> -> memref<64xi32, #tpu.memory_space<vmem>>
        %dma_start3A_478 = arith.constant 0 : i32
        %dma_start3A_479 = arith.constant 0 : i32
        %dma_start3A_480 = tpu.memref_slice %arg2[%dma_start3A_478, %dma_start3A_479] : memref<10000x128xf32, #tpu.memory_space<hbm>> -> memref<10000x128xf32, #tpu.memory_space<hbm>>
        tpu.enqueue_indirect_dma source(%dma_start3A_480 : memref<10000x128xf32, #tpu.memory_space<hbm>>) target(%dma_start3A_474 : memref<64x128xf32, #tpu.memory_space<vmem>>) offsets(%dma_start3A_477 : memref<64xi32, #tpu.memory_space<vmem>>) semaphore(%arg12 : memref<!tpu.dma_semaphore, #tpu.memory_space<semaphore_mem>>)
      } else {
      }
      %mul3A_376 = arith.constant 8 : i32
      %mul3A_377 = arith.muli %add3A_292, %mul3A_376 : i32
      %add3A_378 = arith.constant 4 : i32
      %add3A_379 = arith.addi %mul3A_377, %add3A_378 : i32
      %dma_wait3A_380 = arith.constant 0 : i32
      %dma_wait3A_381 = arith.constant 0 : i32
      %dma_wait3A_382 = tpu.memref_slice %arg2[%dma_wait3A_380, %dma_wait3A_381] : memref<10000x128xf32, #tpu.memory_space<hbm>> -> memref<128x128xf32, #tpu.memory_space<hbm>>
      %dma_wait3A_383 = arith.constant 0 : i32
      %dma_wait3A_384 = arith.constant 0 : i32
      %dma_wait3A_385 = tpu.memref_slice %arg2[%dma_wait3A_383, %dma_wait3A_384] : memref<10000x128xf32, #tpu.memory_space<hbm>> -> memref<128x128xf32, #tpu.memory_space<hbm>>
      tpu.wait_dma2 semaphore(%arg11 : memref<!tpu.dma_semaphore, #tpu.memory_space<semaphore_mem>>) src(%dma_wait3A_385 : memref<128x128xf32, #tpu.memory_space<hbm>>) dst(%arg8 : memref<128x128xf32, #tpu.memory_space<vmem>>)
      %run_scoped3A_386 = arith.constant 1 : i32
      %run_scoped3A_387 = arith.constant 4 : i32
      "tpu.region"() ({
        %run_scoped3A_459 = tpu.sem_alloc : memref<!tpu.dma_semaphore, #tpu.memory_space<semaphore_mem>>
        %dma_start3A_460 = arith.constant 0 : i32
        %dma_start3A_461 = tpu.memref_slice %arg7[%run_scoped3A_386, %run_scoped3A_387, %dma_start3A_460] : memref<2x8x128xi32, #tpu.memory_space<vmem>> -> memref<1x1x128xi32, #tpu.memory_space<vmem>>
        %dma_start3A_462 = tpu.memref_squeeze %dma_start3A_461 : memref<1x1x128xi32, #tpu.memory_space<vmem>> -> memref<128xi32, #tpu.memory_space<vmem>>
        %dma_start3A_463 = arith.constant 0 : i32
        %dma_start3A_464 = arith.constant 0 : i32
        %dma_start3A_465 = tpu.memref_slice %arg10[%dma_start3A_463, %dma_start3A_464] : memref<10240x128xf32, #tpu.memory_space<vmem_shared>> -> memref<10240x128xf32, #tpu.memory_space<vmem_shared>>
        tpu.enqueue_indirect_dma source(%arg8 : memref<128x128xf32, #tpu.memory_space<vmem>>) target(%dma_start3A_465 : memref<10240x128xf32, #tpu.memory_space<vmem_shared>>) offsets(%dma_start3A_462 : memref<128xi32, #tpu.memory_space<vmem>>) semaphore(%run_scoped3A_459 : memref<!tpu.dma_semaphore, #tpu.memory_space<semaphore_mem>>) {add = true}
        %dma_wait3A_466 = arith.constant 0 : i32
        %dma_wait3A_467 = tpu.memref_slice %arg7[%run_scoped3A_386, %run_scoped3A_387, %dma_wait3A_466] : memref<2x8x128xi32, #tpu.memory_space<vmem>> -> memref<1x1x128xi32, #tpu.memory_space<vmem>>
        %dma_wait3A_468 = tpu.memref_squeeze %dma_wait3A_467 : memref<1x1x128xi32, #tpu.memory_space<vmem>> -> memref<128xi32, #tpu.memory_space<vmem>>
        %dma_wait3A_469 = arith.constant 0 : i32
        %dma_wait3A_470 = arith.constant 0 : i32
        %dma_wait3A_471 = tpu.memref_slice %arg10[%dma_wait3A_469, %dma_wait3A_470] : memref<10240x128xf32, #tpu.memory_space<vmem_shared>> -> memref<10240x128xf32, #tpu.memory_space<vmem_shared>>
        tpu.wait_indirect_dma semaphore(%run_scoped3A_459 : memref<!tpu.dma_semaphore, #tpu.memory_space<semaphore_mem>>) src(%arg8 : memref<128x128xf32, #tpu.memory_space<vmem>>) dst(%dma_wait3A_471 : memref<10240x128xf32, #tpu.memory_space<vmem_shared>>)
        tpu.yield
      }) : () -> ()
      %add3A_388 = arith.constant 2 : i32
      %add3A_389 = arith.addi %add3A_379, %add3A_388 : i32
      %lt3A_390 = arith.constant 160 : i32
      %lt3A_391 = arith.cmpi slt, %add3A_389, %lt3A_390 : i32
      %convert_element_type3A_392 = arith.extui %lt3A_391 : i1 to i32
      %cond3A_393 = arith.constant 0 : i32
      %cond3A_394 = arith.cmpi ne, %convert_element_type3A_392, %cond3A_393 : i32
      scf.if %cond3A_394 {
        %dma_start3A_459 = arith.constant 1 : i32
        %dma_start3A_460 = arith.constant 6 : i32
        %dma_start3A_461 = arith.constant 0 : i32
        %dma_start3A_462 = arith.constant 0 : i32
        %dma_start3A_463 = tpu.memref_slice %arg8[%dma_start3A_461, %dma_start3A_462] : memref<128x128xf32, #tpu.memory_space<vmem>> -> memref<64x128xf32, #tpu.memory_space<vmem>>
        %dma_start3A_464 = arith.constant 0 : i32
        %dma_start3A_465 = tpu.memref_slice %arg6[%dma_start3A_459, %dma_start3A_460, %dma_start3A_464] : memref<2x8x128xi32, #tpu.memory_space<vmem>> -> memref<1x1x64xi32, #tpu.memory_space<vmem>>
        %dma_start3A_466 = tpu.memref_squeeze %dma_start3A_465 : memref<1x1x64xi32, #tpu.memory_space<vmem>> -> memref<64xi32, #tpu.memory_space<vmem>>
        %dma_start3A_467 = arith.constant 0 : i32
        %dma_start3A_468 = arith.constant 0 : i32
        %dma_start3A_469 = tpu.memref_slice %arg2[%dma_start3A_467, %dma_start3A_468] : memref<10000x128xf32, #tpu.memory_space<hbm>> -> memref<10000x128xf32, #tpu.memory_space<hbm>>
        tpu.enqueue_indirect_dma source(%dma_start3A_469 : memref<10000x128xf32, #tpu.memory_space<hbm>>) target(%dma_start3A_463 : memref<64x128xf32, #tpu.memory_space<vmem>>) offsets(%dma_start3A_466 : memref<64xi32, #tpu.memory_space<vmem>>) semaphore(%arg11 : memref<!tpu.dma_semaphore, #tpu.memory_space<semaphore_mem>>)
        %dma_start3A_470 = arith.constant 1 : i32
        %dma_start3A_471 = arith.constant 6 : i32
        %dma_start3A_472 = arith.constant 64 : i32
        %dma_start3A_473 = arith.constant 0 : i32
        %dma_start3A_474 = tpu.memref_slice %arg8[%dma_start3A_472, %dma_start3A_473] : memref<128x128xf32, #tpu.memory_space<vmem>> -> memref<64x128xf32, #tpu.memory_space<vmem>>
        %dma_start3A_475 = arith.constant 64 : i32
        %dma_start3A_476 = tpu.memref_slice %arg6[%dma_start3A_470, %dma_start3A_471, %dma_start3A_475] : memref<2x8x128xi32, #tpu.memory_space<vmem>> -> memref<1x1x64xi32, #tpu.memory_space<vmem>>
        %dma_start3A_477 = tpu.memref_squeeze %dma_start3A_476 : memref<1x1x64xi32, #tpu.memory_space<vmem>> -> memref<64xi32, #tpu.memory_space<vmem>>
        %dma_start3A_478 = arith.constant 0 : i32
        %dma_start3A_479 = arith.constant 0 : i32
        %dma_start3A_480 = tpu.memref_slice %arg2[%dma_start3A_478, %dma_start3A_479] : memref<10000x128xf32, #tpu.memory_space<hbm>> -> memref<10000x128xf32, #tpu.memory_space<hbm>>
        tpu.enqueue_indirect_dma source(%dma_start3A_480 : memref<10000x128xf32, #tpu.memory_space<hbm>>) target(%dma_start3A_474 : memref<64x128xf32, #tpu.memory_space<vmem>>) offsets(%dma_start3A_477 : memref<64xi32, #tpu.memory_space<vmem>>) semaphore(%arg11 : memref<!tpu.dma_semaphore, #tpu.memory_space<semaphore_mem>>)
      } else {
      }
      %mul3A_395 = arith.constant 8 : i32
      %mul3A_396 = arith.muli %add3A_292, %mul3A_395 : i32
      %add3A_397 = arith.constant 5 : i32
      %add3A_398 = arith.addi %mul3A_396, %add3A_397 : i32
      %dma_wait3A_399 = arith.constant 0 : i32
      %dma_wait3A_400 = arith.constant 0 : i32
      %dma_wait3A_401 = tpu.memref_slice %arg2[%dma_wait3A_399, %dma_wait3A_400] : memref<10000x128xf32, #tpu.memory_space<hbm>> -> memref<128x128xf32, #tpu.memory_space<hbm>>
      %dma_wait3A_402 = arith.constant 0 : i32
      %dma_wait3A_403 = arith.constant 0 : i32
      %dma_wait3A_404 = tpu.memref_slice %arg2[%dma_wait3A_402, %dma_wait3A_403] : memref<10000x128xf32, #tpu.memory_space<hbm>> -> memref<128x128xf32, #tpu.memory_space<hbm>>
      tpu.wait_dma2 semaphore(%arg12 : memref<!tpu.dma_semaphore, #tpu.memory_space<semaphore_mem>>) src(%dma_wait3A_404 : memref<128x128xf32, #tpu.memory_space<hbm>>) dst(%arg9 : memref<128x128xf32, #tpu.memory_space<vmem>>)
      %run_scoped3A_405 = arith.constant 1 : i32
      %run_scoped3A_406 = arith.constant 5 : i32
      "tpu.region"() ({
        %run_scoped3A_459 = tpu.sem_alloc : memref<!tpu.dma_semaphore, #tpu.memory_space<semaphore_mem>>
        %dma_start3A_460 = arith.constant 0 : i32
        %dma_start3A_461 = tpu.memref_slice %arg7[%run_scoped3A_405, %run_scoped3A_406, %dma_start3A_460] : memref<2x8x128xi32, #tpu.memory_space<vmem>> -> memref<1x1x128xi32, #tpu.memory_space<vmem>>
        %dma_start3A_462 = tpu.memref_squeeze %dma_start3A_461 : memref<1x1x128xi32, #tpu.memory_space<vmem>> -> memref<128xi32, #tpu.memory_space<vmem>>
        %dma_start3A_463 = arith.constant 0 : i32
        %dma_start3A_464 = arith.constant 0 : i32
        %dma_start3A_465 = tpu.memref_slice %arg10[%dma_start3A_463, %dma_start3A_464] : memref<10240x128xf32, #tpu.memory_space<vmem_shared>> -> memref<10240x128xf32, #tpu.memory_space<vmem_shared>>
        tpu.enqueue_indirect_dma source(%arg9 : memref<128x128xf32, #tpu.memory_space<vmem>>) target(%dma_start3A_465 : memref<10240x128xf32, #tpu.memory_space<vmem_shared>>) offsets(%dma_start3A_462 : memref<128xi32, #tpu.memory_space<vmem>>) semaphore(%run_scoped3A_459 : memref<!tpu.dma_semaphore, #tpu.memory_space<semaphore_mem>>) {add = true}
        %dma_wait3A_466 = arith.constant 0 : i32
        %dma_wait3A_467 = tpu.memref_slice %arg7[%run_scoped3A_405, %run_scoped3A_406, %dma_wait3A_466] : memref<2x8x128xi32, #tpu.memory_space<vmem>> -> memref<1x1x128xi32, #tpu.memory_space<vmem>>
        %dma_wait3A_468 = tpu.memref_squeeze %dma_wait3A_467 : memref<1x1x128xi32, #tpu.memory_space<vmem>> -> memref<128xi32, #tpu.memory_space<vmem>>
        %dma_wait3A_469 = arith.constant 0 : i32
        %dma_wait3A_470 = arith.constant 0 : i32
        %dma_wait3A_471 = tpu.memref_slice %arg10[%dma_wait3A_469, %dma_wait3A_470] : memref<10240x128xf32, #tpu.memory_space<vmem_shared>> -> memref<10240x128xf32, #tpu.memory_space<vmem_shared>>
        tpu.wait_indirect_dma semaphore(%run_scoped3A_459 : memref<!tpu.dma_semaphore, #tpu.memory_space<semaphore_mem>>) src(%arg9 : memref<128x128xf32, #tpu.memory_space<vmem>>) dst(%dma_wait3A_471 : memref<10240x128xf32, #tpu.memory_space<vmem_shared>>)
        tpu.yield
      }) : () -> ()
      %add3A_407 = arith.constant 2 : i32
      %add3A_408 = arith.addi %add3A_398, %add3A_407 : i32
      %lt3A_409 = arith.constant 160 : i32
      %lt3A_410 = arith.cmpi slt, %add3A_408, %lt3A_409 : i32
      %convert_element_type3A_411 = arith.extui %lt3A_410 : i1 to i32
      %cond3A_412 = arith.constant 0 : i32
      %cond3A_413 = arith.cmpi ne, %convert_element_type3A_411, %cond3A_412 : i32
      scf.if %cond3A_413 {
        %dma_start3A_459 = arith.constant 1 : i32
        %dma_start3A_460 = arith.constant 7 : i32
        %dma_start3A_461 = arith.constant 0 : i32
        %dma_start3A_462 = arith.constant 0 : i32
        %dma_start3A_463 = tpu.memref_slice %arg9[%dma_start3A_461, %dma_start3A_462] : memref<128x128xf32, #tpu.memory_space<vmem>> -> memref<64x128xf32, #tpu.memory_space<vmem>>
        %dma_start3A_464 = arith.constant 0 : i32
        %dma_start3A_465 = tpu.memref_slice %arg6[%dma_start3A_459, %dma_start3A_460, %dma_start3A_464] : memref<2x8x128xi32, #tpu.memory_space<vmem>> -> memref<1x1x64xi32, #tpu.memory_space<vmem>>
        %dma_start3A_466 = tpu.memref_squeeze %dma_start3A_465 : memref<1x1x64xi32, #tpu.memory_space<vmem>> -> memref<64xi32, #tpu.memory_space<vmem>>
        %dma_start3A_467 = arith.constant 0 : i32
        %dma_start3A_468 = arith.constant 0 : i32
        %dma_start3A_469 = tpu.memref_slice %arg2[%dma_start3A_467, %dma_start3A_468] : memref<10000x128xf32, #tpu.memory_space<hbm>> -> memref<10000x128xf32, #tpu.memory_space<hbm>>
        tpu.enqueue_indirect_dma source(%dma_start3A_469 : memref<10000x128xf32, #tpu.memory_space<hbm>>) target(%dma_start3A_463 : memref<64x128xf32, #tpu.memory_space<vmem>>) offsets(%dma_start3A_466 : memref<64xi32, #tpu.memory_space<vmem>>) semaphore(%arg12 : memref<!tpu.dma_semaphore, #tpu.memory_space<semaphore_mem>>)
        %dma_start3A_470 = arith.constant 1 : i32
        %dma_start3A_471 = arith.constant 7 : i32
        %dma_start3A_472 = arith.constant 64 : i32
        %dma_start3A_473 = arith.constant 0 : i32
        %dma_start3A_474 = tpu.memref_slice %arg9[%dma_start3A_472, %dma_start3A_473] : memref<128x128xf32, #tpu.memory_space<vmem>> -> memref<64x128xf32, #tpu.memory_space<vmem>>
        %dma_start3A_475 = arith.constant 64 : i32
        %dma_start3A_476 = tpu.memref_slice %arg6[%dma_start3A_470, %dma_start3A_471, %dma_start3A_475] : memref<2x8x128xi32, #tpu.memory_space<vmem>> -> memref<1x1x64xi32, #tpu.memory_space<vmem>>
        %dma_start3A_477 = tpu.memref_squeeze %dma_start3A_476 : memref<1x1x64xi32, #tpu.memory_space<vmem>> -> memref<64xi32, #tpu.memory_space<vmem>>
        %dma_start3A_478 = arith.constant 0 : i32
        %dma_start3A_479 = arith.constant 0 : i32
        %dma_start3A_480 = tpu.memref_slice %arg2[%dma_start3A_478, %dma_start3A_479] : memref<10000x128xf32, #tpu.memory_space<hbm>> -> memref<10000x128xf32, #tpu.memory_space<hbm>>
        tpu.enqueue_indirect_dma source(%dma_start3A_480 : memref<10000x128xf32, #tpu.memory_space<hbm>>) target(%dma_start3A_474 : memref<64x128xf32, #tpu.memory_space<vmem>>) offsets(%dma_start3A_477 : memref<64xi32, #tpu.memory_space<vmem>>) semaphore(%arg12 : memref<!tpu.dma_semaphore, #tpu.memory_space<semaphore_mem>>)
      } else {
      }
      %mul3A_414 = arith.constant 8 : i32
      %mul3A_415 = arith.muli %add3A_292, %mul3A_414 : i32
      %add3A_416 = arith.constant 6 : i32
      %add3A_417 = arith.addi %mul3A_415, %add3A_416 : i32
      %dma_wait3A_418 = arith.constant 0 : i32
      %dma_wait3A_419 = arith.constant 0 : i32
      %dma_wait3A_420 = tpu.memref_slice %arg2[%dma_wait3A_418, %dma_wait3A_419] : memref<10000x128xf32, #tpu.memory_space<hbm>> -> memref<128x128xf32, #tpu.memory_space<hbm>>
      %dma_wait3A_421 = arith.constant 0 : i32
      %dma_wait3A_422 = arith.constant 0 : i32
      %dma_wait3A_423 = tpu.memref_slice %arg2[%dma_wait3A_421, %dma_wait3A_422] : memref<10000x128xf32, #tpu.memory_space<hbm>> -> memref<128x128xf32, #tpu.memory_space<hbm>>
      tpu.wait_dma2 semaphore(%arg11 : memref<!tpu.dma_semaphore, #tpu.memory_space<semaphore_mem>>) src(%dma_wait3A_423 : memref<128x128xf32, #tpu.memory_space<hbm>>) dst(%arg8 : memref<128x128xf32, #tpu.memory_space<vmem>>)
      %run_scoped3A_424 = arith.constant 1 : i32
      %run_scoped3A_425 = arith.constant 6 : i32
      "tpu.region"() ({
        %run_scoped3A_459 = tpu.sem_alloc : memref<!tpu.dma_semaphore, #tpu.memory_space<semaphore_mem>>
        %dma_start3A_460 = arith.constant 0 : i32
        %dma_start3A_461 = tpu.memref_slice %arg7[%run_scoped3A_424, %run_scoped3A_425, %dma_start3A_460] : memref<2x8x128xi32, #tpu.memory_space<vmem>> -> memref<1x1x128xi32, #tpu.memory_space<vmem>>
        %dma_start3A_462 = tpu.memref_squeeze %dma_start3A_461 : memref<1x1x128xi32, #tpu.memory_space<vmem>> -> memref<128xi32, #tpu.memory_space<vmem>>
        %dma_start3A_463 = arith.constant 0 : i32
        %dma_start3A_464 = arith.constant 0 : i32
        %dma_start3A_465 = tpu.memref_slice %arg10[%dma_start3A_463, %dma_start3A_464] : memref<10240x128xf32, #tpu.memory_space<vmem_shared>> -> memref<10240x128xf32, #tpu.memory_space<vmem_shared>>
        tpu.enqueue_indirect_dma source(%arg8 : memref<128x128xf32, #tpu.memory_space<vmem>>) target(%dma_start3A_465 : memref<10240x128xf32, #tpu.memory_space<vmem_shared>>) offsets(%dma_start3A_462 : memref<128xi32, #tpu.memory_space<vmem>>) semaphore(%run_scoped3A_459 : memref<!tpu.dma_semaphore, #tpu.memory_space<semaphore_mem>>) {add = true}
        %dma_wait3A_466 = arith.constant 0 : i32
        %dma_wait3A_467 = tpu.memref_slice %arg7[%run_scoped3A_424, %run_scoped3A_425, %dma_wait3A_466] : memref<2x8x128xi32, #tpu.memory_space<vmem>> -> memref<1x1x128xi32, #tpu.memory_space<vmem>>
        %dma_wait3A_468 = tpu.memref_squeeze %dma_wait3A_467 : memref<1x1x128xi32, #tpu.memory_space<vmem>> -> memref<128xi32, #tpu.memory_space<vmem>>
        %dma_wait3A_469 = arith.constant 0 : i32
        %dma_wait3A_470 = arith.constant 0 : i32
        %dma_wait3A_471 = tpu.memref_slice %arg10[%dma_wait3A_469, %dma_wait3A_470] : memref<10240x128xf32, #tpu.memory_space<vmem_shared>> -> memref<10240x128xf32, #tpu.memory_space<vmem_shared>>
        tpu.wait_indirect_dma semaphore(%run_scoped3A_459 : memref<!tpu.dma_semaphore, #tpu.memory_space<semaphore_mem>>) src(%arg8 : memref<128x128xf32, #tpu.memory_space<vmem>>) dst(%dma_wait3A_471 : memref<10240x128xf32, #tpu.memory_space<vmem_shared>>)
        tpu.yield
      }) : () -> ()
      %add3A_426 = arith.constant 1 : i32
      %add3A_427 = arith.addi %add3A_292, %add3A_426 : i32
      %lt3A_428 = arith.constant 20 : i32
      %lt3A_429 = arith.cmpi slt, %add3A_427, %lt3A_428 : i32
      %convert_element_type3A_430 = arith.extui %lt3A_429 : i1 to i32
      %cond3A_431 = arith.constant 0 : i32
      %cond3A_432 = arith.cmpi ne, %convert_element_type3A_430, %cond3A_431 : i32
      scf.if %cond3A_432 {
        %dma_wait3A_459 = arith.constant 0 : i32
        %dma_wait3A_460 = arith.constant 0 : i32
        %dma_wait3A_461 = arith.constant 0 : i32
        %dma_wait3A_462 = tpu.memref_slice %arg6[%dma_wait3A_459, %dma_wait3A_460, %dma_wait3A_461] : memref<2x8x128xi32, #tpu.memory_space<vmem>> -> memref<1x8x128xi32, #tpu.memory_space<vmem>>
        %dma_wait3A_463 = tpu.memref_squeeze %dma_wait3A_462 : memref<1x8x128xi32, #tpu.memory_space<vmem>> -> memref<8x128xi32, #tpu.memory_space<vmem>>
        %dma_wait3A_464 = arith.constant 0 : i32
        %dma_wait3A_465 = arith.constant 0 : i32
        %dma_wait3A_466 = tpu.memref_slice %arg3[%dma_wait3A_464, %dma_wait3A_465] : memref<2560x128xi32, #tpu.memory_space<hbm>> -> memref<8x128xi32, #tpu.memory_space<hbm>>
        %dma_wait3A_467 = arith.constant 0 : i32
        %dma_wait3A_468 = arith.constant 0 : i32
        %dma_wait3A_469 = tpu.memref_slice %arg6[%dma_wait3A_459, %dma_wait3A_467, %dma_wait3A_468] : memref<2x8x128xi32, #tpu.memory_space<vmem>> -> memref<1x8x128xi32, #tpu.memory_space<vmem>>
        %dma_wait3A_470 = tpu.memref_squeeze %dma_wait3A_469 : memref<1x8x128xi32, #tpu.memory_space<vmem>> -> memref<8x128xi32, #tpu.memory_space<vmem>>
        %dma_wait3A_471 = arith.constant 0 : i32
        %dma_wait3A_472 = arith.constant 0 : i32
        %dma_wait3A_473 = tpu.memref_slice %arg3[%dma_wait3A_471, %dma_wait3A_472] : memref<2560x128xi32, #tpu.memory_space<hbm>> -> memref<8x128xi32, #tpu.memory_space<hbm>>
        tpu.wait_dma2 semaphore(%arg13 : memref<!tpu.dma_semaphore, #tpu.memory_space<semaphore_mem>>) src(%dma_wait3A_473 : memref<8x128xi32, #tpu.memory_space<hbm>>) dst(%dma_wait3A_470 : memref<8x128xi32, #tpu.memory_space<vmem>>)
        %dma_wait3A_474 = arith.constant 0 : i32
        %dma_wait3A_475 = arith.constant 0 : i32
        %dma_wait3A_476 = arith.constant 0 : i32
        %dma_wait3A_477 = tpu.memref_slice %arg7[%dma_wait3A_474, %dma_wait3A_475, %dma_wait3A_476] : memref<2x8x128xi32, #tpu.memory_space<vmem>> -> memref<1x8x128xi32, #tpu.memory_space<vmem>>
        %dma_wait3A_478 = tpu.memref_squeeze %dma_wait3A_477 : memref<1x8x128xi32, #tpu.memory_space<vmem>> -> memref<8x128xi32, #tpu.memory_space<vmem>>
        %dma_wait3A_479 = arith.constant 0 : i32
        %dma_wait3A_480 = arith.constant 0 : i32
        %dma_wait3A_481 = tpu.memref_slice %arg4[%dma_wait3A_479, %dma_wait3A_480] : memref<2560x128xi32, #tpu.memory_space<hbm>> -> memref<8x128xi32, #tpu.memory_space<hbm>>
        %dma_wait3A_482 = arith.constant 0 : i32
        %dma_wait3A_483 = arith.constant 0 : i32
        %dma_wait3A_484 = tpu.memref_slice %arg7[%dma_wait3A_474, %dma_wait3A_482, %dma_wait3A_483] : memref<2x8x128xi32, #tpu.memory_space<vmem>> -> memref<1x8x128xi32, #tpu.memory_space<vmem>>
        %dma_wait3A_485 = tpu.memref_squeeze %dma_wait3A_484 : memref<1x8x128xi32, #tpu.memory_space<vmem>> -> memref<8x128xi32, #tpu.memory_space<vmem>>
        %dma_wait3A_486 = arith.constant 0 : i32
        %dma_wait3A_487 = arith.constant 0 : i32
        %dma_wait3A_488 = tpu.memref_slice %arg4[%dma_wait3A_486, %dma_wait3A_487] : memref<2560x128xi32, #tpu.memory_space<hbm>> -> memref<8x128xi32, #tpu.memory_space<hbm>>
        tpu.wait_dma2 semaphore(%arg13 : memref<!tpu.dma_semaphore, #tpu.memory_space<semaphore_mem>>) src(%dma_wait3A_488 : memref<8x128xi32, #tpu.memory_space<hbm>>) dst(%dma_wait3A_485 : memref<8x128xi32, #tpu.memory_space<vmem>>)
      } else {
      }
      %add3A_433 = arith.constant 2 : i32
      %add3A_434 = arith.addi %add3A_417, %add3A_433 : i32
      %lt3A_435 = arith.constant 160 : i32
      %lt3A_436 = arith.cmpi slt, %add3A_434, %lt3A_435 : i32
      %convert_element_type3A_437 = arith.extui %lt3A_436 : i1 to i32
      %cond3A_438 = arith.constant 0 : i32
      %cond3A_439 = arith.cmpi ne, %convert_element_type3A_437, %cond3A_438 : i32
      scf.if %cond3A_439 {
        %dma_start3A_459 = arith.constant 0 : i32
        %dma_start3A_460 = arith.constant 0 : i32
        %dma_start3A_461 = arith.constant 0 : i32
        %dma_start3A_462 = arith.constant 0 : i32
        %dma_start3A_463 = tpu.memref_slice %arg8[%dma_start3A_461, %dma_start3A_462] : memref<128x128xf32, #tpu.memory_space<vmem>> -> memref<64x128xf32, #tpu.memory_space<vmem>>
        %dma_start3A_464 = arith.constant 0 : i32
        %dma_start3A_465 = tpu.memref_slice %arg6[%dma_start3A_459, %dma_start3A_460, %dma_start3A_464] : memref<2x8x128xi32, #tpu.memory_space<vmem>> -> memref<1x1x64xi32, #tpu.memory_space<vmem>>
        %dma_start3A_466 = tpu.memref_squeeze %dma_start3A_465 : memref<1x1x64xi32, #tpu.memory_space<vmem>> -> memref<64xi32, #tpu.memory_space<vmem>>
        %dma_start3A_467 = arith.constant 0 : i32
        %dma_start3A_468 = arith.constant 0 : i32
        %dma_start3A_469 = tpu.memref_slice %arg2[%dma_start3A_467, %dma_start3A_468] : memref<10000x128xf32, #tpu.memory_space<hbm>> -> memref<10000x128xf32, #tpu.memory_space<hbm>>
        tpu.enqueue_indirect_dma source(%dma_start3A_469 : memref<10000x128xf32, #tpu.memory_space<hbm>>) target(%dma_start3A_463 : memref<64x128xf32, #tpu.memory_space<vmem>>) offsets(%dma_start3A_466 : memref<64xi32, #tpu.memory_space<vmem>>) semaphore(%arg11 : memref<!tpu.dma_semaphore, #tpu.memory_space<semaphore_mem>>)
        %dma_start3A_470 = arith.constant 0 : i32
        %dma_start3A_471 = arith.constant 0 : i32
        %dma_start3A_472 = arith.constant 64 : i32
        %dma_start3A_473 = arith.constant 0 : i32
        %dma_start3A_474 = tpu.memref_slice %arg8[%dma_start3A_472, %dma_start3A_473] : memref<128x128xf32, #tpu.memory_space<vmem>> -> memref<64x128xf32, #tpu.memory_space<vmem>>
        %dma_start3A_475 = arith.constant 64 : i32
        %dma_start3A_476 = tpu.memref_slice %arg6[%dma_start3A_470, %dma_start3A_471, %dma_start3A_475] : memref<2x8x128xi32, #tpu.memory_space<vmem>> -> memref<1x1x64xi32, #tpu.memory_space<vmem>>
        %dma_start3A_477 = tpu.memref_squeeze %dma_start3A_476 : memref<1x1x64xi32, #tpu.memory_space<vmem>> -> memref<64xi32, #tpu.memory_space<vmem>>
        %dma_start3A_478 = arith.constant 0 : i32
        %dma_start3A_479 = arith.constant 0 : i32
        %dma_start3A_480 = tpu.memref_slice %arg2[%dma_start3A_478, %dma_start3A_479] : memref<10000x128xf32, #tpu.memory_space<hbm>> -> memref<10000x128xf32, #tpu.memory_space<hbm>>
        tpu.enqueue_indirect_dma source(%dma_start3A_480 : memref<10000x128xf32, #tpu.memory_space<hbm>>) target(%dma_start3A_474 : memref<64x128xf32, #tpu.memory_space<vmem>>) offsets(%dma_start3A_477 : memref<64xi32, #tpu.memory_space<vmem>>) semaphore(%arg11 : memref<!tpu.dma_semaphore, #tpu.memory_space<semaphore_mem>>)
      } else {
      }
      %mul3A_440 = arith.constant 8 : i32
      %mul3A_441 = arith.muli %add3A_292, %mul3A_440 : i32
      %add3A_442 = arith.constant 7 : i32
      %add3A_443 = arith.addi %mul3A_441, %add3A_442 : i32
      %dma_wait3A_444 = arith.constant 0 : i32
      %dma_wait3A_445 = arith.constant 0 : i32
      %dma_wait3A_446 = tpu.memref_slice %arg2[%dma_wait3A_444, %dma_wait3A_445] : memref<10000x128xf32, #tpu.memory_space<hbm>> -> memref<128x128xf32, #tpu.memory_space<hbm>>
      %dma_wait3A_447 = arith.constant 0 : i32
      %dma_wait3A_448 = arith.constant 0 : i32
      %dma_wait3A_449 = tpu.memref_slice %arg2[%dma_wait3A_447, %dma_wait3A_448] : memref<10000x128xf32, #tpu.memory_space<hbm>> -> memref<128x128xf32, #tpu.memory_space<hbm>>
      tpu.wait_dma2 semaphore(%arg12 : memref<!tpu.dma_semaphore, #tpu.memory_space<semaphore_mem>>) src(%dma_wait3A_449 : memref<128x128xf32, #tpu.memory_space<hbm>>) dst(%arg9 : memref<128x128xf32, #tpu.memory_space<vmem>>)
      %run_scoped3A_450 = arith.constant 1 : i32
      %run_scoped3A_451 = arith.constant 7 : i32
      "tpu.region"() ({
        %run_scoped3A_459 = tpu.sem_alloc : memref<!tpu.dma_semaphore, #tpu.memory_space<semaphore_mem>>
        %dma_start3A_460 = arith.constant 0 : i32
        %dma_start3A_461 = tpu.memref_slice %arg7[%run_scoped3A_450, %run_scoped3A_451, %dma_start3A_460] : memref<2x8x128xi32, #tpu.memory_space<vmem>> -> memref<1x1x128xi32, #tpu.memory_space<vmem>>
        %dma_start3A_462 = tpu.memref_squeeze %dma_start3A_461 : memref<1x1x128xi32, #tpu.memory_space<vmem>> -> memref<128xi32, #tpu.memory_space<vmem>>
        %dma_start3A_463 = arith.constant 0 : i32
        %dma_start3A_464 = arith.constant 0 : i32
        %dma_start3A_465 = tpu.memref_slice %arg10[%dma_start3A_463, %dma_start3A_464] : memref<10240x128xf32, #tpu.memory_space<vmem_shared>> -> memref<10240x128xf32, #tpu.memory_space<vmem_shared>>
        tpu.enqueue_indirect_dma source(%arg9 : memref<128x128xf32, #tpu.memory_space<vmem>>) target(%dma_start3A_465 : memref<10240x128xf32, #tpu.memory_space<vmem_shared>>) offsets(%dma_start3A_462 : memref<128xi32, #tpu.memory_space<vmem>>) semaphore(%run_scoped3A_459 : memref<!tpu.dma_semaphore, #tpu.memory_space<semaphore_mem>>) {add = true}
        %dma_wait3A_466 = arith.constant 0 : i32
        %dma_wait3A_467 = tpu.memref_slice %arg7[%run_scoped3A_450, %run_scoped3A_451, %dma_wait3A_466] : memref<2x8x128xi32, #tpu.memory_space<vmem>> -> memref<1x1x128xi32, #tpu.memory_space<vmem>>
        %dma_wait3A_468 = tpu.memref_squeeze %dma_wait3A_467 : memref<1x1x128xi32, #tpu.memory_space<vmem>> -> memref<128xi32, #tpu.memory_space<vmem>>
        %dma_wait3A_469 = arith.constant 0 : i32
        %dma_wait3A_470 = arith.constant 0 : i32
        %dma_wait3A_471 = tpu.memref_slice %arg10[%dma_wait3A_469, %dma_wait3A_470] : memref<10240x128xf32, #tpu.memory_space<vmem_shared>> -> memref<10240x128xf32, #tpu.memory_space<vmem_shared>>
        tpu.wait_indirect_dma semaphore(%run_scoped3A_459 : memref<!tpu.dma_semaphore, #tpu.memory_space<semaphore_mem>>) src(%arg9 : memref<128x128xf32, #tpu.memory_space<vmem>>) dst(%dma_wait3A_471 : memref<10240x128xf32, #tpu.memory_space<vmem_shared>>)
        tpu.yield
      }) : () -> ()
      %add3A_452 = arith.constant 2 : i32
      %add3A_453 = arith.addi %add3A_443, %add3A_452 : i32
      %lt3A_454 = arith.constant 160 : i32
      %lt3A_455 = arith.cmpi slt, %add3A_453, %lt3A_454 : i32
      %convert_element_type3A_456 = arith.extui %lt3A_455 : i1 to i32
      %cond3A_457 = arith.constant 0 : i32
      %cond3A_458 = arith.cmpi ne, %convert_element_type3A_456, %cond3A_457 : i32
      scf.if %cond3A_458 {
        %dma_start3A_459 = arith.constant 0 : i32
        %dma_start3A_460 = arith.constant 1 : i32
        %dma_start3A_461 = arith.constant 0 : i32
        %dma_start3A_462 = arith.constant 0 : i32
        %dma_start3A_463 = tpu.memref_slice %arg9[%dma_start3A_461, %dma_start3A_462] : memref<128x128xf32, #tpu.memory_space<vmem>> -> memref<64x128xf32, #tpu.memory_space<vmem>>
        %dma_start3A_464 = arith.constant 0 : i32
        %dma_start3A_465 = tpu.memref_slice %arg6[%dma_start3A_459, %dma_start3A_460, %dma_start3A_464] : memref<2x8x128xi32, #tpu.memory_space<vmem>> -> memref<1x1x64xi32, #tpu.memory_space<vmem>>
        %dma_start3A_466 = tpu.memref_squeeze %dma_start3A_465 : memref<1x1x64xi32, #tpu.memory_space<vmem>> -> memref<64xi32, #tpu.memory_space<vmem>>
        %dma_start3A_467 = arith.constant 0 : i32
        %dma_start3A_468 = arith.constant 0 : i32
        %dma_start3A_469 = tpu.memref_slice %arg2[%dma_start3A_467, %dma_start3A_468] : memref<10000x128xf32, #tpu.memory_space<hbm>> -> memref<10000x128xf32, #tpu.memory_space<hbm>>
        tpu.enqueue_indirect_dma source(%dma_start3A_469 : memref<10000x128xf32, #tpu.memory_space<hbm>>) target(%dma_start3A_463 : memref<64x128xf32, #tpu.memory_space<vmem>>) offsets(%dma_start3A_466 : memref<64xi32, #tpu.memory_space<vmem>>) semaphore(%arg12 : memref<!tpu.dma_semaphore, #tpu.memory_space<semaphore_mem>>)
        %dma_start3A_470 = arith.constant 0 : i32
        %dma_start3A_471 = arith.constant 1 : i32
        %dma_start3A_472 = arith.constant 64 : i32
        %dma_start3A_473 = arith.constant 0 : i32
        %dma_start3A_474 = tpu.memref_slice %arg9[%dma_start3A_472, %dma_start3A_473] : memref<128x128xf32, #tpu.memory_space<vmem>> -> memref<64x128xf32, #tpu.memory_space<vmem>>
        %dma_start3A_475 = arith.constant 64 : i32
        %dma_start3A_476 = tpu.memref_slice %arg6[%dma_start3A_470, %dma_start3A_471, %dma_start3A_475] : memref<2x8x128xi32, #tpu.memory_space<vmem>> -> memref<1x1x64xi32, #tpu.memory_space<vmem>>
        %dma_start3A_477 = tpu.memref_squeeze %dma_start3A_476 : memref<1x1x64xi32, #tpu.memory_space<vmem>> -> memref<64xi32, #tpu.memory_space<vmem>>
        %dma_start3A_478 = arith.constant 0 : i32
        %dma_start3A_479 = arith.constant 0 : i32
        %dma_start3A_480 = tpu.memref_slice %arg2[%dma_start3A_478, %dma_start3A_479] : memref<10000x128xf32, #tpu.memory_space<hbm>> -> memref<10000x128xf32, #tpu.memory_space<hbm>>
        tpu.enqueue_indirect_dma source(%dma_start3A_480 : memref<10000x128xf32, #tpu.memory_space<hbm>>) target(%dma_start3A_474 : memref<64x128xf32, #tpu.memory_space<vmem>>) offsets(%dma_start3A_477 : memref<64xi32, #tpu.memory_space<vmem>>) semaphore(%arg12 : memref<!tpu.dma_semaphore, #tpu.memory_space<semaphore_mem>>)
      } else {
      }
    }
    %scan3A_116 = arith.constant 10 : i32
    %barrier3A_117 = arith.constant 0 : index
    tpu.barrier barrier_id(%barrier3A_117)
    %mul3A_118 = arith.constant 640 : i32
    %mul3A_119 = arith.muli %arg1, %mul3A_118 : i32
    %mul3A_120 = arith.constant 640 : i32
    %mul3A_121 = arith.muli %arg1, %mul3A_120 : i32
    "tpu.region"() ({
      %run_scoped3A = tpu.sem_alloc : memref<!tpu.dma_semaphore, #tpu.memory_space<semaphore_mem>>
      %dma_start3A_122 = arith.constant 0 : i32
      %dma_start3A_123 = tpu.memref_slice %arg5[%mul3A_121, %dma_start3A_122] : memref<10240x128xf32, #tpu.memory_space<hbm>> -> memref<640x128xf32, #tpu.memory_space<hbm>>
      %dma_start3A_124 = arith.constant 0 : i32
      %dma_start3A_125 = tpu.memref_slice %arg10[%mul3A_119, %dma_start3A_124] : memref<10240x128xf32, #tpu.memory_space<vmem_shared>> -> memref<640x128xf32, #tpu.memory_space<vmem_shared>>
      tpu.enqueue_dma source(%dma_start3A_125 : memref<640x128xf32, #tpu.memory_space<vmem_shared>>) target(%dma_start3A_123 : memref<640x128xf32, #tpu.memory_space<hbm>>) target_semaphore(%run_scoped3A : memref<!tpu.dma_semaphore, #tpu.memory_space<semaphore_mem>>)
      %dma_wait3A_126 = arith.constant 0 : i32
      %dma_wait3A_127 = tpu.memref_slice %arg5[%mul3A_121, %dma_wait3A_126] : memref<10240x128xf32, #tpu.memory_space<hbm>> -> memref<640x128xf32, #tpu.memory_space<hbm>>
      %dma_wait3A_128 = arith.constant 0 : i32
      %dma_wait3A_129 = tpu.memref_slice %arg10[%mul3A_119, %dma_wait3A_128] : memref<10240x128xf32, #tpu.memory_space<vmem_shared>> -> memref<640x128xf32, #tpu.memory_space<vmem_shared>>
      tpu.wait_dma2 semaphore(%run_scoped3A : memref<!tpu.dma_semaphore, #tpu.memory_space<semaphore_mem>>) src(%dma_wait3A_129 : memref<640x128xf32, #tpu.memory_space<vmem_shared>>) dst(%dma_wait3A_127 : memref<640x128xf32, #tpu.memory_space<hbm>>)
      tpu.yield
    }) : () -> ()
    return
  }
}

module attributes {stable_mosaic.version = 14 : i64} {
  func.func @_tc_a_body(%arg0: memref<10240x128xf32, #tpu.memory_space<vmem>>, %arg1: memref<10000x128xf32, #tpu.memory_space<vmem>>, %arg2: memref<128x128xf32, #tpu.memory_space<vmem>>, %arg3: memref<10000x128xf32, #tpu.memory_space<vmem>>, %arg4: memref<10000x1xf32, #tpu.memory_space<vmem>>) attributes {dimension_semantics = [], scalar_prefetch = 0 : i64, scratch_operands = 0 : i64, tpu.core_type = #tpu.core_type<tc>} {
    %get3A = arith.constant 0 : index
    %get3A_0 = arith.constant 0 : index
    %get3A_1 = vector.load %arg0[%get3A, %get3A_0] : memref<10240x128xf32, #tpu.memory_space<vmem>>, vector<10000x1xf32>
    %add3A = arith.constant 1.000000e+00 : f32
    %add3A_2 = vector.broadcast %add3A : f32 to vector<10000x1xf32>
    %add3A_3 = arith.addf %get3A_1, %add3A_2 : vector<10000x1xf32>
    %max3A = arith.constant 1.000000e+00 : f32
    %max3A_4 = vector.broadcast %max3A : f32 to vector<10000x1xf32>
    %max3A_5 = arith.maximumf %add3A_3, %max3A_4 : vector<10000x1xf32>
    %rsqrt3A = math.rsqrt %max3A_5 : vector<10000x1xf32>
    %get3A_6 = arith.constant 0 : index
    %get3A_7 = arith.constant 0 : index
    %get3A_8 = vector.load %arg1[%get3A_6, %get3A_7] : memref<10000x128xf32, #tpu.memory_space<vmem>>, vector<10000x128xf32>
    %get3A_9 = arith.constant 0 : index
    %get3A_10 = arith.constant 0 : index
    %get3A_11 = vector.load %arg2[%get3A_9, %get3A_10] : memref<128x128xf32, #tpu.memory_space<vmem>>, vector<128x128xf32>
    %dot_general3A = arith.constant dense<0.000000e+00> : vector<10000x128xf32>
    %dot_general3A_12 = tpu.matmul %get3A_8, %get3A_11, %dot_general3A {dimension_numbers = #tpu.dot_dimension_numbers<[1], [0], [0], [1], [0, 0, 1, 1], [], []>, transpose_lhs_hint = false} : vector<10000x128xf32>, vector<128x128xf32>, vector<10000x128xf32> -> vector<10000x128xf32>
    %mul3A = vector.broadcast %rsqrt3A : vector<10000x1xf32> to vector<10000x128xf32>
    %mul3A_13 = arith.mulf %dot_general3A_12, %mul3A : vector<10000x128xf32>
    %swap3A = arith.constant 0 : index
    %swap3A_14 = arith.constant 0 : index
    %swap3A_15 = vector.load %arg3[%swap3A, %swap3A_14] : memref<10000x128xf32, #tpu.memory_space<vmem>>, vector<10000x128xf32>
    tpu.vector_store %arg3[%swap3A, %swap3A_14], %mul3A_13 {strides = array<i32>} : memref<10000x128xf32, #tpu.memory_space<vmem>>, vector<10000x128xf32>,
    %swap3A_16 = arith.constant 0 : index
    %swap3A_17 = arith.constant 0 : index
    %swap3A_18 = vector.load %arg4[%swap3A_16, %swap3A_17] : memref<10000x1xf32, #tpu.memory_space<vmem>>, vector<10000x1xf32>
    tpu.vector_store %arg4[%swap3A_16, %swap3A_17], %rsqrt3A {strides = array<i32>} : memref<10000x1xf32, #tpu.memory_space<vmem>>, vector<10000x1xf32>,
    return
  }
}

module attributes {stable_mosaic.version = 14 : i64} {
  func.func @_tc_b_body(%arg0: memref<10240x128xf32, #tpu.memory_space<vmem>>, %arg1: memref<10000x128xf32, #tpu.memory_space<vmem>>, %arg2: memref<10000x1xf32, #tpu.memory_space<vmem>>, %arg3: memref<1x128xf32, #tpu.memory_space<vmem>>, %arg4: memref<1x10000xi32, #tpu.memory_space<vmem>>, %arg5: memref<128x128xf32, #tpu.memory_space<vmem>>, %arg6: memref<10000x128xf32, #tpu.memory_space<vmem>>, %arg7: memref<64x128xf32, #tpu.memory_space<vmem>>, %arg8: memref<64x128xf32, #tpu.memory_space<vmem>>, %arg9: memref<10496x128xf32, #tpu.memory_space<vmem>>) attributes {dimension_semantics = [], scalar_prefetch = 0 : i64, scratch_operands = 1 : i64, tpu.core_type = #tpu.core_type<tc>} {
    %get3A = arith.constant 0 : index
    %get3A_0 = arith.constant 0 : index
    %get3A_1 = vector.load %arg0[%get3A, %get3A_0] : memref<10240x128xf32, #tpu.memory_space<vmem>>, vector<10000x128xf32>
    %get3A_2 = arith.constant 0 : index
    %get3A_3 = arith.constant 0 : index
    %get3A_4 = vector.load %arg1[%get3A_2, %get3A_3] : memref<10000x128xf32, #tpu.memory_space<vmem>>, vector<10000x128xf32>
    %add3A = arith.addf %get3A_1, %get3A_4 : vector<10000x128xf32>
    %get3A_5 = arith.constant 0 : index
    %get3A_6 = arith.constant 0 : index
    %get3A_7 = vector.load %arg2[%get3A_5, %get3A_6] : memref<10000x1xf32, #tpu.memory_space<vmem>>, vector<10000x1xf32>
    %mul3A = vector.broadcast %get3A_7 : vector<10000x1xf32> to vector<10000x128xf32>
    %mul3A_8 = arith.mulf %add3A, %mul3A : vector<10000x128xf32>
    %get3A_9 = arith.constant 0 : index
    %get3A_10 = arith.constant 0 : index
    %get3A_11 = vector.load %arg3[%get3A_9, %get3A_10] : memref<1x128xf32, #tpu.memory_space<vmem>>, vector<1x128xf32>
    %add3A_12 = vector.broadcast %get3A_11 : vector<1x128xf32> to vector<10000x128xf32>
    %add3A_13 = arith.addf %mul3A_8, %add3A_12 : vector<10000x128xf32>
    %max3A = arith.constant 0.000000e+00 : f32
    %max3A_14 = vector.broadcast %max3A : f32 to vector<10000x128xf32>
    %max3A_15 = arith.maximumf %add3A_13, %max3A_14 : vector<10000x128xf32>
    %swap3A = arith.constant 0 : index
    %swap3A_16 = arith.constant 0 : index
    %swap3A_17 = vector.load %arg9[%swap3A, %swap3A_16] : memref<10496x128xf32, #tpu.memory_space<vmem>>, vector<10000x128xf32>
    tpu.vector_store %arg9[%swap3A, %swap3A_16], %max3A_15 {strides = array<i32>} : memref<10496x128xf32, #tpu.memory_space<vmem>>, vector<10000x128xf32>,
    %get3A_18 = arith.constant 0 : index
    %get3A_19 = arith.constant 0 : index
    %get3A_20 = vector.load %arg5[%get3A_18, %get3A_19] : memref<128x128xf32, #tpu.memory_space<vmem>>, vector<128x128xf32>
    %dot_general3A = arith.constant dense<0.000000e+00> : vector<10000x128xf32>
    %dot_general3A_21 = tpu.matmul %max3A_15, %get3A_20, %dot_general3A {dimension_numbers = #tpu.dot_dimension_numbers<[1], [0], [0], [1], [0, 0, 1, 1], [], []>, transpose_lhs_hint = false} : vector<10000x128xf32>, vector<128x128xf32>, vector<10000x128xf32> -> vector<10000x128xf32>
    %get3A_22 = arith.constant 0 : index
    %get3A_23 = arith.constant 0 : index
    %get3A_24 = vector.load %arg2[%get3A_22, %get3A_23] : memref<10000x1xf32, #tpu.memory_space<vmem>>, vector<10000x1xf32>
    %mul3A_25 = vector.broadcast %get3A_24 : vector<10000x1xf32> to vector<10000x128xf32>
    %mul3A_26 = arith.mulf %dot_general3A_21, %mul3A_25 : vector<10000x128xf32>
    %swap3A_27 = arith.constant 0 : index
    %swap3A_28 = arith.constant 0 : index
    %swap3A_29 = vector.load %arg6[%swap3A_27, %swap3A_28] : memref<10000x128xf32, #tpu.memory_space<vmem>>, vector<10000x128xf32>
    tpu.vector_store %arg6[%swap3A_27, %swap3A_28], %mul3A_26 {strides = array<i32>} : memref<10000x128xf32, #tpu.memory_space<vmem>>, vector<10000x128xf32>,
    %get3A_30 = arith.constant 0 : index
    %get3A_31 = arith.constant 0 : index
    %get3A_32 = vector.load %arg4[%get3A_30, %get3A_31] : memref<1x10000xi32, #tpu.memory_space<vmem>>, vector<1x10000xi32>
    %scan3A = arith.constant 0 : i32
    %scan3A_33 = arith.constant 64 : i32
    %scan3A_34 = arith.addi %scan3A, %scan3A_33 : i32
    %scan3A_35 = arith.constant 1 : i32
    scf.for %scan3A_37 = %scan3A to %scan3A_34 step %scan3A_35  : i32 {
      %lt3A = vector.broadcast %scan3A_37 : i32 to vector<1x10000xi32>
      %lt3A_38 = arith.cmpi slt, %get3A_32, %lt3A : vector<1x10000xi32>
      %convert_element_type3A = arith.extui %lt3A_38 : vector<1x10000xi1> to vector<1x10000xi32>
      %reduce_sum3A = vector.shape_cast %convert_element_type3A : vector<1x10000xi32> to vector<1x1x10000xi32>
      %reduce_sum3A_39 = arith.constant dense<0> : vector<1xi32>
      %reduce_sum3A_40 = vector.multi_reduction <add>, %reduce_sum3A, %reduce_sum3A_39 [1, 2] : vector<1x1x10000xi32> to vector<1xi32>
      %reduce_sum3A_41 = vector.shape_cast %reduce_sum3A_40 : vector<1xi32> to vector<1x1x1xi32>
      %reduce_sum3A_42 = vector.extract %reduce_sum3A_41[0, 0, 0] : i32 from vector<1x1x1xi32>
      %eq3A = vector.broadcast %scan3A_37 : i32 to vector<1x10000xi32>
      %eq3A_43 = arith.cmpi eq, %get3A_32, %eq3A : vector<1x10000xi32>
      %convert_element_type3A_44 = arith.extui %eq3A_43 : vector<1x10000xi1> to vector<1x10000xi32>
      %reduce_sum3A_45 = vector.shape_cast %convert_element_type3A_44 : vector<1x10000xi32> to vector<1x1x10000xi32>
      %reduce_sum3A_46 = arith.constant dense<0> : vector<1xi32>
      %reduce_sum3A_47 = vector.multi_reduction <add>, %reduce_sum3A_45, %reduce_sum3A_46 [1, 2] : vector<1x1x10000xi32> to vector<1xi32>
      %reduce_sum3A_48 = vector.shape_cast %reduce_sum3A_47 : vector<1xi32> to vector<1x1x1xi32>
      %reduce_sum3A_49 = vector.extract %reduce_sum3A_48[0, 0, 0] : i32 from vector<1x1x1xi32>
      %add3A_50 = arith.constant 255 : i32
      %add3A_51 = arith.addi %reduce_sum3A_49, %add3A_50 : i32
      %div3A = arith.constant 256 : i32
      %div3A_52 = arith.divsi %add3A_51, %div3A : i32
      %broadcast_in_dim3A = arith.constant 0.000000e+00 : f32
      %broadcast_in_dim3A_53 = vector.broadcast %broadcast_in_dim3A : f32 to vector<1x128xf32>
      %broadcast_in_dim3A_54 = arith.constant 0xFF800000 : f32
      %broadcast_in_dim3A_55 = vector.broadcast %broadcast_in_dim3A_54 : f32 to vector<1x128xf32>
      %while3A = arith.constant 0 : i32
      %while3A_56 = arith.subi %div3A_52, %while3A : i32
      %while3A_57 = arith.addi %while3A, %while3A_56 : i32
      %while3A_58 = arith.constant 1 : i32
      %while3A_59 = arith.divsi %while3A_56, %while3A_58 : i32
      %while3A_60 = arith.muli %while3A_59, %while3A_58 : i32
      %while3A_61 = arith.addi %while3A, %while3A_60 : i32
      %while3A_62 = arith.constant 1 : i32
      %while3A_63:2 = scf.for %while3A_77 = %while3A to %while3A_61 step %while3A_62 iter_args(%while3A_78 = %broadcast_in_dim3A_53, %while3A_79 = %broadcast_in_dim3A_55) -> (vector<1x128xf32>, vector<1x128xf32>)  : i32 {
        %mul3A_80 = arith.constant 256 : i32
        %mul3A_81 = arith.muli %while3A_77, %mul3A_80 : i32
        %add3A_82 = arith.addi %reduce_sum3A_42, %mul3A_81 : i32
        %get3A_83 = arith.index_cast %add3A_82 : i32 to index
        %get3A_84 = arith.constant 0 : index
        %get3A_85 = vector.load %arg9[%get3A_83, %get3A_84] : memref<10496x128xf32, #tpu.memory_space<vmem>>, vector<256x128xf32>
        %iota3A = tpu.iota {dimensions = array<i32: 0>} : vector<256x1xi32>
        %add3A_86 = vector.broadcast %add3A_82 : i32 to vector<256x1xi32>
        %add3A_87 = arith.addi %iota3A, %add3A_86 : vector<256x1xi32>
        %add3A_88 = arith.addi %reduce_sum3A_42, %reduce_sum3A_49 : i32
        %lt3A_89 = vector.broadcast %add3A_88 : i32 to vector<256x1xi32>
        %lt3A_90 = arith.cmpi slt, %add3A_87, %lt3A_89 : vector<256x1xi32>
        %jit3A = arith.constant 0.000000e+00 : f32
        %broadcast_in_dim3A_91 = vector.shape_cast %lt3A_90 : vector<256x1xi1> to vector<256x1xi1>
        %broadcast_in_dim3A_92 = vector.broadcast %broadcast_in_dim3A_91 : vector<256x1xi1> to vector<256x128xi1>
        %broadcast_in_dim3A_93 = vector.broadcast %jit3A : f32 to vector<256x128xf32>
        %select_n3A = arith.select %broadcast_in_dim3A_92, %get3A_85, %broadcast_in_dim3A_93 : vector<256x128xi1>, vector<256x128xf32>
        %reduce_sum3A_94 = arith.constant dense<0.000000e+00> : vector<128xf32>
        %reduce_sum3A_95 = vector.multi_reduction <add>, %select_n3A, %reduce_sum3A_94 [0] : vector<256x128xf32> to vector<128xf32>
        %broadcast_in_dim3A_96 = vector.shape_cast %reduce_sum3A_95 : vector<128xf32> to vector<1x128xf32>
        %add3A_97 = arith.addf %while3A_78, %broadcast_in_dim3A_96 : vector<1x128xf32>
        %jit3A_98 = arith.constant 0xFF800000 : f32
        %broadcast_in_dim3A_99 = vector.shape_cast %lt3A_90 : vector<256x1xi1> to vector<256x1xi1>
        %broadcast_in_dim3A_100 = vector.broadcast %broadcast_in_dim3A_99 : vector<256x1xi1> to vector<256x128xi1>
        %broadcast_in_dim3A_101 = vector.broadcast %jit3A_98 : f32 to vector<256x128xf32>
        %select_n3A_102 = arith.select %broadcast_in_dim3A_100, %get3A_85, %broadcast_in_dim3A_101 : vector<256x128xi1>, vector<256x128xf32>
        %reduce_max3A = arith.constant dense<0xFF800000> : vector<128xf32>
        %reduce_max3A_103 = vector.multi_reduction <maximumf>, %select_n3A_102, %reduce_max3A [0] : vector<256x128xf32> to vector<128xf32>
        %broadcast_in_dim3A_104 = vector.shape_cast %reduce_max3A_103 : vector<128xf32> to vector<1x128xf32>
        %max3A_105 = arith.maximumf %while3A_79, %broadcast_in_dim3A_104 : vector<1x128xf32>
        scf.yield %add3A_97, %max3A_105 : vector<1x128xf32>, vector<1x128xf32>
      }
      %while3A_64 = arith.constant 1 : i32
      %while3A_65:2 = scf.for %while3A_77 = %while3A_61 to %while3A_57 step %while3A_64 iter_args(%while3A_78 = %while3A_63#0, %while3A_79 = %while3A_63#1) -> (vector<1x128xf32>, vector<1x128xf32>)  : i32 {
        %mul3A_80 = arith.constant 256 : i32
        %mul3A_81 = arith.muli %while3A_77, %mul3A_80 : i32
        %add3A_82 = arith.addi %reduce_sum3A_42, %mul3A_81 : i32
        %get3A_83 = arith.index_cast %add3A_82 : i32 to index
        %get3A_84 = arith.constant 0 : index
        %get3A_85 = vector.load %arg9[%get3A_83, %get3A_84] : memref<10496x128xf32, #tpu.memory_space<vmem>>, vector<256x128xf32>
        %iota3A = tpu.iota {dimensions = array<i32: 0>} : vector<256x1xi32>
        %add3A_86 = vector.broadcast %add3A_82 : i32 to vector<256x1xi32>
        %add3A_87 = arith.addi %iota3A, %add3A_86 : vector<256x1xi32>
        %add3A_88 = arith.addi %reduce_sum3A_42, %reduce_sum3A_49 : i32
        %lt3A_89 = vector.broadcast %add3A_88 : i32 to vector<256x1xi32>
        %lt3A_90 = arith.cmpi slt, %add3A_87, %lt3A_89 : vector<256x1xi32>
        %jit3A = arith.constant 0.000000e+00 : f32
        %broadcast_in_dim3A_91 = vector.shape_cast %lt3A_90 : vector<256x1xi1> to vector<256x1xi1>
        %broadcast_in_dim3A_92 = vector.broadcast %broadcast_in_dim3A_91 : vector<256x1xi1> to vector<256x128xi1>
        %broadcast_in_dim3A_93 = vector.broadcast %jit3A : f32 to vector<256x128xf32>
        %select_n3A = arith.select %broadcast_in_dim3A_92, %get3A_85, %broadcast_in_dim3A_93 : vector<256x128xi1>, vector<256x128xf32>
        %reduce_sum3A_94 = arith.constant dense<0.000000e+00> : vector<128xf32>
        %reduce_sum3A_95 = vector.multi_reduction <add>, %select_n3A, %reduce_sum3A_94 [0] : vector<256x128xf32> to vector<128xf32>
        %broadcast_in_dim3A_96 = vector.shape_cast %reduce_sum3A_95 : vector<128xf32> to vector<1x128xf32>
        %add3A_97 = arith.addf %while3A_78, %broadcast_in_dim3A_96 : vector<1x128xf32>
        %jit3A_98 = arith.constant 0xFF800000 : f32
        %broadcast_in_dim3A_99 = vector.shape_cast %lt3A_90 : vector<256x1xi1> to vector<256x1xi1>
        %broadcast_in_dim3A_100 = vector.broadcast %broadcast_in_dim3A_99 : vector<256x1xi1> to vector<256x128xi1>
        %broadcast_in_dim3A_101 = vector.broadcast %jit3A_98 : f32 to vector<256x128xf32>
        %select_n3A_102 = arith.select %broadcast_in_dim3A_100, %get3A_85, %broadcast_in_dim3A_101 : vector<256x128xi1>, vector<256x128xf32>
        %reduce_max3A = arith.constant dense<0xFF800000> : vector<128xf32>
        %reduce_max3A_103 = vector.multi_reduction <maximumf>, %select_n3A_102, %reduce_max3A [0] : vector<256x128xf32> to vector<128xf32>
        %broadcast_in_dim3A_104 = vector.shape_cast %reduce_max3A_103 : vector<128xf32> to vector<1x128xf32>
        %max3A_105 = arith.maximumf %while3A_79, %broadcast_in_dim3A_104 : vector<1x128xf32>
        scf.yield %add3A_97, %max3A_105 : vector<1x128xf32>, vector<1x128xf32>
      }
      %convert_element_type3A_66 = arith.sitofp %reduce_sum3A_49 : i32 to f32
      %max3A_67 = arith.constant 1.000000e+00 : f32
      %max3A_68 = arith.maximumf %convert_element_type3A_66, %max3A_67 : f32
      %div3A_69 = vector.broadcast %max3A_68 : f32 to vector<1x128xf32>
      %div3A_70 = arith.divf %while3A_65#0, %div3A_69 : vector<1x128xf32>
      %swap3A_71 = arith.index_cast %scan3A_37 : i32 to index
      %swap3A_72 = arith.constant 0 : index
      %swap3A_73 = vector.load %arg7[%swap3A_71, %swap3A_72] : memref<64x128xf32, #tpu.memory_space<vmem>>, vector<1x128xf32>
      tpu.vector_store %arg7[%swap3A_71, %swap3A_72], %div3A_70 {strides = array<i32>} : memref<64x128xf32, #tpu.memory_space<vmem>>, vector<1x128xf32>,
      %swap3A_74 = arith.index_cast %scan3A_37 : i32 to index
      %swap3A_75 = arith.constant 0 : index
      %swap3A_76 = vector.load %arg8[%swap3A_74, %swap3A_75] : memref<64x128xf32, #tpu.memory_space<vmem>>, vector<1x128xf32>
      tpu.vector_store %arg8[%swap3A_74, %swap3A_75], %while3A_65#1 {strides = array<i32>} : memref<64x128xf32, #tpu.memory_space<vmem>>, vector<1x128xf32>,
    }
    %scan3A_36 = arith.constant 64 : i32
    return
  }
}

module attributes {stable_mosaic.version = 14 : i64} {
  func.func @_tc_d_body(%arg0: memref<10240x128xf32, #tpu.memory_space<vmem>>, %arg1: memref<10000x128xf32, #tpu.memory_space<vmem>>, %arg2: memref<10000x1xf32, #tpu.memory_space<vmem>>, %arg3: memref<1x128xf32, #tpu.memory_space<vmem>>, %arg4: memref<1x10000xi32, #tpu.memory_space<vmem>>, %arg5: memref<64x128xf32, #tpu.memory_space<vmem>>, %arg6: memref<64x128xf32, #tpu.memory_space<vmem>>, %arg7: memref<512x256xf32, #tpu.memory_space<vmem>>, %arg8: memref<1x256xf32, #tpu.memory_space<vmem>>, %arg9: memref<256x10xf32, #tpu.memory_space<vmem>>, %arg10: memref<1x10xf32, #tpu.memory_space<vmem>>, %arg11: memref<64x10xf32, #tpu.memory_space<vmem>>, %arg12: memref<10496x128xf32, #tpu.memory_space<vmem>>, %arg13: memref<64x128xf32, #tpu.memory_space<vmem>>, %arg14: memref<64x128xf32, #tpu.memory_space<vmem>>) attributes {dimension_semantics = [], scalar_prefetch = 0 : i64, scratch_operands = 3 : i64, tpu.core_type = #tpu.core_type<tc>} {
    %get3A = arith.constant 0 : index
    %get3A_0 = arith.constant 0 : index
    %get3A_1 = vector.load %arg0[%get3A, %get3A_0] : memref<10240x128xf32, #tpu.memory_space<vmem>>, vector<10000x128xf32>
    %get3A_2 = arith.constant 0 : index
    %get3A_3 = arith.constant 0 : index
    %get3A_4 = vector.load %arg1[%get3A_2, %get3A_3] : memref<10000x128xf32, #tpu.memory_space<vmem>>, vector<10000x128xf32>
    %add3A = arith.addf %get3A_1, %get3A_4 : vector<10000x128xf32>
    %get3A_5 = arith.constant 0 : index
    %get3A_6 = arith.constant 0 : index
    %get3A_7 = vector.load %arg2[%get3A_5, %get3A_6] : memref<10000x1xf32, #tpu.memory_space<vmem>>, vector<10000x1xf32>
    %mul3A = vector.broadcast %get3A_7 : vector<10000x1xf32> to vector<10000x128xf32>
    %mul3A_8 = arith.mulf %add3A, %mul3A : vector<10000x128xf32>
    %get3A_9 = arith.constant 0 : index
    %get3A_10 = arith.constant 0 : index
    %get3A_11 = vector.load %arg3[%get3A_9, %get3A_10] : memref<1x128xf32, #tpu.memory_space<vmem>>, vector<1x128xf32>
    %add3A_12 = vector.broadcast %get3A_11 : vector<1x128xf32> to vector<10000x128xf32>
    %add3A_13 = arith.addf %mul3A_8, %add3A_12 : vector<10000x128xf32>
    %max3A = arith.constant 0.000000e+00 : f32
    %max3A_14 = vector.broadcast %max3A : f32 to vector<10000x128xf32>
    %max3A_15 = arith.maximumf %add3A_13, %max3A_14 : vector<10000x128xf32>
    %swap3A = arith.constant 0 : index
    %swap3A_16 = arith.constant 0 : index
    %swap3A_17 = vector.load %arg12[%swap3A, %swap3A_16] : memref<10496x128xf32, #tpu.memory_space<vmem>>, vector<10000x128xf32>
    tpu.vector_store %arg12[%swap3A, %swap3A_16], %max3A_15 {strides = array<i32>} : memref<10496x128xf32, #tpu.memory_space<vmem>>, vector<10000x128xf32>,
    %get3A_18 = arith.constant 0 : index
    %get3A_19 = arith.constant 0 : index
    %get3A_20 = vector.load %arg4[%get3A_18, %get3A_19] : memref<1x10000xi32, #tpu.memory_space<vmem>>, vector<1x10000xi32>
    %scan3A = arith.constant 0 : i32
    %scan3A_21 = arith.constant 64 : i32
    %scan3A_22 = arith.addi %scan3A, %scan3A_21 : i32
    %scan3A_23 = arith.constant 1 : i32
    scf.for %scan3A_62 = %scan3A to %scan3A_22 step %scan3A_23  : i32 {
      %lt3A = vector.broadcast %scan3A_62 : i32 to vector<1x10000xi32>
      %lt3A_63 = arith.cmpi slt, %get3A_20, %lt3A : vector<1x10000xi32>
      %convert_element_type3A = arith.extui %lt3A_63 : vector<1x10000xi1> to vector<1x10000xi32>
      %reduce_sum3A = vector.shape_cast %convert_element_type3A : vector<1x10000xi32> to vector<1x1x10000xi32>
      %reduce_sum3A_64 = arith.constant dense<0> : vector<1xi32>
      %reduce_sum3A_65 = vector.multi_reduction <add>, %reduce_sum3A, %reduce_sum3A_64 [1, 2] : vector<1x1x10000xi32> to vector<1xi32>
      %reduce_sum3A_66 = vector.shape_cast %reduce_sum3A_65 : vector<1xi32> to vector<1x1x1xi32>
      %reduce_sum3A_67 = vector.extract %reduce_sum3A_66[0, 0, 0] : i32 from vector<1x1x1xi32>
      %eq3A = vector.broadcast %scan3A_62 : i32 to vector<1x10000xi32>
      %eq3A_68 = arith.cmpi eq, %get3A_20, %eq3A : vector<1x10000xi32>
      %convert_element_type3A_69 = arith.extui %eq3A_68 : vector<1x10000xi1> to vector<1x10000xi32>
      %reduce_sum3A_70 = vector.shape_cast %convert_element_type3A_69 : vector<1x10000xi32> to vector<1x1x10000xi32>
      %reduce_sum3A_71 = arith.constant dense<0> : vector<1xi32>
      %reduce_sum3A_72 = vector.multi_reduction <add>, %reduce_sum3A_70, %reduce_sum3A_71 [1, 2] : vector<1x1x10000xi32> to vector<1xi32>
      %reduce_sum3A_73 = vector.shape_cast %reduce_sum3A_72 : vector<1xi32> to vector<1x1x1xi32>
      %reduce_sum3A_74 = vector.extract %reduce_sum3A_73[0, 0, 0] : i32 from vector<1x1x1xi32>
      %add3A_75 = arith.constant 255 : i32
      %add3A_76 = arith.addi %reduce_sum3A_74, %add3A_75 : i32
      %div3A = arith.constant 256 : i32
      %div3A_77 = arith.divsi %add3A_76, %div3A : i32
      %broadcast_in_dim3A = arith.constant 0.000000e+00 : f32
      %broadcast_in_dim3A_78 = vector.broadcast %broadcast_in_dim3A : f32 to vector<1x128xf32>
      %broadcast_in_dim3A_79 = arith.constant 0xFF800000 : f32
      %broadcast_in_dim3A_80 = vector.broadcast %broadcast_in_dim3A_79 : f32 to vector<1x128xf32>
      %while3A = arith.constant 0 : i32
      %while3A_81 = arith.subi %div3A_77, %while3A : i32
      %while3A_82 = arith.addi %while3A, %while3A_81 : i32
      %while3A_83 = arith.constant 1 : i32
      %while3A_84 = arith.divsi %while3A_81, %while3A_83 : i32
      %while3A_85 = arith.muli %while3A_84, %while3A_83 : i32
      %while3A_86 = arith.addi %while3A, %while3A_85 : i32
      %while3A_87 = arith.constant 1 : i32
      %while3A_88:2 = scf.for %while3A_102 = %while3A to %while3A_86 step %while3A_87 iter_args(%while3A_103 = %broadcast_in_dim3A_78, %while3A_104 = %broadcast_in_dim3A_80) -> (vector<1x128xf32>, vector<1x128xf32>)  : i32 {
        %mul3A_105 = arith.constant 256 : i32
        %mul3A_106 = arith.muli %while3A_102, %mul3A_105 : i32
        %add3A_107 = arith.addi %reduce_sum3A_67, %mul3A_106 : i32
        %get3A_108 = arith.index_cast %add3A_107 : i32 to index
        %get3A_109 = arith.constant 0 : index
        %get3A_110 = vector.load %arg12[%get3A_108, %get3A_109] : memref<10496x128xf32, #tpu.memory_space<vmem>>, vector<256x128xf32>
        %iota3A = tpu.iota {dimensions = array<i32: 0>} : vector<256x1xi32>
        %add3A_111 = vector.broadcast %add3A_107 : i32 to vector<256x1xi32>
        %add3A_112 = arith.addi %iota3A, %add3A_111 : vector<256x1xi32>
        %add3A_113 = arith.addi %reduce_sum3A_67, %reduce_sum3A_74 : i32
        %lt3A_114 = vector.broadcast %add3A_113 : i32 to vector<256x1xi32>
        %lt3A_115 = arith.cmpi slt, %add3A_112, %lt3A_114 : vector<256x1xi32>
        %jit3A = arith.constant 0.000000e+00 : f32
        %broadcast_in_dim3A_116 = vector.shape_cast %lt3A_115 : vector<256x1xi1> to vector<256x1xi1>
        %broadcast_in_dim3A_117 = vector.broadcast %broadcast_in_dim3A_116 : vector<256x1xi1> to vector<256x128xi1>
        %broadcast_in_dim3A_118 = vector.broadcast %jit3A : f32 to vector<256x128xf32>
        %select_n3A = arith.select %broadcast_in_dim3A_117, %get3A_110, %broadcast_in_dim3A_118 : vector<256x128xi1>, vector<256x128xf32>
        %reduce_sum3A_119 = arith.constant dense<0.000000e+00> : vector<128xf32>
        %reduce_sum3A_120 = vector.multi_reduction <add>, %select_n3A, %reduce_sum3A_119 [0] : vector<256x128xf32> to vector<128xf32>
        %broadcast_in_dim3A_121 = vector.shape_cast %reduce_sum3A_120 : vector<128xf32> to vector<1x128xf32>
        %add3A_122 = arith.addf %while3A_103, %broadcast_in_dim3A_121 : vector<1x128xf32>
        %jit3A_123 = arith.constant 0xFF800000 : f32
        %broadcast_in_dim3A_124 = vector.shape_cast %lt3A_115 : vector<256x1xi1> to vector<256x1xi1>
        %broadcast_in_dim3A_125 = vector.broadcast %broadcast_in_dim3A_124 : vector<256x1xi1> to vector<256x128xi1>
        %broadcast_in_dim3A_126 = vector.broadcast %jit3A_123 : f32 to vector<256x128xf32>
        %select_n3A_127 = arith.select %broadcast_in_dim3A_125, %get3A_110, %broadcast_in_dim3A_126 : vector<256x128xi1>, vector<256x128xf32>
        %reduce_max3A = arith.constant dense<0xFF800000> : vector<128xf32>
        %reduce_max3A_128 = vector.multi_reduction <maximumf>, %select_n3A_127, %reduce_max3A [0] : vector<256x128xf32> to vector<128xf32>
        %broadcast_in_dim3A_129 = vector.shape_cast %reduce_max3A_128 : vector<128xf32> to vector<1x128xf32>
        %max3A_130 = arith.maximumf %while3A_104, %broadcast_in_dim3A_129 : vector<1x128xf32>
        scf.yield %add3A_122, %max3A_130 : vector<1x128xf32>, vector<1x128xf32>
      }
      %while3A_89 = arith.constant 1 : i32
      %while3A_90:2 = scf.for %while3A_102 = %while3A_86 to %while3A_82 step %while3A_89 iter_args(%while3A_103 = %while3A_88#0, %while3A_104 = %while3A_88#1) -> (vector<1x128xf32>, vector<1x128xf32>)  : i32 {
        %mul3A_105 = arith.constant 256 : i32
        %mul3A_106 = arith.muli %while3A_102, %mul3A_105 : i32
        %add3A_107 = arith.addi %reduce_sum3A_67, %mul3A_106 : i32
        %get3A_108 = arith.index_cast %add3A_107 : i32 to index
        %get3A_109 = arith.constant 0 : index
        %get3A_110 = vector.load %arg12[%get3A_108, %get3A_109] : memref<10496x128xf32, #tpu.memory_space<vmem>>, vector<256x128xf32>
        %iota3A = tpu.iota {dimensions = array<i32: 0>} : vector<256x1xi32>
        %add3A_111 = vector.broadcast %add3A_107 : i32 to vector<256x1xi32>
        %add3A_112 = arith.addi %iota3A, %add3A_111 : vector<256x1xi32>
        %add3A_113 = arith.addi %reduce_sum3A_67, %reduce_sum3A_74 : i32
        %lt3A_114 = vector.broadcast %add3A_113 : i32 to vector<256x1xi32>
        %lt3A_115 = arith.cmpi slt, %add3A_112, %lt3A_114 : vector<256x1xi32>
        %jit3A = arith.constant 0.000000e+00 : f32
        %broadcast_in_dim3A_116 = vector.shape_cast %lt3A_115 : vector<256x1xi1> to vector<256x1xi1>
        %broadcast_in_dim3A_117 = vector.broadcast %broadcast_in_dim3A_116 : vector<256x1xi1> to vector<256x128xi1>
        %broadcast_in_dim3A_118 = vector.broadcast %jit3A : f32 to vector<256x128xf32>
        %select_n3A = arith.select %broadcast_in_dim3A_117, %get3A_110, %broadcast_in_dim3A_118 : vector<256x128xi1>, vector<256x128xf32>
        %reduce_sum3A_119 = arith.constant dense<0.000000e+00> : vector<128xf32>
        %reduce_sum3A_120 = vector.multi_reduction <add>, %select_n3A, %reduce_sum3A_119 [0] : vector<256x128xf32> to vector<128xf32>
        %broadcast_in_dim3A_121 = vector.shape_cast %reduce_sum3A_120 : vector<128xf32> to vector<1x128xf32>
        %add3A_122 = arith.addf %while3A_103, %broadcast_in_dim3A_121 : vector<1x128xf32>
        %jit3A_123 = arith.constant 0xFF800000 : f32
        %broadcast_in_dim3A_124 = vector.shape_cast %lt3A_115 : vector<256x1xi1> to vector<256x1xi1>
        %broadcast_in_dim3A_125 = vector.broadcast %broadcast_in_dim3A_124 : vector<256x1xi1> to vector<256x128xi1>
        %broadcast_in_dim3A_126 = vector.broadcast %jit3A_123 : f32 to vector<256x128xf32>
        %select_n3A_127 = arith.select %broadcast_in_dim3A_125, %get3A_110, %broadcast_in_dim3A_126 : vector<256x128xi1>, vector<256x128xf32>
        %reduce_max3A = arith.constant dense<0xFF800000> : vector<128xf32>
        %reduce_max3A_128 = vector.multi_reduction <maximumf>, %select_n3A_127, %reduce_max3A [0] : vector<256x128xf32> to vector<128xf32>
        %broadcast_in_dim3A_129 = vector.shape_cast %reduce_max3A_128 : vector<128xf32> to vector<1x128xf32>
        %max3A_130 = arith.maximumf %while3A_104, %broadcast_in_dim3A_129 : vector<1x128xf32>
        scf.yield %add3A_122, %max3A_130 : vector<1x128xf32>, vector<1x128xf32>
      }
      %convert_element_type3A_91 = arith.sitofp %reduce_sum3A_74 : i32 to f32
      %max3A_92 = arith.constant 1.000000e+00 : f32
      %max3A_93 = arith.maximumf %convert_element_type3A_91, %max3A_92 : f32
      %div3A_94 = vector.broadcast %max3A_93 : f32 to vector<1x128xf32>
      %div3A_95 = arith.divf %while3A_90#0, %div3A_94 : vector<1x128xf32>
      %swap3A_96 = arith.index_cast %scan3A_62 : i32 to index
      %swap3A_97 = arith.constant 0 : index
      %swap3A_98 = vector.load %arg13[%swap3A_96, %swap3A_97] : memref<64x128xf32, #tpu.memory_space<vmem>>, vector<1x128xf32>
      tpu.vector_store %arg13[%swap3A_96, %swap3A_97], %div3A_95 {strides = array<i32>} : memref<64x128xf32, #tpu.memory_space<vmem>>, vector<1x128xf32>,
      %swap3A_99 = arith.index_cast %scan3A_62 : i32 to index
      %swap3A_100 = arith.constant 0 : index
      %swap3A_101 = vector.load %arg14[%swap3A_99, %swap3A_100] : memref<64x128xf32, #tpu.memory_space<vmem>>, vector<1x128xf32>
      tpu.vector_store %arg14[%swap3A_99, %swap3A_100], %while3A_90#1 {strides = array<i32>} : memref<64x128xf32, #tpu.memory_space<vmem>>, vector<1x128xf32>,
    }
    %scan3A_24 = arith.constant 64 : i32
    %get3A_25 = arith.constant 0 : index
    %get3A_26 = arith.constant 0 : index
    %get3A_27 = vector.load %arg5[%get3A_25, %get3A_26] : memref<64x128xf32, #tpu.memory_space<vmem>>, vector<64x128xf32>
    %get3A_28 = arith.constant 0 : index
    %get3A_29 = arith.constant 0 : index
    %get3A_30 = vector.load %arg6[%get3A_28, %get3A_29] : memref<64x128xf32, #tpu.memory_space<vmem>>, vector<64x128xf32>
    %get3A_31 = arith.constant 0 : index
    %get3A_32 = arith.constant 0 : index
    %get3A_33 = vector.load %arg13[%get3A_31, %get3A_32] : memref<64x128xf32, #tpu.memory_space<vmem>>, vector<64x128xf32>
    %get3A_34 = arith.constant 0 : index
    %get3A_35 = arith.constant 0 : index
    %get3A_36 = vector.load %arg14[%get3A_34, %get3A_35] : memref<64x128xf32, #tpu.memory_space<vmem>>, vector<64x128xf32>
    %concatenate3A = tpu.concatenate %get3A_27, %get3A_30, %get3A_33, %get3A_36 in 1 : vector<64x128xf32>, vector<64x128xf32>, vector<64x128xf32>, vector<64x128xf32> -> vector<64x512xf32>
    %get3A_37 = arith.constant 0 : index
    %get3A_38 = arith.constant 0 : index
    %get3A_39 = vector.load %arg7[%get3A_37, %get3A_38] : memref<512x256xf32, #tpu.memory_space<vmem>>, vector<512x256xf32>
    %dot_general3A = arith.constant dense<0.000000e+00> : vector<64x256xf32>
    %dot_general3A_40 = tpu.matmul %concatenate3A, %get3A_39, %dot_general3A {dimension_numbers = #tpu.dot_dimension_numbers<[1], [0], [0], [1], [0, 0, 1, 1], [], []>, transpose_lhs_hint = false} : vector<64x512xf32>, vector<512x256xf32>, vector<64x256xf32> -> vector<64x256xf32>
    %get3A_41 = arith.constant 0 : index
    %get3A_42 = arith.constant 0 : index
    %get3A_43 = vector.load %arg8[%get3A_41, %get3A_42] : memref<1x256xf32, #tpu.memory_space<vmem>>, vector<1x256xf32>
    %add3A_44 = vector.broadcast %get3A_43 : vector<1x256xf32> to vector<64x256xf32>
    %add3A_45 = arith.addf %dot_general3A_40, %add3A_44 : vector<64x256xf32>
    %max3A_46 = arith.constant 0.000000e+00 : f32
    %max3A_47 = vector.broadcast %max3A_46 : f32 to vector<64x256xf32>
    %max3A_48 = arith.maximumf %add3A_45, %max3A_47 : vector<64x256xf32>
    %get3A_49 = arith.constant 0 : index
    %get3A_50 = arith.constant 0 : index
    %get3A_51 = vector.load %arg9[%get3A_49, %get3A_50] : memref<256x10xf32, #tpu.memory_space<vmem>>, vector<256x10xf32>
    %dot_general3A_52 = arith.constant dense<0.000000e+00> : vector<64x10xf32>
    %dot_general3A_53 = tpu.matmul %max3A_48, %get3A_51, %dot_general3A_52 {dimension_numbers = #tpu.dot_dimension_numbers<[1], [0], [0], [1], [0, 0, 1, 1], [], []>, transpose_lhs_hint = false} : vector<64x256xf32>, vector<256x10xf32>, vector<64x10xf32> -> vector<64x10xf32>
    %get3A_54 = arith.constant 0 : index
    %get3A_55 = arith.constant 0 : index
    %get3A_56 = vector.load %arg10[%get3A_54, %get3A_55] : memref<1x10xf32, #tpu.memory_space<vmem>>, vector<1x10xf32>
    %add3A_57 = vector.broadcast %get3A_56 : vector<1x10xf32> to vector<64x10xf32>
    %add3A_58 = arith.addf %dot_general3A_53, %add3A_57 : vector<64x10xf32>
    %swap3A_59 = arith.constant 0 : index
    %swap3A_60 = arith.constant 0 : index
    %swap3A_61 = vector.load %arg11[%swap3A_59, %swap3A_60] : memref<64x10xf32, #tpu.memory_space<vmem>>, vector<64x10xf32>
    tpu.vector_store %arg11[%swap3A_59, %swap3A_60], %add3A_58 {strides = array<i32>} : memref<64x10xf32, #tpu.memory_space<vmem>>, vector<64x10xf32>,
    return
  }
}

</mosaic_0001>

<sc_bundles>
// kernel: kernel.11.cloned.1.call-start
scs
__scs_entry_jumppad:
0x0: {  	(pc) =	sbr.rel $0x88, $3  }
0x1: {  	(tag) =	ssettag $0x0;
	lr =	simm.s32 $0x1  }
0x2: {  	[smem:$0x3F96] =	sst lr;
	_ =	strace $0xD0000000  }
0x3: {  	_ = 	snop  }
0x4: {  	_ = 	snop  }
0x5: {  	_ = 	snop  }
0x6: {  	_ = 	snop  }
0x7: {  	_ = 	snop  }
__scs_overlays_trampoline_lowered:
0x8: {  	[smem:$0x3FA5] =	sst s0  }
0x9: {  	[smem:$0x3FA6] =	sst s1  }
0xa: {  	[smem:$0x3FA7] =	sst s2  }
0xb: {  	[smem:$0x3FA8] =	sst s3  }
0xc: {  	[smem:$0x3FA9] =	sst s4  }
0xd: {  	[smem:$0x3FAA] =	sst s5  }
0xe: {  	[smem:$0x3FAB] =	sst s6  }
0xf: {  	[smem:$0x3FAC] =	sst s7  }
0x10: {  	[smem:$0x3FAD] =	sst s8  }
0x11: {  	[smem:$0x3FAE] =	sst s9;
	s0 =	simm.s32 @!p0 $0x0  }
0x12: {  	s1 =	sld [smem:$0x3F94];
	s0 =	simm.s32 @p0 $0x1  }
0x13: {  	[smem:$0x3FAF] =	sst s0;
	s0 =	simm.s32 @!p1 $0x0  }
0x14: {  	s2 =	sld [smem:$0x3F93];
	s0 =	simm.s32 @p1 $0x1  }
0x15: {  	[smem:$0x3FB0] =	sst s0;
	s0 =	simm.s32 @!p2 $0x0  }
0x16: {  	s3 =	sld [smem:$0x3FDB];
	s0 =	simm.s32 @p2 $0x1  }
0x17: {  	s4 =	simm.s32 $0x1BF5;
	[smem:$0x3FB2] =	sst s0  }
0x18: {  	s0 =	sld [smem:$0x3F95];
	_ =	swait.ge [sflag:s4], $0x0  }
0x19: {  	s7 =	sld [smem:$0x3F96]  }
0x1a: {  	s8 =	sadd.s32 $0xFFFFE003, lr  }
0x1b: {  	s9 =	sadd.s32 $0xFFFFFEF7, lr;
	s5 =	simm.s32 $0xFFFFFFFF;
	p2 =	slt.u32 s8, $0xFFFFF086  }
0x1c: {  	p1 =	slt.u32 s9, $0xF7A;
	s5 =	simm.s32 @!p2 $0x0  }
0x1d: {  	s5 =	simm.s32 @p1 $0x1;
	p0 =	seq.s32 s7, s2  }
0x1e: {  	s7 =	smul.u32 @!p0 $0xF7A, s2;
	p2 =	seq.s32 @!p0 s5, $0x0  }
0x1f: {  	s9 =	smul.u32 $0xF7A, s1;
	s8 =	simm.s32 @!p0 $0x1BF5;
	p2 =	por !p2, p0  }
0x20: {  	[sflag:s8] =	ssyncset.s32 @!p0 $0xFFFFF086;
	s6 =	sadd.s32 @!p0 s3, s7;
	s7 =	simm.s32 @!p0 $0x108  }
0x21: {  	s3 =	sadd.s32 s3, s9;
	s6 =	sadd.s32 @!p0 $0x88, s6;
	s7 =	simm.s32 @p2 $0x1082  }
0x22: {  	[simem:s7], [sflag:s8] =	dma.local @!p0 [hbm:s6], $0xF7A  }
0x23: {  	s9 =	sor.u32 $0xD0000000, s2;
	s6 =	simm.s32 $0x108;
	_ =	swait.ge @!p0 [sflag:s8], $0x0  }
0x24: {  	s3 =	sadd.s32 $0x88, s3;
	s6 =	simm.s32 @!p1 $0x1082;
	[sflag:s4] =	ssyncset.s32 $0xFFFFF086  }
0x25: {  	[simem:s6], [sflag:s4] =	dma.local [hbm:s3], $0xF7A  }
0x26: {  	[smem:$0x3F96] =	sst s1;
	(tag) =	ssettag s2;
	_ =	strace s9  }
0x27: {  	s1 =	sld [smem:$0x3FA6]  }
0x28: {  	s2 =	sld [smem:$0x3FA7]  }
0x29: {  	s4 =	sld [smem:$0x3FA9]  }
0x2a: {  	p0 =	seq.s32 s5, $0x0;
	s5 =	sld [smem:$0x3FAA]  }
0x2b: {  	s6 =	sld [smem:$0x3FAB]  }
0x2c: {  	s7 =	sld [smem:$0x3FAC]  }
0x2d: {  	s3 =	simm.s32 $0x108;
	s8 =	sld [smem:$0x3FAD]  }
0x2e: {  	s3 =	simm.s32 @!p0 $0x1082;
	s9 =	sld [smem:$0x3FAE]  }
0x2f: {  	lr =	sadd.s32 s0, s3;
	s0 =	sld [smem:$0x3FA5]  }
0x30: {  	s3 =	sld [smem:$0x3FA8]  }
0x31: {  	[smem:$0x3FB1] =	sst s10  }
0x32: {  	s10 =	sld [smem:$0x3FAF];
	_ =	sdelay $0x3  }
0x33: {  	p0 =	seq.s32 s10, $0x1;
	s10 =	sld [smem:$0x3FB1];
	_ =	sdelay $0x3  }
0x34: {  	[smem:$0x3FB1] =	sst s10  }
0x35: {  	s10 =	sld [smem:$0x3FB0];
	_ =	sdelay $0x3  }
0x36: {  	p1 =	seq.s32 s10, $0x1;
	s10 =	sld [smem:$0x3FB1];
	_ =	sdelay $0x3  }
0x37: {  	[smem:$0x3FB1] =	sst s10  }
0x38: {  	s10 =	sld [smem:$0x3FB2]  }
0x39: {  	_ = 	snop;
	(pc) =	sbr.ind lr, $3  }
0x3a: {  	_ = 	snop  }
0x3b: {  	_ = 	snop  }
0x3c: {  	p2 =	seq.s32 s10, $0x1;
	s10 =	sld [smem:$0x3FB1]  }
0x3d: {  	_ =	shalt  }
0x3e: {  	_ =	shalt  }
0x3f: {  	_ =	shalt  }
0x40: {  	_ =	shalt  }
0x41: {  	_ =	shalt  }
0x42: {  	_ =	shalt  }
0x43: {  	_ =	shalt  }
0x44: {  	_ =	shalt  }
0x45: {  	_ =	shalt  }
0x46: {  	_ =	shalt  }
0x47: {  	_ =	shalt  }
0x48: {  	_ =	shalt  }
0x49: {  	_ =	shalt  }
0x4a: {  	_ =	shalt  }
0x4b: {  	_ =	shalt  }
0x4c: {  	_ =	shalt  }
0x4d: {  	_ =	shalt  }
0x4e: {  	_ =	shalt  }
0x4f: {  	_ =	shalt  }
0x50: {  	_ =	shalt  }
0x51: {  	_ =	shalt  }
0x52: {  	_ =	shalt  }
0x53: {  	_ =	shalt  }
0x54: {  	_ =	shalt  }
0x55: {  	_ =	shalt  }
0x56: {  	_ =	shalt  }
0x57: {  	_ =	shalt  }
0x58: {  	_ =	shalt  }
0x59: {  	_ =	shalt  }
0x5a: {  	_ =	shalt  }
0x5b: {  	_ =	shalt  }
0x5c: {  	_ =	shalt  }
0x5d: {  	_ =	shalt  }
0x5e: {  	_ =	shalt  }
0x5f: {  	_ =	shalt  }
0x60: {  	_ =	shalt  }
0x61: {  	_ =	shalt  }
0x62: {  	_ =	shalt  }
0x63: {  	_ =	shalt  }
0x64: {  	_ =	shalt  }
0x65: {  	_ =	shalt  }
0x66: {  	_ =	shalt  }
0x67: {  	_ =	shalt  }
0x68: {  	_ =	shalt  }
0x69: {  	_ =	shalt  }
0x6a: {  	_ =	shalt  }
0x6b: {  	_ =	shalt  }
0x6c: {  	_ =	shalt  }
0x6d: {  	_ =	shalt  }
0x6e: {  	_ =	shalt  }
0x6f: {  	_ =	shalt  }
0x70: {  	_ =	shalt  }
0x71: {  	_ =	shalt  }
0x72: {  	_ =	shalt  }
0x73: {  	_ =	shalt  }
0x74: {  	_ =	shalt  }
0x75: {  	_ =	shalt  }
0x76: {  	_ =	shalt  }
0x77: {  	_ =	shalt  }
0x78: {  	_ =	shalt  }
0x79: {  	_ =	shalt  }
0x7a: {  	_ =	shalt  }
0x7b: {  	_ =	shalt  }
0x7c: {  	_ =	shalt  }
0x7d: {  	_ =	shalt  }
0x7e: {  	_ =	shalt  }
0x7f: {  	_ =	shalt  }
0x80: {  	_ =	shalt  }
0x81: {  	_ =	shalt  }
0x82: {  	_ =	shalt  }
0x83: {  	_ =	shalt  }
0x84: {  	_ =	shalt  }
0x85: {  	_ =	shalt  }
0x86: {  	_ =	shalt  }
0x87: {  	_ =	shalt  }
.Lfunc_end0:
.L_simem_size_0:
called_computation.1_lowered:
.L_overlay_start_0:
0x88: {  	s0 =	sld [smem:$0x3FD9]  }
0x89: {  	s1 =	sld [smem:$0x3FFE];
	_ =	sdelay $0x3  }
0x8a: {  	s0 =	sadd.s32 s1, s0  }
0x8b: {  	[smem:$0x3FBD] =	sst s0  }
0x8c: {  	_ = 	snop  }
0x8d: {  	(tm) =	ssettm $0x1  }
0x8e: {  	s15 =	sld [smem:$0x3FFB];
	_ =	sdelay $0x3  }
0x8f: {  	_ =	strace s15  }
0x90: {  	s0 =	sld [smem:$0x3FFC];
	_ =	sdelay $0x3  }
0x91: {  	_ =	strace s0  }
0x92: {  	s0 =	sld [smem:$0x3FFD];
	_ =	sdelay $0x3  }
0x93: {  	_ =	strace s0  }
0x94: {  	_ =	strace $0x8FFFFFFF  }
0x95: {  	s16 =	sld [smem:$0x3FDB];
	_ =	sdelay $0x1  }
0x96: {  	s17 =	simm.s32 $_scs_section_size  }
0x97: {  	s2 =	simm.s32 $_size__tile_overlayer_lowered;
	s3 =	simm.s32 $_tile_overlayer_lowered  }
0x98: {  	s20 =	simm.s32 $0x1BFF;
	s19 =	sshll.u32 s3, $0x1;
	s0 =	sadd.s32 s17, s16  }
0x99: {  	s4 =	simm.s32 $0x0;
	s18 =	sshll.u32 s2, $0x1;
	s2 =	sadd.s32 s19, s0  }
0x9a: {  	[timem:s4], [sflag:s20] =	dma.local [hbm:s2], s18  }
0x9b: {  	_ =	swait.ge [sflag:s20], s18  }
0x9c: {  	s1 =	ssub.s32 $0x0, s18;
	[sflag:s20] =	ssyncset.done $0x0  }
0x9d: {  	[sflag:s20] =	ssyncadd.s32 s1;
	_ =	sdelay $0x1  }
0x9e: {  	s21 =	simm.s32 $0x1B8B  }
0x9f: {  	_ =	swait.ge [sflag:s21], $0x1  }
0xa0: {  	[sflag:s21] =	ssyncset.done $0x0  }
0xa1: {  	s23 =	simm.s32 $0x1B8E;
	s22 =	sld [smem:$0x3FFE];
	[sflag:s21] =	ssyncadd.s32 $0xFFFFFFFF  }
0xa2: {  	s24 =	simm.s32 $execute0_lowered;
	[smem:$0x3FD2] =	sst s23  }
0xa3: {  	s2 =	sshll.u32 s24, $0x1;
	_ =	strace $0x80000049;
	[dreg:$0x1] =	wrdreg $0xFFFFFFFF  }
0xa4: {  	s25 =	simm.s32 $_size_execute0_lowered;
	s0 =	sadd.s32 s0, s2;
	[dreg:$0x0] =	wrdreg $0x0  }
0xa5: {  	s2 =	sshll.u32 s25, $0x1;
	[dreg:$0x2] =	wrdreg s0  }
0xa6: {  	[dreg:$0x3] =	wrdreg s2  }
0xa7: {  	[dreg:$0x4] =	wrdreg $0xC0  }
0xa8: {  	_ =	task [dreg:s4], $0x5FFFF  }
0xa9: {  	[dreg:$0x1] =	wrdreg $0xFFFFFFFF  }
0xaa: {  	[dreg:$0x0] =	wrdreg $0x60  }
0xab: {  	[dreg:$0x2] =	wrdreg s22  }
0xac: {  	[dreg:$0x3] =	wrdreg $0x90000  }
0xad: {  	[dreg:$0x4] =	wrdreg $0x9  }
0xae: {  	_ =	task.clear_ibuf [dreg:s4], $0x5FFFF;
	_ =	strace $0x90000049  }
0xaf: {  	s26 =	simm.s32 $0x9;
	_ =	strace $0x8000004B  }
0xb0: {  	_ =	swait.ge [sflag:s26], $0x1  }
0xb1: {  	[sflag:s26] =	ssyncadd.s32 $0xFFFFFFFF  }
0xb2: {  	_ =	strace $0x9000004B  }
0xb3: {  	_ =	sfence  }
0xb4: {  	s28 =	sld [smem:$0x0];
	_ =	sdelay $0x1  }
0xb5: {  	s29 =	srdreg.scid  }
0xb6: {  	s30 =	sshll.u32 s29, $0xD;
	s31 =	sshrl.u32 s29, $0x2  }
0xb7: {  	s1 =	sand.u32 $0x1, s29;
	s2 =	sand.u32 $0x4000, s30;
	s0 =	sadd.s32 s31, s28  }
0xb8: {  	s1 =	sor.u32 s2, s1;
	s0 =	sshll.u32 s0, $0x11  }
0xb9: {  	s0 =	sor.u32 s0, s1  }
0xba: {  	s0 =	sadd.s32 $0x8F2B, s0  }
0xbb: {  	[sflag:s0] =	ssyncadd.remote.s32 $0x1  }
0xbc: {  	_ =	sfence.sel $0xFFFF  }
0xbd: {  	[dreg:$0x0] =	wrdreg $0xFFFFFFFF;
	(pc) =	sbr.abs _section_cstart, $3  }
0xbe: {  	[dreg:$0x1] =	wrdreg $0xFFFFFFFF  }
0xbf: {  	_ =	task.clear_ibuf [dreg:s4], $0x2FFFF;
	_ =	strace $0x9FFFFFFF  }
0xc0: {  	(tm) =	ssettm $0x7FFFFFFF  }
0xc1: {  	_ =	shalt  }
tec
execute0_lowered:
.L_overlay_start_1:
0x0: {  	(tag) =	ssettag $0x1  }
0x1: {  	s1 =	rddreg [dreg:$0x0]  }
0x2: {  	s2 =	rddreg [dreg:$0x1]  }
0x3: {  	s0 =	rddreg [dreg:$0x2];
	s3 =	simm.s32 $0x0  }
0x4: {  	s5 =	simm.s32 $0x0;
	s6 =	simm.s32 $0x200;
	[smem:$0x7FF] =	sst s3  }
0x5: {  	s3 =	sadd.s32 $0x17E00, s1;
	s8 =	sadd.s32 $0x3E00, s1;
	s10 =	sadd.s32 $0xDE00, s1  }
0x6: {  	v0 =	vimm.f32 $0.0e+00;
	s4 =	sadd.s32 $0x3F000, s1;
	s1 =	stileid.u32;
	_ =	strace $0x8000004A  }
.LBB2_1:
0x7: {  	p0 =	sne.s32 s6, $0xFE00;
	[tilespmem:s5+$0x1070] =	vst v0  }
0x8: {  	[tilespmem:s5+$0x1000] =	vst v0  }
0x9: {  	[tilespmem:s5+$0x1010] =	vst v0  }
.Ltmp0:
0xa: {  	[tilespmem:s5+$0x1020] =	vst v0;
	(pc) =	sbr.rel @p0 .LBB2_1-.Ltmp0, $4  }
0xb: {  	[tilespmem:s5+$0x1030] =	vst v0  }
0xc: {  	[tilespmem:s5+$0x1040] =	vst v0  }
0xd: {  	[tilespmem:s5+$0x1050] =	vst v0  }
0xe: {  	[tilespmem:s5+$0x1060] =	vst v0;
	s5 =	sshra.s32 s6, $0x2;
	s6 =	sadd.s32 $0x200, s6  }
0xf: {  	[tilespmem:s5+$0x1070] =	vst v0  }
0x10: {  	[tilespmem:s5+$0x1000] =	vst v0  }
0x11: {  	[tilespmem:s5+$0x1010] =	vst v0  }
0x12: {  	[tilespmem:s5+$0x1020] =	vst v0  }
0x13: {  	[tilespmem:s5+$0x1030] =	vst v0;
	s6 =	smul.u32 $0x50000, s1  }
0x14: {  	[tilespmem:s5+$0x1040] =	vst v0  }
0x15: {  	[tilespmem:s5+$0x1050] =	vst v0;
	s6 =	sshrl.u32 s6, $0x2  }
0x16: {  	[tilespmem:s5+$0x1060] =	vst v0;
	s7 =	simm.s32 $0x5;
	s5 =	sadd.s32 s6, s2;
	s6 =	simm.s32 $0x1000  }
0x17: {  	[spmem:s5] =	stream.linear.scatter [tilespmem:s6], [sflag:$0x5], $0x4000, $0x38;
	[tilespmem:$0x1D000] =	vst v63  }
0x18: {  	_ =	swait.ge [sflag:s7], $0x4000  }
0x19: {  	[sflag:s7] =	ssyncset.done $0x0  }
0x1a: {  	s9 =	sadd.s32 $0x4000, s5;
	[sflag:s7] =	ssyncadd.s32 $0xFFFFC000  }
0x1b: {  	[spmem:s9] =	stream.linear.scatter [tilespmem:s6], [sflag:$0x5], $0x4000, $0x38;
	[tilespmem:$0x1D000] =	vst v63  }
0x1c: {  	_ =	swait.ge [sflag:s7], $0x4000  }
0x1d: {  	[sflag:s7] =	ssyncset.done $0x0  }
0x1e: {  	s22 =	sadd.s32 $0x8000, s5;
	[sflag:s7] =	ssyncadd.s32 $0xFFFFC000  }
0x1f: {  	[spmem:s22] =	stream.linear.scatter [tilespmem:s6], [sflag:$0x5], $0x4000, $0x38;
	[tilespmem:$0x1D000] =	vst v63  }
0x20: {  	_ =	swait.ge [sflag:s7], $0x4000  }
0x21: {  	[sflag:s7] =	ssyncset.done $0x0  }
0x22: {  	s23 =	sadd.s32 $0xC000, s5;
	[sflag:s7] =	ssyncadd.s32 $0xFFFFC000  }
0x23: {  	[spmem:s23] =	stream.linear.scatter [tilespmem:s6], [sflag:$0x5], $0x4000, $0x38;
	[tilespmem:$0x1D000] =	vst v63  }
0x24: {  	_ =	swait.ge [sflag:s7], $0x4000  }
0x25: {  	[sflag:s7] =	ssyncset.done $0x0  }
0x26: {  	s24 =	sadd.s32 $0x10000, s5;
	[sflag:s7] =	ssyncadd.s32 $0xFFFFC000  }
0x27: {  	[spmem:s24] =	stream.linear.scatter [tilespmem:s6], [sflag:$0x5], $0x4000, $0x38;
	[tilespmem:$0x1D000] =	vst v63  }
0x28: {  	_ =	swait.ge [sflag:s7], $0x4000  }
0x29: {  	s11 =	smul.u32 $0xA00, s1;
	[sflag:s7] =	ssyncset.done $0x0  }
0x2a: {  	[sflag:s7] =	ssyncadd.s32 $0xFFFFC000  }
0x2b: {  	s8 =	sadd.s32 s8, s11;
	s9 =	simm.s32 $0x0;
	[bflag:$0x0] =	sbarrier.arrive $0xFFFF  }
0x2c: {  	[tilespmem:s9], [sflag:$0x3] =	stream.linear.gather [hbm4b:s8+s9], $0x400, $0x38;
	[tilespmem:$0x1D000] =	vst v63  }
0x2d: {  	s12 =	simm.s32 $0x3;
	s10 =	sadd.s32 s10, s11;
	s11 =	simm.s32 $0x800  }
0x2e: {  	[tilespmem:s11], [sflag:$0x3] =	stream.linear.gather [hbm4b:s10+s9], $0x400, $0x38;
	[tilespmem:$0x1D000] =	vst v63  }
0x2f: {  	_ =	swait.ge [sflag:s12], $0x400  }
0x30: {  	[sflag:s12] =	ssyncset.done $0x0  }
0x31: {  	s25 =	simm.s32 $0x100;
	[sflag:s12] =	ssyncadd.s32 $0xFFFFFC00  }
0x32: {  	s26 =	simm.s32 $0x140;
	_ =	swait.ge [sflag:s12], $0x400;
	[dreg:$0x3] =	wrdreg s25  }
0x33: {  	s29 =	simm.s32 $0x880;
	[dreg:$0x4] =	wrdreg s26  }
0x34: {  	s30 =	simm.s32 $0x180;
	[dreg:$0x5] =	wrdreg s29  }
0x35: {  	s31 =	simm.s32 $0x1C0;
	[dreg:$0x6] =	wrdreg s30  }
0x36: {  	s18 =	simm.s32 $0x900;
	[dreg:$0x7] =	wrdreg s31  }
0x37: {  	s19 =	simm.s32 $0x200;
	[dreg:$0x8] =	wrdreg s18  }
0x38: {  	s20 =	simm.s32 $0x240;
	[dreg:$0x9] =	wrdreg s19  }
0x39: {  	s21 =	simm.s32 $0x980;
	[dreg:$0xa] =	wrdreg s20  }
0x3a: {  	s22 =	simm.s32 $0x280;
	[dreg:$0xb] =	wrdreg s21  }
0x3b: {  	s23 =	simm.s32 $0x2C0;
	[dreg:$0xc] =	wrdreg s22  }
0x3c: {  	s24 =	simm.s32 $0xA00;
	[dreg:$0xd] =	wrdreg s23  }
0x3d: {  	[dreg:$0xe] =	wrdreg s24;
	s25 =	simm.s32 $0x300  }
0x3e: {  	s26 =	simm.s32 $0x340;
	[dreg:$0xf] =	wrdreg s25  }
0x3f: {  	s29 =	simm.s32 $0xA80;
	[dreg:$0x10] =	wrdreg s26  }
0x40: {  	s30 =	simm.s32 $0x380;
	[dreg:$0x11] =	wrdreg s29  }
0x41: {  	s31 =	simm.s32 $0x3C0;
	[dreg:$0x12] =	wrdreg s30  }
0x42: {  	s18 =	simm.s32 $0xB00;
	[dreg:$0x13] =	wrdreg s31  }
0x43: {  	s19 =	simm.s32 $0x440;
	[dreg:$0x14] =	wrdreg s18  }
0x44: {  	s20 =	simm.s32 $0xB80;
	[dreg:$0x15] =	wrdreg s19  }
0x45: {  	s21 =	simm.s32 $0x480;
	[dreg:$0x16] =	wrdreg s20  }
0x46: {  	s22 =	simm.s32 $0x4C0;
	[dreg:$0x17] =	wrdreg s21  }
0x47: {  	s23 =	simm.s32 $0x500;
	[dreg:$0x18] =	wrdreg s22  }
0x48: {  	s24 =	simm.s32 $0x540;
	[dreg:$0x19] =	wrdreg s23  }
0x49: {  	[dreg:$0x1a] =	wrdreg s24;
	s25 =	simm.s32 $0xC80  }
0x4a: {  	s26 =	simm.s32 $0x580;
	[dreg:$0x1b] =	wrdreg s25  }
0x4b: {  	s29 =	simm.s32 $0x5C0;
	[dreg:$0x1c] =	wrdreg s26  }
0x4c: {  	s30 =	simm.s32 $0xD00;
	[dreg:$0x1d] =	wrdreg s29  }
0x4d: {  	s31 =	simm.s32 $0x600;
	[dreg:$0x1e] =	wrdreg s30  }
0x4e: {  	s18 =	simm.s32 $0x640;
	[dreg:$0x1f] =	wrdreg s31  }
0x4f: {  	s13 =	simm.s32 $0x3000;
	s19 =	simm.s32 $0xD80;
	[smem:$0x7F3] =	sst s18  }
0x50: {  	s14 =	simm.s32 $0x80;
	s20 =	simm.s32 $0x680;
	[smem:$0x7F4] =	sst s19  }
0x51: {  	s15 =	simm.s32 $0x5000;
	s21 =	simm.s32 $0x6C0;
	[smem:$0x7F5] =	sst s20  }
0x52: {  	s17 =	simm.s32 $0xC0;
	s22 =	simm.s32 $0xE00;
	[smem:$0x7F6] =	sst s21  }
0x53: {  	[sflag:s12] =	ssyncset.done $0x0;
	s23 =	simm.s32 $0x700;
	[smem:$0x7F7] =	sst s22  }
0x54: {  	s24 =	simm.s32 $0x740;
	[sflag:s12] =	ssyncadd.s32 $0xFFFFFC00;
	[smem:$0x7F8] =	sst s23  }
0x55: {  	s12 =	simm.s32 $0x40;
	[smem:$0x7F9] =	sst s24;
	s25 =	simm.s32 $0xE80  }
0x56: {  	[tilespmem:s6], [sflag:$0x1] =	stream.indirect.gather [hbm4b:s3+s12], $0x80, s9, s12, $0xb8;
	[tilespmem:$0x1D000] =	vst v63  }
0x57: {  	s16 =	simm.s32 $0x7000;
	s18 =	simm.s32 $0x780;
	[smem:$0x7FA] =	sst s25  }
0x58: {  	[tilespmem:s13], [sflag:$0x1] =	stream.indirect.gather [hbm4b:s3+s12], $0x80, s12, s12, $0xb8;
	[tilespmem:$0x1D000] =	vst v63  }
0x59: {  	s19 =	simm.s32 $0x7C0;
	s26 =	sadd.s32 $0x0, s8;
	[smem:$0x7FB] =	sst s18  }
0x5a: {  	[tilespmem:s15], [sflag:$0x2] =	stream.indirect.gather [hbm4b:s3+s12], $0x80, s14, s12, $0xb8;
	[tilespmem:$0x1D000] =	vst v63  }
0x5b: {  	s20 =	simm.s32 $0xF00;
	s21 =	sadd.s32 $0x0, s10;
	[smem:$0x7FC] =	sst s19  }
0x5c: {  	[tilespmem:s16], [sflag:$0x2] =	stream.indirect.gather [hbm4b:s3+s12], $0x80, s17, s12, $0xb8;
	[tilespmem:$0x1D000] =	vst v63  }
0x5d: {  	s18 =	simm.s32 $0x400;
	s19 =	sadd.s32 $0x80, s26;
	[smem:$0x7FD] =	sst s20  }
0x5e: {  	[tilespmem:s18], [sflag:$0x4] =	stream.linear.gather [hbm4b:s19+s9], $0x400, $0x38;
	[tilespmem:$0x1D000] =	vst v63  }
0x5f: {  	s29 =	sadd.s32 $0x80, s21;
	s17 =	simm.s32 $0x1;
	s19 =	simm.s32 $0xC00  }
0x60: {  	[tilespmem:s19], [sflag:$0x4] =	stream.linear.gather [hbm4b:s29+s9], $0x400, $0x38;
	[tilespmem:$0x1D000] =	vst v63  }
0x61: {  	_ =	swait.ge [sflag:s17], $0x4000  }
0x62: {  	[sflag:s17] =	ssyncset.done $0x0  }
0x63: {  	[sflag:s17] =	ssyncadd.s32 $0xFFFFC000  }
0x64: {  	[spmem:s2] =	stream.indirect.scatter.add.f32 [tilespmem:s6], [sflag:$0x5], $0x80, s11, s14, $0xb8;
	[tilespmem:$0x1D000] =	vst v63  }
0x65: {  	_ =	swait.ge [sflag:s7], $0x4000  }
0x66: {  	[sflag:s7] =	ssyncset.done $0x0  }
0x67: {  	s30 =	rddreg [dreg:$0x3];
	[sflag:s7] =	ssyncadd.s32 $0xFFFFC000  }
0x68: {  	[tilespmem:s6], [sflag:$0x1] =	stream.indirect.gather [hbm4b:s3+s12], $0x80, s30, s12, $0xb8;
	[tilespmem:$0x1D000] =	vst v63  }
0x69: {  	s20 =	simm.s32 $0x2;
	s31 =	rddreg [dreg:$0x4]  }
0x6a: {  	[tilespmem:s13], [sflag:$0x1] =	stream.indirect.gather [hbm4b:s3+s12], $0x80, s31, s12, $0xb8;
	[tilespmem:$0x1D000] =	vst v63  }
0x6b: {  	_ =	swait.ge [sflag:s20], $0x4000  }
0x6c: {  	[sflag:s20] =	ssyncset.done $0x0  }
0x6d: {  	s22 =	rddreg [dreg:$0x5];
	[sflag:s20] =	ssyncadd.s32 $0xFFFFC000  }
0x6e: {  	[spmem:s2] =	stream.indirect.scatter.add.f32 [tilespmem:s15], [sflag:$0x5], $0x80, s22, s14, $0xb8;
	[tilespmem:$0x1D000] =	vst v63  }
0x6f: {  	_ =	swait.ge [sflag:s7], $0x4000  }
0x70: {  	[sflag:s7] =	ssyncset.done $0x0  }
0x71: {  	s23 =	rddreg [dreg:$0x6];
	[sflag:s7] =	ssyncadd.s32 $0xFFFFC000  }
0x72: {  	[tilespmem:s15], [sflag:$0x2] =	stream.indirect.gather [hbm4b:s3+s12], $0x80, s23, s12, $0xb8;
	[tilespmem:$0x1D000] =	vst v63  }
0x73: {  	s22 =	rddreg [dreg:$0x7]  }
0x74: {  	[tilespmem:s16], [sflag:$0x2] =	stream.indirect.gather [hbm4b:s3+s12], $0x80, s22, s12, $0xb8;
	[tilespmem:$0x1D000] =	vst v63  }
0x75: {  	_ =	swait.ge [sflag:s17], $0x4000  }
0x76: {  	[sflag:s17] =	ssyncset.done $0x0  }
0x77: {  	s24 =	rddreg [dreg:$0x8];
	[sflag:s17] =	ssyncadd.s32 $0xFFFFC000  }
0x78: {  	[spmem:s2] =	stream.indirect.scatter.add.f32 [tilespmem:s6], [sflag:$0x5], $0x80, s24, s14, $0xb8;
	[tilespmem:$0x1D000] =	vst v63  }
0x79: {  	_ =	swait.ge [sflag:s7], $0x4000  }
0x7a: {  	[sflag:s7] =	ssyncset.done $0x0  }
0x7b: {  	s25 =	rddreg [dreg:$0x9];
	[sflag:s7] =	ssyncadd.s32 $0xFFFFC000  }
0x7c: {  	[tilespmem:s6], [sflag:$0x1] =	stream.indirect.gather [hbm4b:s3+s12], $0x80, s25, s12, $0xb8;
	[tilespmem:$0x1D000] =	vst v63  }
0x7d: {  	s26 =	rddreg [dreg:$0xa]  }
0x7e: {  	[tilespmem:s13], [sflag:$0x1] =	stream.indirect.gather [hbm4b:s3+s12], $0x80, s26, s12, $0xb8;
	[tilespmem:$0x1D000] =	vst v63  }
0x7f: {  	_ =	swait.ge [sflag:s20], $0x4000  }
0x80: {  	[sflag:s20] =	ssyncset.done $0x0  }
0x81: {  	s29 =	rddreg [dreg:$0xb];
	[sflag:s20] =	ssyncadd.s32 $0xFFFFC000  }
0x82: {  	[spmem:s2] =	stream.indirect.scatter.add.f32 [tilespmem:s15], [sflag:$0x5], $0x80, s29, s14, $0xb8;
	[tilespmem:$0x1D000] =	vst v63  }
0x83: {  	_ =	swait.ge [sflag:s7], $0x4000  }
0x84: {  	[sflag:s7] =	ssyncset.done $0x0  }
0x85: {  	s30 =	rddreg [dreg:$0xc];
	[sflag:s7] =	ssyncadd.s32 $0xFFFFC000  }
0x86: {  	[tilespmem:s15], [sflag:$0x2] =	stream.indirect.gather [hbm4b:s3+s12], $0x80, s30, s12, $0xb8;
	[tilespmem:$0x1D000] =	vst v63  }
0x87: {  	s31 =	rddreg [dreg:$0xd]  }
0x88: {  	[tilespmem:s16], [sflag:$0x2] =	stream.indirect.gather [hbm4b:s3+s12], $0x80, s31, s12, $0xb8;
	[tilespmem:$0x1D000] =	vst v63  }
0x89: {  	_ =	swait.ge [sflag:s17], $0x4000  }
0x8a: {  	[sflag:s17] =	ssyncset.done $0x0  }
0x8b: {  	s22 =	rddreg [dreg:$0xe];
	[sflag:s17] =	ssyncadd.s32 $0xFFFFC000  }
0x8c: {  	[spmem:s2] =	stream.indirect.scatter.add.f32 [tilespmem:s6], [sflag:$0x5], $0x80, s22, s14, $0xb8;
	[tilespmem:$0x1D000] =	vst v63  }
0x8d: {  	_ =	swait.ge [sflag:s7], $0x4000  }
0x8e: {  	[sflag:s7] =	ssyncset.done $0x0  }
0x8f: {  	s23 =	rddreg [dreg:$0xf];
	[sflag:s7] =	ssyncadd.s32 $0xFFFFC000  }
0x90: {  	[tilespmem:s6], [sflag:$0x1] =	stream.indirect.gather [hbm4b:s3+s12], $0x80, s23, s12, $0xb8;
	[tilespmem:$0x1D000] =	vst v63  }
0x91: {  	s24 =	rddreg [dreg:$0x10]  }
0x92: {  	[tilespmem:s13], [sflag:$0x1] =	stream.indirect.gather [hbm4b:s3+s12], $0x80, s24, s12, $0xb8;
	[tilespmem:$0x1D000] =	vst v63  }
0x93: {  	_ =	swait.ge [sflag:s20], $0x4000  }
0x94: {  	[sflag:s20] =	ssyncset.done $0x0  }
0x95: {  	s25 =	rddreg [dreg:$0x11];
	[sflag:s20] =	ssyncadd.s32 $0xFFFFC000  }
0x96: {  	[spmem:s2] =	stream.indirect.scatter.add.f32 [tilespmem:s15], [sflag:$0x5], $0x80, s25, s14, $0xb8;
	[tilespmem:$0x1D000] =	vst v63  }
0x97: {  	_ =	swait.ge [sflag:s7], $0x4000  }
0x98: {  	[sflag:s7] =	ssyncset.done $0x0  }
0x99: {  	s26 =	rddreg [dreg:$0x12];
	[sflag:s7] =	ssyncadd.s32 $0xFFFFC000  }
0x9a: {  	[tilespmem:s15], [sflag:$0x2] =	stream.indirect.gather [hbm4b:s3+s12], $0x80, s26, s12, $0xb8;
	[tilespmem:$0x1D000] =	vst v63  }
0x9b: {  	s29 =	rddreg [dreg:$0x13]  }
0x9c: {  	[tilespmem:s16], [sflag:$0x2] =	stream.indirect.gather [hbm4b:s3+s12], $0x80, s29, s12, $0xb8;
	[tilespmem:$0x1D000] =	vst v63  }
0x9d: {  	_ =	swait.ge [sflag:s17], $0x4000  }
0x9e: {  	[sflag:s17] =	ssyncset.done $0x0  }
0x9f: {  	s30 =	rddreg [dreg:$0x14];
	[sflag:s17] =	ssyncadd.s32 $0xFFFFC000  }
0xa0: {  	[spmem:s2] =	stream.indirect.scatter.add.f32 [tilespmem:s6], [sflag:$0x5], $0x80, s30, s14, $0xb8;
	[tilespmem:$0x1D000] =	vst v63  }
0xa1: {  	_ =	swait.ge [sflag:s7], $0x4000  }
0xa2: {  	[sflag:s7] =	ssyncset.done $0x0  }
0xa3: {  	s21 =	simm.s32 $0x4;
	[sflag:s7] =	ssyncadd.s32 $0xFFFFC000  }
0xa4: {  	_ =	swait.ge [sflag:s21], $0x400  }
0xa5: {  	[sflag:s21] =	ssyncset.done $0x0  }
0xa6: {  	[sflag:s21] =	ssyncadd.s32 $0xFFFFFC00  }
0xa7: {  	_ =	swait.ge [sflag:s21], $0x400  }
0xa8: {  	[sflag:s21] =	ssyncset.done $0x0  }
0xa9: {  	[sflag:s21] =	ssyncadd.s32 $0xFFFFFC00  }
0xaa: {  	[tilespmem:s6], [sflag:$0x1] =	stream.indirect.gather [hbm4b:s3+s12], $0x80, s18, s12, $0xb8;
	[tilespmem:$0x1D000] =	vst v63  }
0xab: {  	s31 =	rddreg [dreg:$0x15]  }
0xac: {  	[tilespmem:s13], [sflag:$0x1] =	stream.indirect.gather [hbm4b:s3+s12], $0x80, s31, s12, $0xb8;
	[tilespmem:$0x1D000] =	vst v63  }
0xad: {  	_ =	swait.ge [sflag:s20], $0x4000  }
0xae: {  	[sflag:s20] =	ssyncset.done $0x0  }
0xaf: {  	s23 =	rddreg [dreg:$0x16];
	[sflag:s20] =	ssyncadd.s32 $0xFFFFC000  }
0xb0: {  	[spmem:s2] =	stream.indirect.scatter.add.f32 [tilespmem:s15], [sflag:$0x5], $0x80, s23, s14, $0xb8;
	[tilespmem:$0x1D000] =	vst v63  }
0xb1: {  	_ =	swait.ge [sflag:s7], $0x4000  }
0xb2: {  	[sflag:s7] =	ssyncset.done $0x0  }
0xb3: {  	p0 =	por $0x0, $0x0;
	s24 =	rddreg [dreg:$0x17];
	[sflag:s7] =	ssyncadd.s32 $0xFFFFC000  }
0xb4: {  	[tilespmem:s15], [sflag:$0x2] =	stream.indirect.gather [hbm4b:s3+s12], $0x80, s24, s12, $0xb8;
	[tilespmem:$0x1D000] =	vst v63  }
0xb5: {  	s22 =	sadd.s32 @!p0 $0x0, s8;
	s23 =	rddreg [dreg:$0x18]  }
0xb6: {  	[tilespmem:s16], [sflag:$0x2] =	stream.indirect.gather [hbm4b:s3+s12], $0x80, s23, s12, $0xb8;
	[tilespmem:$0x1D000] =	vst v63  }
0xb7: {  	s22 =	sadd.s32 @!p0 $0x100, s22;
	s24 =	sadd.s32 @!p0 $0x0, s10;
	s23 =	simm.s32 @!p0 $0x0  }
0xb8: {  	[tilespmem:s23], [sflag:$0x3] =	stream.linear.gather @!p0 [hbm4b:s22+s23], $0x400, $0x38;
	[tilespmem:$0x1D000] =	vst v63  }
0xb9: {  	s22 =	sadd.s32 @!p0 $0x100, s24;
	s24 =	simm.s32 @!p0 $0x800  }
0xba: {  	[tilespmem:s24], [sflag:$0x3] =	stream.linear.gather @!p0 [hbm4b:s22+s23], $0x400, $0x38;
	[tilespmem:$0x1D000] =	vst v63  }
0xbb: {  	_ =	swait.ge [sflag:s17], $0x4000  }
0xbc: {  	[sflag:s17] =	ssyncset.done $0x0  }
0xbd: {  	[sflag:s17] =	ssyncadd.s32 $0xFFFFC000  }
0xbe: {  	[spmem:s2] =	stream.indirect.scatter.add.f32 [tilespmem:s6], [sflag:$0x5], $0x80, s19, s14, $0xb8;
	[tilespmem:$0x1D000] =	vst v63  }
0xbf: {  	_ =	swait.ge [sflag:s7], $0x4000  }
0xc0: {  	[sflag:s7] =	ssyncset.done $0x0  }
0xc1: {  	s25 =	rddreg [dreg:$0x19];
	[sflag:s7] =	ssyncadd.s32 $0xFFFFC000  }
0xc2: {  	[tilespmem:s6], [sflag:$0x1] =	stream.indirect.gather [hbm4b:s3+s12], $0x80, s25, s12, $0xb8;
	[tilespmem:$0x1D000] =	vst v63  }
0xc3: {  	s26 =	rddreg [dreg:$0x1a]  }
0xc4: {  	[tilespmem:s13], [sflag:$0x1] =	stream.indirect.gather [hbm4b:s3+s12], $0x80, s26, s12, $0xb8;
	[tilespmem:$0x1D000] =	vst v63  }
0xc5: {  	_ =	swait.ge [sflag:s20], $0x4000  }
0xc6: {  	[sflag:s20] =	ssyncset.done $0x0  }
0xc7: {  	s29 =	rddreg [dreg:$0x1b];
	[sflag:s20] =	ssyncadd.s32 $0xFFFFC000  }
0xc8: {  	[spmem:s2] =	stream.indirect.scatter.add.f32 [tilespmem:s15], [sflag:$0x5], $0x80, s29, s14, $0xb8;
	[tilespmem:$0x1D000] =	vst v63  }
0xc9: {  	_ =	swait.ge [sflag:s7], $0x4000  }
0xca: {  	[sflag:s7] =	ssyncset.done $0x0  }
0xcb: {  	s30 =	rddreg [dreg:$0x1c];
	[sflag:s7] =	ssyncadd.s32 $0xFFFFC000  }
0xcc: {  	[tilespmem:s15], [sflag:$0x2] =	stream.indirect.gather [hbm4b:s3+s12], $0x80, s30, s12, $0xb8;
	[tilespmem:$0x1D000] =	vst v63  }
0xcd: {  	s31 =	rddreg [dreg:$0x1d]  }
0xce: {  	[tilespmem:s16], [sflag:$0x2] =	stream.indirect.gather [hbm4b:s3+s12], $0x80, s31, s12, $0xb8;
	[tilespmem:$0x1D000] =	vst v63  }
0xcf: {  	_ =	swait.ge [sflag:s17], $0x4000  }
0xd0: {  	[sflag:s17] =	ssyncset.done $0x0  }
0xd1: {  	s24 =	rddreg [dreg:$0x1e];
	[sflag:s17] =	ssyncadd.s32 $0xFFFFC000  }
0xd2: {  	[spmem:s2] =	stream.indirect.scatter.add.f32 [tilespmem:s6], [sflag:$0x5], $0x80, s24, s14, $0xb8;
	[tilespmem:$0x1D000] =	vst v63  }
0xd3: {  	_ =	swait.ge [sflag:s7], $0x4000  }
0xd4: {  	s25 =	rddreg [dreg:$0x1f];
	[sflag:s7] =	ssyncset.done $0x0  }
0xd5: {  	s26 =	sld [smem:$0x7F3];
	[sflag:s7] =	ssyncadd.s32 $0xFFFFC000  }
0xd6: {  	[tilespmem:s6], [sflag:$0x1] =	stream.indirect.gather [hbm4b:s3+s12], $0x80, s25, s12, $0xb8;
	[tilespmem:$0x1D000] =	vst v63  }
0xd7: {  	_ = 	snop  }
0xd8: {  	[tilespmem:s13], [sflag:$0x1] =	stream.indirect.gather [hbm4b:s3+s12], $0x80, s26, s12, $0xb8;
	[tilespmem:$0x1D000] =	vst v63  }
0xd9: {  	_ =	swait.ge [sflag:s20], $0x4000  }
0xda: {  	s29 =	sld [smem:$0x7F4]  }
0xdb: {  	[sflag:s20] =	ssyncset.done $0x0  }
0xdc: {  	[sflag:s20] =	ssyncadd.s32 $0xFFFFC000  }
0xdd: {  	[spmem:s2] =	stream.indirect.scatter.add.f32 [tilespmem:s15], [sflag:$0x5], $0x80, s29, s14, $0xb8;
	[tilespmem:$0x1D000] =	vst v63  }
0xde: {  	_ =	swait.ge [sflag:s7], $0x4000  }
0xdf: {  	s30 =	sld [smem:$0x7F5]  }
0xe0: {  	[sflag:s7] =	ssyncset.done $0x0  }
0xe1: {  	s31 =	sld [smem:$0x7F6];
	[sflag:s7] =	ssyncadd.s32 $0xFFFFC000  }
0xe2: {  	[tilespmem:s15], [sflag:$0x2] =	stream.indirect.gather [hbm4b:s3+s12], $0x80, s30, s12, $0xb8;
	[tilespmem:$0x1D000] =	vst v63  }
0xe3: {  	_ = 	snop  }
0xe4: {  	[tilespmem:s16], [sflag:$0x2] =	stream.indirect.gather [hbm4b:s3+s12], $0x80, s31, s12, $0xb8;
	[tilespmem:$0x1D000] =	vst v63  }
0xe5: {  	_ =	swait.ge [sflag:s17], $0x4000  }
0xe6: {  	s23 =	sld [smem:$0x7F7]  }
0xe7: {  	[sflag:s17] =	ssyncset.done $0x0  }
0xe8: {  	[sflag:s17] =	ssyncadd.s32 $0xFFFFC000  }
0xe9: {  	[spmem:s2] =	stream.indirect.scatter.add.f32 [tilespmem:s6], [sflag:$0x5], $0x80, s23, s14, $0xb8;
	[tilespmem:$0x1D000] =	vst v63  }
0xea: {  	_ =	swait.ge [sflag:s7], $0x4000  }
0xeb: {  	s24 =	sld [smem:$0x7F8]  }
0xec: {  	[sflag:s7] =	ssyncset.done $0x0  }
0xed: {  	s25 =	sld [smem:$0x7F9];
	[sflag:s7] =	ssyncadd.s32 $0xFFFFC000  }
0xee: {  	[tilespmem:s6], [sflag:$0x1] =	stream.indirect.gather [hbm4b:s3+s12], $0x80, s24, s12, $0xb8;
	[tilespmem:$0x1D000] =	vst v63  }
0xef: {  	_ = 	snop  }
0xf0: {  	[tilespmem:s13], [sflag:$0x1] =	stream.indirect.gather [hbm4b:s3+s12], $0x80, s25, s12, $0xb8;
	[tilespmem:$0x1D000] =	vst v63  }
0xf1: {  	_ =	swait.ge [sflag:s20], $0x4000  }
0xf2: {  	s26 =	sld [smem:$0x7FA]  }
0xf3: {  	[sflag:s20] =	ssyncset.done $0x0  }
0xf4: {  	[sflag:s20] =	ssyncadd.s32 $0xFFFFC000  }
0xf5: {  	[spmem:s2] =	stream.indirect.scatter.add.f32 [tilespmem:s15], [sflag:$0x5], $0x80, s26, s14, $0xb8;
	[tilespmem:$0x1D000] =	vst v63  }
0xf6: {  	_ =	swait.ge [sflag:s7], $0x4000  }
0xf7: {  	s29 =	sld [smem:$0x7FB]  }
0xf8: {  	[sflag:s7] =	ssyncset.done $0x0  }
0xf9: {  	s30 =	sld [smem:$0x7FC];
	[sflag:s7] =	ssyncadd.s32 $0xFFFFC000  }
0xfa: {  	[tilespmem:s15], [sflag:$0x2] =	stream.indirect.gather [hbm4b:s3+s12], $0x80, s29, s12, $0xb8;
	[tilespmem:$0x1D000] =	vst v63  }
0xfb: {  	_ = 	snop  }
0xfc: {  	[tilespmem:s16], [sflag:$0x2] =	stream.indirect.gather [hbm4b:s3+s12], $0x80, s30, s12, $0xb8;
	[tilespmem:$0x1D000] =	vst v63  }
0xfd: {  	_ =	swait.ge [sflag:s17], $0x4000  }
0xfe: {  	s31 =	sld [smem:$0x7FD]  }
0xff: {  	[sflag:s17] =	ssyncset.done $0x0  }
0x100: {  	[sflag:s17] =	ssyncadd.s32 $0xFFFFC000  }
0x101: {  	[spmem:s2] =	stream.indirect.scatter.add.f32 [tilespmem:s6], [sflag:$0x5], $0x80, s31, s14, $0xb8;
	[tilespmem:$0x1D000] =	vst v63  }
0x102: {  	_ =	swait.ge [sflag:s7], $0x4000  }
0x103: {  	[sflag:s7] =	ssyncset.done $0x0  }
0x104: {  	s22 =	simm.s32 @!p0 $0x3;
	[sflag:s7] =	ssyncadd.s32 $0xFFFFC000  }
0x105: {  	_ =	swait.ge @!p0 [sflag:s22], $0x400  }
0x106: {  	[sflag:s22] =	ssyncset.done @!p0 $0x0  }
0x107: {  	[sflag:s22] =	ssyncadd.s32 @!p0 $0xFFFFFC00  }
0x108: {  	_ =	swait.ge @!p0 [sflag:s22], $0x400  }
0x109: {  	p2 =	por $0x0, $0x0;
	[sflag:s22] =	ssyncset.done @!p0 $0x0  }
0x10a: {  	s23 =	simm.s32 @p2 $0x2;
	[sflag:s22] =	ssyncadd.s32 @!p0 $0xFFFFFC00  }
0x10b: {  	_ =	swait.ge @p2 [sflag:s23], $0x4000  }
0x10c: {  	s24 =	simm.s32 @p2 $0x80;
	s25 =	simm.s32 @p2 $0xF80;
	[sflag:s23] =	ssyncset.done @p2 $0x0  }
0x10d: {  	s22 =	simm.s32 @p2 $0x5000;
	[sflag:s23] =	ssyncadd.s32 @p2 $0xFFFFC000;
	s23 =	simm.s32 @p2 $0x5  }
0x10e: {  	[spmem:s2] =	stream.indirect.scatter.add.f32 @p2 [tilespmem:s22], [sflag:$0x5], $0x80, s25, s24, $0xb8;
	[tilespmem:$0x1D000] =	vst v63  }
0x10f: {  	_ =	swait.ge @p2 [sflag:s23], $0x4000  }
0x110: {  	s22 =	simm.s32 @!p2 $0x1000;
	[sflag:s23] =	ssyncset.done @p2 $0x0  }
0x111: {  	s25 =	simm.s32 @!p2 $0x40;
	s24 =	simm.s32 @!p2 $0x0;
	[sflag:s23] =	ssyncadd.s32 @p2 $0xFFFFC000  }
0x112: {  	[tilespmem:s22], [sflag:$0x1] =	stream.indirect.gather @!p2 [hbm4b:s3+s25], $0x80, s24, s25, $0xb8;
	[tilespmem:$0x1D000] =	vst v63  }
0x113: {  	s23 =	simm.s32 @!p2 $0x2;
	s22 =	simm.s32 @!p2 $0x3000  }
0x114: {  	[tilespmem:s22], [sflag:$0x1] =	stream.indirect.gather @!p2 [hbm4b:s3+s25], $0x80, s25, s25, $0xb8;
	[tilespmem:$0x1D000] =	vst v63  }
0x115: {  	_ =	swait.ge @!p2 [sflag:s23], $0x4000  }
0x116: {  	s26 =	simm.s32 @!p2 $0xF80;
	s24 =	simm.s32 @!p2 $0x80;
	[sflag:s23] =	ssyncset.done @!p2 $0x0  }
0x117: {  	s22 =	simm.s32 @!p2 $0x5000;
	[sflag:s23] =	ssyncadd.s32 @!p2 $0xFFFFC000;
	s23 =	simm.s32 @!p2 $0x5  }
0x118: {  	[spmem:s2] =	stream.indirect.scatter.add.f32 @!p2 [tilespmem:s22], [sflag:$0x5], $0x80, s26, s24, $0xb8;
	[tilespmem:$0x1D000] =	vst v63  }
0x119: {  	_ =	swait.ge @!p2 [sflag:s23], $0x4000  }
0x11a: {  	[sflag:s23] =	ssyncset.done @!p2 $0x0  }
0x11b: {  	s28 =	simm.s32 @!p2 $0x7000;
	[sflag:s23] =	ssyncadd.s32 @!p2 $0xFFFFC000  }
0x11c: {  	[tilespmem:s22], [sflag:$0x2] =	stream.indirect.gather @!p2 [hbm4b:s3+s25], $0x80, s24, s25, $0xb8;
	[tilespmem:$0x1D000] =	vst v63  }
0x11d: {  	s26 =	simm.s32 @!p2 $0xC0;
	s23 =	simm.s32 $0x1;
	s22 =	simm.s32 $0x100  }
.LBB2_3:
0x11e: {  	s29 =	sadd.s32 s22, s8;
	s24 =	smov.u32 s22  }
0x11f: {  	[tilespmem:s28], [sflag:$0x2] =	stream.indirect.gather @!p2 [hbm4b:s3+s25], $0x80, s26, s25, $0xb8;
	[tilespmem:$0x1D000] =	vst v63  }
0x120: {  	s30 =	sadd.s32 $0x80, s29;
	s31 =	sadd.s32 s24, s10  }
0x121: {  	[tilespmem:s18], [sflag:$0x4] =	stream.linear.gather [hbm4b:s30+s9], $0x400, $0x38;
	[tilespmem:$0x1D000] =	vst v63  }
0x122: {  	s29 =	sadd.s32 $0x80, s31  }
0x123: {  	[tilespmem:s19], [sflag:$0x4] =	stream.linear.gather [hbm4b:s29+s9], $0x400, $0x38;
	[tilespmem:$0x1D000] =	vst v63  }
0x124: {  	_ =	swait.ge [sflag:s17], $0x4000  }
0x125: {  	[sflag:s17] =	ssyncset.done $0x0  }
0x126: {  	[sflag:s17] =	ssyncadd.s32 $0xFFFFC000  }
0x127: {  	[spmem:s2] =	stream.indirect.scatter.add.f32 [tilespmem:s6], [sflag:$0x5], $0x80, s11, s14, $0xb8;
	[tilespmem:$0x1D000] =	vst v63  }
0x128: {  	_ =	swait.ge [sflag:s7], $0x4000  }
0x129: {  	[sflag:s7] =	ssyncset.done $0x0  }
0x12a: {  	s30 =	rddreg [dreg:$0x3];
	[sflag:s7] =	ssyncadd.s32 $0xFFFFC000  }
0x12b: {  	[tilespmem:s6], [sflag:$0x1] =	stream.indirect.gather [hbm4b:s3+s12], $0x80, s30, s12, $0xb8;
	[tilespmem:$0x1D000] =	vst v63  }
0x12c: {  	s31 =	rddreg [dreg:$0x4]  }
0x12d: {  	[tilespmem:s13], [sflag:$0x1] =	stream.indirect.gather [hbm4b:s3+s12], $0x80, s31, s12, $0xb8;
	[tilespmem:$0x1D000] =	vst v63  }
0x12e: {  	_ =	swait.ge [sflag:s20], $0x4000  }
0x12f: {  	[sflag:s20] =	ssyncset.done $0x0  }
0x130: {  	s29 =	rddreg [dreg:$0x5];
	[sflag:s20] =	ssyncadd.s32 $0xFFFFC000  }
0x131: {  	[spmem:s2] =	stream.indirect.scatter.add.f32 [tilespmem:s15], [sflag:$0x5], $0x80, s29, s14, $0xb8;
	[tilespmem:$0x1D000] =	vst v63  }
0x132: {  	_ =	swait.ge [sflag:s7], $0x4000  }
0x133: {  	[sflag:s7] =	ssyncset.done $0x0  }
0x134: {  	s30 =	rddreg [dreg:$0x6];
	[sflag:s7] =	ssyncadd.s32 $0xFFFFC000  }
0x135: {  	[tilespmem:s15], [sflag:$0x2] =	stream.indirect.gather [hbm4b:s3+s12], $0x80, s30, s12, $0xb8;
	[tilespmem:$0x1D000] =	vst v63  }
0x136: {  	s31 =	rddreg [dreg:$0x7]  }
0x137: {  	[tilespmem:s16], [sflag:$0x2] =	stream.indirect.gather [hbm4b:s3+s12], $0x80, s31, s12, $0xb8;
	[tilespmem:$0x1D000] =	vst v63  }
0x138: {  	_ =	swait.ge [sflag:s17], $0x4000  }
0x139: {  	[sflag:s17] =	ssyncset.done $0x0  }
0x13a: {  	s29 =	rddreg [dreg:$0x8];
	[sflag:s17] =	ssyncadd.s32 $0xFFFFC000  }
0x13b: {  	[spmem:s2] =	stream.indirect.scatter.add.f32 [tilespmem:s6], [sflag:$0x5], $0x80, s29, s14, $0xb8;
	[tilespmem:$0x1D000] =	vst v63  }
0x13c: {  	_ =	swait.ge [sflag:s7], $0x4000  }
0x13d: {  	[sflag:s7] =	ssyncset.done $0x0  }
0x13e: {  	s30 =	rddreg [dreg:$0x9];
	[sflag:s7] =	ssyncadd.s32 $0xFFFFC000  }
0x13f: {  	[tilespmem:s6], [sflag:$0x1] =	stream.indirect.gather [hbm4b:s3+s12], $0x80, s30, s12, $0xb8;
	[tilespmem:$0x1D000] =	vst v63  }
0x140: {  	s31 =	rddreg [dreg:$0xa]  }
0x141: {  	[tilespmem:s13], [sflag:$0x1] =	stream.indirect.gather [hbm4b:s3+s12], $0x80, s31, s12, $0xb8;
	[tilespmem:$0x1D000] =	vst v63  }
0x142: {  	_ =	swait.ge [sflag:s20], $0x4000  }
0x143: {  	[sflag:s20] =	ssyncset.done $0x0  }
0x144: {  	s29 =	rddreg [dreg:$0xb];
	[sflag:s20] =	ssyncadd.s32 $0xFFFFC000  }
0x145: {  	[spmem:s2] =	stream.indirect.scatter.add.f32 [tilespmem:s15], [sflag:$0x5], $0x80, s29, s14, $0xb8;
	[tilespmem:$0x1D000] =	vst v63  }
0x146: {  	_ =	swait.ge [sflag:s7], $0x4000  }
0x147: {  	[sflag:s7] =	ssyncset.done $0x0  }
0x148: {  	s30 =	rddreg [dreg:$0xc];
	[sflag:s7] =	ssyncadd.s32 $0xFFFFC000  }
0x149: {  	[tilespmem:s15], [sflag:$0x2] =	stream.indirect.gather [hbm4b:s3+s12], $0x80, s30, s12, $0xb8;
	[tilespmem:$0x1D000] =	vst v63  }
0x14a: {  	s31 =	rddreg [dreg:$0xd]  }
0x14b: {  	[tilespmem:s16], [sflag:$0x2] =	stream.indirect.gather [hbm4b:s3+s12], $0x80, s31, s12, $0xb8;
	[tilespmem:$0x1D000] =	vst v63  }
0x14c: {  	_ =	swait.ge [sflag:s17], $0x4000  }
0x14d: {  	[sflag:s17] =	ssyncset.done $0x0  }
0x14e: {  	s29 =	rddreg [dreg:$0xe];
	[sflag:s17] =	ssyncadd.s32 $0xFFFFC000  }
0x14f: {  	[spmem:s2] =	stream.indirect.scatter.add.f32 [tilespmem:s6], [sflag:$0x5], $0x80, s29, s14, $0xb8;
	[tilespmem:$0x1D000] =	vst v63  }
0x150: {  	_ =	swait.ge [sflag:s7], $0x4000  }
0x151: {  	[sflag:s7] =	ssyncset.done $0x0  }
0x152: {  	s30 =	rddreg [dreg:$0xf];
	[sflag:s7] =	ssyncadd.s32 $0xFFFFC000  }
0x153: {  	[tilespmem:s6], [sflag:$0x1] =	stream.indirect.gather [hbm4b:s3+s12], $0x80, s30, s12, $0xb8;
	[tilespmem:$0x1D000] =	vst v63  }
0x154: {  	s31 =	rddreg [dreg:$0x10]  }
0x155: {  	[tilespmem:s13], [sflag:$0x1] =	stream.indirect.gather [hbm4b:s3+s12], $0x80, s31, s12, $0xb8;
	[tilespmem:$0x1D000] =	vst v63  }
0x156: {  	_ =	swait.ge [sflag:s20], $0x4000  }
0x157: {  	[sflag:s20] =	ssyncset.done $0x0  }
0x158: {  	s26 =	rddreg [dreg:$0x11];
	[sflag:s20] =	ssyncadd.s32 $0xFFFFC000  }
0x159: {  	[spmem:s2] =	stream.indirect.scatter.add.f32 [tilespmem:s15], [sflag:$0x5], $0x80, s26, s14, $0xb8;
	[tilespmem:$0x1D000] =	vst v63  }
0x15a: {  	_ =	swait.ge [sflag:s7], $0x4000  }
0x15b: {  	[sflag:s7] =	ssyncset.done $0x0  }
0x15c: {  	s29 =	rddreg [dreg:$0x12];
	[sflag:s7] =	ssyncadd.s32 $0xFFFFC000  }
0x15d: {  	[tilespmem:s15], [sflag:$0x2] =	stream.indirect.gather [hbm4b:s3+s12], $0x80, s29, s12, $0xb8;
	[tilespmem:$0x1D000] =	vst v63  }
0x15e: {  	s30 =	rddreg [dreg:$0x13]  }
0x15f: {  	[tilespmem:s16], [sflag:$0x2] =	stream.indirect.gather [hbm4b:s3+s12], $0x80, s30, s12, $0xb8;
	[tilespmem:$0x1D000] =	vst v63  }
0x160: {  	_ =	swait.ge [sflag:s17], $0x4000  }
0x161: {  	[sflag:s17] =	ssyncset.done $0x0  }
0x162: {  	s31 =	rddreg [dreg:$0x14];
	[sflag:s17] =	ssyncadd.s32 $0xFFFFC000  }
0x163: {  	[spmem:s2] =	stream.indirect.scatter.add.f32 [tilespmem:s6], [sflag:$0x5], $0x80, s31, s14, $0xb8;
	[tilespmem:$0x1D000] =	vst v63  }
0x164: {  	_ =	swait.ge [sflag:s7], $0x4000  }
0x165: {  	[sflag:s7] =	ssyncset.done $0x0  }
0x166: {  	[sflag:s7] =	ssyncadd.s32 $0xFFFFC000  }
0x167: {  	_ =	swait.ge [sflag:s21], $0x400  }
0x168: {  	[sflag:s21] =	ssyncset.done $0x0  }
0x169: {  	[sflag:s21] =	ssyncadd.s32 $0xFFFFFC00  }
0x16a: {  	_ =	swait.ge [sflag:s21], $0x400  }
0x16b: {  	[sflag:s21] =	ssyncset.done $0x0  }
0x16c: {  	[sflag:s21] =	ssyncadd.s32 $0xFFFFFC00  }
0x16d: {  	[tilespmem:s6], [sflag:$0x1] =	stream.indirect.gather [hbm4b:s3+s12], $0x80, s18, s12, $0xb8;
	[tilespmem:$0x1D000] =	vst v63  }
0x16e: {  	s26 =	rddreg [dreg:$0x15]  }
0x16f: {  	[tilespmem:s13], [sflag:$0x1] =	stream.indirect.gather [hbm4b:s3+s12], $0x80, s26, s12, $0xb8;
	[tilespmem:$0x1D000] =	vst v63  }
0x170: {  	_ =	swait.ge [sflag:s20], $0x4000  }
0x171: {  	[sflag:s20] =	ssyncset.done $0x0  }
0x172: {  	s29 =	rddreg [dreg:$0x16];
	[sflag:s20] =	ssyncadd.s32 $0xFFFFC000  }
0x173: {  	[spmem:s2] =	stream.indirect.scatter.add.f32 [tilespmem:s15], [sflag:$0x5], $0x80, s29, s14, $0xb8;
	[tilespmem:$0x1D000] =	vst v63  }
0x174: {  	_ =	swait.ge [sflag:s7], $0x4000  }
0x175: {  	[sflag:s7] =	ssyncset.done $0x0  }
0x176: {  	p1 =	seq.s32 s24, $0x900;
	s30 =	rddreg [dreg:$0x17];
	[sflag:s7] =	ssyncadd.s32 $0xFFFFC000  }
0x177: {  	[tilespmem:s15], [sflag:$0x2] =	stream.indirect.gather [hbm4b:s3+s12], $0x80, s30, s12, $0xb8;
	[tilespmem:$0x1D000] =	vst v63  }
0x178: {  	s25 =	sadd.s32 @!p1 s24, s8;
	s31 =	rddreg [dreg:$0x18]  }
0x179: {  	[tilespmem:s16], [sflag:$0x2] =	stream.indirect.gather [hbm4b:s3+s12], $0x80, s31, s12, $0xb8;
	[tilespmem:$0x1D000] =	vst v63  }
0x17a: {  	s24 =	sadd.s32 @!p1 s24, s10;
	s25 =	sadd.s32 @!p1 $0x100, s25;
	s26 =	simm.s32 @!p1 $0x0  }
0x17b: {  	[tilespmem:s26], [sflag:$0x3] =	stream.linear.gather @!p1 [hbm4b:s25+s26], $0x400, $0x38;
	[tilespmem:$0x1D000] =	vst v63  }
0x17c: {  	s28 =	simm.s32 @!p1 $0x800;
	s24 =	sadd.s32 @!p1 $0x100, s24  }
0x17d: {  	[tilespmem:s28], [sflag:$0x3] =	stream.linear.gather @!p1 [hbm4b:s24+s26], $0x400, $0x38;
	[tilespmem:$0x1D000] =	vst v63  }
0x17e: {  	_ =	swait.ge [sflag:s17], $0x4000  }
0x17f: {  	[sflag:s17] =	ssyncset.done $0x0  }
0x180: {  	[sflag:s17] =	ssyncadd.s32 $0xFFFFC000  }
0x181: {  	[spmem:s2] =	stream.indirect.scatter.add.f32 [tilespmem:s6], [sflag:$0x5], $0x80, s19, s14, $0xb8;
	[tilespmem:$0x1D000] =	vst v63  }
0x182: {  	_ =	swait.ge [sflag:s7], $0x4000  }
0x183: {  	[sflag:s7] =	ssyncset.done $0x0  }
0x184: {  	s25 =	rddreg [dreg:$0x19];
	[sflag:s7] =	ssyncadd.s32 $0xFFFFC000  }
0x185: {  	[tilespmem:s6], [sflag:$0x1] =	stream.indirect.gather [hbm4b:s3+s12], $0x80, s25, s12, $0xb8;
	[tilespmem:$0x1D000] =	vst v63  }
0x186: {  	s26 =	rddreg [dreg:$0x1a]  }
0x187: {  	[tilespmem:s13], [sflag:$0x1] =	stream.indirect.gather [hbm4b:s3+s12], $0x80, s26, s12, $0xb8;
	[tilespmem:$0x1D000] =	vst v63  }
0x188: {  	_ =	swait.ge [sflag:s20], $0x4000  }
0x189: {  	[sflag:s20] =	ssyncset.done $0x0  }
0x18a: {  	s29 =	rddreg [dreg:$0x1b];
	[sflag:s20] =	ssyncadd.s32 $0xFFFFC000  }
0x18b: {  	[spmem:s2] =	stream.indirect.scatter.add.f32 [tilespmem:s15], [sflag:$0x5], $0x80, s29, s14, $0xb8;
	[tilespmem:$0x1D000] =	vst v63  }
0x18c: {  	_ =	swait.ge [sflag:s7], $0x4000  }
0x18d: {  	[sflag:s7] =	ssyncset.done $0x0  }
0x18e: {  	s30 =	rddreg [dreg:$0x1c];
	[sflag:s7] =	ssyncadd.s32 $0xFFFFC000  }
0x18f: {  	[tilespmem:s15], [sflag:$0x2] =	stream.indirect.gather [hbm4b:s3+s12], $0x80, s30, s12, $0xb8;
	[tilespmem:$0x1D000] =	vst v63  }
0x190: {  	s31 =	rddreg [dreg:$0x1d]  }
0x191: {  	[tilespmem:s16], [sflag:$0x2] =	stream.indirect.gather [hbm4b:s3+s12], $0x80, s31, s12, $0xb8;
	[tilespmem:$0x1D000] =	vst v63  }
0x192: {  	_ =	swait.ge [sflag:s17], $0x4000  }
0x193: {  	[sflag:s17] =	ssyncset.done $0x0  }
0x194: {  	s26 =	rddreg [dreg:$0x1e];
	[sflag:s17] =	ssyncadd.s32 $0xFFFFC000  }
0x195: {  	[spmem:s2] =	stream.indirect.scatter.add.f32 [tilespmem:s6], [sflag:$0x5], $0x80, s26, s14, $0xb8;
	[tilespmem:$0x1D000] =	vst v63  }
0x196: {  	_ =	swait.ge [sflag:s7], $0x4000  }
0x197: {  	[sflag:s7] =	ssyncset.done $0x0;
	s29 =	rddreg [dreg:$0x1f]  }
0x198: {  	s30 =	sld [smem:$0x7F3];
	[sflag:s7] =	ssyncadd.s32 $0xFFFFC000  }
0x199: {  	[tilespmem:s6], [sflag:$0x1] =	stream.indirect.gather [hbm4b:s3+s12], $0x80, s29, s12, $0xb8;
	[tilespmem:$0x1D000] =	vst v63  }
0x19a: {  	_ = 	snop  }
0x19b: {  	[tilespmem:s13], [sflag:$0x1] =	stream.indirect.gather [hbm4b:s3+s12], $0x80, s30, s12, $0xb8;
	[tilespmem:$0x1D000] =	vst v63  }
0x19c: {  	_ =	swait.ge [sflag:s20], $0x4000  }
0x19d: {  	s31 =	sld [smem:$0x7F4]  }
0x19e: {  	[sflag:s20] =	ssyncset.done $0x0  }
0x19f: {  	[sflag:s20] =	ssyncadd.s32 $0xFFFFC000  }
0x1a0: {  	[spmem:s2] =	stream.indirect.scatter.add.f32 [tilespmem:s15], [sflag:$0x5], $0x80, s31, s14, $0xb8;
	[tilespmem:$0x1D000] =	vst v63  }
0x1a1: {  	_ =	swait.ge [sflag:s7], $0x4000  }
0x1a2: {  	s25 =	sld [smem:$0x7F5]  }
0x1a3: {  	[sflag:s7] =	ssyncset.done $0x0  }
0x1a4: {  	s26 =	sld [smem:$0x7F6];
	[sflag:s7] =	ssyncadd.s32 $0xFFFFC000  }
0x1a5: {  	[tilespmem:s15], [sflag:$0x2] =	stream.indirect.gather [hbm4b:s3+s12], $0x80, s25, s12, $0xb8;
	[tilespmem:$0x1D000] =	vst v63  }
0x1a6: {  	_ = 	snop  }
0x1a7: {  	[tilespmem:s16], [sflag:$0x2] =	stream.indirect.gather [hbm4b:s3+s12], $0x80, s26, s12, $0xb8;
	[tilespmem:$0x1D000] =	vst v63  }
0x1a8: {  	_ =	swait.ge [sflag:s17], $0x4000  }
0x1a9: {  	s29 =	sld [smem:$0x7F7]  }
0x1aa: {  	[sflag:s17] =	ssyncset.done $0x0  }
0x1ab: {  	[sflag:s17] =	ssyncadd.s32 $0xFFFFC000  }
0x1ac: {  	[spmem:s2] =	stream.indirect.scatter.add.f32 [tilespmem:s6], [sflag:$0x5], $0x80, s29, s14, $0xb8;
	[tilespmem:$0x1D000] =	vst v63  }
0x1ad: {  	_ =	swait.ge [sflag:s7], $0x4000  }
0x1ae: {  	s30 =	sld [smem:$0x7F8]  }
0x1af: {  	[sflag:s7] =	ssyncset.done $0x0  }
0x1b0: {  	s31 =	sld [smem:$0x7F9];
	[sflag:s7] =	ssyncadd.s32 $0xFFFFC000  }
0x1b1: {  	[tilespmem:s6], [sflag:$0x1] =	stream.indirect.gather [hbm4b:s3+s12], $0x80, s30, s12, $0xb8;
	[tilespmem:$0x1D000] =	vst v63  }
0x1b2: {  	_ = 	snop  }
0x1b3: {  	[tilespmem:s13], [sflag:$0x1] =	stream.indirect.gather [hbm4b:s3+s12], $0x80, s31, s12, $0xb8;
	[tilespmem:$0x1D000] =	vst v63  }
0x1b4: {  	_ =	swait.ge [sflag:s20], $0x4000  }
0x1b5: {  	s26 =	sld [smem:$0x7FA]  }
0x1b6: {  	[sflag:s20] =	ssyncset.done $0x0  }
0x1b7: {  	[sflag:s20] =	ssyncadd.s32 $0xFFFFC000  }
0x1b8: {  	[spmem:s2] =	stream.indirect.scatter.add.f32 [tilespmem:s15], [sflag:$0x5], $0x80, s26, s14, $0xb8;
	[tilespmem:$0x1D000] =	vst v63  }
0x1b9: {  	_ =	swait.ge [sflag:s7], $0x4000  }
0x1ba: {  	s29 =	sld [smem:$0x7FB]  }
0x1bb: {  	[sflag:s7] =	ssyncset.done $0x0  }
0x1bc: {  	s30 =	sld [smem:$0x7FC];
	[sflag:s7] =	ssyncadd.s32 $0xFFFFC000  }
0x1bd: {  	[tilespmem:s15], [sflag:$0x2] =	stream.indirect.gather [hbm4b:s3+s12], $0x80, s29, s12, $0xb8;
	[tilespmem:$0x1D000] =	vst v63  }
0x1be: {  	_ = 	snop  }
0x1bf: {  	[tilespmem:s16], [sflag:$0x2] =	stream.indirect.gather [hbm4b:s3+s12], $0x80, s30, s12, $0xb8;
	[tilespmem:$0x1D000] =	vst v63  }
0x1c0: {  	_ =	swait.ge [sflag:s17], $0x4000  }
0x1c1: {  	s31 =	sld [smem:$0x7FD]  }
0x1c2: {  	[sflag:s17] =	ssyncset.done $0x0  }
0x1c3: {  	[sflag:s17] =	ssyncadd.s32 $0xFFFFC000  }
0x1c4: {  	[spmem:s2] =	stream.indirect.scatter.add.f32 [tilespmem:s6], [sflag:$0x5], $0x80, s31, s14, $0xb8;
	[tilespmem:$0x1D000] =	vst v63  }
0x1c5: {  	_ =	swait.ge [sflag:s7], $0x4000  }
0x1c6: {  	[sflag:s7] =	ssyncset.done $0x0  }
0x1c7: {  	s24 =	simm.s32 @!p1 $0x3;
	[sflag:s7] =	ssyncadd.s32 $0xFFFFC000  }
0x1c8: {  	_ =	swait.ge @!p1 [sflag:s24], $0x400  }
0x1c9: {  	[sflag:s24] =	ssyncset.done @!p1 $0x0  }
0x1ca: {  	[sflag:s24] =	ssyncadd.s32 @!p1 $0xFFFFFC00  }
0x1cb: {  	s23 =	sadd.s32 $0x2, s23;
	_ =	swait.ge @!p1 [sflag:s24], $0x400  }
0x1cc: {  	p2 =	sgt.u32 s23, $0x12;
	[sflag:s24] =	ssyncset.done @!p1 $0x0  }
0x1cd: {  	s25 =	simm.s32 @p2 $0x2;
	[sflag:s24] =	ssyncadd.s32 @!p1 $0xFFFFFC00  }
0x1ce: {  	_ =	swait.ge @p2 [sflag:s25], $0x4000  }
0x1cf: {  	s28 =	simm.s32 @p2 $0xF80;
	s26 =	simm.s32 @p2 $0x80;
	[sflag:s25] =	ssyncset.done @p2 $0x0  }
0x1d0: {  	s29 =	simm.s32 @p2 $0x5;
	s24 =	simm.s32 @p2 $0x5000;
	[sflag:s25] =	ssyncadd.s32 @p2 $0xFFFFC000  }
0x1d1: {  	[spmem:s2] =	stream.indirect.scatter.add.f32 @p2 [tilespmem:s24], [sflag:$0x5], $0x80, s28, s26, $0xb8;
	[tilespmem:$0x1D000] =	vst v63  }
0x1d2: {  	_ =	swait.ge @p2 [sflag:s29], $0x4000  }
0x1d3: {  	s25 =	simm.s32 @!p2 $0x40;
	[sflag:s29] =	ssyncset.done @p2 $0x0  }
0x1d4: {  	s24 =	simm.s32 @!p2 $0x1000;
	s26 =	simm.s32 @!p2 $0x0;
	[sflag:s29] =	ssyncadd.s32 @p2 $0xFFFFC000  }
0x1d5: {  	[tilespmem:s24], [sflag:$0x1] =	stream.indirect.gather @!p2 [hbm4b:s3+s25], $0x80, s26, s25, $0xb8;
	[tilespmem:$0x1D000] =	vst v63  }
0x1d6: {  	s28 =	simm.s32 @!p2 $0x3000;
	s24 =	simm.s32 @!p2 $0x2  }
0x1d7: {  	[tilespmem:s28], [sflag:$0x1] =	stream.indirect.gather @!p2 [hbm4b:s3+s25], $0x80, s25, s25, $0xb8;
	[tilespmem:$0x1D000] =	vst v63  }
0x1d8: {  	s22 =	sadd.s32 $0x100, s22;
	_ =	swait.ge @!p2 [sflag:s24], $0x4000  }
0x1d9: {  	p0 =	sne.s32 s22, $0xA00;
	s30 =	simm.s32 @!p2 $0x80;
	[sflag:s24] =	ssyncset.done @!p2 $0x0  }
0x1da: {  	s29 =	simm.s32 @!p2 $0x5000;
	s26 =	simm.s32 @!p2 $0xF80;
	[sflag:s24] =	ssyncadd.s32 @!p2 $0xFFFFC000  }
0x1db: {  	[spmem:s2] =	stream.indirect.scatter.add.f32 @!p2 [tilespmem:s29], [sflag:$0x5], $0x80, s26, s30, $0xb8;
	[tilespmem:$0x1D000] =	vst v63  }
.Ltmp1:
0x1dc: {  	s24 =	simm.s32 @!p2 $0x5;
	(pc) =	sbr.rel @p0 .LBB2_3-.Ltmp1, $4  }
0x1dd: {  	_ =	swait.ge @!p2 [sflag:s24], $0x4000  }
0x1de: {  	[sflag:s24] =	ssyncset.done @!p2 $0x0  }
0x1df: {  	s28 =	simm.s32 @!p2 $0x7000;
	s26 =	simm.s32 @!p2 $0xC0;
	[sflag:s24] =	ssyncadd.s32 @!p2 $0xFFFFC000  }
0x1e0: {  	[tilespmem:s29], [sflag:$0x2] =	stream.indirect.gather @!p2 [hbm4b:s3+s25], $0x80, s30, s25, $0xb8;
	[tilespmem:$0x1D000] =	vst v63  }
0x1e1: {  	s2 =	smul.u32 $0x2800, s1  }
0x1e2: {  	[tilespmem:s28], [sflag:$0x2] =	stream.indirect.gather @!p2 [hbm4b:s3+s25], $0x80, s26, s25, $0xb8;
	[tilespmem:$0x1D000] =	vst v63  }
0x1e3: {  	s29 =	sshll.u32 s1, $0x6;
	s30 =	sshrl.u32 s5, $0x3;
	s31 =	simm.s32 $0x5  }
0x1e4: {  	[bflag:$0x0] =	sbarrier.arrive $0xFFFF;
	s3 =	sor.u32 $0x1C05, s29;
	s2 =	sadd.s32 s4, s2  }
0x1e5: {  	[hbm:s2], [sflag:s3] =	dma.local [spmem:s30], $0x2800  }
0x1e6: {  	_ =	swait.ge [sflag:s31], $0x2800  }
0x1e7: {  	[sflag:s31] =	ssyncset.done $0x0  }
0x1e8: {  	[sflag:s31] =	ssyncadd.s32 $0xFFFFD800  }
0x1e9: {  	_ =	sfence.sel $0x180000  }
0x1ea: {  	[bflag:$0x0] =	sbarrier.arrive $0xFFFF  }
0x1eb: {  	p0 =	sne.s32 s1, $0x0;
	_ =	strace $0x9000004A  }
0x1ec: {  	s0 =	sadd.s32 @!p0 $0x100000, s0;
	[bflag:$0x2] =	sbarrier.arrive $0xFFFF  }
0x1ed: {  	[sflag:s0] =	ssyncadd.tile.s32 @!p0 $0x1;
	_ =	shalt  }
.Lfunc_end2:
_tile_overlayer_lowered:
.L_overlay_start_2:
0x1ee: {  	(tag) =	ssettag $0x2  }
0x1ef: {  	s0 =	rddreg [dreg:$0x0];
	s2 =	stileid.u32  }
0x1f0: {  	s1 =	rddreg [dreg:$0x1];
	p0 =	sne.s32 s2, $0x0  }
0x1f1: {  	s3 =	rddreg [dreg:$0x2];
	[bflag:$0x3] =	sbarrier.arrive $0xFFFF;
	s2 =	simm.s32 @!p0 $0x1C05  }
0x1f2: {  	[timem:s3], [sflag:s2] =	dma.local @!p0 [hbm:s0], s1  }
0x1f3: {  	s0 =	simm.s32 @!p0 $0x5  }
0x1f4: {  	_ =	swait.ge @!p0 [sflag:s0], s1  }
0x1f5: {  	s1 =	ssub.s32 @!p0 $0x0, s1;
	[sflag:s0] =	ssyncset.done @!p0 $0x0  }
0x1f6: {  	[sflag:s0] =	ssyncadd.s32 @!p0 s1  }
0x1f7: {  	[bflag:$0x3] =	sbarrier.arrive $0xFFFF  }
0x1f8: {  	_ =	shalt  }

// kernel: kernel.14.cloned.1.call-start
scs
__scs_entry_jumppad:
0x0: {  	(pc) =	sbr.rel $0x88, $3  }
0x1: {  	(tag) =	ssettag $0x0;
	lr =	simm.s32 $0x1  }
0x2: {  	[smem:$0x3F96] =	sst lr;
	_ =	strace $0xD0000000  }
0x3: {  	_ = 	snop  }
0x4: {  	_ = 	snop  }
0x5: {  	_ = 	snop  }
0x6: {  	_ = 	snop  }
0x7: {  	_ = 	snop  }
__scs_overlays_trampoline_lowered:
0x8: {  	[smem:$0x3FA5] =	sst s0  }
0x9: {  	[smem:$0x3FA6] =	sst s1  }
0xa: {  	[smem:$0x3FA7] =	sst s2  }
0xb: {  	[smem:$0x3FA8] =	sst s3  }
0xc: {  	[smem:$0x3FA9] =	sst s4  }
0xd: {  	[smem:$0x3FAA] =	sst s5  }
0xe: {  	[smem:$0x3FAB] =	sst s6  }
0xf: {  	[smem:$0x3FAC] =	sst s7  }
0x10: {  	[smem:$0x3FAD] =	sst s8  }
0x11: {  	[smem:$0x3FAE] =	sst s9;
	s0 =	simm.s32 @!p0 $0x0  }
0x12: {  	s1 =	sld [smem:$0x3F94];
	s0 =	simm.s32 @p0 $0x1  }
0x13: {  	[smem:$0x3FAF] =	sst s0;
	s0 =	simm.s32 @!p1 $0x0  }
0x14: {  	s2 =	sld [smem:$0x3F93];
	s0 =	simm.s32 @p1 $0x1  }
0x15: {  	[smem:$0x3FB0] =	sst s0;
	s0 =	simm.s32 @!p2 $0x0  }
0x16: {  	s3 =	sld [smem:$0x3FDB];
	s0 =	simm.s32 @p2 $0x1  }
0x17: {  	s4 =	simm.s32 $0x1BF5;
	[smem:$0x3FB2] =	sst s0  }
0x18: {  	s0 =	sld [smem:$0x3F95];
	_ =	swait.ge [sflag:s4], $0x0  }
0x19: {  	s7 =	sld [smem:$0x3F96]  }
0x1a: {  	s8 =	sadd.s32 $0xFFFFE003, lr  }
0x1b: {  	s9 =	sadd.s32 $0xFFFFFEF7, lr;
	s5 =	simm.s32 $0xFFFFFFFF;
	p2 =	slt.u32 s8, $0xFFFFF086  }
0x1c: {  	p1 =	slt.u32 s9, $0xF7A;
	s5 =	simm.s32 @!p2 $0x0  }
0x1d: {  	s5 =	simm.s32 @p1 $0x1;
	p0 =	seq.s32 s7, s2  }
0x1e: {  	s7 =	smul.u32 @!p0 $0xF7A, s2;
	p2 =	seq.s32 @!p0 s5, $0x0  }
0x1f: {  	s9 =	smul.u32 $0xF7A, s1;
	s8 =	simm.s32 @!p0 $0x1BF5;
	p2 =	por !p2, p0  }
0x20: {  	[sflag:s8] =	ssyncset.s32 @!p0 $0xFFFFF086;
	s6 =	sadd.s32 @!p0 s3, s7;
	s7 =	simm.s32 @!p0 $0x108  }
0x21: {  	s3 =	sadd.s32 s3, s9;
	s6 =	sadd.s32 @!p0 $0x88, s6;
	s7 =	simm.s32 @p2 $0x1082  }
0x22: {  	[simem:s7], [sflag:s8] =	dma.local @!p0 [hbm:s6], $0xF7A  }
0x23: {  	s9 =	sor.u32 $0xD0000000, s2;
	s6 =	simm.s32 $0x108;
	_ =	swait.ge @!p0 [sflag:s8], $0x0  }
0x24: {  	s3 =	sadd.s32 $0x88, s3;
	s6 =	simm.s32 @!p1 $0x1082;
	[sflag:s4] =	ssyncset.s32 $0xFFFFF086  }
0x25: {  	[simem:s6], [sflag:s4] =	dma.local [hbm:s3], $0xF7A  }
0x26: {  	[smem:$0x3F96] =	sst s1;
	(tag) =	ssettag s2;
	_ =	strace s9  }
0x27: {  	s1 =	sld [smem:$0x3FA6]  }
0x28: {  	s2 =	sld [smem:$0x3FA7]  }
0x29: {  	s4 =	sld [smem:$0x3FA9]  }
0x2a: {  	p0 =	seq.s32 s5, $0x0;
	s5 =	sld [smem:$0x3FAA]  }
0x2b: {  	s6 =	sld [smem:$0x3FAB]  }
0x2c: {  	s7 =	sld [smem:$0x3FAC]  }
0x2d: {  	s3 =	simm.s32 $0x108;
	s8 =	sld [smem:$0x3FAD]  }
0x2e: {  	s3 =	simm.s32 @!p0 $0x1082;
	s9 =	sld [smem:$0x3FAE]  }
0x2f: {  	lr =	sadd.s32 s0, s3;
	s0 =	sld [smem:$0x3FA5]  }
0x30: {  	s3 =	sld [smem:$0x3FA8]  }
0x31: {  	[smem:$0x3FB1] =	sst s10  }
0x32: {  	s10 =	sld [smem:$0x3FAF];
	_ =	sdelay $0x3  }
0x33: {  	p0 =	seq.s32 s10, $0x1;
	s10 =	sld [smem:$0x3FB1];
	_ =	sdelay $0x3  }
0x34: {  	[smem:$0x3FB1] =	sst s10  }
0x35: {  	s10 =	sld [smem:$0x3FB0];
	_ =	sdelay $0x3  }
0x36: {  	p1 =	seq.s32 s10, $0x1;
	s10 =	sld [smem:$0x3FB1];
	_ =	sdelay $0x3  }
0x37: {  	[smem:$0x3FB1] =	sst s10  }
0x38: {  	s10 =	sld [smem:$0x3FB2]  }
0x39: {  	_ = 	snop;
	(pc) =	sbr.ind lr, $3  }
0x3a: {  	_ = 	snop  }
0x3b: {  	_ = 	snop  }
0x3c: {  	p2 =	seq.s32 s10, $0x1;
	s10 =	sld [smem:$0x3FB1]  }
0x3d: {  	_ =	shalt  }
0x3e: {  	_ =	shalt  }
0x3f: {  	_ =	shalt  }
0x40: {  	_ =	shalt  }
0x41: {  	_ =	shalt  }
0x42: {  	_ =	shalt  }
0x43: {  	_ =	shalt  }
0x44: {  	_ =	shalt  }
0x45: {  	_ =	shalt  }
0x46: {  	_ =	shalt  }
0x47: {  	_ =	shalt  }
0x48: {  	_ =	shalt  }
0x49: {  	_ =	shalt  }
0x4a: {  	_ =	shalt  }
0x4b: {  	_ =	shalt  }
0x4c: {  	_ =	shalt  }
0x4d: {  	_ =	shalt  }
0x4e: {  	_ =	shalt  }
0x4f: {  	_ =	shalt  }
0x50: {  	_ =	shalt  }
0x51: {  	_ =	shalt  }
0x52: {  	_ =	shalt  }
0x53: {  	_ =	shalt  }
0x54: {  	_ =	shalt  }
0x55: {  	_ =	shalt  }
0x56: {  	_ =	shalt  }
0x57: {  	_ =	shalt  }
0x58: {  	_ =	shalt  }
0x59: {  	_ =	shalt  }
0x5a: {  	_ =	shalt  }
0x5b: {  	_ =	shalt  }
0x5c: {  	_ =	shalt  }
0x5d: {  	_ =	shalt  }
0x5e: {  	_ =	shalt  }
0x5f: {  	_ =	shalt  }
0x60: {  	_ =	shalt  }
0x61: {  	_ =	shalt  }
0x62: {  	_ =	shalt  }
0x63: {  	_ =	shalt  }
0x64: {  	_ =	shalt  }
0x65: {  	_ =	shalt  }
0x66: {  	_ =	shalt  }
0x67: {  	_ =	shalt  }
0x68: {  	_ =	shalt  }
0x69: {  	_ =	shalt  }
0x6a: {  	_ =	shalt  }
0x6b: {  	_ =	shalt  }
0x6c: {  	_ =	shalt  }
0x6d: {  	_ =	shalt  }
0x6e: {  	_ =	shalt  }
0x6f: {  	_ =	shalt  }
0x70: {  	_ =	shalt  }
0x71: {  	_ =	shalt  }
0x72: {  	_ =	shalt  }
0x73: {  	_ =	shalt  }
0x74: {  	_ =	shalt  }
0x75: {  	_ =	shalt  }
0x76: {  	_ =	shalt  }
0x77: {  	_ =	shalt  }
0x78: {  	_ =	shalt  }
0x79: {  	_ =	shalt  }
0x7a: {  	_ =	shalt  }
0x7b: {  	_ =	shalt  }
0x7c: {  	_ =	shalt  }
0x7d: {  	_ =	shalt  }
0x7e: {  	_ =	shalt  }
0x7f: {  	_ =	shalt  }
0x80: {  	_ =	shalt  }
0x81: {  	_ =	shalt  }
0x82: {  	_ =	shalt  }
0x83: {  	_ =	shalt  }
0x84: {  	_ =	shalt  }
0x85: {  	_ =	shalt  }
0x86: {  	_ =	shalt  }
0x87: {  	_ =	shalt  }
.Lfunc_end0:
.L_simem_size_0:
called_computation.2_lowered:
.L_overlay_start_0:
0x88: {  	s0 =	sld [smem:$0x3FD9]  }
0x89: {  	s1 =	sld [smem:$0x3FFE];
	_ =	sdelay $0x3  }
0x8a: {  	s0 =	sadd.s32 s1, s0  }
0x8b: {  	[smem:$0x3FBD] =	sst s0  }
0x8c: {  	_ = 	snop  }
0x8d: {  	(tm) =	ssettm $0x1  }
0x8e: {  	s15 =	sld [smem:$0x3FFB];
	_ =	sdelay $0x3  }
0x8f: {  	_ =	strace s15  }
0x90: {  	s0 =	sld [smem:$0x3FFC];
	_ =	sdelay $0x3  }
0x91: {  	_ =	strace s0  }
0x92: {  	s0 =	sld [smem:$0x3FFD];
	_ =	sdelay $0x3  }
0x93: {  	_ =	strace s0  }
0x94: {  	_ =	strace $0x8FFFFFFF  }
0x95: {  	s16 =	sld [smem:$0x3FDB];
	_ =	sdelay $0x1  }
0x96: {  	s17 =	simm.s32 $_scs_section_size  }
0x97: {  	s2 =	simm.s32 $_size__tile_overlayer_lowered;
	s3 =	simm.s32 $_tile_overlayer_lowered  }
0x98: {  	s20 =	simm.s32 $0x1BFF;
	s19 =	sshll.u32 s3, $0x1;
	s0 =	sadd.s32 s17, s16  }
0x99: {  	s4 =	simm.s32 $0x0;
	s18 =	sshll.u32 s2, $0x1;
	s2 =	sadd.s32 s19, s0  }
0x9a: {  	[timem:s4], [sflag:s20] =	dma.local [hbm:s2], s18  }
0x9b: {  	_ =	swait.ge [sflag:s20], s18  }
0x9c: {  	s1 =	ssub.s32 $0x0, s18;
	[sflag:s20] =	ssyncset.done $0x0  }
0x9d: {  	[sflag:s20] =	ssyncadd.s32 s1;
	_ =	sdelay $0x1  }
0x9e: {  	s21 =	simm.s32 $0x1B8B  }
0x9f: {  	_ =	swait.ge [sflag:s21], $0x1  }
0xa0: {  	[sflag:s21] =	ssyncset.done $0x0  }
0xa1: {  	s23 =	simm.s32 $0x1B8E;
	s22 =	sld [smem:$0x3FFE];
	[sflag:s21] =	ssyncadd.s32 $0xFFFFFFFF  }
0xa2: {  	s24 =	simm.s32 $execute0_lowered;
	[smem:$0x3FD2] =	sst s23  }
0xa3: {  	s2 =	sshll.u32 s24, $0x1;
	_ =	strace $0x8000004C;
	[dreg:$0x1] =	wrdreg $0xFFFFFFFF  }
0xa4: {  	s25 =	simm.s32 $_size_execute0_lowered;
	s0 =	sadd.s32 s0, s2;
	[dreg:$0x0] =	wrdreg $0x0  }
0xa5: {  	s2 =	sshll.u32 s25, $0x1;
	[dreg:$0x2] =	wrdreg s0  }
0xa6: {  	[dreg:$0x3] =	wrdreg s2  }
0xa7: {  	[dreg:$0x4] =	wrdreg $0xC0  }
0xa8: {  	_ =	task [dreg:s4], $0x5FFFF  }
0xa9: {  	[dreg:$0x1] =	wrdreg $0xFFFFFFFF  }
0xaa: {  	[dreg:$0x0] =	wrdreg $0x60  }
0xab: {  	[dreg:$0x2] =	wrdreg s22  }
0xac: {  	[dreg:$0x3] =	wrdreg $0x90000  }
0xad: {  	[dreg:$0x4] =	wrdreg $0x9  }
0xae: {  	_ =	task.clear_ibuf [dreg:s4], $0x5FFFF;
	_ =	strace $0x9000004C  }
0xaf: {  	s26 =	simm.s32 $0x9;
	_ =	strace $0x8000004E  }
0xb0: {  	_ =	swait.ge [sflag:s26], $0x1  }
0xb1: {  	[sflag:s26] =	ssyncadd.s32 $0xFFFFFFFF  }
0xb2: {  	_ =	strace $0x9000004E  }
0xb3: {  	_ =	sfence  }
0xb4: {  	s28 =	sld [smem:$0x0];
	_ =	sdelay $0x1  }
0xb5: {  	s29 =	srdreg.scid  }
0xb6: {  	s30 =	sshll.u32 s29, $0xD;
	s31 =	sshrl.u32 s29, $0x2  }
0xb7: {  	s1 =	sand.u32 $0x1, s29;
	s2 =	sand.u32 $0x4000, s30;
	s0 =	sadd.s32 s31, s28  }
0xb8: {  	s1 =	sor.u32 s2, s1;
	s0 =	sshll.u32 s0, $0x11  }
0xb9: {  	s0 =	sor.u32 s0, s1  }
0xba: {  	s0 =	sadd.s32 $0x8F2B, s0  }
0xbb: {  	[sflag:s0] =	ssyncadd.remote.s32 $0x1  }
0xbc: {  	_ =	sfence.sel $0xFFFF  }
0xbd: {  	[dreg:$0x0] =	wrdreg $0xFFFFFFFF;
	(pc) =	sbr.abs _section_cstart, $3  }
0xbe: {  	[dreg:$0x1] =	wrdreg $0xFFFFFFFF  }
0xbf: {  	_ =	task.clear_ibuf [dreg:s4], $0x2FFFF;
	_ =	strace $0x9FFFFFFF  }
0xc0: {  	(tm) =	ssettm $0x7FFFFFFF  }
0xc1: {  	_ =	shalt  }
tec
execute0_lowered:
.L_overlay_start_1:
0x0: {  	(tag) =	ssettag $0x1  }
0x1: {  	s1 =	rddreg [dreg:$0x0]  }
0x2: {  	s2 =	rddreg [dreg:$0x1]  }
0x3: {  	s0 =	rddreg [dreg:$0x2];
	s3 =	simm.s32 $0x0  }
0x4: {  	s5 =	simm.s32 $0x0;
	s6 =	simm.s32 $0x200;
	[smem:$0x7FF] =	sst s3  }
0x5: {  	s3 =	sadd.s32 $0x17E00, s1;
	s8 =	sadd.s32 $0x3E00, s1;
	s10 =	sadd.s32 $0xDE00, s1  }
0x6: {  	v0 =	vimm.f32 $0.0e+00;
	s4 =	sadd.s32 $0x3F000, s1;
	s1 =	stileid.u32;
	_ =	strace $0x8000004D  }
.LBB2_1:
0x7: {  	p0 =	sne.s32 s6, $0xFE00;
	[tilespmem:s5+$0x1070] =	vst v0  }
0x8: {  	[tilespmem:s5+$0x1000] =	vst v0  }
0x9: {  	[tilespmem:s5+$0x1010] =	vst v0  }
.Ltmp0:
0xa: {  	[tilespmem:s5+$0x1020] =	vst v0;
	(pc) =	sbr.rel @p0 .LBB2_1-.Ltmp0, $4  }
0xb: {  	[tilespmem:s5+$0x1030] =	vst v0  }
0xc: {  	[tilespmem:s5+$0x1040] =	vst v0  }
0xd: {  	[tilespmem:s5+$0x1050] =	vst v0  }
0xe: {  	[tilespmem:s5+$0x1060] =	vst v0;
	s5 =	sshra.s32 s6, $0x2;
	s6 =	sadd.s32 $0x200, s6  }
0xf: {  	[tilespmem:s5+$0x1070] =	vst v0  }
0x10: {  	[tilespmem:s5+$0x1000] =	vst v0  }
0x11: {  	[tilespmem:s5+$0x1010] =	vst v0  }
0x12: {  	[tilespmem:s5+$0x1020] =	vst v0  }
0x13: {  	[tilespmem:s5+$0x1030] =	vst v0;
	s6 =	smul.u32 $0x50000, s1  }
0x14: {  	[tilespmem:s5+$0x1040] =	vst v0  }
0x15: {  	[tilespmem:s5+$0x1050] =	vst v0;
	s6 =	sshrl.u32 s6, $0x2  }
0x16: {  	[tilespmem:s5+$0x1060] =	vst v0;
	s7 =	simm.s32 $0x5;
	s5 =	sadd.s32 s6, s2;
	s6 =	simm.s32 $0x1000  }
0x17: {  	[spmem:s5] =	stream.linear.scatter [tilespmem:s6], [sflag:$0x5], $0x4000, $0x38;
	[tilespmem:$0x1D000] =	vst v63  }
0x18: {  	_ =	swait.ge [sflag:s7], $0x4000  }
0x19: {  	[sflag:s7] =	ssyncset.done $0x0  }
0x1a: {  	s9 =	sadd.s32 $0x4000, s5;
	[sflag:s7] =	ssyncadd.s32 $0xFFFFC000  }
0x1b: {  	[spmem:s9] =	stream.linear.scatter [tilespmem:s6], [sflag:$0x5], $0x4000, $0x38;
	[tilespmem:$0x1D000] =	vst v63  }
0x1c: {  	_ =	swait.ge [sflag:s7], $0x4000  }
0x1d: {  	[sflag:s7] =	ssyncset.done $0x0  }
0x1e: {  	s22 =	sadd.s32 $0x8000, s5;
	[sflag:s7] =	ssyncadd.s32 $0xFFFFC000  }
0x1f: {  	[spmem:s22] =	stream.linear.scatter [tilespmem:s6], [sflag:$0x5], $0x4000, $0x38;
	[tilespmem:$0x1D000] =	vst v63  }
0x20: {  	_ =	swait.ge [sflag:s7], $0x4000  }
0x21: {  	[sflag:s7] =	ssyncset.done $0x0  }
0x22: {  	s23 =	sadd.s32 $0xC000, s5;
	[sflag:s7] =	ssyncadd.s32 $0xFFFFC000  }
0x23: {  	[spmem:s23] =	stream.linear.scatter [tilespmem:s6], [sflag:$0x5], $0x4000, $0x38;
	[tilespmem:$0x1D000] =	vst v63  }
0x24: {  	_ =	swait.ge [sflag:s7], $0x4000  }
0x25: {  	[sflag:s7] =	ssyncset.done $0x0  }
0x26: {  	s24 =	sadd.s32 $0x10000, s5;
	[sflag:s7] =	ssyncadd.s32 $0xFFFFC000  }
0x27: {  	[spmem:s24] =	stream.linear.scatter [tilespmem:s6], [sflag:$0x5], $0x4000, $0x38;
	[tilespmem:$0x1D000] =	vst v63  }
0x28: {  	_ =	swait.ge [sflag:s7], $0x4000  }
0x29: {  	s11 =	smul.u32 $0xA00, s1;
	[sflag:s7] =	ssyncset.done $0x0  }
0x2a: {  	[sflag:s7] =	ssyncadd.s32 $0xFFFFC000  }
0x2b: {  	s8 =	sadd.s32 s8, s11;
	s9 =	simm.s32 $0x0;
	[bflag:$0x0] =	sbarrier.arrive $0xFFFF  }
0x2c: {  	[tilespmem:s9], [sflag:$0x3] =	stream.linear.gather [hbm4b:s8+s9], $0x400, $0x38;
	[tilespmem:$0x1D000] =	vst v63  }
0x2d: {  	s12 =	simm.s32 $0x3;
	s10 =	sadd.s32 s10, s11;
	s11 =	simm.s32 $0x800  }
0x2e: {  	[tilespmem:s11], [sflag:$0x3] =	stream.linear.gather [hbm4b:s10+s9], $0x400, $0x38;
	[tilespmem:$0x1D000] =	vst v63  }
0x2f: {  	_ =	swait.ge [sflag:s12], $0x400  }
0x30: {  	[sflag:s12] =	ssyncset.done $0x0  }
0x31: {  	s25 =	simm.s32 $0x100;
	[sflag:s12] =	ssyncadd.s32 $0xFFFFFC00  }
0x32: {  	s26 =	simm.s32 $0x140;
	_ =	swait.ge [sflag:s12], $0x400;
	[dreg:$0x3] =	wrdreg s25  }
0x33: {  	s29 =	simm.s32 $0x880;
	[dreg:$0x4] =	wrdreg s26  }
0x34: {  	s30 =	simm.s32 $0x180;
	[dreg:$0x5] =	wrdreg s29  }
0x35: {  	s31 =	simm.s32 $0x1C0;
	[dreg:$0x6] =	wrdreg s30  }
0x36: {  	s18 =	simm.s32 $0x900;
	[dreg:$0x7] =	wrdreg s31  }
0x37: {  	s19 =	simm.s32 $0x200;
	[dreg:$0x8] =	wrdreg s18  }
0x38: {  	s20 =	simm.s32 $0x240;
	[dreg:$0x9] =	wrdreg s19  }
0x39: {  	s21 =	simm.s32 $0x980;
	[dreg:$0xa] =	wrdreg s20  }
0x3a: {  	s22 =	simm.s32 $0x280;
	[dreg:$0xb] =	wrdreg s21  }
0x3b: {  	s23 =	simm.s32 $0x2C0;
	[dreg:$0xc] =	wrdreg s22  }
0x3c: {  	s24 =	simm.s32 $0xA00;
	[dreg:$0xd] =	wrdreg s23  }
0x3d: {  	[dreg:$0xe] =	wrdreg s24;
	s25 =	simm.s32 $0x300  }
0x3e: {  	s26 =	simm.s32 $0x340;
	[dreg:$0xf] =	wrdreg s25  }
0x3f: {  	s29 =	simm.s32 $0xA80;
	[dreg:$0x10] =	wrdreg s26  }
0x40: {  	s30 =	simm.s32 $0x380;
	[dreg:$0x11] =	wrdreg s29  }
0x41: {  	s31 =	simm.s32 $0x3C0;
	[dreg:$0x12] =	wrdreg s30  }
0x42: {  	s18 =	simm.s32 $0xB00;
	[dreg:$0x13] =	wrdreg s31  }
0x43: {  	s19 =	simm.s32 $0x440;
	[dreg:$0x14] =	wrdreg s18  }
0x44: {  	s20 =	simm.s32 $0xB80;
	[dreg:$0x15] =	wrdreg s19  }
0x45: {  	s21 =	simm.s32 $0x480;
	[dreg:$0x16] =	wrdreg s20  }
0x46: {  	s22 =	simm.s32 $0x4C0;
	[dreg:$0x17] =	wrdreg s21  }
0x47: {  	s23 =	simm.s32 $0x500;
	[dreg:$0x18] =	wrdreg s22  }
0x48: {  	s24 =	simm.s32 $0x540;
	[dreg:$0x19] =	wrdreg s23  }
0x49: {  	[dreg:$0x1a] =	wrdreg s24;
	s25 =	simm.s32 $0xC80  }
0x4a: {  	s26 =	simm.s32 $0x580;
	[dreg:$0x1b] =	wrdreg s25  }
0x4b: {  	s29 =	simm.s32 $0x5C0;
	[dreg:$0x1c] =	wrdreg s26  }
0x4c: {  	s30 =	simm.s32 $0xD00;
	[dreg:$0x1d] =	wrdreg s29  }
0x4d: {  	s31 =	simm.s32 $0x600;
	[dreg:$0x1e] =	wrdreg s30  }
0x4e: {  	s18 =	simm.s32 $0x640;
	[dreg:$0x1f] =	wrdreg s31  }
0x4f: {  	s13 =	simm.s32 $0x3000;
	s19 =	simm.s32 $0xD80;
	[smem:$0x7F3] =	sst s18  }
0x50: {  	s14 =	simm.s32 $0x80;
	s20 =	simm.s32 $0x680;
	[smem:$0x7F4] =	sst s19  }
0x51: {  	s15 =	simm.s32 $0x5000;
	s21 =	simm.s32 $0x6C0;
	[smem:$0x7F5] =	sst s20  }
0x52: {  	s17 =	simm.s32 $0xC0;
	s22 =	simm.s32 $0xE00;
	[smem:$0x7F6] =	sst s21  }
0x53: {  	[sflag:s12] =	ssyncset.done $0x0;
	s23 =	simm.s32 $0x700;
	[smem:$0x7F7] =	sst s22  }
0x54: {  	s24 =	simm.s32 $0x740;
	[sflag:s12] =	ssyncadd.s32 $0xFFFFFC00;
	[smem:$0x7F8] =	sst s23  }
0x55: {  	s12 =	simm.s32 $0x40;
	[smem:$0x7F9] =	sst s24;
	s25 =	simm.s32 $0xE80  }
0x56: {  	[tilespmem:s6], [sflag:$0x1] =	stream.indirect.gather [hbm4b:s3+s12], $0x80, s9, s12, $0xb8;
	[tilespmem:$0x1D000] =	vst v63  }
0x57: {  	s16 =	simm.s32 $0x7000;
	s18 =	simm.s32 $0x780;
	[smem:$0x7FA] =	sst s25  }
0x58: {  	[tilespmem:s13], [sflag:$0x1] =	stream.indirect.gather [hbm4b:s3+s12], $0x80, s12, s12, $0xb8;
	[tilespmem:$0x1D000] =	vst v63  }
0x59: {  	s19 =	simm.s32 $0x7C0;
	s26 =	sadd.s32 $0x0, s8;
	[smem:$0x7FB] =	sst s18  }
0x5a: {  	[tilespmem:s15], [sflag:$0x2] =	stream.indirect.gather [hbm4b:s3+s12], $0x80, s14, s12, $0xb8;
	[tilespmem:$0x1D000] =	vst v63  }
0x5b: {  	s20 =	simm.s32 $0xF00;
	s21 =	sadd.s32 $0x0, s10;
	[smem:$0x7FC] =	sst s19  }
0x5c: {  	[tilespmem:s16], [sflag:$0x2] =	stream.indirect.gather [hbm4b:s3+s12], $0x80, s17, s12, $0xb8;
	[tilespmem:$0x1D000] =	vst v63  }
0x5d: {  	s18 =	simm.s32 $0x400;
	s19 =	sadd.s32 $0x80, s26;
	[smem:$0x7FD] =	sst s20  }
0x5e: {  	[tilespmem:s18], [sflag:$0x4] =	stream.linear.gather [hbm4b:s19+s9], $0x400, $0x38;
	[tilespmem:$0x1D000] =	vst v63  }
0x5f: {  	s29 =	sadd.s32 $0x80, s21;
	s17 =	simm.s32 $0x1;
	s19 =	simm.s32 $0xC00  }
0x60: {  	[tilespmem:s19], [sflag:$0x4] =	stream.linear.gather [hbm4b:s29+s9], $0x400, $0x38;
	[tilespmem:$0x1D000] =	vst v63  }
0x61: {  	_ =	swait.ge [sflag:s17], $0x4000  }
0x62: {  	[sflag:s17] =	ssyncset.done $0x0  }
0x63: {  	[sflag:s17] =	ssyncadd.s32 $0xFFFFC000  }
0x64: {  	[spmem:s2] =	stream.indirect.scatter.add.f32 [tilespmem:s6], [sflag:$0x5], $0x80, s11, s14, $0xb8;
	[tilespmem:$0x1D000] =	vst v63  }
0x65: {  	_ =	swait.ge [sflag:s7], $0x4000  }
0x66: {  	[sflag:s7] =	ssyncset.done $0x0  }
0x67: {  	s30 =	rddreg [dreg:$0x3];
	[sflag:s7] =	ssyncadd.s32 $0xFFFFC000  }
0x68: {  	[tilespmem:s6], [sflag:$0x1] =	stream.indirect.gather [hbm4b:s3+s12], $0x80, s30, s12, $0xb8;
	[tilespmem:$0x1D000] =	vst v63  }
0x69: {  	s20 =	simm.s32 $0x2;
	s31 =	rddreg [dreg:$0x4]  }
0x6a: {  	[tilespmem:s13], [sflag:$0x1] =	stream.indirect.gather [hbm4b:s3+s12], $0x80, s31, s12, $0xb8;
	[tilespmem:$0x1D000] =	vst v63  }
0x6b: {  	_ =	swait.ge [sflag:s20], $0x4000  }
0x6c: {  	[sflag:s20] =	ssyncset.done $0x0  }
0x6d: {  	s22 =	rddreg [dreg:$0x5];
	[sflag:s20] =	ssyncadd.s32 $0xFFFFC000  }
0x6e: {  	[spmem:s2] =	stream.indirect.scatter.add.f32 [tilespmem:s15], [sflag:$0x5], $0x80, s22, s14, $0xb8;
	[tilespmem:$0x1D000] =	vst v63  }
0x6f: {  	_ =	swait.ge [sflag:s7], $0x4000  }
0x70: {  	[sflag:s7] =	ssyncset.done $0x0  }
0x71: {  	s23 =	rddreg [dreg:$0x6];
	[sflag:s7] =	ssyncadd.s32 $0xFFFFC000  }
0x72: {  	[tilespmem:s15], [sflag:$0x2] =	stream.indirect.gather [hbm4b:s3+s12], $0x80, s23, s12, $0xb8;
	[tilespmem:$0x1D000] =	vst v63  }
0x73: {  	s22 =	rddreg [dreg:$0x7]  }
0x74: {  	[tilespmem:s16], [sflag:$0x2] =	stream.indirect.gather [hbm4b:s3+s12], $0x80, s22, s12, $0xb8;
	[tilespmem:$0x1D000] =	vst v63  }
0x75: {  	_ =	swait.ge [sflag:s17], $0x4000  }
0x76: {  	[sflag:s17] =	ssyncset.done $0x0  }
0x77: {  	s24 =	rddreg [dreg:$0x8];
	[sflag:s17] =	ssyncadd.s32 $0xFFFFC000  }
0x78: {  	[spmem:s2] =	stream.indirect.scatter.add.f32 [tilespmem:s6], [sflag:$0x5], $0x80, s24, s14, $0xb8;
	[tilespmem:$0x1D000] =	vst v63  }
0x79: {  	_ =	swait.ge [sflag:s7], $0x4000  }
0x7a: {  	[sflag:s7] =	ssyncset.done $0x0  }
0x7b: {  	s25 =	rddreg [dreg:$0x9];
	[sflag:s7] =	ssyncadd.s32 $0xFFFFC000  }
0x7c: {  	[tilespmem:s6], [sflag:$0x1] =	stream.indirect.gather [hbm4b:s3+s12], $0x80, s25, s12, $0xb8;
	[tilespmem:$0x1D000] =	vst v63  }
0x7d: {  	s26 =	rddreg [dreg:$0xa]  }
0x7e: {  	[tilespmem:s13], [sflag:$0x1] =	stream.indirect.gather [hbm4b:s3+s12], $0x80, s26, s12, $0xb8;
	[tilespmem:$0x1D000] =	vst v63  }
0x7f: {  	_ =	swait.ge [sflag:s20], $0x4000  }
0x80: {  	[sflag:s20] =	ssyncset.done $0x0  }
0x81: {  	s29 =	rddreg [dreg:$0xb];
	[sflag:s20] =	ssyncadd.s32 $0xFFFFC000  }
0x82: {  	[spmem:s2] =	stream.indirect.scatter.add.f32 [tilespmem:s15], [sflag:$0x5], $0x80, s29, s14, $0xb8;
	[tilespmem:$0x1D000] =	vst v63  }
0x83: {  	_ =	swait.ge [sflag:s7], $0x4000  }
0x84: {  	[sflag:s7] =	ssyncset.done $0x0  }
0x85: {  	s30 =	rddreg [dreg:$0xc];
	[sflag:s7] =	ssyncadd.s32 $0xFFFFC000  }
0x86: {  	[tilespmem:s15], [sflag:$0x2] =	stream.indirect.gather [hbm4b:s3+s12], $0x80, s30, s12, $0xb8;
	[tilespmem:$0x1D000] =	vst v63  }
0x87: {  	s31 =	rddreg [dreg:$0xd]  }
0x88: {  	[tilespmem:s16], [sflag:$0x2] =	stream.indirect.gather [hbm4b:s3+s12], $0x80, s31, s12, $0xb8;
	[tilespmem:$0x1D000] =	vst v63  }
0x89: {  	_ =	swait.ge [sflag:s17], $0x4000  }
0x8a: {  	[sflag:s17] =	ssyncset.done $0x0  }
0x8b: {  	s22 =	rddreg [dreg:$0xe];
	[sflag:s17] =	ssyncadd.s32 $0xFFFFC000  }
0x8c: {  	[spmem:s2] =	stream.indirect.scatter.add.f32 [tilespmem:s6], [sflag:$0x5], $0x80, s22, s14, $0xb8;
	[tilespmem:$0x1D000] =	vst v63  }
0x8d: {  	_ =	swait.ge [sflag:s7], $0x4000  }
0x8e: {  	[sflag:s7] =	ssyncset.done $0x0  }
0x8f: {  	s23 =	rddreg [dreg:$0xf];
	[sflag:s7] =	ssyncadd.s32 $0xFFFFC000  }
0x90: {  	[tilespmem:s6], [sflag:$0x1] =	stream.indirect.gather [hbm4b:s3+s12], $0x80, s23, s12, $0xb8;
	[tilespmem:$0x1D000] =	vst v63  }
0x91: {  	s24 =	rddreg [dreg:$0x10]  }
0x92: {  	[tilespmem:s13], [sflag:$0x1] =	stream.indirect.gather [hbm4b:s3+s12], $0x80, s24, s12, $0xb8;
	[tilespmem:$0x1D000] =	vst v63  }
0x93: {  	_ =	swait.ge [sflag:s20], $0x4000  }
0x94: {  	[sflag:s20] =	ssyncset.done $0x0  }
0x95: {  	s25 =	rddreg [dreg:$0x11];
	[sflag:s20] =	ssyncadd.s32 $0xFFFFC000  }
0x96: {  	[spmem:s2] =	stream.indirect.scatter.add.f32 [tilespmem:s15], [sflag:$0x5], $0x80, s25, s14, $0xb8;
	[tilespmem:$0x1D000] =	vst v63  }
0x97: {  	_ =	swait.ge [sflag:s7], $0x4000  }
0x98: {  	[sflag:s7] =	ssyncset.done $0x0  }
0x99: {  	s26 =	rddreg [dreg:$0x12];
	[sflag:s7] =	ssyncadd.s32 $0xFFFFC000  }
0x9a: {  	[tilespmem:s15], [sflag:$0x2] =	stream.indirect.gather [hbm4b:s3+s12], $0x80, s26, s12, $0xb8;
	[tilespmem:$0x1D000] =	vst v63  }
0x9b: {  	s29 =	rddreg [dreg:$0x13]  }
0x9c: {  	[tilespmem:s16], [sflag:$0x2] =	stream.indirect.gather [hbm4b:s3+s12], $0x80, s29, s12, $0xb8;
	[tilespmem:$0x1D000] =	vst v63  }
0x9d: {  	_ =	swait.ge [sflag:s17], $0x4000  }
0x9e: {  	[sflag:s17] =	ssyncset.done $0x0  }
0x9f: {  	s30 =	rddreg [dreg:$0x14];
	[sflag:s17] =	ssyncadd.s32 $0xFFFFC000  }
0xa0: {  	[spmem:s2] =	stream.indirect.scatter.add.f32 [tilespmem:s6], [sflag:$0x5], $0x80, s30, s14, $0xb8;
	[tilespmem:$0x1D000] =	vst v63  }
0xa1: {  	_ =	swait.ge [sflag:s7], $0x4000  }
0xa2: {  	[sflag:s7] =	ssyncset.done $0x0  }
0xa3: {  	s21 =	simm.s32 $0x4;
	[sflag:s7] =	ssyncadd.s32 $0xFFFFC000  }
0xa4: {  	_ =	swait.ge [sflag:s21], $0x400  }
0xa5: {  	[sflag:s21] =	ssyncset.done $0x0  }
0xa6: {  	[sflag:s21] =	ssyncadd.s32 $0xFFFFFC00  }
0xa7: {  	_ =	swait.ge [sflag:s21], $0x400  }
0xa8: {  	[sflag:s21] =	ssyncset.done $0x0  }
0xa9: {  	[sflag:s21] =	ssyncadd.s32 $0xFFFFFC00  }
0xaa: {  	[tilespmem:s6], [sflag:$0x1] =	stream.indirect.gather [hbm4b:s3+s12], $0x80, s18, s12, $0xb8;
	[tilespmem:$0x1D000] =	vst v63  }
0xab: {  	s31 =	rddreg [dreg:$0x15]  }
0xac: {  	[tilespmem:s13], [sflag:$0x1] =	stream.indirect.gather [hbm4b:s3+s12], $0x80, s31, s12, $0xb8;
	[tilespmem:$0x1D000] =	vst v63  }
0xad: {  	_ =	swait.ge [sflag:s20], $0x4000  }
0xae: {  	[sflag:s20] =	ssyncset.done $0x0  }
0xaf: {  	s23 =	rddreg [dreg:$0x16];
	[sflag:s20] =	ssyncadd.s32 $0xFFFFC000  }
0xb0: {  	[spmem:s2] =	stream.indirect.scatter.add.f32 [tilespmem:s15], [sflag:$0x5], $0x80, s23, s14, $0xb8;
	[tilespmem:$0x1D000] =	vst v63  }
0xb1: {  	_ =	swait.ge [sflag:s7], $0x4000  }
0xb2: {  	[sflag:s7] =	ssyncset.done $0x0  }
0xb3: {  	p0 =	por $0x0, $0x0;
	s24 =	rddreg [dreg:$0x17];
	[sflag:s7] =	ssyncadd.s32 $0xFFFFC000  }
0xb4: {  	[tilespmem:s15], [sflag:$0x2] =	stream.indirect.gather [hbm4b:s3+s12], $0x80, s24, s12, $0xb8;
	[tilespmem:$0x1D000] =	vst v63  }
0xb5: {  	s22 =	sadd.s32 @!p0 $0x0, s8;
	s23 =	rddreg [dreg:$0x18]  }
0xb6: {  	[tilespmem:s16], [sflag:$0x2] =	stream.indirect.gather [hbm4b:s3+s12], $0x80, s23, s12, $0xb8;
	[tilespmem:$0x1D000] =	vst v63  }
0xb7: {  	s22 =	sadd.s32 @!p0 $0x100, s22;
	s24 =	sadd.s32 @!p0 $0x0, s10;
	s23 =	simm.s32 @!p0 $0x0  }
0xb8: {  	[tilespmem:s23], [sflag:$0x3] =	stream.linear.gather @!p0 [hbm4b:s22+s23], $0x400, $0x38;
	[tilespmem:$0x1D000] =	vst v63  }
0xb9: {  	s22 =	sadd.s32 @!p0 $0x100, s24;
	s24 =	simm.s32 @!p0 $0x800  }
0xba: {  	[tilespmem:s24], [sflag:$0x3] =	stream.linear.gather @!p0 [hbm4b:s22+s23], $0x400, $0x38;
	[tilespmem:$0x1D000] =	vst v63  }
0xbb: {  	_ =	swait.ge [sflag:s17], $0x4000  }
0xbc: {  	[sflag:s17] =	ssyncset.done $0x0  }
0xbd: {  	[sflag:s17] =	ssyncadd.s32 $0xFFFFC000  }
0xbe: {  	[spmem:s2] =	stream.indirect.scatter.add.f32 [tilespmem:s6], [sflag:$0x5], $0x80, s19, s14, $0xb8;
	[tilespmem:$0x1D000] =	vst v63  }
0xbf: {  	_ =	swait.ge [sflag:s7], $0x4000  }
0xc0: {  	[sflag:s7] =	ssyncset.done $0x0  }
0xc1: {  	s25 =	rddreg [dreg:$0x19];
	[sflag:s7] =	ssyncadd.s32 $0xFFFFC000  }
0xc2: {  	[tilespmem:s6], [sflag:$0x1] =	stream.indirect.gather [hbm4b:s3+s12], $0x80, s25, s12, $0xb8;
	[tilespmem:$0x1D000] =	vst v63  }
0xc3: {  	s26 =	rddreg [dreg:$0x1a]  }
0xc4: {  	[tilespmem:s13], [sflag:$0x1] =	stream.indirect.gather [hbm4b:s3+s12], $0x80, s26, s12, $0xb8;
	[tilespmem:$0x1D000] =	vst v63  }
0xc5: {  	_ =	swait.ge [sflag:s20], $0x4000  }
0xc6: {  	[sflag:s20] =	ssyncset.done $0x0  }
0xc7: {  	s29 =	rddreg [dreg:$0x1b];
	[sflag:s20] =	ssyncadd.s32 $0xFFFFC000  }
0xc8: {  	[spmem:s2] =	stream.indirect.scatter.add.f32 [tilespmem:s15], [sflag:$0x5], $0x80, s29, s14, $0xb8;
	[tilespmem:$0x1D000] =	vst v63  }
0xc9: {  	_ =	swait.ge [sflag:s7], $0x4000  }
0xca: {  	[sflag:s7] =	ssyncset.done $0x0  }
0xcb: {  	s30 =	rddreg [dreg:$0x1c];
	[sflag:s7] =	ssyncadd.s32 $0xFFFFC000  }
0xcc: {  	[tilespmem:s15], [sflag:$0x2] =	stream.indirect.gather [hbm4b:s3+s12], $0x80, s30, s12, $0xb8;
	[tilespmem:$0x1D000] =	vst v63  }
0xcd: {  	s31 =	rddreg [dreg:$0x1d]  }
0xce: {  	[tilespmem:s16], [sflag:$0x2] =	stream.indirect.gather [hbm4b:s3+s12], $0x80, s31, s12, $0xb8;
	[tilespmem:$0x1D000] =	vst v63  }
0xcf: {  	_ =	swait.ge [sflag:s17], $0x4000  }
0xd0: {  	[sflag:s17] =	ssyncset.done $0x0  }
0xd1: {  	s24 =	rddreg [dreg:$0x1e];
	[sflag:s17] =	ssyncadd.s32 $0xFFFFC000  }
0xd2: {  	[spmem:s2] =	stream.indirect.scatter.add.f32 [tilespmem:s6], [sflag:$0x5], $0x80, s24, s14, $0xb8;
	[tilespmem:$0x1D000] =	vst v63  }
0xd3: {  	_ =	swait.ge [sflag:s7], $0x4000  }
0xd4: {  	s25 =	rddreg [dreg:$0x1f];
	[sflag:s7] =	ssyncset.done $0x0  }
0xd5: {  	s26 =	sld [smem:$0x7F3];
	[sflag:s7] =	ssyncadd.s32 $0xFFFFC000  }
0xd6: {  	[tilespmem:s6], [sflag:$0x1] =	stream.indirect.gather [hbm4b:s3+s12], $0x80, s25, s12, $0xb8;
	[tilespmem:$0x1D000] =	vst v63  }
0xd7: {  	_ = 	snop  }
0xd8: {  	[tilespmem:s13], [sflag:$0x1] =	stream.indirect.gather [hbm4b:s3+s12], $0x80, s26, s12, $0xb8;
	[tilespmem:$0x1D000] =	vst v63  }
0xd9: {  	_ =	swait.ge [sflag:s20], $0x4000  }
0xda: {  	s29 =	sld [smem:$0x7F4]  }
0xdb: {  	[sflag:s20] =	ssyncset.done $0x0  }
0xdc: {  	[sflag:s20] =	ssyncadd.s32 $0xFFFFC000  }
0xdd: {  	[spmem:s2] =	stream.indirect.scatter.add.f32 [tilespmem:s15], [sflag:$0x5], $0x80, s29, s14, $0xb8;
	[tilespmem:$0x1D000] =	vst v63  }
0xde: {  	_ =	swait.ge [sflag:s7], $0x4000  }
0xdf: {  	s30 =	sld [smem:$0x7F5]  }
0xe0: {  	[sflag:s7] =	ssyncset.done $0x0  }
0xe1: {  	s31 =	sld [smem:$0x7F6];
	[sflag:s7] =	ssyncadd.s32 $0xFFFFC000  }
0xe2: {  	[tilespmem:s15], [sflag:$0x2] =	stream.indirect.gather [hbm4b:s3+s12], $0x80, s30, s12, $0xb8;
	[tilespmem:$0x1D000] =	vst v63  }
0xe3: {  	_ = 	snop  }
0xe4: {  	[tilespmem:s16], [sflag:$0x2] =	stream.indirect.gather [hbm4b:s3+s12], $0x80, s31, s12, $0xb8;
	[tilespmem:$0x1D000] =	vst v63  }
0xe5: {  	_ =	swait.ge [sflag:s17], $0x4000  }
0xe6: {  	s23 =	sld [smem:$0x7F7]  }
0xe7: {  	[sflag:s17] =	ssyncset.done $0x0  }
0xe8: {  	[sflag:s17] =	ssyncadd.s32 $0xFFFFC000  }
0xe9: {  	[spmem:s2] =	stream.indirect.scatter.add.f32 [tilespmem:s6], [sflag:$0x5], $0x80, s23, s14, $0xb8;
	[tilespmem:$0x1D000] =	vst v63  }
0xea: {  	_ =	swait.ge [sflag:s7], $0x4000  }
0xeb: {  	s24 =	sld [smem:$0x7F8]  }
0xec: {  	[sflag:s7] =	ssyncset.done $0x0  }
0xed: {  	s25 =	sld [smem:$0x7F9];
	[sflag:s7] =	ssyncadd.s32 $0xFFFFC000  }
0xee: {  	[tilespmem:s6], [sflag:$0x1] =	stream.indirect.gather [hbm4b:s3+s12], $0x80, s24, s12, $0xb8;
	[tilespmem:$0x1D000] =	vst v63  }
0xef: {  	_ = 	snop  }
0xf0: {  	[tilespmem:s13], [sflag:$0x1] =	stream.indirect.gather [hbm4b:s3+s12], $0x80, s25, s12, $0xb8;
	[tilespmem:$0x1D000] =	vst v63  }
0xf1: {  	_ =	swait.ge [sflag:s20], $0x4000  }
0xf2: {  	s26 =	sld [smem:$0x7FA]  }
0xf3: {  	[sflag:s20] =	ssyncset.done $0x0  }
0xf4: {  	[sflag:s20] =	ssyncadd.s32 $0xFFFFC000  }
0xf5: {  	[spmem:s2] =	stream.indirect.scatter.add.f32 [tilespmem:s15], [sflag:$0x5], $0x80, s26, s14, $0xb8;
	[tilespmem:$0x1D000] =	vst v63  }
0xf6: {  	_ =	swait.ge [sflag:s7], $0x4000  }
0xf7: {  	s29 =	sld [smem:$0x7FB]  }
0xf8: {  	[sflag:s7] =	ssyncset.done $0x0  }
0xf9: {  	s30 =	sld [smem:$0x7FC];
	[sflag:s7] =	ssyncadd.s32 $0xFFFFC000  }
0xfa: {  	[tilespmem:s15], [sflag:$0x2] =	stream.indirect.gather [hbm4b:s3+s12], $0x80, s29, s12, $0xb8;
	[tilespmem:$0x1D000] =	vst v63  }
0xfb: {  	_ = 	snop  }
0xfc: {  	[tilespmem:s16], [sflag:$0x2] =	stream.indirect.gather [hbm4b:s3+s12], $0x80, s30, s12, $0xb8;
	[tilespmem:$0x1D000] =	vst v63  }
0xfd: {  	_ =	swait.ge [sflag:s17], $0x4000  }
0xfe: {  	s31 =	sld [smem:$0x7FD]  }
0xff: {  	[sflag:s17] =	ssyncset.done $0x0  }
0x100: {  	[sflag:s17] =	ssyncadd.s32 $0xFFFFC000  }
0x101: {  	[spmem:s2] =	stream.indirect.scatter.add.f32 [tilespmem:s6], [sflag:$0x5], $0x80, s31, s14, $0xb8;
	[tilespmem:$0x1D000] =	vst v63  }
0x102: {  	_ =	swait.ge [sflag:s7], $0x4000  }
0x103: {  	[sflag:s7] =	ssyncset.done $0x0  }
0x104: {  	s22 =	simm.s32 @!p0 $0x3;
	[sflag:s7] =	ssyncadd.s32 $0xFFFFC000  }
0x105: {  	_ =	swait.ge @!p0 [sflag:s22], $0x400  }
0x106: {  	[sflag:s22] =	ssyncset.done @!p0 $0x0  }
0x107: {  	[sflag:s22] =	ssyncadd.s32 @!p0 $0xFFFFFC00  }
0x108: {  	_ =	swait.ge @!p0 [sflag:s22], $0x400  }
0x109: {  	p2 =	por $0x0, $0x0;
	[sflag:s22] =	ssyncset.done @!p0 $0x0  }
0x10a: {  	s23 =	simm.s32 @p2 $0x2;
	[sflag:s22] =	ssyncadd.s32 @!p0 $0xFFFFFC00  }
0x10b: {  	_ =	swait.ge @p2 [sflag:s23], $0x4000  }
0x10c: {  	s24 =	simm.s32 @p2 $0x80;
	s25 =	simm.s32 @p2 $0xF80;
	[sflag:s23] =	ssyncset.done @p2 $0x0  }
0x10d: {  	s22 =	simm.s32 @p2 $0x5000;
	[sflag:s23] =	ssyncadd.s32 @p2 $0xFFFFC000;
	s23 =	simm.s32 @p2 $0x5  }
0x10e: {  	[spmem:s2] =	stream.indirect.scatter.add.f32 @p2 [tilespmem:s22], [sflag:$0x5], $0x80, s25, s24, $0xb8;
	[tilespmem:$0x1D000] =	vst v63  }
0x10f: {  	_ =	swait.ge @p2 [sflag:s23], $0x4000  }
0x110: {  	s22 =	simm.s32 @!p2 $0x1000;
	[sflag:s23] =	ssyncset.done @p2 $0x0  }
0x111: {  	s25 =	simm.s32 @!p2 $0x40;
	s24 =	simm.s32 @!p2 $0x0;
	[sflag:s23] =	ssyncadd.s32 @p2 $0xFFFFC000  }
0x112: {  	[tilespmem:s22], [sflag:$0x1] =	stream.indirect.gather @!p2 [hbm4b:s3+s25], $0x80, s24, s25, $0xb8;
	[tilespmem:$0x1D000] =	vst v63  }
0x113: {  	s23 =	simm.s32 @!p2 $0x2;
	s22 =	simm.s32 @!p2 $0x3000  }
0x114: {  	[tilespmem:s22], [sflag:$0x1] =	stream.indirect.gather @!p2 [hbm4b:s3+s25], $0x80, s25, s25, $0xb8;
	[tilespmem:$0x1D000] =	vst v63  }
0x115: {  	_ =	swait.ge @!p2 [sflag:s23], $0x4000  }
0x116: {  	s26 =	simm.s32 @!p2 $0xF80;
	s24 =	simm.s32 @!p2 $0x80;
	[sflag:s23] =	ssyncset.done @!p2 $0x0  }
0x117: {  	s22 =	simm.s32 @!p2 $0x5000;
	[sflag:s23] =	ssyncadd.s32 @!p2 $0xFFFFC000;
	s23 =	simm.s32 @!p2 $0x5  }
0x118: {  	[spmem:s2] =	stream.indirect.scatter.add.f32 @!p2 [tilespmem:s22], [sflag:$0x5], $0x80, s26, s24, $0xb8;
	[tilespmem:$0x1D000] =	vst v63  }
0x119: {  	_ =	swait.ge @!p2 [sflag:s23], $0x4000  }
0x11a: {  	[sflag:s23] =	ssyncset.done @!p2 $0x0  }
0x11b: {  	s28 =	simm.s32 @!p2 $0x7000;
	[sflag:s23] =	ssyncadd.s32 @!p2 $0xFFFFC000  }
0x11c: {  	[tilespmem:s22], [sflag:$0x2] =	stream.indirect.gather @!p2 [hbm4b:s3+s25], $0x80, s24, s25, $0xb8;
	[tilespmem:$0x1D000] =	vst v63  }
0x11d: {  	s26 =	simm.s32 @!p2 $0xC0;
	s23 =	simm.s32 $0x1;
	s22 =	simm.s32 $0x100  }
.LBB2_3:
0x11e: {  	s29 =	sadd.s32 s22, s8;
	s24 =	smov.u32 s22  }
0x11f: {  	[tilespmem:s28], [sflag:$0x2] =	stream.indirect.gather @!p2 [hbm4b:s3+s25], $0x80, s26, s25, $0xb8;
	[tilespmem:$0x1D000] =	vst v63  }
0x120: {  	s30 =	sadd.s32 $0x80, s29;
	s31 =	sadd.s32 s24, s10  }
0x121: {  	[tilespmem:s18], [sflag:$0x4] =	stream.linear.gather [hbm4b:s30+s9], $0x400, $0x38;
	[tilespmem:$0x1D000] =	vst v63  }
0x122: {  	s29 =	sadd.s32 $0x80, s31  }
0x123: {  	[tilespmem:s19], [sflag:$0x4] =	stream.linear.gather [hbm4b:s29+s9], $0x400, $0x38;
	[tilespmem:$0x1D000] =	vst v63  }
0x124: {  	_ =	swait.ge [sflag:s17], $0x4000  }
0x125: {  	[sflag:s17] =	ssyncset.done $0x0  }
0x126: {  	[sflag:s17] =	ssyncadd.s32 $0xFFFFC000  }
0x127: {  	[spmem:s2] =	stream.indirect.scatter.add.f32 [tilespmem:s6], [sflag:$0x5], $0x80, s11, s14, $0xb8;
	[tilespmem:$0x1D000] =	vst v63  }
0x128: {  	_ =	swait.ge [sflag:s7], $0x4000  }
0x129: {  	[sflag:s7] =	ssyncset.done $0x0  }
0x12a: {  	s30 =	rddreg [dreg:$0x3];
	[sflag:s7] =	ssyncadd.s32 $0xFFFFC000  }
0x12b: {  	[tilespmem:s6], [sflag:$0x1] =	stream.indirect.gather [hbm4b:s3+s12], $0x80, s30, s12, $0xb8;
	[tilespmem:$0x1D000] =	vst v63  }
0x12c: {  	s31 =	rddreg [dreg:$0x4]  }
0x12d: {  	[tilespmem:s13], [sflag:$0x1] =	stream.indirect.gather [hbm4b:s3+s12], $0x80, s31, s12, $0xb8;
	[tilespmem:$0x1D000] =	vst v63  }
0x12e: {  	_ =	swait.ge [sflag:s20], $0x4000  }
0x12f: {  	[sflag:s20] =	ssyncset.done $0x0  }
0x130: {  	s29 =	rddreg [dreg:$0x5];
	[sflag:s20] =	ssyncadd.s32 $0xFFFFC000  }
0x131: {  	[spmem:s2] =	stream.indirect.scatter.add.f32 [tilespmem:s15], [sflag:$0x5], $0x80, s29, s14, $0xb8;
	[tilespmem:$0x1D000] =	vst v63  }
0x132: {  	_ =	swait.ge [sflag:s7], $0x4000  }
0x133: {  	[sflag:s7] =	ssyncset.done $0x0  }
0x134: {  	s30 =	rddreg [dreg:$0x6];
	[sflag:s7] =	ssyncadd.s32 $0xFFFFC000  }
0x135: {  	[tilespmem:s15], [sflag:$0x2] =	stream.indirect.gather [hbm4b:s3+s12], $0x80, s30, s12, $0xb8;
	[tilespmem:$0x1D000] =	vst v63  }
0x136: {  	s31 =	rddreg [dreg:$0x7]  }
0x137: {  	[tilespmem:s16], [sflag:$0x2] =	stream.indirect.gather [hbm4b:s3+s12], $0x80, s31, s12, $0xb8;
	[tilespmem:$0x1D000] =	vst v63  }
0x138: {  	_ =	swait.ge [sflag:s17], $0x4000  }
0x139: {  	[sflag:s17] =	ssyncset.done $0x0  }
0x13a: {  	s29 =	rddreg [dreg:$0x8];
	[sflag:s17] =	ssyncadd.s32 $0xFFFFC000  }
0x13b: {  	[spmem:s2] =	stream.indirect.scatter.add.f32 [tilespmem:s6], [sflag:$0x5], $0x80, s29, s14, $0xb8;
	[tilespmem:$0x1D000] =	vst v63  }
0x13c: {  	_ =	swait.ge [sflag:s7], $0x4000  }
0x13d: {  	[sflag:s7] =	ssyncset.done $0x0  }
0x13e: {  	s30 =	rddreg [dreg:$0x9];
	[sflag:s7] =	ssyncadd.s32 $0xFFFFC000  }
0x13f: {  	[tilespmem:s6], [sflag:$0x1] =	stream.indirect.gather [hbm4b:s3+s12], $0x80, s30, s12, $0xb8;
	[tilespmem:$0x1D000] =	vst v63  }
0x140: {  	s31 =	rddreg [dreg:$0xa]  }
0x141: {  	[tilespmem:s13], [sflag:$0x1] =	stream.indirect.gather [hbm4b:s3+s12], $0x80, s31, s12, $0xb8;
	[tilespmem:$0x1D000] =	vst v63  }
0x142: {  	_ =	swait.ge [sflag:s20], $0x4000  }
0x143: {  	[sflag:s20] =	ssyncset.done $0x0  }
0x144: {  	s29 =	rddreg [dreg:$0xb];
	[sflag:s20] =	ssyncadd.s32 $0xFFFFC000  }
0x145: {  	[spmem:s2] =	stream.indirect.scatter.add.f32 [tilespmem:s15], [sflag:$0x5], $0x80, s29, s14, $0xb8;
	[tilespmem:$0x1D000] =	vst v63  }
0x146: {  	_ =	swait.ge [sflag:s7], $0x4000  }
0x147: {  	[sflag:s7] =	ssyncset.done $0x0  }
0x148: {  	s30 =	rddreg [dreg:$0xc];
	[sflag:s7] =	ssyncadd.s32 $0xFFFFC000  }
0x149: {  	[tilespmem:s15], [sflag:$0x2] =	stream.indirect.gather [hbm4b:s3+s12], $0x80, s30, s12, $0xb8;
	[tilespmem:$0x1D000] =	vst v63  }
0x14a: {  	s31 =	rddreg [dreg:$0xd]  }
0x14b: {  	[tilespmem:s16], [sflag:$0x2] =	stream.indirect.gather [hbm4b:s3+s12], $0x80, s31, s12, $0xb8;
	[tilespmem:$0x1D000] =	vst v63  }
0x14c: {  	_ =	swait.ge [sflag:s17], $0x4000  }
0x14d: {  	[sflag:s17] =	ssyncset.done $0x0  }
0x14e: {  	s29 =	rddreg [dreg:$0xe];
	[sflag:s17] =	ssyncadd.s32 $0xFFFFC000  }
0x14f: {  	[spmem:s2] =	stream.indirect.scatter.add.f32 [tilespmem:s6], [sflag:$0x5], $0x80, s29, s14, $0xb8;
	[tilespmem:$0x1D000] =	vst v63  }
0x150: {  	_ =	swait.ge [sflag:s7], $0x4000  }
0x151: {  	[sflag:s7] =	ssyncset.done $0x0  }
0x152: {  	s30 =	rddreg [dreg:$0xf];
	[sflag:s7] =	ssyncadd.s32 $0xFFFFC000  }
0x153: {  	[tilespmem:s6], [sflag:$0x1] =	stream.indirect.gather [hbm4b:s3+s12], $0x80, s30, s12, $0xb8;
	[tilespmem:$0x1D000] =	vst v63  }
0x154: {  	s31 =	rddreg [dreg:$0x10]  }
0x155: {  	[tilespmem:s13], [sflag:$0x1] =	stream.indirect.gather [hbm4b:s3+s12], $0x80, s31, s12, $0xb8;
	[tilespmem:$0x1D000] =	vst v63  }
0x156: {  	_ =	swait.ge [sflag:s20], $0x4000  }
0x157: {  	[sflag:s20] =	ssyncset.done $0x0  }
0x158: {  	s26 =	rddreg [dreg:$0x11];
	[sflag:s20] =	ssyncadd.s32 $0xFFFFC000  }
0x159: {  	[spmem:s2] =	stream.indirect.scatter.add.f32 [tilespmem:s15], [sflag:$0x5], $0x80, s26, s14, $0xb8;
	[tilespmem:$0x1D000] =	vst v63  }
0x15a: {  	_ =	swait.ge [sflag:s7], $0x4000  }
0x15b: {  	[sflag:s7] =	ssyncset.done $0x0  }
0x15c: {  	s29 =	rddreg [dreg:$0x12];
	[sflag:s7] =	ssyncadd.s32 $0xFFFFC000  }
0x15d: {  	[tilespmem:s15], [sflag:$0x2] =	stream.indirect.gather [hbm4b:s3+s12], $0x80, s29, s12, $0xb8;
	[tilespmem:$0x1D000] =	vst v63  }
0x15e: {  	s30 =	rddreg [dreg:$0x13]  }
0x15f: {  	[tilespmem:s16], [sflag:$0x2] =	stream.indirect.gather [hbm4b:s3+s12], $0x80, s30, s12, $0xb8;
	[tilespmem:$0x1D000] =	vst v63  }
0x160: {  	_ =	swait.ge [sflag:s17], $0x4000  }
0x161: {  	[sflag:s17] =	ssyncset.done $0x0  }
0x162: {  	s31 =	rddreg [dreg:$0x14];
	[sflag:s17] =	ssyncadd.s32 $0xFFFFC000  }
0x163: {  	[spmem:s2] =	stream.indirect.scatter.add.f32 [tilespmem:s6], [sflag:$0x5], $0x80, s31, s14, $0xb8;
	[tilespmem:$0x1D000] =	vst v63  }
0x164: {  	_ =	swait.ge [sflag:s7], $0x4000  }
0x165: {  	[sflag:s7] =	ssyncset.done $0x0  }
0x166: {  	[sflag:s7] =	ssyncadd.s32 $0xFFFFC000  }
0x167: {  	_ =	swait.ge [sflag:s21], $0x400  }
0x168: {  	[sflag:s21] =	ssyncset.done $0x0  }
0x169: {  	[sflag:s21] =	ssyncadd.s32 $0xFFFFFC00  }
0x16a: {  	_ =	swait.ge [sflag:s21], $0x400  }
0x16b: {  	[sflag:s21] =	ssyncset.done $0x0  }
0x16c: {  	[sflag:s21] =	ssyncadd.s32 $0xFFFFFC00  }
0x16d: {  	[tilespmem:s6], [sflag:$0x1] =	stream.indirect.gather [hbm4b:s3+s12], $0x80, s18, s12, $0xb8;
	[tilespmem:$0x1D000] =	vst v63  }
0x16e: {  	s26 =	rddreg [dreg:$0x15]  }
0x16f: {  	[tilespmem:s13], [sflag:$0x1] =	stream.indirect.gather [hbm4b:s3+s12], $0x80, s26, s12, $0xb8;
	[tilespmem:$0x1D000] =	vst v63  }
0x170: {  	_ =	swait.ge [sflag:s20], $0x4000  }
0x171: {  	[sflag:s20] =	ssyncset.done $0x0  }
0x172: {  	s29 =	rddreg [dreg:$0x16];
	[sflag:s20] =	ssyncadd.s32 $0xFFFFC000  }
0x173: {  	[spmem:s2] =	stream.indirect.scatter.add.f32 [tilespmem:s15], [sflag:$0x5], $0x80, s29, s14, $0xb8;
	[tilespmem:$0x1D000] =	vst v63  }
0x174: {  	_ =	swait.ge [sflag:s7], $0x4000  }
0x175: {  	[sflag:s7] =	ssyncset.done $0x0  }
0x176: {  	p1 =	seq.s32 s24, $0x900;
	s30 =	rddreg [dreg:$0x17];
	[sflag:s7] =	ssyncadd.s32 $0xFFFFC000  }
0x177: {  	[tilespmem:s15], [sflag:$0x2] =	stream.indirect.gather [hbm4b:s3+s12], $0x80, s30, s12, $0xb8;
	[tilespmem:$0x1D000] =	vst v63  }
0x178: {  	s25 =	sadd.s32 @!p1 s24, s8;
	s31 =	rddreg [dreg:$0x18]  }
0x179: {  	[tilespmem:s16], [sflag:$0x2] =	stream.indirect.gather [hbm4b:s3+s12], $0x80, s31, s12, $0xb8;
	[tilespmem:$0x1D000] =	vst v63  }
0x17a: {  	s24 =	sadd.s32 @!p1 s24, s10;
	s25 =	sadd.s32 @!p1 $0x100, s25;
	s26 =	simm.s32 @!p1 $0x0  }
0x17b: {  	[tilespmem:s26], [sflag:$0x3] =	stream.linear.gather @!p1 [hbm4b:s25+s26], $0x400, $0x38;
	[tilespmem:$0x1D000] =	vst v63  }
0x17c: {  	s28 =	simm.s32 @!p1 $0x800;
	s24 =	sadd.s32 @!p1 $0x100, s24  }
0x17d: {  	[tilespmem:s28], [sflag:$0x3] =	stream.linear.gather @!p1 [hbm4b:s24+s26], $0x400, $0x38;
	[tilespmem:$0x1D000] =	vst v63  }
0x17e: {  	_ =	swait.ge [sflag:s17], $0x4000  }
0x17f: {  	[sflag:s17] =	ssyncset.done $0x0  }
0x180: {  	[sflag:s17] =	ssyncadd.s32 $0xFFFFC000  }
0x181: {  	[spmem:s2] =	stream.indirect.scatter.add.f32 [tilespmem:s6], [sflag:$0x5], $0x80, s19, s14, $0xb8;
	[tilespmem:$0x1D000] =	vst v63  }
0x182: {  	_ =	swait.ge [sflag:s7], $0x4000  }
0x183: {  	[sflag:s7] =	ssyncset.done $0x0  }
0x184: {  	s25 =	rddreg [dreg:$0x19];
	[sflag:s7] =	ssyncadd.s32 $0xFFFFC000  }
0x185: {  	[tilespmem:s6], [sflag:$0x1] =	stream.indirect.gather [hbm4b:s3+s12], $0x80, s25, s12, $0xb8;
	[tilespmem:$0x1D000] =	vst v63  }
0x186: {  	s26 =	rddreg [dreg:$0x1a]  }
0x187: {  	[tilespmem:s13], [sflag:$0x1] =	stream.indirect.gather [hbm4b:s3+s12], $0x80, s26, s12, $0xb8;
	[tilespmem:$0x1D000] =	vst v63  }
0x188: {  	_ =	swait.ge [sflag:s20], $0x4000  }
0x189: {  	[sflag:s20] =	ssyncset.done $0x0  }
0x18a: {  	s29 =	rddreg [dreg:$0x1b];
	[sflag:s20] =	ssyncadd.s32 $0xFFFFC000  }
0x18b: {  	[spmem:s2] =	stream.indirect.scatter.add.f32 [tilespmem:s15], [sflag:$0x5], $0x80, s29, s14, $0xb8;
	[tilespmem:$0x1D000] =	vst v63  }
0x18c: {  	_ =	swait.ge [sflag:s7], $0x4000  }
0x18d: {  	[sflag:s7] =	ssyncset.done $0x0  }
0x18e: {  	s30 =	rddreg [dreg:$0x1c];
	[sflag:s7] =	ssyncadd.s32 $0xFFFFC000  }
0x18f: {  	[tilespmem:s15], [sflag:$0x2] =	stream.indirect.gather [hbm4b:s3+s12], $0x80, s30, s12, $0xb8;
	[tilespmem:$0x1D000] =	vst v63  }
0x190: {  	s31 =	rddreg [dreg:$0x1d]  }
0x191: {  	[tilespmem:s16], [sflag:$0x2] =	stream.indirect.gather [hbm4b:s3+s12], $0x80, s31, s12, $0xb8;
	[tilespmem:$0x1D000] =	vst v63  }
0x192: {  	_ =	swait.ge [sflag:s17], $0x4000  }
0x193: {  	[sflag:s17] =	ssyncset.done $0x0  }
0x194: {  	s26 =	rddreg [dreg:$0x1e];
	[sflag:s17] =	ssyncadd.s32 $0xFFFFC000  }
0x195: {  	[spmem:s2] =	stream.indirect.scatter.add.f32 [tilespmem:s6], [sflag:$0x5], $0x80, s26, s14, $0xb8;
	[tilespmem:$0x1D000] =	vst v63  }
0x196: {  	_ =	swait.ge [sflag:s7], $0x4000  }
0x197: {  	[sflag:s7] =	ssyncset.done $0x0;
	s29 =	rddreg [dreg:$0x1f]  }
0x198: {  	s30 =	sld [smem:$0x7F3];
	[sflag:s7] =	ssyncadd.s32 $0xFFFFC000  }
0x199: {  	[tilespmem:s6], [sflag:$0x1] =	stream.indirect.gather [hbm4b:s3+s12], $0x80, s29, s12, $0xb8;
	[tilespmem:$0x1D000] =	vst v63  }
0x19a: {  	_ = 	snop  }
0x19b: {  	[tilespmem:s13], [sflag:$0x1] =	stream.indirect.gather [hbm4b:s3+s12], $0x80, s30, s12, $0xb8;
	[tilespmem:$0x1D000] =	vst v63  }
0x19c: {  	_ =	swait.ge [sflag:s20], $0x4000  }
0x19d: {  	s31 =	sld [smem:$0x7F4]  }
0x19e: {  	[sflag:s20] =	ssyncset.done $0x0  }
0x19f: {  	[sflag:s20] =	ssyncadd.s32 $0xFFFFC000  }
0x1a0: {  	[spmem:s2] =	stream.indirect.scatter.add.f32 [tilespmem:s15], [sflag:$0x5], $0x80, s31, s14, $0xb8;
	[tilespmem:$0x1D000] =	vst v63  }
0x1a1: {  	_ =	swait.ge [sflag:s7], $0x4000  }
0x1a2: {  	s25 =	sld [smem:$0x7F5]  }
0x1a3: {  	[sflag:s7] =	ssyncset.done $0x0  }
0x1a4: {  	s26 =	sld [smem:$0x7F6];
	[sflag:s7] =	ssyncadd.s32 $0xFFFFC000  }
0x1a5: {  	[tilespmem:s15], [sflag:$0x2] =	stream.indirect.gather [hbm4b:s3+s12], $0x80, s25, s12, $0xb8;
	[tilespmem:$0x1D000] =	vst v63  }
0x1a6: {  	_ = 	snop  }
0x1a7: {  	[tilespmem:s16], [sflag:$0x2] =	stream.indirect.gather [hbm4b:s3+s12], $0x80, s26, s12, $0xb8;
	[tilespmem:$0x1D000] =	vst v63  }
0x1a8: {  	_ =	swait.ge [sflag:s17], $0x4000  }
0x1a9: {  	s29 =	sld [smem:$0x7F7]  }
0x1aa: {  	[sflag:s17] =	ssyncset.done $0x0  }
0x1ab: {  	[sflag:s17] =	ssyncadd.s32 $0xFFFFC000  }
0x1ac: {  	[spmem:s2] =	stream.indirect.scatter.add.f32 [tilespmem:s6], [sflag:$0x5], $0x80, s29, s14, $0xb8;
	[tilespmem:$0x1D000] =	vst v63  }
0x1ad: {  	_ =	swait.ge [sflag:s7], $0x4000  }
0x1ae: {  	s30 =	sld [smem:$0x7F8]  }
0x1af: {  	[sflag:s7] =	ssyncset.done $0x0  }
0x1b0: {  	s31 =	sld [smem:$0x7F9];
	[sflag:s7] =	ssyncadd.s32 $0xFFFFC000  }
0x1b1: {  	[tilespmem:s6], [sflag:$0x1] =	stream.indirect.gather [hbm4b:s3+s12], $0x80, s30, s12, $0xb8;
	[tilespmem:$0x1D000] =	vst v63  }
0x1b2: {  	_ = 	snop  }
0x1b3: {  	[tilespmem:s13], [sflag:$0x1] =	stream.indirect.gather [hbm4b:s3+s12], $0x80, s31, s12, $0xb8;
	[tilespmem:$0x1D000] =	vst v63  }
0x1b4: {  	_ =	swait.ge [sflag:s20], $0x4000  }
0x1b5: {  	s26 =	sld [smem:$0x7FA]  }
0x1b6: {  	[sflag:s20] =	ssyncset.done $0x0  }
0x1b7: {  	[sflag:s20] =	ssyncadd.s32 $0xFFFFC000  }
0x1b8: {  	[spmem:s2] =	stream.indirect.scatter.add.f32 [tilespmem:s15], [sflag:$0x5], $0x80, s26, s14, $0xb8;
	[tilespmem:$0x1D000] =	vst v63  }
0x1b9: {  	_ =	swait.ge [sflag:s7], $0x4000  }
0x1ba: {  	s29 =	sld [smem:$0x7FB]  }
0x1bb: {  	[sflag:s7] =	ssyncset.done $0x0  }
0x1bc: {  	s30 =	sld [smem:$0x7FC];
	[sflag:s7] =	ssyncadd.s32 $0xFFFFC000  }
0x1bd: {  	[tilespmem:s15], [sflag:$0x2] =	stream.indirect.gather [hbm4b:s3+s12], $0x80, s29, s12, $0xb8;
	[tilespmem:$0x1D000] =	vst v63  }
0x1be: {  	_ = 	snop  }
0x1bf: {  	[tilespmem:s16], [sflag:$0x2] =	stream.indirect.gather [hbm4b:s3+s12], $0x80, s30, s12, $0xb8;
	[tilespmem:$0x1D000] =	vst v63  }
0x1c0: {  	_ =	swait.ge [sflag:s17], $0x4000  }
0x1c1: {  	s31 =	sld [smem:$0x7FD]  }
0x1c2: {  	[sflag:s17] =	ssyncset.done $0x0  }
0x1c3: {  	[sflag:s17] =	ssyncadd.s32 $0xFFFFC000  }
0x1c4: {  	[spmem:s2] =	stream.indirect.scatter.add.f32 [tilespmem:s6], [sflag:$0x5], $0x80, s31, s14, $0xb8;
	[tilespmem:$0x1D000] =	vst v63  }
0x1c5: {  	_ =	swait.ge [sflag:s7], $0x4000  }
0x1c6: {  	[sflag:s7] =	ssyncset.done $0x0  }
0x1c7: {  	s24 =	simm.s32 @!p1 $0x3;
	[sflag:s7] =	ssyncadd.s32 $0xFFFFC000  }
0x1c8: {  	_ =	swait.ge @!p1 [sflag:s24], $0x400  }
0x1c9: {  	[sflag:s24] =	ssyncset.done @!p1 $0x0  }
0x1ca: {  	[sflag:s24] =	ssyncadd.s32 @!p1 $0xFFFFFC00  }
0x1cb: {  	s23 =	sadd.s32 $0x2, s23;
	_ =	swait.ge @!p1 [sflag:s24], $0x400  }
0x1cc: {  	p2 =	sgt.u32 s23, $0x12;
	[sflag:s24] =	ssyncset.done @!p1 $0x0  }
0x1cd: {  	s25 =	simm.s32 @p2 $0x2;
	[sflag:s24] =	ssyncadd.s32 @!p1 $0xFFFFFC00  }
0x1ce: {  	_ =	swait.ge @p2 [sflag:s25], $0x4000  }
0x1cf: {  	s28 =	simm.s32 @p2 $0xF80;
	s26 =	simm.s32 @p2 $0x80;
	[sflag:s25] =	ssyncset.done @p2 $0x0  }
0x1d0: {  	s29 =	simm.s32 @p2 $0x5;
	s24 =	simm.s32 @p2 $0x5000;
	[sflag:s25] =	ssyncadd.s32 @p2 $0xFFFFC000  }
0x1d1: {  	[spmem:s2] =	stream.indirect.scatter.add.f32 @p2 [tilespmem:s24], [sflag:$0x5], $0x80, s28, s26, $0xb8;
	[tilespmem:$0x1D000] =	vst v63  }
0x1d2: {  	_ =	swait.ge @p2 [sflag:s29], $0x4000  }
0x1d3: {  	s25 =	simm.s32 @!p2 $0x40;
	[sflag:s29] =	ssyncset.done @p2 $0x0  }
0x1d4: {  	s24 =	simm.s32 @!p2 $0x1000;
	s26 =	simm.s32 @!p2 $0x0;
	[sflag:s29] =	ssyncadd.s32 @p2 $0xFFFFC000  }
0x1d5: {  	[tilespmem:s24], [sflag:$0x1] =	stream.indirect.gather @!p2 [hbm4b:s3+s25], $0x80, s26, s25, $0xb8;
	[tilespmem:$0x1D000] =	vst v63  }
0x1d6: {  	s28 =	simm.s32 @!p2 $0x3000;
	s24 =	simm.s32 @!p2 $0x2  }
0x1d7: {  	[tilespmem:s28], [sflag:$0x1] =	stream.indirect.gather @!p2 [hbm4b:s3+s25], $0x80, s25, s25, $0xb8;
	[tilespmem:$0x1D000] =	vst v63  }
0x1d8: {  	s22 =	sadd.s32 $0x100, s22;
	_ =	swait.ge @!p2 [sflag:s24], $0x4000  }
0x1d9: {  	p0 =	sne.s32 s22, $0xA00;
	s30 =	simm.s32 @!p2 $0x80;
	[sflag:s24] =	ssyncset.done @!p2 $0x0  }
0x1da: {  	s29 =	simm.s32 @!p2 $0x5000;
	s26 =	simm.s32 @!p2 $0xF80;
	[sflag:s24] =	ssyncadd.s32 @!p2 $0xFFFFC000  }
0x1db: {  	[spmem:s2] =	stream.indirect.scatter.add.f32 @!p2 [tilespmem:s29], [sflag:$0x5], $0x80, s26, s30, $0xb8;
	[tilespmem:$0x1D000] =	vst v63  }
.Ltmp1:
0x1dc: {  	s24 =	simm.s32 @!p2 $0x5;
	(pc) =	sbr.rel @p0 .LBB2_3-.Ltmp1, $4  }
0x1dd: {  	_ =	swait.ge @!p2 [sflag:s24], $0x4000  }
0x1de: {  	[sflag:s24] =	ssyncset.done @!p2 $0x0  }
0x1df: {  	s28 =	simm.s32 @!p2 $0x7000;
	s26 =	simm.s32 @!p2 $0xC0;
	[sflag:s24] =	ssyncadd.s32 @!p2 $0xFFFFC000  }
0x1e0: {  	[tilespmem:s29], [sflag:$0x2] =	stream.indirect.gather @!p2 [hbm4b:s3+s25], $0x80, s30, s25, $0xb8;
	[tilespmem:$0x1D000] =	vst v63  }
0x1e1: {  	s2 =	smul.u32 $0x2800, s1  }
0x1e2: {  	[tilespmem:s28], [sflag:$0x2] =	stream.indirect.gather @!p2 [hbm4b:s3+s25], $0x80, s26, s25, $0xb8;
	[tilespmem:$0x1D000] =	vst v63  }
0x1e3: {  	s29 =	sshll.u32 s1, $0x6;
	s30 =	sshrl.u32 s5, $0x3;
	s31 =	simm.s32 $0x5  }
0x1e4: {  	[bflag:$0x0] =	sbarrier.arrive $0xFFFF;
	s3 =	sor.u32 $0x1C05, s29;
	s2 =	sadd.s32 s4, s2  }
0x1e5: {  	[hbm:s2], [sflag:s3] =	dma.local [spmem:s30], $0x2800  }
0x1e6: {  	_ =	swait.ge [sflag:s31], $0x2800  }
0x1e7: {  	[sflag:s31] =	ssyncset.done $0x0  }
0x1e8: {  	[sflag:s31] =	ssyncadd.s32 $0xFFFFD800  }
0x1e9: {  	_ =	sfence.sel $0x180000  }
0x1ea: {  	[bflag:$0x0] =	sbarrier.arrive $0xFFFF  }
0x1eb: {  	p0 =	sne.s32 s1, $0x0;
	_ =	strace $0x9000004D  }
0x1ec: {  	s0 =	sadd.s32 @!p0 $0x100000, s0;
	[bflag:$0x2] =	sbarrier.arrive $0xFFFF  }
0x1ed: {  	[sflag:s0] =	ssyncadd.tile.s32 @!p0 $0x1;
	_ =	shalt  }
.Lfunc_end2:
_tile_overlayer_lowered:
.L_overlay_start_2:
0x1ee: {  	(tag) =	ssettag $0x2  }
0x1ef: {  	s0 =	rddreg [dreg:$0x0];
	s2 =	stileid.u32  }
0x1f0: {  	s1 =	rddreg [dreg:$0x1];
	p0 =	sne.s32 s2, $0x0  }
0x1f1: {  	s3 =	rddreg [dreg:$0x2];
	[bflag:$0x3] =	sbarrier.arrive $0xFFFF;
	s2 =	simm.s32 @!p0 $0x1C05  }
0x1f2: {  	[timem:s3], [sflag:s2] =	dma.local @!p0 [hbm:s0], s1  }
0x1f3: {  	s0 =	simm.s32 @!p0 $0x5  }
0x1f4: {  	_ =	swait.ge @!p0 [sflag:s0], s1  }
0x1f5: {  	s1 =	ssub.s32 @!p0 $0x0, s1;
	[sflag:s0] =	ssyncset.done @!p0 $0x0  }
0x1f6: {  	[sflag:s0] =	ssyncadd.s32 @!p0 s1  }
0x1f7: {  	[bflag:$0x3] =	sbarrier.arrive $0xFFFF  }
0x1f8: {  	_ =	shalt  }

// kernel: kernel.8.cloned.1.call-start
scs
__scs_entry_jumppad:
0x0: {  	(pc) =	sbr.rel $0x88, $3  }
0x1: {  	(tag) =	ssettag $0x0;
	lr =	simm.s32 $0x1  }
0x2: {  	[smem:$0x3F96] =	sst lr;
	_ =	strace $0xD0000000  }
0x3: {  	_ = 	snop  }
0x4: {  	_ = 	snop  }
0x5: {  	_ = 	snop  }
0x6: {  	_ = 	snop  }
0x7: {  	_ = 	snop  }
__scs_overlays_trampoline_lowered:
0x8: {  	[smem:$0x3FA5] =	sst s0  }
0x9: {  	[smem:$0x3FA6] =	sst s1  }
0xa: {  	[smem:$0x3FA7] =	sst s2  }
0xb: {  	[smem:$0x3FA8] =	sst s3  }
0xc: {  	[smem:$0x3FA9] =	sst s4  }
0xd: {  	[smem:$0x3FAA] =	sst s5  }
0xe: {  	[smem:$0x3FAB] =	sst s6  }
0xf: {  	[smem:$0x3FAC] =	sst s7  }
0x10: {  	[smem:$0x3FAD] =	sst s8  }
0x11: {  	[smem:$0x3FAE] =	sst s9;
	s0 =	simm.s32 @!p0 $0x0  }
0x12: {  	s1 =	sld [smem:$0x3F94];
	s0 =	simm.s32 @p0 $0x1  }
0x13: {  	[smem:$0x3FAF] =	sst s0;
	s0 =	simm.s32 @!p1 $0x0  }
0x14: {  	s2 =	sld [smem:$0x3F93];
	s0 =	simm.s32 @p1 $0x1  }
0x15: {  	[smem:$0x3FB0] =	sst s0;
	s0 =	simm.s32 @!p2 $0x0  }
0x16: {  	s3 =	sld [smem:$0x3FDB];
	s0 =	simm.s32 @p2 $0x1  }
0x17: {  	s4 =	simm.s32 $0x1BF5;
	[smem:$0x3FB2] =	sst s0  }
0x18: {  	s0 =	sld [smem:$0x3F95];
	_ =	swait.ge [sflag:s4], $0x0  }
0x19: {  	s7 =	sld [smem:$0x3F96]  }
0x1a: {  	s8 =	sadd.s32 $0xFFFFE003, lr  }
0x1b: {  	s9 =	sadd.s32 $0xFFFFFEF7, lr;
	s5 =	simm.s32 $0xFFFFFFFF;
	p2 =	slt.u32 s8, $0xFFFFF086  }
0x1c: {  	p1 =	slt.u32 s9, $0xF7A;
	s5 =	simm.s32 @!p2 $0x0  }
0x1d: {  	s5 =	simm.s32 @p1 $0x1;
	p0 =	seq.s32 s7, s2  }
0x1e: {  	s7 =	smul.u32 @!p0 $0xF7A, s2;
	p2 =	seq.s32 @!p0 s5, $0x0  }
0x1f: {  	s9 =	smul.u32 $0xF7A, s1;
	s8 =	simm.s32 @!p0 $0x1BF5;
	p2 =	por !p2, p0  }
0x20: {  	[sflag:s8] =	ssyncset.s32 @!p0 $0xFFFFF086;
	s6 =	sadd.s32 @!p0 s3, s7;
	s7 =	simm.s32 @!p0 $0x108  }
0x21: {  	s3 =	sadd.s32 s3, s9;
	s6 =	sadd.s32 @!p0 $0x88, s6;
	s7 =	simm.s32 @p2 $0x1082  }
0x22: {  	[simem:s7], [sflag:s8] =	dma.local @!p0 [hbm:s6], $0xF7A  }
0x23: {  	s9 =	sor.u32 $0xD0000000, s2;
	s6 =	simm.s32 $0x108;
	_ =	swait.ge @!p0 [sflag:s8], $0x0  }
0x24: {  	s3 =	sadd.s32 $0x88, s3;
	s6 =	simm.s32 @!p1 $0x1082;
	[sflag:s4] =	ssyncset.s32 $0xFFFFF086  }
0x25: {  	[simem:s6], [sflag:s4] =	dma.local [hbm:s3], $0xF7A  }
0x26: {  	[smem:$0x3F96] =	sst s1;
	(tag) =	ssettag s2;
	_ =	strace s9  }
0x27: {  	s1 =	sld [smem:$0x3FA6]  }
0x28: {  	s2 =	sld [smem:$0x3FA7]  }
0x29: {  	s4 =	sld [smem:$0x3FA9]  }
0x2a: {  	p0 =	seq.s32 s5, $0x0;
	s5 =	sld [smem:$0x3FAA]  }
0x2b: {  	s6 =	sld [smem:$0x3FAB]  }
0x2c: {  	s7 =	sld [smem:$0x3FAC]  }
0x2d: {  	s3 =	simm.s32 $0x108;
	s8 =	sld [smem:$0x3FAD]  }
0x2e: {  	s3 =	simm.s32 @!p0 $0x1082;
	s9 =	sld [smem:$0x3FAE]  }
0x2f: {  	lr =	sadd.s32 s0, s3;
	s0 =	sld [smem:$0x3FA5]  }
0x30: {  	s3 =	sld [smem:$0x3FA8]  }
0x31: {  	[smem:$0x3FB1] =	sst s10  }
0x32: {  	s10 =	sld [smem:$0x3FAF];
	_ =	sdelay $0x3  }
0x33: {  	p0 =	seq.s32 s10, $0x1;
	s10 =	sld [smem:$0x3FB1];
	_ =	sdelay $0x3  }
0x34: {  	[smem:$0x3FB1] =	sst s10  }
0x35: {  	s10 =	sld [smem:$0x3FB0];
	_ =	sdelay $0x3  }
0x36: {  	p1 =	seq.s32 s10, $0x1;
	s10 =	sld [smem:$0x3FB1];
	_ =	sdelay $0x3  }
0x37: {  	[smem:$0x3FB1] =	sst s10  }
0x38: {  	s10 =	sld [smem:$0x3FB2]  }
0x39: {  	_ = 	snop;
	(pc) =	sbr.ind lr, $3  }
0x3a: {  	_ = 	snop  }
0x3b: {  	_ = 	snop  }
0x3c: {  	p2 =	seq.s32 s10, $0x1;
	s10 =	sld [smem:$0x3FB1]  }
0x3d: {  	_ =	shalt  }
0x3e: {  	_ =	shalt  }
0x3f: {  	_ =	shalt  }
0x40: {  	_ =	shalt  }
0x41: {  	_ =	shalt  }
0x42: {  	_ =	shalt  }
0x43: {  	_ =	shalt  }
0x44: {  	_ =	shalt  }
0x45: {  	_ =	shalt  }
0x46: {  	_ =	shalt  }
0x47: {  	_ =	shalt  }
0x48: {  	_ =	shalt  }
0x49: {  	_ =	shalt  }
0x4a: {  	_ =	shalt  }
0x4b: {  	_ =	shalt  }
0x4c: {  	_ =	shalt  }
0x4d: {  	_ =	shalt  }
0x4e: {  	_ =	shalt  }
0x4f: {  	_ =	shalt  }
0x50: {  	_ =	shalt  }
0x51: {  	_ =	shalt  }
0x52: {  	_ =	shalt  }
0x53: {  	_ =	shalt  }
0x54: {  	_ =	shalt  }
0x55: {  	_ =	shalt  }
0x56: {  	_ =	shalt  }
0x57: {  	_ =	shalt  }
0x58: {  	_ =	shalt  }
0x59: {  	_ =	shalt  }
0x5a: {  	_ =	shalt  }
0x5b: {  	_ =	shalt  }
0x5c: {  	_ =	shalt  }
0x5d: {  	_ =	shalt  }
0x5e: {  	_ =	shalt  }
0x5f: {  	_ =	shalt  }
0x60: {  	_ =	shalt  }
0x61: {  	_ =	shalt  }
0x62: {  	_ =	shalt  }
0x63: {  	_ =	shalt  }
0x64: {  	_ =	shalt  }
0x65: {  	_ =	shalt  }
0x66: {  	_ =	shalt  }
0x67: {  	_ =	shalt  }
0x68: {  	_ =	shalt  }
0x69: {  	_ =	shalt  }
0x6a: {  	_ =	shalt  }
0x6b: {  	_ =	shalt  }
0x6c: {  	_ =	shalt  }
0x6d: {  	_ =	shalt  }
0x6e: {  	_ =	shalt  }
0x6f: {  	_ =	shalt  }
0x70: {  	_ =	shalt  }
0x71: {  	_ =	shalt  }
0x72: {  	_ =	shalt  }
0x73: {  	_ =	shalt  }
0x74: {  	_ =	shalt  }
0x75: {  	_ =	shalt  }
0x76: {  	_ =	shalt  }
0x77: {  	_ =	shalt  }
0x78: {  	_ =	shalt  }
0x79: {  	_ =	shalt  }
0x7a: {  	_ =	shalt  }
0x7b: {  	_ =	shalt  }
0x7c: {  	_ =	shalt  }
0x7d: {  	_ =	shalt  }
0x7e: {  	_ =	shalt  }
0x7f: {  	_ =	shalt  }
0x80: {  	_ =	shalt  }
0x81: {  	_ =	shalt  }
0x82: {  	_ =	shalt  }
0x83: {  	_ =	shalt  }
0x84: {  	_ =	shalt  }
0x85: {  	_ =	shalt  }
0x86: {  	_ =	shalt  }
0x87: {  	_ =	shalt  }
.Lfunc_end0:
.L_simem_size_0:
called_computation_lowered:
.L_overlay_start_0:
0x88: {  	s0 =	sld [smem:$0x3FD9]  }
0x89: {  	s1 =	sld [smem:$0x3FFE];
	_ =	sdelay $0x3  }
0x8a: {  	s0 =	sadd.s32 s1, s0  }
0x8b: {  	[smem:$0x3FBD] =	sst s0  }
0x8c: {  	_ = 	snop  }
0x8d: {  	(tm) =	ssettm $0x1  }
0x8e: {  	s15 =	sld [smem:$0x3FFB];
	_ =	sdelay $0x3  }
0x8f: {  	_ =	strace s15  }
0x90: {  	s0 =	sld [smem:$0x3FFC];
	_ =	sdelay $0x3  }
0x91: {  	_ =	strace s0  }
0x92: {  	s0 =	sld [smem:$0x3FFD];
	_ =	sdelay $0x3  }
0x93: {  	_ =	strace s0  }
0x94: {  	_ =	strace $0x8FFFFFFF  }
0x95: {  	s16 =	sld [smem:$0x3FDB];
	_ =	sdelay $0x1  }
0x96: {  	s17 =	simm.s32 $_scs_section_size  }
0x97: {  	s2 =	simm.s32 $_size__tile_overlayer_lowered;
	s3 =	simm.s32 $_tile_overlayer_lowered  }
0x98: {  	s20 =	simm.s32 $0x1BFF;
	s19 =	sshll.u32 s3, $0x1;
	s0 =	sadd.s32 s17, s16  }
0x99: {  	s4 =	simm.s32 $0x0;
	s18 =	sshll.u32 s2, $0x1;
	s2 =	sadd.s32 s19, s0  }
0x9a: {  	[timem:s4], [sflag:s20] =	dma.local [hbm:s2], s18  }
0x9b: {  	_ =	swait.ge [sflag:s20], s18  }
0x9c: {  	s1 =	ssub.s32 $0x0, s18;
	[sflag:s20] =	ssyncset.done $0x0  }
0x9d: {  	[sflag:s20] =	ssyncadd.s32 s1;
	_ =	sdelay $0x1  }
0x9e: {  	s21 =	simm.s32 $0x1B8B  }
0x9f: {  	_ =	swait.ge [sflag:s21], $0x1  }
0xa0: {  	[sflag:s21] =	ssyncset.done $0x0  }
0xa1: {  	s23 =	simm.s32 $0x1B8E;
	s22 =	sld [smem:$0x3FFE];
	[sflag:s21] =	ssyncadd.s32 $0xFFFFFFFF  }
0xa2: {  	s24 =	simm.s32 $execute0_lowered;
	[smem:$0x3FD2] =	sst s23  }
0xa3: {  	s2 =	sshll.u32 s24, $0x1;
	_ =	strace $0x80000046;
	[dreg:$0x1] =	wrdreg $0xFFFFFFFF  }
0xa4: {  	s25 =	simm.s32 $_size_execute0_lowered;
	s0 =	sadd.s32 s0, s2;
	[dreg:$0x0] =	wrdreg $0x0  }
0xa5: {  	s2 =	sshll.u32 s25, $0x1;
	[dreg:$0x2] =	wrdreg s0  }
0xa6: {  	[dreg:$0x3] =	wrdreg s2  }
0xa7: {  	[dreg:$0x4] =	wrdreg $0xC0  }
0xa8: {  	_ =	task [dreg:s4], $0x5FFFF  }
0xa9: {  	[dreg:$0x1] =	wrdreg $0xFFFFFFFF  }
0xaa: {  	[dreg:$0x0] =	wrdreg $0x60  }
0xab: {  	[dreg:$0x2] =	wrdreg s22  }
0xac: {  	[dreg:$0x3] =	wrdreg $0x90000  }
0xad: {  	[dreg:$0x4] =	wrdreg $0x9  }
0xae: {  	_ =	task.clear_ibuf [dreg:s4], $0x5FFFF;
	_ =	strace $0x90000046  }
0xaf: {  	s26 =	simm.s32 $0x9;
	_ =	strace $0x80000048  }
0xb0: {  	_ =	swait.ge [sflag:s26], $0x1  }
0xb1: {  	[sflag:s26] =	ssyncadd.s32 $0xFFFFFFFF  }
0xb2: {  	_ =	strace $0x90000048  }
0xb3: {  	_ =	sfence  }
0xb4: {  	s28 =	sld [smem:$0x0];
	_ =	sdelay $0x1  }
0xb5: {  	s29 =	srdreg.scid  }
0xb6: {  	s30 =	sshll.u32 s29, $0xD;
	s31 =	sshrl.u32 s29, $0x2  }
0xb7: {  	s1 =	sand.u32 $0x1, s29;
	s2 =	sand.u32 $0x4000, s30;
	s0 =	sadd.s32 s31, s28  }
0xb8: {  	s1 =	sor.u32 s2, s1;
	s0 =	sshll.u32 s0, $0x11  }
0xb9: {  	s0 =	sor.u32 s0, s1  }
0xba: {  	s0 =	sadd.s32 $0x8F2B, s0  }
0xbb: {  	[sflag:s0] =	ssyncadd.remote.s32 $0x1  }
0xbc: {  	_ =	sfence.sel $0xFFFF  }
0xbd: {  	[dreg:$0x0] =	wrdreg $0xFFFFFFFF;
	(pc) =	sbr.abs _section_cstart, $3  }
0xbe: {  	[dreg:$0x1] =	wrdreg $0xFFFFFFFF  }
0xbf: {  	_ =	task.clear_ibuf [dreg:s4], $0x2FFFF;
	_ =	strace $0x9FFFFFFF  }
0xc0: {  	(tm) =	ssettm $0x7FFFFFFF  }
0xc1: {  	_ =	shalt  }
tec
execute0_lowered:
.L_overlay_start_1:
0x0: {  	(tag) =	ssettag $0x1  }
0x1: {  	s3 =	rddreg [dreg:$0x0];
	s0 =	stileid.u32  }
0x2: {  	s2 =	rddreg [dreg:$0x1];
	s4 =	smul.u32 $0xA00, s0  }
0x3: {  	s1 =	rddreg [dreg:$0x2];
	s5 =	simm.s32 $0x0  }
0x4: {  	[smem:$0x7FF] =	sst s5;
	s4 =	sadd.s32 s4, s3  }
0x5: {  	s31 =	simm.s32 $0x1;
	_ =	strace $0x80000047;
	s4 =	sadd.s32 $0xDE00, s4  }
0x6: {  	[tilespmem:s5], [sflag:$0x1] =	stream.linear.gather [hbm4b:s4+s5], $0x5000, $0x38;
	[tilespmem:$0x1D000] =	vst v63  }
0x7: {  	_ =	swait.ge [sflag:s31], $0x5000  }
0x8: {  	s3 =	sadd.s32 $0x17E00, s3;
	[sflag:s31] =	ssyncset.done $0x0  }
0x9: {  	v0 =	vimm.f32 $0.0e+00;
	s4 =	simm.s32 $0x0;
	s5 =	simm.s32 $0x200;
	[sflag:s31] =	ssyncadd.s32 $0xFFFFB000  }
.LBB2_1:
0xa: {  	p0 =	sne.s32 s5, $0xFE00;
	[tilespmem:s4+$0x5070] =	vst v0  }
0xb: {  	[tilespmem:s4+$0x5000] =	vst v0  }
0xc: {  	[tilespmem:s4+$0x5010] =	vst v0  }
.Ltmp0:
0xd: {  	[tilespmem:s4+$0x5020] =	vst v0;
	(pc) =	sbr.rel @p0 .LBB2_1-.Ltmp0, $4  }
0xe: {  	[tilespmem:s4+$0x5030] =	vst v0  }
0xf: {  	[tilespmem:s4+$0x5040] =	vst v0  }
0x10: {  	[tilespmem:s4+$0x5050] =	vst v0  }
0x11: {  	[tilespmem:s4+$0x5060] =	vst v0;
	s4 =	sshra.s32 s5, $0x2;
	s5 =	sadd.s32 $0x200, s5  }
0x12: {  	[tilespmem:s4+$0x5070] =	vst v0  }
0x13: {  	[tilespmem:s4+$0x5000] =	vst v0  }
0x14: {  	[tilespmem:s4+$0x5010] =	vst v0  }
0x15: {  	[tilespmem:s4+$0x5020] =	vst v0  }
0x16: {  	[tilespmem:s4+$0x5030] =	vst v0;
	s5 =	smul.u32 $0x50000, s0  }
0x17: {  	[tilespmem:s4+$0x5040] =	vst v0  }
0x18: {  	[tilespmem:s4+$0x5050] =	vst v0;
	s5 =	sshrl.u32 s5, $0x2  }
0x19: {  	[tilespmem:s4+$0x5060] =	vst v0;
	s28 =	simm.s32 $0x5000;
	s6 =	simm.s32 $0x1;
	s4 =	sadd.s32 s5, s2  }
0x1a: {  	[spmem:s4] =	stream.linear.scatter [tilespmem:s28], [sflag:$0x1], $0x4000, $0x38;
	[tilespmem:$0x1D000] =	vst v63  }
0x1b: {  	_ =	swait.ge [sflag:s6], $0x4000  }
0x1c: {  	[sflag:s6] =	ssyncset.done $0x0  }
0x1d: {  	s7 =	sadd.s32 $0x4000, s4;
	[sflag:s6] =	ssyncadd.s32 $0xFFFFC000  }
0x1e: {  	[spmem:s7] =	stream.linear.scatter [tilespmem:s28], [sflag:$0x1], $0x4000, $0x38;
	[tilespmem:$0x1D000] =	vst v63  }
0x1f: {  	_ =	swait.ge [sflag:s6], $0x4000  }
0x20: {  	[sflag:s6] =	ssyncset.done $0x0  }
0x21: {  	s29 =	sadd.s32 $0x8000, s4;
	[sflag:s6] =	ssyncadd.s32 $0xFFFFC000  }
0x22: {  	[spmem:s29] =	stream.linear.scatter [tilespmem:s28], [sflag:$0x1], $0x4000, $0x38;
	[tilespmem:$0x1D000] =	vst v63  }
0x23: {  	_ =	swait.ge [sflag:s6], $0x4000  }
0x24: {  	[sflag:s6] =	ssyncset.done $0x0  }
0x25: {  	s30 =	sadd.s32 $0xC000, s4;
	[sflag:s6] =	ssyncadd.s32 $0xFFFFC000  }
0x26: {  	[spmem:s30] =	stream.linear.scatter [tilespmem:s28], [sflag:$0x1], $0x4000, $0x38;
	[tilespmem:$0x1D000] =	vst v63  }
0x27: {  	_ =	swait.ge [sflag:s6], $0x4000  }
0x28: {  	[sflag:s6] =	ssyncset.done $0x0  }
0x29: {  	s31 =	sadd.s32 $0x10000, s4;
	[sflag:s6] =	ssyncadd.s32 $0xFFFFC000  }
0x2a: {  	[spmem:s31] =	stream.linear.scatter [tilespmem:s28], [sflag:$0x1], $0x4000, $0x38;
	[tilespmem:$0x1D000] =	vst v63  }
0x2b: {  	_ =	swait.ge [sflag:s6], $0x4000  }
0x2c: {  	[sflag:s6] =	ssyncset.done $0x0  }
0x2d: {  	[sflag:s6] =	ssyncadd.s32 $0xFFFFC000  }
0x2e: {  	v0 =	vimm.f32 $1.000000000e+00;
	s5 =	simm.s32 $0x0;
	s6 =	simm.s32 $0x200;
	[bflag:$0x0] =	sbarrier.arrive $0xFFFF  }
.LBB2_3:
0x2f: {  	p0 =	sne.s32 s6, $0xFE00;
	[tilespmem:s5+$0x5070] =	vst v0  }
0x30: {  	[tilespmem:s5+$0x5000] =	vst v0  }
0x31: {  	[tilespmem:s5+$0x5010] =	vst v0  }
.Ltmp1:
0x32: {  	[tilespmem:s5+$0x5020] =	vst v0;
	(pc) =	sbr.rel @p0 .LBB2_3-.Ltmp1, $4  }
0x33: {  	[tilespmem:s5+$0x5030] =	vst v0  }
0x34: {  	[tilespmem:s5+$0x5040] =	vst v0  }
0x35: {  	[tilespmem:s5+$0x5050] =	vst v0  }
0x36: {  	[tilespmem:s5+$0x5060] =	vst v0;
	s5 =	sshra.s32 s6, $0x2;
	s6 =	sadd.s32 $0x200, s6  }
0x37: {  	[tilespmem:s5+$0x5070] =	vst v0  }
0x38: {  	[tilespmem:s5+$0x5000] =	vst v0  }
0x39: {  	[tilespmem:s5+$0x5010] =	vst v0  }
0x3a: {  	[tilespmem:s5+$0x5020] =	vst v0  }
0x3b: {  	[tilespmem:s5+$0x5030] =	vst v0  }
0x3c: {  	[tilespmem:s5+$0x5040] =	vst v0  }
0x3d: {  	[tilespmem:s5+$0x5050] =	vst v0;
	s6 =	simm.s32 $0x80  }
0x3e: {  	[tilespmem:s5+$0x5060] =	vst v0;
	s7 =	simm.s32 $0x5000;
	s5 =	simm.s32 $0x1;
	s8 =	simm.s32 $0x0  }
0x3f: {  	[spmem:s2] =	stream.indirect.scatter.add.f32 [tilespmem:s7], [sflag:$0x1], $0x80, s8, s6, $0xb8;
	[tilespmem:$0x1D000] =	vst v63  }
0x40: {  	_ =	swait.ge [sflag:s5], $0x4000  }
0x41: {  	s8 =	simm.s32 $0x200;
	[sflag:s5] =	ssyncset.done $0x0  }
.LBB2_5:
0x42: {  	s9 =	sshra.s32 s8, $0x2;
	[sflag:s5] =	ssyncadd.s32 $0xFFFFC000;
	p0 =	sne.s32 s8, $0x13E00  }
0x43: {  	[spmem:s2] =	stream.indirect.scatter.add.f32 [tilespmem:s7], [sflag:$0x1], $0x80, s9, s6, $0xb8;
	[tilespmem:$0x1D000] =	vst v63  }
.Ltmp2:
0x44: {  	_ = 	snop;
	(pc) =	sbr.rel @p0 .LBB2_5-.Ltmp2, $4  }
0x45: {  	_ = 	snop  }
0x46: {  	s8 =	sadd.s32 $0x200, s8  }
0x47: {  	_ =	swait.ge [sflag:s5], $0x4000  }
0x48: {  	[sflag:s5] =	ssyncset.done $0x0  }
0x49: {  	s2 =	smul.u32 $0x2800, s0;
	[sflag:s5] =	ssyncadd.s32 $0xFFFFC000  }
0x4a: {  	s30 =	sshll.u32 s0, $0x6;
	s4 =	sshrl.u32 s4, $0x3;
	s31 =	simm.s32 $0x1  }
0x4b: {  	[bflag:$0x0] =	sbarrier.arrive $0xFFFF;
	s2 =	sadd.s32 s3, s2;
	s3 =	sor.u32 $0x1C01, s30  }
0x4c: {  	[hbm:s2], [sflag:s3] =	dma.local [spmem:s4], $0x2800  }
0x4d: {  	_ =	swait.ge [sflag:s31], $0x2800  }
0x4e: {  	[sflag:s31] =	ssyncset.done $0x0  }
0x4f: {  	[sflag:s31] =	ssyncadd.s32 $0xFFFFD800  }
0x50: {  	_ =	sfence.sel $0x180000  }
0x51: {  	[bflag:$0x0] =	sbarrier.arrive $0xFFFF  }
0x52: {  	p0 =	sne.s32 s0, $0x0;
	_ =	strace $0x90000047  }
0x53: {  	s0 =	sadd.s32 @!p0 $0x100000, s1;
	[bflag:$0x2] =	sbarrier.arrive $0xFFFF  }
0x54: {  	[sflag:s0] =	ssyncadd.tile.s32 @!p0 $0x1;
	_ =	shalt  }
.Lfunc_end2:
_tile_overlayer_lowered:
.L_overlay_start_2:
0x55: {  	(tag) =	ssettag $0x2  }
0x56: {  	s0 =	rddreg [dreg:$0x0];
	s2 =	stileid.u32  }
0x57: {  	s1 =	rddreg [dreg:$0x1];
	p0 =	sne.s32 s2, $0x0  }
0x58: {  	s3 =	rddreg [dreg:$0x2];
	[bflag:$0x3] =	sbarrier.arrive $0xFFFF;
	s2 =	simm.s32 @!p0 $0x1C01  }
0x59: {  	[timem:s3], [sflag:s2] =	dma.local @!p0 [hbm:s0], s1  }
0x5a: {  	s0 =	simm.s32 @!p0 $0x1  }
0x5b: {  	_ =	swait.ge @!p0 [sflag:s0], s1  }
0x5c: {  	s1 =	ssub.s32 @!p0 $0x0, s1;
	[sflag:s0] =	ssyncset.done @!p0 $0x0  }
0x5d: {  	[sflag:s0] =	ssyncadd.s32 @!p0 s1  }
0x5e: {  	[bflag:$0x3] =	sbarrier.arrive $0xFFFF  }
0x5f: {  	_ =	shalt  }

</sc_bundles>
